<compile_context>
chip_gen: v7x
topology: tpu7x:2x2x1
jax: 0.10.2.dev20260603
libtpu: 0.0.44.dev20260713+nightly
codegen_flags: <defaults>
</compile_context>

<pallas_src>
import functools
import jax
import jax.numpy as jnp
from jax import lax
from jax.experimental import pallas as pl
from jax.experimental.pallas import tpu as pltpu
from jax.experimental.pallas import tpu_sc as plsc

N = 10000
E = 320000
IN_CH = 128
HID = 64
HEADS = 8
OUT_CH = 40

NC, NS, L = 2, 16, 16
NW = NC * NS
CB = 128
NCHUNKS = E // CB
CPW = -(-NCHUNKS // NW)
RPS = 624
RTAIL = N - NS * RPS

SROW1, DW1 = 80, 8
SROW2, DW2 = 48, 8

_NEG = -3.0e38


def _lrelu(x):
    return jnp.maximum(x, 0.2 * x)



def _tc1_body(x_ref, w1_ref, asrc_ref, adst_ref, s_ref, d_ref, m_ref):
    i = pl.program_id(0)
    h = jnp.dot(x_ref[...], w1_ref[...], preferred_element_type=jnp.float32)
    a_s = jnp.dot(h, asrc_ref[...], preferred_element_type=jnp.float32)
    a_d = jnp.dot(h, adst_ref[...], preferred_element_type=jnp.float32)
    blk = h.shape[0]
    s_ref[...] = jnp.concatenate(
        [h, a_s, jnp.zeros((blk, SROW1 - HID - HEADS), jnp.float32)], axis=1)
    d_ref[...] = a_d
    m16 = jnp.concatenate([jnp.max(a_s, axis=0), jnp.max(a_d, axis=0)],
                          axis=0).reshape(1, 16)

    @pl.when(i == 0)
    def _():
        m_ref[...] = m16

    @pl.when(i > 0)
    def _():
        m_ref[...] = jnp.maximum(m_ref[...], m16)

    @pl.when(i == pl.num_programs(0) - 1)
    def _():
        m = m_ref[...]
        c = _lrelu(m[:, :HEADS] + m[:, HEADS:])
        m_ref[...] = jnp.concatenate([c, c], axis=1)


def _tc1(x, W1, Asrc, Adst):
    BN = 1000
    grid = N // BN
    return pl.pallas_call(
        _tc1_body,
        grid=(grid,),
        in_specs=[
            pl.BlockSpec((BN, IN_CH), lambda i: (i, 0)),
            pl.BlockSpec((IN_CH, HID), lambda i: (0, 0)),
            pl.BlockSpec((HID, HEADS), lambda i: (0, 0)),
            pl.BlockSpec((HID, HEADS), lambda i: (0, 0)),
        ],
        out_specs=[
            pl.BlockSpec((BN, SROW1), lambda i: (i, 0)),
            pl.BlockSpec((BN, DW1), lambda i: (i, 0)),
            pl.BlockSpec((1, 16), lambda i: (0, 0)),
        ],
        out_shape=[
            jax.ShapeDtypeStruct((N, SROW1), jnp.float32),
            jax.ShapeDtypeStruct((N, DW1), jnp.float32),
            jax.ShapeDtypeStruct((1, 16), jnp.float32),
        ],
    )(x, W1, Asrc, Adst)



SUP = 2
SB = SUP * CB
NSUP = NCHUNKS // SUP
T2 = 20


def _edge_kernel(srow, dw, phase_fn):
    mesh = plsc.VectorSubcoreMesh(core_axis_name="c", subcore_axis_name="s",
                                  num_cores=NC, num_subcores=NS)

    @functools.partial(
        pl.kernel,
        out_type=jax.ShapeDtypeStruct((NC, N, srow), jnp.float32),
        mesh=mesh,
        scratch_types=[
            pltpu.VMEM((SB, srow), jnp.float32),
            pltpu.VMEM((SB, srow), jnp.float32),
            pltpu.VMEM((SB, dw), jnp.float32),
            pltpu.VMEM((SB, dw), jnp.float32),
            pltpu.VMEM((SB * HEADS,), jnp.float32),
            pltpu.VMEM((16,), jnp.float32),
            pltpu.VMEM((SUP, CB), jnp.int32),
            pltpu.VMEM((SUP, CB), jnp.int32),
            pltpu.VMEM((SUP, CB), jnp.int32),
            pltpu.VMEM((SUP, CB), jnp.int32),
            pltpu.VMEM_SHARED((N, srow), jnp.float32),
            pltpu.SemaphoreType.DMA,
            pltpu.SemaphoreType.DMA,
            pltpu.SemaphoreType.DMA,
            pltpu.SemaphoreType.DMA,
            pltpu.SemaphoreType.DMA,
            pltpu.SemaphoreType.DMA,
        ],
        compiler_params=pltpu.CompilerParams(use_tc_tiling_on_sc=False,
                                             needs_layout_passes=False),
    )
    def k(s_hbm, d_hbm, m_hbm, src2_hbm, dst2_hbm, z_hbm, out_hbm,
          sbuf0, sbuf1, dbuf0, dbuf1, ebuf, cbuf,
          sidx0, sidx1, didx0, didx1, accum,
          semS0, semS1, semD0, semD1, semW0, semW1):
        sbufs = (sbuf0, sbuf1)
        dbufs = (dbuf0, dbuf1)
        sidxs = (sidx0, sidx1)
        didxs = (didx0, didx1)
        semSs = (semS0, semS1)
        semDs = (semD0, semD1)
        semWs = (semW0, semW1)

        cid = lax.axis_index("c")
        sid = lax.axis_index("s")
        w = sid * NC + cid
        r0 = sid * RPS
        pltpu.sync_copy(z_hbm.at[pl.ds(r0, RPS)], accum.at[pl.ds(r0, RPS)])

        @pl.when(sid == 0)
        def _():
            pltpu.sync_copy(z_hbm.at[pl.ds(NS * RPS, RTAIL)],
                            accum.at[pl.ds(NS * RPS, RTAIL)])

        pltpu.sync_copy(m_hbm, cbuf)
        plsc.subcore_barrier()

        def fire(sup, P):
            pltpu.sync_copy(src2_hbm.at[pl.ds(sup * SUP, SUP)], sidxs[P])
            pltpu.sync_copy(dst2_hbm.at[pl.ds(sup * SUP, SUP)], didxs[P])
            for c in range(SUP):
                pltpu.async_copy(s_hbm.at[sidxs[P].at[c]],
                                 sbufs[P].at[pl.ds(c * CB, CB)], semSs[P])
                pltpu.async_copy(d_hbm.at[didxs[P].at[c]],
                                 dbufs[P].at[pl.ds(c * CB, CB)], semDs[P])

        def drain(dummy_hbm, buf, sem):
            pltpu.make_async_copy(dummy_hbm, buf, sem).wait()

        def process(P):
            drain(s_hbm.at[pl.ds(0, SB)], sbufs[P], semSs[P])
            drain(d_hbm.at[pl.ds(0, SB)], dbufs[P], semDs[P])
            phase_fn(sbufs[P], dbufs[P], ebuf, cbuf)
            for c in range(SUP):
                pltpu.async_copy(sbufs[P].at[pl.ds(c * CB, CB)],
                                 accum.at[didxs[P].at[c]], semWs[P], add=True)

        fire(w, 0)

        def body(t2, carry):
            for toff in (0, 1):
                P = toff
                Q = 1 - toff
                t = 2 * t2 + toff
                s_nxt = w + NW * (t + 1)
                s_cur = w + NW * t

                def prefetch():
                    if toff == 1:
                        drain(s_hbm.at[pl.ds(0, SB)], sbufs[Q], semWs[Q])
                    else:
                        @pl.when(t2 >= 1)
                        def _():
                            drain(s_hbm.at[pl.ds(0, SB)], sbufs[Q], semWs[Q])
                    fire(s_nxt, Q)

                pl.when(s_nxt < NSUP)(prefetch)
                pl.when(s_cur < NSUP)(lambda: process(P))
            return carry

        lax.fori_loop(0, T2, body, 0)
        drain(s_hbm.at[pl.ds(0, SB)], sbufs[0], semWs[0])
        drain(s_hbm.at[pl.ds(0, SB)], sbufs[1], semWs[1])
        plsc.subcore_barrier()
        pltpu.sync_copy(accum.at[pl.ds(r0, RPS)],
                        out_hbm.at[cid, pl.ds(r0, RPS)])

        @pl.when(sid == 0)
        def _():
            pltpu.sync_copy(accum.at[pl.ds(NS * RPS, RTAIL)],
                            out_hbm.at[cid, pl.ds(NS * RPS, RTAIL)])

    return k



def _phase_l1(sbuf, dbuf, ebuf, cbuf):
    def p1(p, carry):
        i16 = lax.iota(jnp.int32, 16)
        lane8 = i16 & 7
        hi = (i16 >= 8).astype(jnp.int32)
        cpair = cbuf[pl.ds(0, 16)]
        rows = 2 * p + hi
        a_s = plsc.load_gather(sbuf, [rows, HID + lane8])
        a_d = plsc.load_gather(dbuf, [rows, lane8])
        al = a_s + a_d
        ebuf[pl.ds(16 * p, 16)] = jnp.exp(_lrelu(al) - cpair)
        return carry

    lax.fori_loop(0, SB // 2, p1, 0, unroll=4)

    def p2(b, carry):
        i16 = lax.iota(jnp.int32, 16)
        lane8 = i16 & 7
        hi = (i16 >= 8).astype(jnp.int32)
        eb = HEADS * b
        for j in range(4):
            ev = plsc.load_gather(ebuf, [eb + 2 * j + hi])
            sbuf[b, pl.ds(16 * j, 16)] = sbuf[b, pl.ds(16 * j, 16)] * ev
        sbuf[b, pl.ds(HID, 16)] = plsc.load_gather(ebuf, [eb + lane8])
        return carry

    lax.fori_loop(0, SB, p2, 0, unroll=4)


def _phase_l2(sbuf, dbuf, ebuf, cbuf):
    def p1(p, carry):
        i16 = lax.iota(jnp.int32, 16)
        z16 = i16 * 0
        cs = cbuf[pl.ds(0, 16)]
        rows = 16 * p + i16
        a_s = plsc.load_gather(sbuf, [rows, z16 + OUT_CH])
        a_d = plsc.load_gather(dbuf, [rows, z16])
        ebuf[pl.ds(16 * p, 16)] = jnp.exp(_lrelu(a_s + a_d) - cs)
        return carry

    lax.fori_loop(0, SB // 16, p1, 0, unroll=4)

    def p2(b, carry):
        i16 = lax.iota(jnp.int32, 16)
        z16 = i16 * 0
        ev = plsc.load_gather(ebuf, [z16 + b])
        for j in range(3):
            val = sbuf[b, pl.ds(16 * j, 16)] * ev
            if j == 2:
                val = jnp.where(i16 == 8, ev, val)
            sbuf[b, pl.ds(16 * j, 16)] = val
        return carry

    lax.fori_loop(0, SB, p2, 0, unroll=4)



def _tc2_body(p_ref, b1_ref, w2_ref, e8_ref, v2_ref, s_ref, d_ref, m_ref):
    i = pl.program_id(0)
    p0 = p_ref[0]
    p1 = p_ref[1]
    num = p0[:, :HID] + p1[:, :HID]
    den8 = p0[:, HID:HID + HEADS] + p1[:, HID:HID + HEADS]
    den64 = jnp.dot(den8, e8_ref[...], preferred_element_type=jnp.float32)
    h1 = num / (den64 + 1e-16) + b1_ref[...]
    h1 = jnp.where(h1 > 0, h1, jnp.exp(jnp.minimum(h1, 0.0)) - 1.0)
    h2 = jnp.dot(h1, w2_ref[...], preferred_element_type=jnp.float32)
    v2 = v2_ref[...]
    a_s = jnp.sum(h2 * v2[0:1, :], axis=1, keepdims=True)
    a_d = jnp.sum(h2 * v2[1:2, :], axis=1, keepdims=True)
    blk = h2.shape[0]
    s_ref[...] = jnp.concatenate(
        [h2, a_s, jnp.zeros((blk, SROW2 - OUT_CH - 1), jnp.float32)], axis=1)
    d_ref[...] = jnp.concatenate(
        [a_d, jnp.zeros((blk, DW2 - 1), jnp.float32)], axis=1)
    m16 = jnp.full((1, 16), _NEG, jnp.float32)
    lanes = lax.broadcasted_iota(jnp.int32, (1, 16), 1)
    m16 = jnp.where(lanes == 0, jnp.max(a_s), m16)
    m16 = jnp.where(lanes == 1, jnp.max(a_d), m16)

    @pl.when(i == 0)
    def _():
        m_ref[...] = m16

    @pl.when(i > 0)
    def _():
        m_ref[...] = jnp.maximum(m_ref[...], m16)

    @pl.when(i == pl.num_programs(0) - 1)
    def _():
        m = m_ref[...]
        ms = jnp.sum(jnp.where(lanes == 0, m, 0.0), axis=1, keepdims=True)
        md = jnp.sum(jnp.where(lanes == 1, m, 0.0), axis=1, keepdims=True)
        m_ref[...] = jnp.broadcast_to(_lrelu(ms + md), (1, 16))


def _tc2(P1, b1, W2, E8, V2):
    BN = 1000
    grid = N // BN
    return pl.pallas_call(
        _tc2_body,
        grid=(grid,),
        in_specs=[
            pl.BlockSpec((NC, BN, SROW1), lambda i: (0, i, 0)),
            pl.BlockSpec((1, HID), lambda i: (0, 0)),
            pl.BlockSpec((HID, OUT_CH), lambda i: (0, 0)),
            pl.BlockSpec((HEADS, HID), lambda i: (0, 0)),
            pl.BlockSpec((2, OUT_CH), lambda i: (0, 0)),
        ],
        out_specs=[
            pl.BlockSpec((BN, SROW2), lambda i: (i, 0)),
            pl.BlockSpec((BN, DW2), lambda i: (i, 0)),
            pl.BlockSpec((1, 16), lambda i: (0, 0)),
        ],
        out_shape=[
            jax.ShapeDtypeStruct((N, SROW2), jnp.float32),
            jax.ShapeDtypeStruct((N, DW2), jnp.float32),
            jax.ShapeDtypeStruct((1, 16), jnp.float32),
        ],
    )(P1, b1, W2, E8, V2)



def _tc3_body(p_ref, b2_ref, o_ref):
    p0 = p_ref[0]
    p1 = p_ref[1]
    num = p0[:, :OUT_CH] + p1[:, :OUT_CH]
    den = p0[:, OUT_CH:OUT_CH + 1] + p1[:, OUT_CH:OUT_CH + 1]
    o = num / (den + 1e-16) + b2_ref[...]
    m = jnp.max(o, axis=1, keepdims=True)
    o_ref[...] = o - m - jnp.log(jnp.sum(jnp.exp(o - m), axis=1,
                                         keepdims=True))


def _tc3(P2, b2):
    BN = 1000
    grid = N // BN
    return pl.pallas_call(
        _tc3_body,
        grid=(grid,),
        in_specs=[
            pl.BlockSpec((NC, BN, SROW2), lambda i: (0, i, 0)),
            pl.BlockSpec((1, OUT_CH), lambda i: (0, 0)),
        ],
        out_specs=pl.BlockSpec((BN, OUT_CH), lambda i: (i, 0)),
        out_shape=jax.ShapeDtypeStruct((N, OUT_CH), jnp.float32),
    )(P2, b2)



def kernel(x, edge_index, W1, att_src1, att_dst1, b1, W2, att_src2, att_dst2,
           b2):
    src = edge_index[0]
    dst = edge_index[1]

    rows = jnp.arange(HID)
    Asrc = jnp.zeros((HID, HEADS), jnp.float32).at[rows, rows // 8].set(
        att_src1.reshape(-1))
    Adst = jnp.zeros((HID, HEADS), jnp.float32).at[rows, rows // 8].set(
        att_dst1.reshape(-1))
    E8 = jnp.zeros((HEADS, HID), jnp.float32).at[rows // 8, rows].set(1.0)
    V2 = jnp.concatenate([att_src2, att_dst2], axis=0)

    src2 = src.reshape(NCHUNKS, CB)
    dst2 = dst.reshape(NCHUNKS, CB)

    S1, D1, M1 = _tc1(x, W1, Asrc, Adst)
    sc1 = _edge_kernel(SROW1, DW1, _phase_l1)
    P1 = sc1(S1, D1, M1.reshape(16), src2, dst2,
             jnp.zeros((N, SROW1), jnp.float32))

    S2, D2, M2 = _tc2(P1, b1.reshape(1, HID), W2, E8, V2)
    sc2 = _edge_kernel(SROW2, DW2, _phase_l2)
    P2 = sc2(S2, D2, M2.reshape(16), src2, dst2,
             jnp.zeros((N, SROW2), jnp.float32))

    return _tc3(P2, b2.reshape(1, OUT_CH))

# --- scband reference (transcript-rebuilt; emitter-appended) ---
"""Pipeline reference for scband-gatnet-22694607192490 (READ-ONLY COPY).

The authoritative reference and input builder live on the scoring server;
editing this copy changes nothing except your own understanding.
"""

import jax, jax.numpy as jnp
import numpy as np

N_NODES = 10000
N_EDGES = 320000
IN_CH = 128
NUM_HID = 8
NUM_HEADS = 8
OUT_CH = 40


def _gat_conv(x, edge_index, W, att_src, att_dst, bias, heads, out_ch, concat):
    N = x.shape[0]
    src = edge_index[0]
    dst = edge_index[1]
    h = (x @ W).reshape(N, heads, out_ch)
    a_src = (h * att_src).sum(-1)  # [N, H]
    a_dst = (h * att_dst).sum(-1)  # [N, H]
    alpha = a_src[src] + a_dst[dst]  # [E, H]
    alpha = jax.nn.leaky_relu(alpha, 0.2)
    amax = jax.ops.segment_max(alpha, dst, num_segments=N)
    amax = jnp.where(jnp.isfinite(amax), amax, 0.0)
    amax = jax.lax.stop_gradient(amax)
    ealpha = jnp.exp(alpha - amax[dst])
    denom = jax.ops.segment_sum(ealpha, dst, num_segments=N)
    coef = ealpha / (denom[dst] + 1e-16)  # [E, H]
    msg = h[src] * coef[..., None]  # [E, H, C]
    out = jax.ops.segment_sum(msg, dst, num_segments=N)  # [N, H, C]
    if concat:
        out = out.reshape(N, heads * out_ch)
    else:
        out = out.mean(axis=1)
    return out + bias


def setup_inputs(seed: int = 0):
    key = jax.random.key(seed)
    ks = jax.random.split(key, 10)
    x = jax.random.normal(ks[0], (N_NODES, IN_CH), dtype=jnp.float32)
    edge_index = jax.random.randint(ks[1], (2, N_EDGES), 0, N_NODES, dtype=jnp.int64 if jax.config.jax_enable_x64 else jnp.int32).astype(jnp.int32)
    W1 = jax.random.normal(ks[2], (IN_CH, NUM_HEADS * NUM_HID), dtype=jnp.float32) * 0.1
    att_src1 = jax.random.normal(ks[3], (NUM_HEADS, NUM_HID), dtype=jnp.float32) * 0.1
    att_dst1 = jax.random.normal(ks[4], (NUM_HEADS, NUM_HID), dtype=jnp.float32) * 0.1
    b1 = jnp.zeros((NUM_HEADS * NUM_HID,), dtype=jnp.float32)
    W2 = jax.random.normal(ks[5], (NUM_HEADS * NUM_HID, OUT_CH), dtype=jnp.float32) * 0.1
    att_src2 = jax.random.normal(ks[6], (1, OUT_CH), dtype=jnp.float32) * 0.1
    att_dst2 = jax.random.normal(ks[7], (1, OUT_CH), dtype=jnp.float32) * 0.1
    b2 = jnp.zeros((OUT_CH,), dtype=jnp.float32)
    return {"x": x, "edge_index": edge_index, "W1": W1, "att_src1": att_src1, "att_dst1": att_dst1, "b1": b1, "W2": W2, "att_src2": att_src2, "att_dst2": att_dst2, "b2": b2}


def reference(x, edge_index, W1, att_src1, att_dst1, b1, W2, att_src2, att_dst2, b2):
    # eval mode: dropout layers are identity
    h = _gat_conv(x, edge_index, W1, att_src1, att_dst1, b1, NUM_HEADS, NUM_HID, True)
    h = jax.nn.elu(h)
    h = _gat_conv(h, edge_index, W2, att_src2, att_dst2, b2, 1, OUT_CH, False)
    return jax.nn.log_softmax(h, axis=-1)

if __name__ == "__main__":
    import jax
    _d = setup_inputs()
    print(jax.jit(kernel)(*tuple(_d.values())))

</pallas_src>

<mosaic_0001>
#map = affine_map<(d0, d1) -> (0, 0)>
#map1 = affine_map<(d0, d1) -> (0)>
#map2 = affine_map<(d0, d1) -> (0, 0, 0)>
module attributes {stable_mosaic.version = 14 : i64} {
  func.func @k(%arg0: i32, %arg1: i32, %arg2: memref<10000x80xf32, #tpu.memory_space<hbm>>, %arg3: memref<10000x8xf32, #tpu.memory_space<hbm>>, %arg4: memref<16xf32, #tpu.memory_space<hbm>>, %arg5: memref<2500x128xi32, #tpu.memory_space<hbm>>, %arg6: memref<2500x128xi32, #tpu.memory_space<hbm>>, %arg7: memref<10000x80xf32, #tpu.memory_space<hbm>>, %arg8: memref<2x10000x80xf32, #tpu.memory_space<hbm>>, %arg9: memref<256x80xf32, #tpu.memory_space<vmem>>, %arg10: memref<256x80xf32, #tpu.memory_space<vmem>>, %arg11: memref<256x8xf32, #tpu.memory_space<vmem>>, %arg12: memref<256x8xf32, #tpu.memory_space<vmem>>, %arg13: memref<2048xf32, #tpu.memory_space<vmem>>, %arg14: memref<16xf32, #tpu.memory_space<vmem>>, %arg15: memref<2x128xi32, #tpu.memory_space<vmem>>, %arg16: memref<2x128xi32, #tpu.memory_space<vmem>>, %arg17: memref<2x128xi32, #tpu.memory_space<vmem>>, %arg18: memref<2x128xi32, #tpu.memory_space<vmem>>, %arg19: memref<10000x80xf32, #tpu.memory_space<vmem_shared>>, %arg20: memref<!tpu.dma_semaphore, #tpu.memory_space<semaphore_mem>>, %arg21: memref<!tpu.dma_semaphore, #tpu.memory_space<semaphore_mem>>, %arg22: memref<!tpu.dma_semaphore, #tpu.memory_space<semaphore_mem>>, %arg23: memref<!tpu.dma_semaphore, #tpu.memory_space<semaphore_mem>>, %arg24: memref<!tpu.dma_semaphore, #tpu.memory_space<semaphore_mem>>, %arg25: memref<!tpu.dma_semaphore, #tpu.memory_space<semaphore_mem>>) attributes {dimension_semantics = [#tpu.dimension_semantics<core_parallel>, #tpu.dimension_semantics<subcore_parallel>], iteration_bounds = array<i64: 2, 16>, scalar_prefetch = 0 : i64, scratch_operands = 17 : i64, tpu.core_type = #tpu.core_type<sc_vector_subcore>, window_params = [{transform_indices = #map}, {transform_indices = #map}, {transform_indices = #map1}, {transform_indices = #map}, {transform_indices = #map}, {transform_indices = #map}, {transform_indices = #map2}]} {
    %mul3A = arith.constant 2 : i32
    %mul3A_0 = arith.muli %arg1, %mul3A : i32
    %add3A = arith.addi %mul3A_0, %arg0 : i32
    %mul3A_1 = arith.constant 624 : i32
    %mul3A_2 = arith.muli %arg1, %mul3A_1 : i32
    "tpu.region"() ({
      %run_scoped3A = tpu.sem_alloc : memref<!tpu.dma_semaphore, #tpu.memory_space<semaphore_mem>>
      %dma_start3A_70 = arith.constant 0 : i32
      %dma_start3A_71 = tpu.memref_slice %arg19[%mul3A_2, %dma_start3A_70] : memref<10000x80xf32, #tpu.memory_space<vmem_shared>> -> memref<624x80xf32, #tpu.memory_space<vmem_shared>>
      %dma_start3A_72 = arith.constant 0 : i32
      %dma_start3A_73 = tpu.memref_slice %arg7[%mul3A_2, %dma_start3A_72] : memref<10000x80xf32, #tpu.memory_space<hbm>> -> memref<624x80xf32, #tpu.memory_space<hbm>>
      tpu.enqueue_dma source(%dma_start3A_73 : memref<624x80xf32, #tpu.memory_space<hbm>>) target(%dma_start3A_71 : memref<624x80xf32, #tpu.memory_space<vmem_shared>>) target_semaphore(%run_scoped3A : memref<!tpu.dma_semaphore, #tpu.memory_space<semaphore_mem>>)
      %dma_wait3A_74 = arith.constant 0 : i32
      %dma_wait3A_75 = tpu.memref_slice %arg19[%mul3A_2, %dma_wait3A_74] : memref<10000x80xf32, #tpu.memory_space<vmem_shared>> -> memref<624x80xf32, #tpu.memory_space<vmem_shared>>
      %dma_wait3A_76 = arith.constant 0 : i32
      %dma_wait3A_77 = tpu.memref_slice %arg7[%mul3A_2, %dma_wait3A_76] : memref<10000x80xf32, #tpu.memory_space<hbm>> -> memref<624x80xf32, #tpu.memory_space<hbm>>
      tpu.wait_dma2 semaphore(%run_scoped3A : memref<!tpu.dma_semaphore, #tpu.memory_space<semaphore_mem>>) src(%dma_wait3A_77 : memref<624x80xf32, #tpu.memory_space<hbm>>) dst(%dma_wait3A_75 : memref<624x80xf32, #tpu.memory_space<vmem_shared>>)
      tpu.yield
    }) : () -> ()
    %eq3A = arith.constant 0 : i32
    %eq3A_3 = arith.cmpi eq, %arg1, %eq3A : i32
    %convert_element_type3A = arith.extui %eq3A_3 : i1 to i32
    %cond3A = arith.constant 0 : i32
    %cond3A_4 = arith.cmpi ne, %convert_element_type3A, %cond3A : i32
    scf.if %cond3A_4 {
      "tpu.region"() ({
        %run_scoped3A = tpu.sem_alloc : memref<!tpu.dma_semaphore, #tpu.memory_space<semaphore_mem>>
        %dma_start3A_70 = arith.constant 9984 : i32
        %dma_start3A_71 = arith.constant 0 : i32
        %dma_start3A_72 = tpu.memref_slice %arg19[%dma_start3A_70, %dma_start3A_71] : memref<10000x80xf32, #tpu.memory_space<vmem_shared>> -> memref<16x80xf32, #tpu.memory_space<vmem_shared>>
        %dma_start3A_73 = arith.constant 9984 : i32
        %dma_start3A_74 = arith.constant 0 : i32
        %dma_start3A_75 = tpu.memref_slice %arg7[%dma_start3A_73, %dma_start3A_74] : memref<10000x80xf32, #tpu.memory_space<hbm>> -> memref<16x80xf32, #tpu.memory_space<hbm>>
        tpu.enqueue_dma source(%dma_start3A_75 : memref<16x80xf32, #tpu.memory_space<hbm>>) target(%dma_start3A_72 : memref<16x80xf32, #tpu.memory_space<vmem_shared>>) target_semaphore(%run_scoped3A : memref<!tpu.dma_semaphore, #tpu.memory_space<semaphore_mem>>)
        %dma_wait3A_76 = arith.constant 9984 : i32
        %dma_wait3A_77 = arith.constant 0 : i32
        %dma_wait3A_78 = tpu.memref_slice %arg19[%dma_wait3A_76, %dma_wait3A_77] : memref<10000x80xf32, #tpu.memory_space<vmem_shared>> -> memref<16x80xf32, #tpu.memory_space<vmem_shared>>
        %dma_wait3A_79 = arith.constant 9984 : i32
        %dma_wait3A_80 = arith.constant 0 : i32
        %dma_wait3A_81 = tpu.memref_slice %arg7[%dma_wait3A_79, %dma_wait3A_80] : memref<10000x80xf32, #tpu.memory_space<hbm>> -> memref<16x80xf32, #tpu.memory_space<hbm>>
        tpu.wait_dma2 semaphore(%run_scoped3A : memref<!tpu.dma_semaphore, #tpu.memory_space<semaphore_mem>>) src(%dma_wait3A_81 : memref<16x80xf32, #tpu.memory_space<hbm>>) dst(%dma_wait3A_78 : memref<16x80xf32, #tpu.memory_space<vmem_shared>>)
        tpu.yield
      }) : () -> ()
    } else {
    }
    "tpu.region"() ({
      %run_scoped3A = tpu.sem_alloc : memref<!tpu.dma_semaphore, #tpu.memory_space<semaphore_mem>>
      tpu.enqueue_dma source(%arg4 : memref<16xf32, #tpu.memory_space<hbm>>) target(%arg14 : memref<16xf32, #tpu.memory_space<vmem>>) target_semaphore(%run_scoped3A : memref<!tpu.dma_semaphore, #tpu.memory_space<semaphore_mem>>)
      tpu.wait_dma2 semaphore(%run_scoped3A : memref<!tpu.dma_semaphore, #tpu.memory_space<semaphore_mem>>) src(%arg4 : memref<16xf32, #tpu.memory_space<hbm>>) dst(%arg14 : memref<16xf32, #tpu.memory_space<vmem>>)
      tpu.yield
    }) : () -> ()
    %barrier3A = arith.constant 0 : index
    tpu.barrier barrier_id(%barrier3A)
    %mul3A_5 = arith.constant 2 : i32
    %mul3A_6 = arith.muli %add3A, %mul3A_5 : i32
    "tpu.region"() ({
      %run_scoped3A = tpu.sem_alloc : memref<!tpu.dma_semaphore, #tpu.memory_space<semaphore_mem>>
      %dma_start3A_70 = arith.constant 0 : i32
      %dma_start3A_71 = tpu.memref_slice %arg5[%mul3A_6, %dma_start3A_70] : memref<2500x128xi32, #tpu.memory_space<hbm>> -> memref<2x128xi32, #tpu.memory_space<hbm>>
      %dma_start3A_72 = arith.constant 0 : i32
      %dma_start3A_73 = tpu.memref_slice %arg5[%mul3A_6, %dma_start3A_72] : memref<2500x128xi32, #tpu.memory_space<hbm>> -> memref<2x128xi32, #tpu.memory_space<hbm>>
      tpu.enqueue_dma source(%dma_start3A_73 : memref<2x128xi32, #tpu.memory_space<hbm>>) target(%arg15 : memref<2x128xi32, #tpu.memory_space<vmem>>) target_semaphore(%run_scoped3A : memref<!tpu.dma_semaphore, #tpu.memory_space<semaphore_mem>>)
      %dma_wait3A_74 = arith.constant 0 : i32
      %dma_wait3A_75 = tpu.memref_slice %arg5[%mul3A_6, %dma_wait3A_74] : memref<2500x128xi32, #tpu.memory_space<hbm>> -> memref<2x128xi32, #tpu.memory_space<hbm>>
      %dma_wait3A_76 = arith.constant 0 : i32
      %dma_wait3A_77 = tpu.memref_slice %arg5[%mul3A_6, %dma_wait3A_76] : memref<2500x128xi32, #tpu.memory_space<hbm>> -> memref<2x128xi32, #tpu.memory_space<hbm>>
      tpu.wait_dma2 semaphore(%run_scoped3A : memref<!tpu.dma_semaphore, #tpu.memory_space<semaphore_mem>>) src(%dma_wait3A_77 : memref<2x128xi32, #tpu.memory_space<hbm>>) dst(%arg15 : memref<2x128xi32, #tpu.memory_space<vmem>>)
      tpu.yield
    }) : () -> ()
    %mul3A_7 = arith.constant 2 : i32
    %mul3A_8 = arith.muli %add3A, %mul3A_7 : i32
    "tpu.region"() ({
      %run_scoped3A = tpu.sem_alloc : memref<!tpu.dma_semaphore, #tpu.memory_space<semaphore_mem>>
      %dma_start3A_70 = arith.constant 0 : i32
      %dma_start3A_71 = tpu.memref_slice %arg6[%mul3A_8, %dma_start3A_70] : memref<2500x128xi32, #tpu.memory_space<hbm>> -> memref<2x128xi32, #tpu.memory_space<hbm>>
      %dma_start3A_72 = arith.constant 0 : i32
      %dma_start3A_73 = tpu.memref_slice %arg6[%mul3A_8, %dma_start3A_72] : memref<2500x128xi32, #tpu.memory_space<hbm>> -> memref<2x128xi32, #tpu.memory_space<hbm>>
      tpu.enqueue_dma source(%dma_start3A_73 : memref<2x128xi32, #tpu.memory_space<hbm>>) target(%arg17 : memref<2x128xi32, #tpu.memory_space<vmem>>) target_semaphore(%run_scoped3A : memref<!tpu.dma_semaphore, #tpu.memory_space<semaphore_mem>>)
      %dma_wait3A_74 = arith.constant 0 : i32
      %dma_wait3A_75 = tpu.memref_slice %arg6[%mul3A_8, %dma_wait3A_74] : memref<2500x128xi32, #tpu.memory_space<hbm>> -> memref<2x128xi32, #tpu.memory_space<hbm>>
      %dma_wait3A_76 = arith.constant 0 : i32
      %dma_wait3A_77 = tpu.memref_slice %arg6[%mul3A_8, %dma_wait3A_76] : memref<2500x128xi32, #tpu.memory_space<hbm>> -> memref<2x128xi32, #tpu.memory_space<hbm>>
      tpu.wait_dma2 semaphore(%run_scoped3A : memref<!tpu.dma_semaphore, #tpu.memory_space<semaphore_mem>>) src(%dma_wait3A_77 : memref<2x128xi32, #tpu.memory_space<hbm>>) dst(%arg17 : memref<2x128xi32, #tpu.memory_space<vmem>>)
      tpu.yield
    }) : () -> ()
    %dma_start3A = arith.constant 0 : i32
    %dma_start3A_9 = arith.constant 0 : i32
    %dma_start3A_10 = arith.constant 0 : i32
    %dma_start3A_11 = tpu.memref_slice %arg9[%dma_start3A_9, %dma_start3A_10] : memref<256x80xf32, #tpu.memory_space<vmem>> -> memref<128x80xf32, #tpu.memory_space<vmem>>
    %dma_start3A_12 = arith.constant 0 : i32
    %dma_start3A_13 = tpu.memref_slice %arg15[%dma_start3A, %dma_start3A_12] : memref<2x128xi32, #tpu.memory_space<vmem>> -> memref<1x128xi32, #tpu.memory_space<vmem>>
    %dma_start3A_14 = tpu.memref_squeeze %dma_start3A_13 : memref<1x128xi32, #tpu.memory_space<vmem>> -> memref<128xi32, #tpu.memory_space<vmem>>
    %dma_start3A_15 = arith.constant 0 : i32
    %dma_start3A_16 = arith.constant 0 : i32
    %dma_start3A_17 = tpu.memref_slice %arg2[%dma_start3A_15, %dma_start3A_16] : memref<10000x80xf32, #tpu.memory_space<hbm>> -> memref<10000x80xf32, #tpu.memory_space<hbm>>
    tpu.enqueue_indirect_dma source(%dma_start3A_17 : memref<10000x80xf32, #tpu.memory_space<hbm>>) target(%dma_start3A_11 : memref<128x80xf32, #tpu.memory_space<vmem>>) offsets(%dma_start3A_14 : memref<128xi32, #tpu.memory_space<vmem>>) semaphore(%arg20 : memref<!tpu.dma_semaphore, #tpu.memory_space<semaphore_mem>>)
    %dma_start3A_18 = arith.constant 0 : i32
    %dma_start3A_19 = arith.constant 0 : i32
    %dma_start3A_20 = arith.constant 0 : i32
    %dma_start3A_21 = tpu.memref_slice %arg11[%dma_start3A_19, %dma_start3A_20] : memref<256x8xf32, #tpu.memory_space<vmem>> -> memref<128x8xf32, #tpu.memory_space<vmem>>
    %dma_start3A_22 = arith.constant 0 : i32
    %dma_start3A_23 = tpu.memref_slice %arg17[%dma_start3A_18, %dma_start3A_22] : memref<2x128xi32, #tpu.memory_space<vmem>> -> memref<1x128xi32, #tpu.memory_space<vmem>>
    %dma_start3A_24 = tpu.memref_squeeze %dma_start3A_23 : memref<1x128xi32, #tpu.memory_space<vmem>> -> memref<128xi32, #tpu.memory_space<vmem>>
    %dma_start3A_25 = arith.constant 0 : i32
    %dma_start3A_26 = arith.constant 0 : i32
    %dma_start3A_27 = tpu.memref_slice %arg3[%dma_start3A_25, %dma_start3A_26] : memref<10000x8xf32, #tpu.memory_space<hbm>> -> memref<10000x8xf32, #tpu.memory_space<hbm>>
    tpu.enqueue_indirect_dma source(%dma_start3A_27 : memref<10000x8xf32, #tpu.memory_space<hbm>>) target(%dma_start3A_21 : memref<128x8xf32, #tpu.memory_space<vmem>>) offsets(%dma_start3A_24 : memref<128xi32, #tpu.memory_space<vmem>>) semaphore(%arg22 : memref<!tpu.dma_semaphore, #tpu.memory_space<semaphore_mem>>)
    %dma_start3A_28 = arith.constant 1 : i32
    %dma_start3A_29 = arith.constant 128 : i32
    %dma_start3A_30 = arith.constant 0 : i32
    %dma_start3A_31 = tpu.memref_slice %arg9[%dma_start3A_29, %dma_start3A_30] : memref<256x80xf32, #tpu.memory_space<vmem>> -> memref<128x80xf32, #tpu.memory_space<vmem>>
    %dma_start3A_32 = arith.constant 0 : i32
    %dma_start3A_33 = tpu.memref_slice %arg15[%dma_start3A_28, %dma_start3A_32] : memref<2x128xi32, #tpu.memory_space<vmem>> -> memref<1x128xi32, #tpu.memory_space<vmem>>
    %dma_start3A_34 = tpu.memref_squeeze %dma_start3A_33 : memref<1x128xi32, #tpu.memory_space<vmem>> -> memref<128xi32, #tpu.memory_space<vmem>>
    %dma_start3A_35 = arith.constant 0 : i32
    %dma_start3A_36 = arith.constant 0 : i32
    %dma_start3A_37 = tpu.memref_slice %arg2[%dma_start3A_35, %dma_start3A_36] : memref<10000x80xf32, #tpu.memory_space<hbm>> -> memref<10000x80xf32, #tpu.memory_space<hbm>>
    tpu.enqueue_indirect_dma source(%dma_start3A_37 : memref<10000x80xf32, #tpu.memory_space<hbm>>) target(%dma_start3A_31 : memref<128x80xf32, #tpu.memory_space<vmem>>) offsets(%dma_start3A_34 : memref<128xi32, #tpu.memory_space<vmem>>) semaphore(%arg20 : memref<!tpu.dma_semaphore, #tpu.memory_space<semaphore_mem>>)
    %dma_start3A_38 = arith.constant 1 : i32
    %dma_start3A_39 = arith.constant 128 : i32
    %dma_start3A_40 = arith.constant 0 : i32
    %dma_start3A_41 = tpu.memref_slice %arg11[%dma_start3A_39, %dma_start3A_40] : memref<256x8xf32, #tpu.memory_space<vmem>> -> memref<128x8xf32, #tpu.memory_space<vmem>>
    %dma_start3A_42 = arith.constant 0 : i32
    %dma_start3A_43 = tpu.memref_slice %arg17[%dma_start3A_38, %dma_start3A_42] : memref<2x128xi32, #tpu.memory_space<vmem>> -> memref<1x128xi32, #tpu.memory_space<vmem>>
    %dma_start3A_44 = tpu.memref_squeeze %dma_start3A_43 : memref<1x128xi32, #tpu.memory_space<vmem>> -> memref<128xi32, #tpu.memory_space<vmem>>
    %dma_start3A_45 = arith.constant 0 : i32
    %dma_start3A_46 = arith.constant 0 : i32
    %dma_start3A_47 = tpu.memref_slice %arg3[%dma_start3A_45, %dma_start3A_46] : memref<10000x8xf32, #tpu.memory_space<hbm>> -> memref<10000x8xf32, #tpu.memory_space<hbm>>
    tpu.enqueue_indirect_dma source(%dma_start3A_47 : memref<10000x8xf32, #tpu.memory_space<hbm>>) target(%dma_start3A_41 : memref<128x8xf32, #tpu.memory_space<vmem>>) offsets(%dma_start3A_44 : memref<128xi32, #tpu.memory_space<vmem>>) semaphore(%arg22 : memref<!tpu.dma_semaphore, #tpu.memory_space<semaphore_mem>>)
    %scan3A = arith.constant 0 : i32
    %scan3A_48 = arith.constant 0 : i32
    %scan3A_49 = arith.constant 20 : i32
    %scan3A_50 = arith.addi %scan3A_48, %scan3A_49 : i32
    %scan3A_51 = arith.constant 1 : i32
    scf.for %scan3A_70 = %scan3A_48 to %scan3A_50 step %scan3A_51  : i32 {
      %mul3A_71 = arith.constant 2 : i32
      %mul3A_72 = arith.muli %mul3A_71, %scan3A_70 : i32
      %add3A_73 = arith.constant 0 : i32
      %add3A_74 = arith.addi %mul3A_72, %add3A_73 : i32
      %add3A_75 = arith.constant 1 : i32
      %add3A_76 = arith.addi %add3A_74, %add3A_75 : i32
      %mul3A_77 = arith.constant 32 : i32
      %mul3A_78 = arith.muli %mul3A_77, %add3A_76 : i32
      %add3A_79 = arith.addi %add3A, %mul3A_78 : i32
      %mul3A_80 = arith.constant 32 : i32
      %mul3A_81 = arith.muli %mul3A_80, %add3A_74 : i32
      %add3A_82 = arith.addi %add3A, %mul3A_81 : i32
      %lt3A = arith.constant 1250 : i32
      %lt3A_83 = arith.cmpi slt, %add3A_79, %lt3A : i32
      %convert_element_type3A_84 = arith.extui %lt3A_83 : i1 to i32
      %cond3A_85 = arith.constant 0 : i32
      %cond3A_86 = arith.cmpi ne, %convert_element_type3A_84, %cond3A_85 : i32
      scf.if %cond3A_86 {
        %ge3A = arith.constant 1 : i32
        %ge3A_114 = arith.cmpi sge, %scan3A_70, %ge3A : i32
        %convert_element_type3A_115 = arith.extui %ge3A_114 : i1 to i32
        %cond3A_116 = arith.constant 0 : i32
        %cond3A_117 = arith.cmpi ne, %convert_element_type3A_115, %cond3A_116 : i32
        scf.if %cond3A_117 {
          %dma_wait3A_162 = arith.constant 0 : i32
          %dma_wait3A_163 = arith.constant 0 : i32
          %dma_wait3A_164 = tpu.memref_slice %arg2[%dma_wait3A_162, %dma_wait3A_163] : memref<10000x80xf32, #tpu.memory_space<hbm>> -> memref<256x80xf32, #tpu.memory_space<hbm>>
          %dma_wait3A_165 = arith.constant 0 : i32
          %dma_wait3A_166 = arith.constant 0 : i32
          %dma_wait3A_167 = tpu.memref_slice %arg2[%dma_wait3A_165, %dma_wait3A_166] : memref<10000x80xf32, #tpu.memory_space<hbm>> -> memref<256x80xf32, #tpu.memory_space<hbm>>
          tpu.wait_dma2 semaphore(%arg25 : memref<!tpu.dma_semaphore, #tpu.memory_space<semaphore_mem>>) src(%dma_wait3A_167 : memref<256x80xf32, #tpu.memory_space<hbm>>) dst(%arg10 : memref<256x80xf32, #tpu.memory_space<vmem>>)
        } else {
        }
        %mul3A_118 = arith.constant 2 : i32
        %mul3A_119 = arith.muli %add3A_79, %mul3A_118 : i32
        "tpu.region"() ({
          %run_scoped3A = tpu.sem_alloc : memref<!tpu.dma_semaphore, #tpu.memory_space<semaphore_mem>>
          %dma_start3A_162 = arith.constant 0 : i32
          %dma_start3A_163 = tpu.memref_slice %arg5[%mul3A_119, %dma_start3A_162] : memref<2500x128xi32, #tpu.memory_space<hbm>> -> memref<2x128xi32, #tpu.memory_space<hbm>>
          %dma_start3A_164 = arith.constant 0 : i32
          %dma_start3A_165 = tpu.memref_slice %arg5[%mul3A_119, %dma_start3A_164] : memref<2500x128xi32, #tpu.memory_space<hbm>> -> memref<2x128xi32, #tpu.memory_space<hbm>>
          tpu.enqueue_dma source(%dma_start3A_165 : memref<2x128xi32, #tpu.memory_space<hbm>>) target(%arg16 : memref<2x128xi32, #tpu.memory_space<vmem>>) target_semaphore(%run_scoped3A : memref<!tpu.dma_semaphore, #tpu.memory_space<semaphore_mem>>)
          %dma_wait3A_166 = arith.constant 0 : i32
          %dma_wait3A_167 = tpu.memref_slice %arg5[%mul3A_119, %dma_wait3A_166] : memref<2500x128xi32, #tpu.memory_space<hbm>> -> memref<2x128xi32, #tpu.memory_space<hbm>>
          %dma_wait3A_168 = arith.constant 0 : i32
          %dma_wait3A_169 = tpu.memref_slice %arg5[%mul3A_119, %dma_wait3A_168] : memref<2500x128xi32, #tpu.memory_space<hbm>> -> memref<2x128xi32, #tpu.memory_space<hbm>>
          tpu.wait_dma2 semaphore(%run_scoped3A : memref<!tpu.dma_semaphore, #tpu.memory_space<semaphore_mem>>) src(%dma_wait3A_169 : memref<2x128xi32, #tpu.memory_space<hbm>>) dst(%arg16 : memref<2x128xi32, #tpu.memory_space<vmem>>)
          tpu.yield
        }) : () -> ()
        %mul3A_120 = arith.constant 2 : i32
        %mul3A_121 = arith.muli %add3A_79, %mul3A_120 : i32
        "tpu.region"() ({
          %run_scoped3A = tpu.sem_alloc : memref<!tpu.dma_semaphore, #tpu.memory_space<semaphore_mem>>
          %dma_start3A_162 = arith.constant 0 : i32
          %dma_start3A_163 = tpu.memref_slice %arg6[%mul3A_121, %dma_start3A_162] : memref<2500x128xi32, #tpu.memory_space<hbm>> -> memref<2x128xi32, #tpu.memory_space<hbm>>
          %dma_start3A_164 = arith.constant 0 : i32
          %dma_start3A_165 = tpu.memref_slice %arg6[%mul3A_121, %dma_start3A_164] : memref<2500x128xi32, #tpu.memory_space<hbm>> -> memref<2x128xi32, #tpu.memory_space<hbm>>
          tpu.enqueue_dma source(%dma_start3A_165 : memref<2x128xi32, #tpu.memory_space<hbm>>) target(%arg18 : memref<2x128xi32, #tpu.memory_space<vmem>>) target_semaphore(%run_scoped3A : memref<!tpu.dma_semaphore, #tpu.memory_space<semaphore_mem>>)
          %dma_wait3A_166 = arith.constant 0 : i32
          %dma_wait3A_167 = tpu.memref_slice %arg6[%mul3A_121, %dma_wait3A_166] : memref<2500x128xi32, #tpu.memory_space<hbm>> -> memref<2x128xi32, #tpu.memory_space<hbm>>
          %dma_wait3A_168 = arith.constant 0 : i32
          %dma_wait3A_169 = tpu.memref_slice %arg6[%mul3A_121, %dma_wait3A_168] : memref<2500x128xi32, #tpu.memory_space<hbm>> -> memref<2x128xi32, #tpu.memory_space<hbm>>
          tpu.wait_dma2 semaphore(%run_scoped3A : memref<!tpu.dma_semaphore, #tpu.memory_space<semaphore_mem>>) src(%dma_wait3A_169 : memref<2x128xi32, #tpu.memory_space<hbm>>) dst(%arg18 : memref<2x128xi32, #tpu.memory_space<vmem>>)
          tpu.yield
        }) : () -> ()
        %dma_start3A_122 = arith.constant 0 : i32
        %dma_start3A_123 = arith.constant 0 : i32
        %dma_start3A_124 = arith.constant 0 : i32
        %dma_start3A_125 = tpu.memref_slice %arg10[%dma_start3A_123, %dma_start3A_124] : memref<256x80xf32, #tpu.memory_space<vmem>> -> memref<128x80xf32, #tpu.memory_space<vmem>>
        %dma_start3A_126 = arith.constant 0 : i32
        %dma_start3A_127 = tpu.memref_slice %arg16[%dma_start3A_122, %dma_start3A_126] : memref<2x128xi32, #tpu.memory_space<vmem>> -> memref<1x128xi32, #tpu.memory_space<vmem>>
        %dma_start3A_128 = tpu.memref_squeeze %dma_start3A_127 : memref<1x128xi32, #tpu.memory_space<vmem>> -> memref<128xi32, #tpu.memory_space<vmem>>
        %dma_start3A_129 = arith.constant 0 : i32
        %dma_start3A_130 = arith.constant 0 : i32
        %dma_start3A_131 = tpu.memref_slice %arg2[%dma_start3A_129, %dma_start3A_130] : memref<10000x80xf32, #tpu.memory_space<hbm>> -> memref<10000x80xf32, #tpu.memory_space<hbm>>
        tpu.enqueue_indirect_dma source(%dma_start3A_131 : memref<10000x80xf32, #tpu.memory_space<hbm>>) target(%dma_start3A_125 : memref<128x80xf32, #tpu.memory_space<vmem>>) offsets(%dma_start3A_128 : memref<128xi32, #tpu.memory_space<vmem>>) semaphore(%arg21 : memref<!tpu.dma_semaphore, #tpu.memory_space<semaphore_mem>>)
        %dma_start3A_132 = arith.constant 0 : i32
        %dma_start3A_133 = arith.constant 0 : i32
        %dma_start3A_134 = arith.constant 0 : i32
        %dma_start3A_135 = tpu.memref_slice %arg12[%dma_start3A_133, %dma_start3A_134] : memref<256x8xf32, #tpu.memory_space<vmem>> -> memref<128x8xf32, #tpu.memory_space<vmem>>
        %dma_start3A_136 = arith.constant 0 : i32
        %dma_start3A_137 = tpu.memref_slice %arg18[%dma_start3A_132, %dma_start3A_136] : memref<2x128xi32, #tpu.memory_space<vmem>> -> memref<1x128xi32, #tpu.memory_space<vmem>>
        %dma_start3A_138 = tpu.memref_squeeze %dma_start3A_137 : memref<1x128xi32, #tpu.memory_space<vmem>> -> memref<128xi32, #tpu.memory_space<vmem>>
        %dma_start3A_139 = arith.constant 0 : i32
        %dma_start3A_140 = arith.constant 0 : i32
        %dma_start3A_141 = tpu.memref_slice %arg3[%dma_start3A_139, %dma_start3A_140] : memref<10000x8xf32, #tpu.memory_space<hbm>> -> memref<10000x8xf32, #tpu.memory_space<hbm>>
        tpu.enqueue_indirect_dma source(%dma_start3A_141 : memref<10000x8xf32, #tpu.memory_space<hbm>>) target(%dma_start3A_135 : memref<128x8xf32, #tpu.memory_space<vmem>>) offsets(%dma_start3A_138 : memref<128xi32, #tpu.memory_space<vmem>>) semaphore(%arg23 : memref<!tpu.dma_semaphore, #tpu.memory_space<semaphore_mem>>)
        %dma_start3A_142 = arith.constant 1 : i32
        %dma_start3A_143 = arith.constant 128 : i32
        %dma_start3A_144 = arith.constant 0 : i32
        %dma_start3A_145 = tpu.memref_slice %arg10[%dma_start3A_143, %dma_start3A_144] : memref<256x80xf32, #tpu.memory_space<vmem>> -> memref<128x80xf32, #tpu.memory_space<vmem>>
        %dma_start3A_146 = arith.constant 0 : i32
        %dma_start3A_147 = tpu.memref_slice %arg16[%dma_start3A_142, %dma_start3A_146] : memref<2x128xi32, #tpu.memory_space<vmem>> -> memref<1x128xi32, #tpu.memory_space<vmem>>
        %dma_start3A_148 = tpu.memref_squeeze %dma_start3A_147 : memref<1x128xi32, #tpu.memory_space<vmem>> -> memref<128xi32, #tpu.memory_space<vmem>>
        %dma_start3A_149 = arith.constant 0 : i32
        %dma_start3A_150 = arith.constant 0 : i32
        %dma_start3A_151 = tpu.memref_slice %arg2[%dma_start3A_149, %dma_start3A_150] : memref<10000x80xf32, #tpu.memory_space<hbm>> -> memref<10000x80xf32, #tpu.memory_space<hbm>>
        tpu.enqueue_indirect_dma source(%dma_start3A_151 : memref<10000x80xf32, #tpu.memory_space<hbm>>) target(%dma_start3A_145 : memref<128x80xf32, #tpu.memory_space<vmem>>) offsets(%dma_start3A_148 : memref<128xi32, #tpu.memory_space<vmem>>) semaphore(%arg21 : memref<!tpu.dma_semaphore, #tpu.memory_space<semaphore_mem>>)
        %dma_start3A_152 = arith.constant 1 : i32
        %dma_start3A_153 = arith.constant 128 : i32
        %dma_start3A_154 = arith.constant 0 : i32
        %dma_start3A_155 = tpu.memref_slice %arg12[%dma_start3A_153, %dma_start3A_154] : memref<256x8xf32, #tpu.memory_space<vmem>> -> memref<128x8xf32, #tpu.memory_space<vmem>>
        %dma_start3A_156 = arith.constant 0 : i32
        %dma_start3A_157 = tpu.memref_slice %arg18[%dma_start3A_152, %dma_start3A_156] : memref<2x128xi32, #tpu.memory_space<vmem>> -> memref<1x128xi32, #tpu.memory_space<vmem>>
        %dma_start3A_158 = tpu.memref_squeeze %dma_start3A_157 : memref<1x128xi32, #tpu.memory_space<vmem>> -> memref<128xi32, #tpu.memory_space<vmem>>
        %dma_start3A_159 = arith.constant 0 : i32
        %dma_start3A_160 = arith.constant 0 : i32
        %dma_start3A_161 = tpu.memref_slice %arg3[%dma_start3A_159, %dma_start3A_160] : memref<10000x8xf32, #tpu.memory_space<hbm>> -> memref<10000x8xf32, #tpu.memory_space<hbm>>
        tpu.enqueue_indirect_dma source(%dma_start3A_161 : memref<10000x8xf32, #tpu.memory_space<hbm>>) target(%dma_start3A_155 : memref<128x8xf32, #tpu.memory_space<vmem>>) offsets(%dma_start3A_158 : memref<128xi32, #tpu.memory_space<vmem>>) semaphore(%arg23 : memref<!tpu.dma_semaphore, #tpu.memory_space<semaphore_mem>>)
      } else {
      }
      %lt3A_87 = arith.constant 1250 : i32
      %lt3A_88 = arith.cmpi slt, %add3A_82, %lt3A_87 : i32
      %convert_element_type3A_89 = arith.extui %lt3A_88 : i1 to i32
      %cond3A_90 = arith.constant 0 : i32
      %cond3A_91 = arith.cmpi ne, %convert_element_type3A_89, %cond3A_90 : i32
      scf.if %cond3A_91 {
        %dma_wait3A_114 = arith.constant 0 : i32
        %dma_wait3A_115 = arith.constant 0 : i32
        %dma_wait3A_116 = tpu.memref_slice %arg2[%dma_wait3A_114, %dma_wait3A_115] : memref<10000x80xf32, #tpu.memory_space<hbm>> -> memref<256x80xf32, #tpu.memory_space<hbm>>
        %dma_wait3A_117 = arith.constant 0 : i32
        %dma_wait3A_118 = arith.constant 0 : i32
        %dma_wait3A_119 = tpu.memref_slice %arg2[%dma_wait3A_117, %dma_wait3A_118] : memref<10000x80xf32, #tpu.memory_space<hbm>> -> memref<256x80xf32, #tpu.memory_space<hbm>>
        tpu.wait_dma2 semaphore(%arg20 : memref<!tpu.dma_semaphore, #tpu.memory_space<semaphore_mem>>) src(%dma_wait3A_119 : memref<256x80xf32, #tpu.memory_space<hbm>>) dst(%arg9 : memref<256x80xf32, #tpu.memory_space<vmem>>)
        %dma_wait3A_120 = arith.constant 0 : i32
        %dma_wait3A_121 = arith.constant 0 : i32
        %dma_wait3A_122 = tpu.memref_slice %arg3[%dma_wait3A_120, %dma_wait3A_121] : memref<10000x8xf32, #tpu.memory_space<hbm>> -> memref<256x8xf32, #tpu.memory_space<hbm>>
        %dma_wait3A_123 = arith.constant 0 : i32
        %dma_wait3A_124 = arith.constant 0 : i32
        %dma_wait3A_125 = tpu.memref_slice %arg3[%dma_wait3A_123, %dma_wait3A_124] : memref<10000x8xf32, #tpu.memory_space<hbm>> -> memref<256x8xf32, #tpu.memory_space<hbm>>
        tpu.wait_dma2 semaphore(%arg22 : memref<!tpu.dma_semaphore, #tpu.memory_space<semaphore_mem>>) src(%dma_wait3A_125 : memref<256x8xf32, #tpu.memory_space<hbm>>) dst(%arg11 : memref<256x8xf32, #tpu.memory_space<vmem>>)
        %scan3A_126 = arith.constant 0 : i32
        %scan3A_127 = arith.constant 0 : i32
        %scan3A_128 = arith.constant 128 : i32
        %scan3A_129 = arith.addi %scan3A_127, %scan3A_128 : i32
        %scan3A_130 = arith.constant 4 : i32
        scf.for %scan3A_158 = %scan3A_127 to %scan3A_129 step %scan3A_130  : i32 {
          %iota3A = tpu.iota {dimensions = array<i32: 0>} : vector<16xi32>
          %and3A = arith.constant 7 : i32
          %and3A_159 = vector.broadcast %and3A : i32 to vector<16xi32>
          %and3A_160 = arith.andi %iota3A, %and3A_159 : vector<16xi32>
          %ge3A = arith.constant 8 : i32
          %ge3A_161 = vector.broadcast %ge3A : i32 to vector<16xi32>
          %ge3A_162 = arith.cmpi sge, %iota3A, %ge3A_161 : vector<16xi32>
          %convert_element_type3A_163 = arith.extui %ge3A_162 : vector<16xi1> to vector<16xi32>
          %get3A = arith.constant 0 : index
          %get3A_164 = tpu.vector_load %arg14[%get3A] {strides = array<i32>} : memref<16xf32, #tpu.memory_space<vmem>>, vector<16xf32>,
          %mul3A_165 = arith.constant 2 : i32
          %mul3A_166 = arith.muli %mul3A_165, %scan3A_158 : i32
          %add3A_167 = vector.broadcast %mul3A_166 : i32 to vector<16xi32>
          %add3A_168 = arith.addi %add3A_167, %convert_element_type3A_163 : vector<16xi32>
          %add3A_169 = arith.constant 64 : i32
          %add3A_170 = vector.broadcast %add3A_169 : i32 to vector<16xi32>
          %add3A_171 = arith.addi %add3A_170, %and3A_160 : vector<16xi32>
          %gather3A = tpu.vector_load_idx %arg9[%add3A_168, %add3A_171] : memref<256x80xf32, #tpu.memory_space<vmem>>[vector<16xi32>, vector<16xi32>], vector<16xf32>,
          %gather3A_172 = tpu.vector_load_idx %arg11[%add3A_168, %and3A_160] : memref<256x8xf32, #tpu.memory_space<vmem>>[vector<16xi32>, vector<16xi32>], vector<16xf32>,
          %add3A_173 = arith.addf %gather3A, %gather3A_172 : vector<16xf32>
          %mul3A_174 = arith.constant 2.000000e-01 : f32
          %mul3A_175 = vector.broadcast %mul3A_174 : f32 to vector<16xf32>
          %mul3A_176 = arith.mulf %mul3A_175, %add3A_173 : vector<16xf32>
          %max3A = arith.maximumf %add3A_173, %mul3A_176 : vector<16xf32>
          %sub3A = arith.subf %max3A, %get3A_164 : vector<16xf32>
          %exp3A = math.exp %sub3A : vector<16xf32>
          %mul3A_177 = arith.constant 16 : i32
          %mul3A_178 = arith.muli %mul3A_177, %scan3A_158 : i32
          %swap3A = arith.index_cast %mul3A_178 : i32 to index
          %swap3A_179 = tpu.vector_load %arg13[%swap3A] {strides = array<i32>} : memref<2048xf32, #tpu.memory_space<vmem>>, vector<16xf32>,
          tpu.vector_store %arg13[%swap3A], %exp3A {strides = array<i32>} : memref<2048xf32, #tpu.memory_space<vmem>>, vector<16xf32>,
          %scan3A_180 = arith.constant 1 : i32
          %scan3A_181 = arith.addi %scan3A_158, %scan3A_180 : i32
          %iota3A_182 = tpu.iota {dimensions = array<i32: 0>} : vector<16xi32>
          %and3A_183 = arith.constant 7 : i32
          %and3A_184 = vector.broadcast %and3A_183 : i32 to vector<16xi32>
          %and3A_185 = arith.andi %iota3A_182, %and3A_184 : vector<16xi32>
          %ge3A_186 = arith.constant 8 : i32
          %ge3A_187 = vector.broadcast %ge3A_186 : i32 to vector<16xi32>
          %ge3A_188 = arith.cmpi sge, %iota3A_182, %ge3A_187 : vector<16xi32>
          %convert_element_type3A_189 = arith.extui %ge3A_188 : vector<16xi1> to vector<16xi32>
          %get3A_190 = arith.constant 0 : index
          %get3A_191 = tpu.vector_load %arg14[%get3A_190] {strides = array<i32>} : memref<16xf32, #tpu.memory_space<vmem>>, vector<16xf32>,
          %mul3A_192 = arith.constant 2 : i32
          %mul3A_193 = arith.muli %mul3A_192, %scan3A_181 : i32
          %add3A_194 = vector.broadcast %mul3A_193 : i32 to vector<16xi32>
          %add3A_195 = arith.addi %add3A_194, %convert_element_type3A_189 : vector<16xi32>
          %add3A_196 = arith.constant 64 : i32
          %add3A_197 = vector.broadcast %add3A_196 : i32 to vector<16xi32>
          %add3A_198 = arith.addi %add3A_197, %and3A_185 : vector<16xi32>
          %gather3A_199 = tpu.vector_load_idx %arg9[%add3A_195, %add3A_198] : memref<256x80xf32, #tpu.memory_space<vmem>>[vector<16xi32>, vector<16xi32>], vector<16xf32>,
          %gather3A_200 = tpu.vector_load_idx %arg11[%add3A_195, %and3A_185] : memref<256x8xf32, #tpu.memory_space<vmem>>[vector<16xi32>, vector<16xi32>], vector<16xf32>,
          %add3A_201 = arith.addf %gather3A_199, %gather3A_200 : vector<16xf32>
          %mul3A_202 = arith.constant 2.000000e-01 : f32
          %mul3A_203 = vector.broadcast %mul3A_202 : f32 to vector<16xf32>
          %mul3A_204 = arith.mulf %mul3A_203, %add3A_201 : vector<16xf32>
          %max3A_205 = arith.maximumf %add3A_201, %mul3A_204 : vector<16xf32>
          %sub3A_206 = arith.subf %max3A_205, %get3A_191 : vector<16xf32>
          %exp3A_207 = math.exp %sub3A_206 : vector<16xf32>
          %mul3A_208 = arith.constant 16 : i32
          %mul3A_209 = arith.muli %mul3A_208, %scan3A_181 : i32
          %swap3A_210 = arith.index_cast %mul3A_209 : i32 to index
          %swap3A_211 = tpu.vector_load %arg13[%swap3A_210] {strides = array<i32>} : memref<2048xf32, #tpu.memory_space<vmem>>, vector<16xf32>,
          tpu.vector_store %arg13[%swap3A_210], %exp3A_207 {strides = array<i32>} : memref<2048xf32, #tpu.memory_space<vmem>>, vector<16xf32>,
          %scan3A_212 = arith.constant 2 : i32
          %scan3A_213 = arith.addi %scan3A_158, %scan3A_212 : i32
          %iota3A_214 = tpu.iota {dimensions = array<i32: 0>} : vector<16xi32>
          %and3A_215 = arith.constant 7 : i32
          %and3A_216 = vector.broadcast %and3A_215 : i32 to vector<16xi32>
          %and3A_217 = arith.andi %iota3A_214, %and3A_216 : vector<16xi32>
          %ge3A_218 = arith.constant 8 : i32
          %ge3A_219 = vector.broadcast %ge3A_218 : i32 to vector<16xi32>
          %ge3A_220 = arith.cmpi sge, %iota3A_214, %ge3A_219 : vector<16xi32>
          %convert_element_type3A_221 = arith.extui %ge3A_220 : vector<16xi1> to vector<16xi32>
          %get3A_222 = arith.constant 0 : index
          %get3A_223 = tpu.vector_load %arg14[%get3A_222] {strides = array<i32>} : memref<16xf32, #tpu.memory_space<vmem>>, vector<16xf32>,
          %mul3A_224 = arith.constant 2 : i32
          %mul3A_225 = arith.muli %mul3A_224, %scan3A_213 : i32
          %add3A_226 = vector.broadcast %mul3A_225 : i32 to vector<16xi32>
          %add3A_227 = arith.addi %add3A_226, %convert_element_type3A_221 : vector<16xi32>
          %add3A_228 = arith.constant 64 : i32
          %add3A_229 = vector.broadcast %add3A_228 : i32 to vector<16xi32>
          %add3A_230 = arith.addi %add3A_229, %and3A_217 : vector<16xi32>
          %gather3A_231 = tpu.vector_load_idx %arg9[%add3A_227, %add3A_230] : memref<256x80xf32, #tpu.memory_space<vmem>>[vector<16xi32>, vector<16xi32>], vector<16xf32>,
          %gather3A_232 = tpu.vector_load_idx %arg11[%add3A_227, %and3A_217] : memref<256x8xf32, #tpu.memory_space<vmem>>[vector<16xi32>, vector<16xi32>], vector<16xf32>,
          %add3A_233 = arith.addf %gather3A_231, %gather3A_232 : vector<16xf32>
          %mul3A_234 = arith.constant 2.000000e-01 : f32
          %mul3A_235 = vector.broadcast %mul3A_234 : f32 to vector<16xf32>
          %mul3A_236 = arith.mulf %mul3A_235, %add3A_233 : vector<16xf32>
          %max3A_237 = arith.maximumf %add3A_233, %mul3A_236 : vector<16xf32>
          %sub3A_238 = arith.subf %max3A_237, %get3A_223 : vector<16xf32>
          %exp3A_239 = math.exp %sub3A_238 : vector<16xf32>
          %mul3A_240 = arith.constant 16 : i32
          %mul3A_241 = arith.muli %mul3A_240, %scan3A_213 : i32
          %swap3A_242 = arith.index_cast %mul3A_241 : i32 to index
          %swap3A_243 = tpu.vector_load %arg13[%swap3A_242] {strides = array<i32>} : memref<2048xf32, #tpu.memory_space<vmem>>, vector<16xf32>,
          tpu.vector_store %arg13[%swap3A_242], %exp3A_239 {strides = array<i32>} : memref<2048xf32, #tpu.memory_space<vmem>>, vector<16xf32>,
          %scan3A_244 = arith.constant 3 : i32
          %scan3A_245 = arith.addi %scan3A_158, %scan3A_244 : i32
          %iota3A_246 = tpu.iota {dimensions = array<i32: 0>} : vector<16xi32>
          %and3A_247 = arith.constant 7 : i32
          %and3A_248 = vector.broadcast %and3A_247 : i32 to vector<16xi32>
          %and3A_249 = arith.andi %iota3A_246, %and3A_248 : vector<16xi32>
          %ge3A_250 = arith.constant 8 : i32
          %ge3A_251 = vector.broadcast %ge3A_250 : i32 to vector<16xi32>
          %ge3A_252 = arith.cmpi sge, %iota3A_246, %ge3A_251 : vector<16xi32>
          %convert_element_type3A_253 = arith.extui %ge3A_252 : vector<16xi1> to vector<16xi32>
          %get3A_254 = arith.constant 0 : index
          %get3A_255 = tpu.vector_load %arg14[%get3A_254] {strides = array<i32>} : memref<16xf32, #tpu.memory_space<vmem>>, vector<16xf32>,
          %mul3A_256 = arith.constant 2 : i32
          %mul3A_257 = arith.muli %mul3A_256, %scan3A_245 : i32
          %add3A_258 = vector.broadcast %mul3A_257 : i32 to vector<16xi32>
          %add3A_259 = arith.addi %add3A_258, %convert_element_type3A_253 : vector<16xi32>
          %add3A_260 = arith.constant 64 : i32
          %add3A_261 = vector.broadcast %add3A_260 : i32 to vector<16xi32>
          %add3A_262 = arith.addi %add3A_261, %and3A_249 : vector<16xi32>
          %gather3A_263 = tpu.vector_load_idx %arg9[%add3A_259, %add3A_262] : memref<256x80xf32, #tpu.memory_space<vmem>>[vector<16xi32>, vector<16xi32>], vector<16xf32>,
          %gather3A_264 = tpu.vector_load_idx %arg11[%add3A_259, %and3A_249] : memref<256x8xf32, #tpu.memory_space<vmem>>[vector<16xi32>, vector<16xi32>], vector<16xf32>,
          %add3A_265 = arith.addf %gather3A_263, %gather3A_264 : vector<16xf32>
          %mul3A_266 = arith.constant 2.000000e-01 : f32
          %mul3A_267 = vector.broadcast %mul3A_266 : f32 to vector<16xf32>
          %mul3A_268 = arith.mulf %mul3A_267, %add3A_265 : vector<16xf32>
          %max3A_269 = arith.maximumf %add3A_265, %mul3A_268 : vector<16xf32>
          %sub3A_270 = arith.subf %max3A_269, %get3A_255 : vector<16xf32>
          %exp3A_271 = math.exp %sub3A_270 : vector<16xf32>
          %mul3A_272 = arith.constant 16 : i32
          %mul3A_273 = arith.muli %mul3A_272, %scan3A_245 : i32
          %swap3A_274 = arith.index_cast %mul3A_273 : i32 to index
          %swap3A_275 = tpu.vector_load %arg13[%swap3A_274] {strides = array<i32>} : memref<2048xf32, #tpu.memory_space<vmem>>, vector<16xf32>,
          tpu.vector_store %arg13[%swap3A_274], %exp3A_271 {strides = array<i32>} : memref<2048xf32, #tpu.memory_space<vmem>>, vector<16xf32>,
        }
        %scan3A_131 = arith.constant 128 : i32
        %scan3A_132 = arith.constant 0 : i32
        %scan3A_133 = arith.constant 0 : i32
        %scan3A_134 = arith.constant 256 : i32
        %scan3A_135 = arith.addi %scan3A_133, %scan3A_134 : i32
        %scan3A_136 = arith.constant 4 : i32
        scf.for %scan3A_158 = %scan3A_133 to %scan3A_135 step %scan3A_136  : i32 {
          %iota3A = tpu.iota {dimensions = array<i32: 0>} : vector<16xi32>
          %and3A = arith.constant 7 : i32
          %and3A_159 = vector.broadcast %and3A : i32 to vector<16xi32>
          %and3A_160 = arith.andi %iota3A, %and3A_159 : vector<16xi32>
          %ge3A = arith.constant 8 : i32
          %ge3A_161 = vector.broadcast %ge3A : i32 to vector<16xi32>
          %ge3A_162 = arith.cmpi sge, %iota3A, %ge3A_161 : vector<16xi32>
          %convert_element_type3A_163 = arith.extui %ge3A_162 : vector<16xi1> to vector<16xi32>
          %mul3A_164 = arith.constant 8 : i32
          %mul3A_165 = arith.muli %mul3A_164, %scan3A_158 : i32
          %add3A_166 = arith.constant 0 : i32
          %add3A_167 = arith.addi %mul3A_165, %add3A_166 : i32
          %add3A_168 = vector.broadcast %add3A_167 : i32 to vector<16xi32>
          %add3A_169 = arith.addi %add3A_168, %convert_element_type3A_163 : vector<16xi32>
          %gather3A = tpu.vector_load_idx %arg13[%add3A_169] : memref<2048xf32, #tpu.memory_space<vmem>>[vector<16xi32>], vector<16xf32>,
          %get3A = arith.index_cast %scan3A_158 : i32 to index
          %get3A_170 = arith.constant 0 : index
          %get3A_171 = tpu.vector_load %arg9[%get3A, %get3A_170] {strides = array<i32>} : memref<256x80xf32, #tpu.memory_space<vmem>>, vector<16xf32>,
          %mul3A_172 = arith.mulf %get3A_171, %gather3A : vector<16xf32>
          %swap3A = arith.index_cast %scan3A_158 : i32 to index
          %swap3A_173 = arith.constant 0 : index
          %swap3A_174 = tpu.vector_load %arg9[%swap3A, %swap3A_173] {strides = array<i32>} : memref<256x80xf32, #tpu.memory_space<vmem>>, vector<16xf32>,
          tpu.vector_store %arg9[%swap3A, %swap3A_173], %mul3A_172 {strides = array<i32>} : memref<256x80xf32, #tpu.memory_space<vmem>>, vector<16xf32>,
          %add3A_175 = arith.constant 2 : i32
          %add3A_176 = arith.addi %mul3A_165, %add3A_175 : i32
          %add3A_177 = vector.broadcast %add3A_176 : i32 to vector<16xi32>
          %add3A_178 = arith.addi %add3A_177, %convert_element_type3A_163 : vector<16xi32>
          %gather3A_179 = tpu.vector_load_idx %arg13[%add3A_178] : memref<2048xf32, #tpu.memory_space<vmem>>[vector<16xi32>], vector<16xf32>,
          %get3A_180 = arith.index_cast %scan3A_158 : i32 to index
          %get3A_181 = arith.constant 16 : index
          %get3A_182 = tpu.vector_load %arg9[%get3A_180, %get3A_181] {strides = array<i32>} : memref<256x80xf32, #tpu.memory_space<vmem>>, vector<16xf32>,
          %mul3A_183 = arith.mulf %get3A_182, %gather3A_179 : vector<16xf32>
          %swap3A_184 = arith.index_cast %scan3A_158 : i32 to index
          %swap3A_185 = arith.constant 16 : index
          %swap3A_186 = tpu.vector_load %arg9[%swap3A_184, %swap3A_185] {strides = array<i32>} : memref<256x80xf32, #tpu.memory_space<vmem>>, vector<16xf32>,
          tpu.vector_store %arg9[%swap3A_184, %swap3A_185], %mul3A_183 {strides = array<i32>} : memref<256x80xf32, #tpu.memory_space<vmem>>, vector<16xf32>,
          %add3A_187 = arith.constant 4 : i32
          %add3A_188 = arith.addi %mul3A_165, %add3A_187 : i32
          %add3A_189 = vector.broadcast %add3A_188 : i32 to vector<16xi32>
          %add3A_190 = arith.addi %add3A_189, %convert_element_type3A_163 : vector<16xi32>
          %gather3A_191 = tpu.vector_load_idx %arg13[%add3A_190] : memref<2048xf32, #tpu.memory_space<vmem>>[vector<16xi32>], vector<16xf32>,
          %get3A_192 = arith.index_cast %scan3A_158 : i32 to index
          %get3A_193 = arith.constant 32 : index
          %get3A_194 = tpu.vector_load %arg9[%get3A_192, %get3A_193] {strides = array<i32>} : memref<256x80xf32, #tpu.memory_space<vmem>>, vector<16xf32>,
          %mul3A_195 = arith.mulf %get3A_194, %gather3A_191 : vector<16xf32>
          %swap3A_196 = arith.index_cast %scan3A_158 : i32 to index
          %swap3A_197 = arith.constant 32 : index
          %swap3A_198 = tpu.vector_load %arg9[%swap3A_196, %swap3A_197] {strides = array<i32>} : memref<256x80xf32, #tpu.memory_space<vmem>>, vector<16xf32>,
          tpu.vector_store %arg9[%swap3A_196, %swap3A_197], %mul3A_195 {strides = array<i32>} : memref<256x80xf32, #tpu.memory_space<vmem>>, vector<16xf32>,
          %add3A_199 = arith.constant 6 : i32
          %add3A_200 = arith.addi %mul3A_165, %add3A_199 : i32
          %add3A_201 = vector.broadcast %add3A_200 : i32 to vector<16xi32>
          %add3A_202 = arith.addi %add3A_201, %convert_element_type3A_163 : vector<16xi32>
          %gather3A_203 = tpu.vector_load_idx %arg13[%add3A_202] : memref<2048xf32, #tpu.memory_space<vmem>>[vector<16xi32>], vector<16xf32>,
          %get3A_204 = arith.index_cast %scan3A_158 : i32 to index
          %get3A_205 = arith.constant 48 : index
          %get3A_206 = tpu.vector_load %arg9[%get3A_204, %get3A_205] {strides = array<i32>} : memref<256x80xf32, #tpu.memory_space<vmem>>, vector<16xf32>,
          %mul3A_207 = arith.mulf %get3A_206, %gather3A_203 : vector<16xf32>
          %swap3A_208 = arith.index_cast %scan3A_158 : i32 to index
          %swap3A_209 = arith.constant 48 : index
          %swap3A_210 = tpu.vector_load %arg9[%swap3A_208, %swap3A_209] {strides = array<i32>} : memref<256x80xf32, #tpu.memory_space<vmem>>, vector<16xf32>,
          tpu.vector_store %arg9[%swap3A_208, %swap3A_209], %mul3A_207 {strides = array<i32>} : memref<256x80xf32, #tpu.memory_space<vmem>>, vector<16xf32>,
          %add3A_211 = vector.broadcast %mul3A_165 : i32 to vector<16xi32>
          %add3A_212 = arith.addi %add3A_211, %and3A_160 : vector<16xi32>
          %gather3A_213 = tpu.vector_load_idx %arg13[%add3A_212] : memref<2048xf32, #tpu.memory_space<vmem>>[vector<16xi32>], vector<16xf32>,
          %swap3A_214 = arith.index_cast %scan3A_158 : i32 to index
          %swap3A_215 = arith.constant 64 : index
          %swap3A_216 = tpu.vector_load %arg9[%swap3A_214, %swap3A_215] {strides = array<i32>} : memref<256x80xf32, #tpu.memory_space<vmem>>, vector<16xf32>,
          tpu.vector_store %arg9[%swap3A_214, %swap3A_215], %gather3A_213 {strides = array<i32>} : memref<256x80xf32, #tpu.memory_space<vmem>>, vector<16xf32>,
          %scan3A_217 = arith.constant 1 : i32
          %scan3A_218 = arith.addi %scan3A_158, %scan3A_217 : i32
          %iota3A_219 = tpu.iota {dimensions = array<i32: 0>} : vector<16xi32>
          %and3A_220 = arith.constant 7 : i32
          %and3A_221 = vector.broadcast %and3A_220 : i32 to vector<16xi32>
          %and3A_222 = arith.andi %iota3A_219, %and3A_221 : vector<16xi32>
          %ge3A_223 = arith.constant 8 : i32
          %ge3A_224 = vector.broadcast %ge3A_223 : i32 to vector<16xi32>
          %ge3A_225 = arith.cmpi sge, %iota3A_219, %ge3A_224 : vector<16xi32>
          %convert_element_type3A_226 = arith.extui %ge3A_225 : vector<16xi1> to vector<16xi32>
          %mul3A_227 = arith.constant 8 : i32
          %mul3A_228 = arith.muli %mul3A_227, %scan3A_218 : i32
          %add3A_229 = arith.constant 0 : i32
          %add3A_230 = arith.addi %mul3A_228, %add3A_229 : i32
          %add3A_231 = vector.broadcast %add3A_230 : i32 to vector<16xi32>
          %add3A_232 = arith.addi %add3A_231, %convert_element_type3A_226 : vector<16xi32>
          %gather3A_233 = tpu.vector_load_idx %arg13[%add3A_232] : memref<2048xf32, #tpu.memory_space<vmem>>[vector<16xi32>], vector<16xf32>,
          %get3A_234 = arith.index_cast %scan3A_218 : i32 to index
          %get3A_235 = arith.constant 0 : index
          %get3A_236 = tpu.vector_load %arg9[%get3A_234, %get3A_235] {strides = array<i32>} : memref<256x80xf32, #tpu.memory_space<vmem>>, vector<16xf32>,
          %mul3A_237 = arith.mulf %get3A_236, %gather3A_233 : vector<16xf32>
          %swap3A_238 = arith.index_cast %scan3A_218 : i32 to index
          %swap3A_239 = arith.constant 0 : index
          %swap3A_240 = tpu.vector_load %arg9[%swap3A_238, %swap3A_239] {strides = array<i32>} : memref<256x80xf32, #tpu.memory_space<vmem>>, vector<16xf32>,
          tpu.vector_store %arg9[%swap3A_238, %swap3A_239], %mul3A_237 {strides = array<i32>} : memref<256x80xf32, #tpu.memory_space<vmem>>, vector<16xf32>,
          %add3A_241 = arith.constant 2 : i32
          %add3A_242 = arith.addi %mul3A_228, %add3A_241 : i32
          %add3A_243 = vector.broadcast %add3A_242 : i32 to vector<16xi32>
          %add3A_244 = arith.addi %add3A_243, %convert_element_type3A_226 : vector<16xi32>
          %gather3A_245 = tpu.vector_load_idx %arg13[%add3A_244] : memref<2048xf32, #tpu.memory_space<vmem>>[vector<16xi32>], vector<16xf32>,
          %get3A_246 = arith.index_cast %scan3A_218 : i32 to index
          %get3A_247 = arith.constant 16 : index
          %get3A_248 = tpu.vector_load %arg9[%get3A_246, %get3A_247] {strides = array<i32>} : memref<256x80xf32, #tpu.memory_space<vmem>>, vector<16xf32>,
          %mul3A_249 = arith.mulf %get3A_248, %gather3A_245 : vector<16xf32>
          %swap3A_250 = arith.index_cast %scan3A_218 : i32 to index
          %swap3A_251 = arith.constant 16 : index
          %swap3A_252 = tpu.vector_load %arg9[%swap3A_250, %swap3A_251] {strides = array<i32>} : memref<256x80xf32, #tpu.memory_space<vmem>>, vector<16xf32>,
          tpu.vector_store %arg9[%swap3A_250, %swap3A_251], %mul3A_249 {strides = array<i32>} : memref<256x80xf32, #tpu.memory_space<vmem>>, vector<16xf32>,
          %add3A_253 = arith.constant 4 : i32
          %add3A_254 = arith.addi %mul3A_228, %add3A_253 : i32
          %add3A_255 = vector.broadcast %add3A_254 : i32 to vector<16xi32>
          %add3A_256 = arith.addi %add3A_255, %convert_element_type3A_226 : vector<16xi32>
          %gather3A_257 = tpu.vector_load_idx %arg13[%add3A_256] : memref<2048xf32, #tpu.memory_space<vmem>>[vector<16xi32>], vector<16xf32>,
          %get3A_258 = arith.index_cast %scan3A_218 : i32 to index
          %get3A_259 = arith.constant 32 : index
          %get3A_260 = tpu.vector_load %arg9[%get3A_258, %get3A_259] {strides = array<i32>} : memref<256x80xf32, #tpu.memory_space<vmem>>, vector<16xf32>,
          %mul3A_261 = arith.mulf %get3A_260, %gather3A_257 : vector<16xf32>
          %swap3A_262 = arith.index_cast %scan3A_218 : i32 to index
          %swap3A_263 = arith.constant 32 : index
          %swap3A_264 = tpu.vector_load %arg9[%swap3A_262, %swap3A_263] {strides = array<i32>} : memref<256x80xf32, #tpu.memory_space<vmem>>, vector<16xf32>,
          tpu.vector_store %arg9[%swap3A_262, %swap3A_263], %mul3A_261 {strides = array<i32>} : memref<256x80xf32, #tpu.memory_space<vmem>>, vector<16xf32>,
          %add3A_265 = arith.constant 6 : i32
          %add3A_266 = arith.addi %mul3A_228, %add3A_265 : i32
          %add3A_267 = vector.broadcast %add3A_266 : i32 to vector<16xi32>
          %add3A_268 = arith.addi %add3A_267, %convert_element_type3A_226 : vector<16xi32>
          %gather3A_269 = tpu.vector_load_idx %arg13[%add3A_268] : memref<2048xf32, #tpu.memory_space<vmem>>[vector<16xi32>], vector<16xf32>,
          %get3A_270 = arith.index_cast %scan3A_218 : i32 to index
          %get3A_271 = arith.constant 48 : index
          %get3A_272 = tpu.vector_load %arg9[%get3A_270, %get3A_271] {strides = array<i32>} : memref<256x80xf32, #tpu.memory_space<vmem>>, vector<16xf32>,
          %mul3A_273 = arith.mulf %get3A_272, %gather3A_269 : vector<16xf32>
          %swap3A_274 = arith.index_cast %scan3A_218 : i32 to index
          %swap3A_275 = arith.constant 48 : index
          %swap3A_276 = tpu.vector_load %arg9[%swap3A_274, %swap3A_275] {strides = array<i32>} : memref<256x80xf32, #tpu.memory_space<vmem>>, vector<16xf32>,
          tpu.vector_store %arg9[%swap3A_274, %swap3A_275], %mul3A_273 {strides = array<i32>} : memref<256x80xf32, #tpu.memory_space<vmem>>, vector<16xf32>,
          %add3A_277 = vector.broadcast %mul3A_228 : i32 to vector<16xi32>
          %add3A_278 = arith.addi %add3A_277, %and3A_222 : vector<16xi32>
          %gather3A_279 = tpu.vector_load_idx %arg13[%add3A_278] : memref<2048xf32, #tpu.memory_space<vmem>>[vector<16xi32>], vector<16xf32>,
          %swap3A_280 = arith.index_cast %scan3A_218 : i32 to index
          %swap3A_281 = arith.constant 64 : index
          %swap3A_282 = tpu.vector_load %arg9[%swap3A_280, %swap3A_281] {strides = array<i32>} : memref<256x80xf32, #tpu.memory_space<vmem>>, vector<16xf32>,
          tpu.vector_store %arg9[%swap3A_280, %swap3A_281], %gather3A_279 {strides = array<i32>} : memref<256x80xf32, #tpu.memory_space<vmem>>, vector<16xf32>,
          %scan3A_283 = arith.constant 2 : i32
          %scan3A_284 = arith.addi %scan3A_158, %scan3A_283 : i32
          %iota3A_285 = tpu.iota {dimensions = array<i32: 0>} : vector<16xi32>
          %and3A_286 = arith.constant 7 : i32
          %and3A_287 = vector.broadcast %and3A_286 : i32 to vector<16xi32>
          %and3A_288 = arith.andi %iota3A_285, %and3A_287 : vector<16xi32>
          %ge3A_289 = arith.constant 8 : i32
          %ge3A_290 = vector.broadcast %ge3A_289 : i32 to vector<16xi32>
          %ge3A_291 = arith.cmpi sge, %iota3A_285, %ge3A_290 : vector<16xi32>
          %convert_element_type3A_292 = arith.extui %ge3A_291 : vector<16xi1> to vector<16xi32>
          %mul3A_293 = arith.constant 8 : i32
          %mul3A_294 = arith.muli %mul3A_293, %scan3A_284 : i32
          %add3A_295 = arith.constant 0 : i32
          %add3A_296 = arith.addi %mul3A_294, %add3A_295 : i32
          %add3A_297 = vector.broadcast %add3A_296 : i32 to vector<16xi32>
          %add3A_298 = arith.addi %add3A_297, %convert_element_type3A_292 : vector<16xi32>
          %gather3A_299 = tpu.vector_load_idx %arg13[%add3A_298] : memref<2048xf32, #tpu.memory_space<vmem>>[vector<16xi32>], vector<16xf32>,
          %get3A_300 = arith.index_cast %scan3A_284 : i32 to index
          %get3A_301 = arith.constant 0 : index
          %get3A_302 = tpu.vector_load %arg9[%get3A_300, %get3A_301] {strides = array<i32>} : memref<256x80xf32, #tpu.memory_space<vmem>>, vector<16xf32>,
          %mul3A_303 = arith.mulf %get3A_302, %gather3A_299 : vector<16xf32>
          %swap3A_304 = arith.index_cast %scan3A_284 : i32 to index
          %swap3A_305 = arith.constant 0 : index
          %swap3A_306 = tpu.vector_load %arg9[%swap3A_304, %swap3A_305] {strides = array<i32>} : memref<256x80xf32, #tpu.memory_space<vmem>>, vector<16xf32>,
          tpu.vector_store %arg9[%swap3A_304, %swap3A_305], %mul3A_303 {strides = array<i32>} : memref<256x80xf32, #tpu.memory_space<vmem>>, vector<16xf32>,
          %add3A_307 = arith.constant 2 : i32
          %add3A_308 = arith.addi %mul3A_294, %add3A_307 : i32
          %add3A_309 = vector.broadcast %add3A_308 : i32 to vector<16xi32>
          %add3A_310 = arith.addi %add3A_309, %convert_element_type3A_292 : vector<16xi32>
          %gather3A_311 = tpu.vector_load_idx %arg13[%add3A_310] : memref<2048xf32, #tpu.memory_space<vmem>>[vector<16xi32>], vector<16xf32>,
          %get3A_312 = arith.index_cast %scan3A_284 : i32 to index
          %get3A_313 = arith.constant 16 : index
          %get3A_314 = tpu.vector_load %arg9[%get3A_312, %get3A_313] {strides = array<i32>} : memref<256x80xf32, #tpu.memory_space<vmem>>, vector<16xf32>,
          %mul3A_315 = arith.mulf %get3A_314, %gather3A_311 : vector<16xf32>
          %swap3A_316 = arith.index_cast %scan3A_284 : i32 to index
          %swap3A_317 = arith.constant 16 : index
          %swap3A_318 = tpu.vector_load %arg9[%swap3A_316, %swap3A_317] {strides = array<i32>} : memref<256x80xf32, #tpu.memory_space<vmem>>, vector<16xf32>,
          tpu.vector_store %arg9[%swap3A_316, %swap3A_317], %mul3A_315 {strides = array<i32>} : memref<256x80xf32, #tpu.memory_space<vmem>>, vector<16xf32>,
          %add3A_319 = arith.constant 4 : i32
          %add3A_320 = arith.addi %mul3A_294, %add3A_319 : i32
          %add3A_321 = vector.broadcast %add3A_320 : i32 to vector<16xi32>
          %add3A_322 = arith.addi %add3A_321, %convert_element_type3A_292 : vector<16xi32>
          %gather3A_323 = tpu.vector_load_idx %arg13[%add3A_322] : memref<2048xf32, #tpu.memory_space<vmem>>[vector<16xi32>], vector<16xf32>,
          %get3A_324 = arith.index_cast %scan3A_284 : i32 to index
          %get3A_325 = arith.constant 32 : index
          %get3A_326 = tpu.vector_load %arg9[%get3A_324, %get3A_325] {strides = array<i32>} : memref<256x80xf32, #tpu.memory_space<vmem>>, vector<16xf32>,
          %mul3A_327 = arith.mulf %get3A_326, %gather3A_323 : vector<16xf32>
          %swap3A_328 = arith.index_cast %scan3A_284 : i32 to index
          %swap3A_329 = arith.constant 32 : index
          %swap3A_330 = tpu.vector_load %arg9[%swap3A_328, %swap3A_329] {strides = array<i32>} : memref<256x80xf32, #tpu.memory_space<vmem>>, vector<16xf32>,
          tpu.vector_store %arg9[%swap3A_328, %swap3A_329], %mul3A_327 {strides = array<i32>} : memref<256x80xf32, #tpu.memory_space<vmem>>, vector<16xf32>,
          %add3A_331 = arith.constant 6 : i32
          %add3A_332 = arith.addi %mul3A_294, %add3A_331 : i32
          %add3A_333 = vector.broadcast %add3A_332 : i32 to vector<16xi32>
          %add3A_334 = arith.addi %add3A_333, %convert_element_type3A_292 : vector<16xi32>
          %gather3A_335 = tpu.vector_load_idx %arg13[%add3A_334] : memref<2048xf32, #tpu.memory_space<vmem>>[vector<16xi32>], vector<16xf32>,
          %get3A_336 = arith.index_cast %scan3A_284 : i32 to index
          %get3A_337 = arith.constant 48 : index
          %get3A_338 = tpu.vector_load %arg9[%get3A_336, %get3A_337] {strides = array<i32>} : memref<256x80xf32, #tpu.memory_space<vmem>>, vector<16xf32>,
          %mul3A_339 = arith.mulf %get3A_338, %gather3A_335 : vector<16xf32>
          %swap3A_340 = arith.index_cast %scan3A_284 : i32 to index
          %swap3A_341 = arith.constant 48 : index
          %swap3A_342 = tpu.vector_load %arg9[%swap3A_340, %swap3A_341] {strides = array<i32>} : memref<256x80xf32, #tpu.memory_space<vmem>>, vector<16xf32>,
          tpu.vector_store %arg9[%swap3A_340, %swap3A_341], %mul3A_339 {strides = array<i32>} : memref<256x80xf32, #tpu.memory_space<vmem>>, vector<16xf32>,
          %add3A_343 = vector.broadcast %mul3A_294 : i32 to vector<16xi32>
          %add3A_344 = arith.addi %add3A_343, %and3A_288 : vector<16xi32>
          %gather3A_345 = tpu.vector_load_idx %arg13[%add3A_344] : memref<2048xf32, #tpu.memory_space<vmem>>[vector<16xi32>], vector<16xf32>,
          %swap3A_346 = arith.index_cast %scan3A_284 : i32 to index
          %swap3A_347 = arith.constant 64 : index
          %swap3A_348 = tpu.vector_load %arg9[%swap3A_346, %swap3A_347] {strides = array<i32>} : memref<256x80xf32, #tpu.memory_space<vmem>>, vector<16xf32>,
          tpu.vector_store %arg9[%swap3A_346, %swap3A_347], %gather3A_345 {strides = array<i32>} : memref<256x80xf32, #tpu.memory_space<vmem>>, vector<16xf32>,
          %scan3A_349 = arith.constant 3 : i32
          %scan3A_350 = arith.addi %scan3A_158, %scan3A_349 : i32
          %iota3A_351 = tpu.iota {dimensions = array<i32: 0>} : vector<16xi32>
          %and3A_352 = arith.constant 7 : i32
          %and3A_353 = vector.broadcast %and3A_352 : i32 to vector<16xi32>
          %and3A_354 = arith.andi %iota3A_351, %and3A_353 : vector<16xi32>
          %ge3A_355 = arith.constant 8 : i32
          %ge3A_356 = vector.broadcast %ge3A_355 : i32 to vector<16xi32>
          %ge3A_357 = arith.cmpi sge, %iota3A_351, %ge3A_356 : vector<16xi32>
          %convert_element_type3A_358 = arith.extui %ge3A_357 : vector<16xi1> to vector<16xi32>
          %mul3A_359 = arith.constant 8 : i32
          %mul3A_360 = arith.muli %mul3A_359, %scan3A_350 : i32
          %add3A_361 = arith.constant 0 : i32
          %add3A_362 = arith.addi %mul3A_360, %add3A_361 : i32
          %add3A_363 = vector.broadcast %add3A_362 : i32 to vector<16xi32>
          %add3A_364 = arith.addi %add3A_363, %convert_element_type3A_358 : vector<16xi32>
          %gather3A_365 = tpu.vector_load_idx %arg13[%add3A_364] : memref<2048xf32, #tpu.memory_space<vmem>>[vector<16xi32>], vector<16xf32>,
          %get3A_366 = arith.index_cast %scan3A_350 : i32 to index
          %get3A_367 = arith.constant 0 : index
          %get3A_368 = tpu.vector_load %arg9[%get3A_366, %get3A_367] {strides = array<i32>} : memref<256x80xf32, #tpu.memory_space<vmem>>, vector<16xf32>,
          %mul3A_369 = arith.mulf %get3A_368, %gather3A_365 : vector<16xf32>
          %swap3A_370 = arith.index_cast %scan3A_350 : i32 to index
          %swap3A_371 = arith.constant 0 : index
          %swap3A_372 = tpu.vector_load %arg9[%swap3A_370, %swap3A_371] {strides = array<i32>} : memref<256x80xf32, #tpu.memory_space<vmem>>, vector<16xf32>,
          tpu.vector_store %arg9[%swap3A_370, %swap3A_371], %mul3A_369 {strides = array<i32>} : memref<256x80xf32, #tpu.memory_space<vmem>>, vector<16xf32>,
          %add3A_373 = arith.constant 2 : i32
          %add3A_374 = arith.addi %mul3A_360, %add3A_373 : i32
          %add3A_375 = vector.broadcast %add3A_374 : i32 to vector<16xi32>
          %add3A_376 = arith.addi %add3A_375, %convert_element_type3A_358 : vector<16xi32>
          %gather3A_377 = tpu.vector_load_idx %arg13[%add3A_376] : memref<2048xf32, #tpu.memory_space<vmem>>[vector<16xi32>], vector<16xf32>,
          %get3A_378 = arith.index_cast %scan3A_350 : i32 to index
          %get3A_379 = arith.constant 16 : index
          %get3A_380 = tpu.vector_load %arg9[%get3A_378, %get3A_379] {strides = array<i32>} : memref<256x80xf32, #tpu.memory_space<vmem>>, vector<16xf32>,
          %mul3A_381 = arith.mulf %get3A_380, %gather3A_377 : vector<16xf32>
          %swap3A_382 = arith.index_cast %scan3A_350 : i32 to index
          %swap3A_383 = arith.constant 16 : index
          %swap3A_384 = tpu.vector_load %arg9[%swap3A_382, %swap3A_383] {strides = array<i32>} : memref<256x80xf32, #tpu.memory_space<vmem>>, vector<16xf32>,
          tpu.vector_store %arg9[%swap3A_382, %swap3A_383], %mul3A_381 {strides = array<i32>} : memref<256x80xf32, #tpu.memory_space<vmem>>, vector<16xf32>,
          %add3A_385 = arith.constant 4 : i32
          %add3A_386 = arith.addi %mul3A_360, %add3A_385 : i32
          %add3A_387 = vector.broadcast %add3A_386 : i32 to vector<16xi32>
          %add3A_388 = arith.addi %add3A_387, %convert_element_type3A_358 : vector<16xi32>
          %gather3A_389 = tpu.vector_load_idx %arg13[%add3A_388] : memref<2048xf32, #tpu.memory_space<vmem>>[vector<16xi32>], vector<16xf32>,
          %get3A_390 = arith.index_cast %scan3A_350 : i32 to index
          %get3A_391 = arith.constant 32 : index
          %get3A_392 = tpu.vector_load %arg9[%get3A_390, %get3A_391] {strides = array<i32>} : memref<256x80xf32, #tpu.memory_space<vmem>>, vector<16xf32>,
          %mul3A_393 = arith.mulf %get3A_392, %gather3A_389 : vector<16xf32>
          %swap3A_394 = arith.index_cast %scan3A_350 : i32 to index
          %swap3A_395 = arith.constant 32 : index
          %swap3A_396 = tpu.vector_load %arg9[%swap3A_394, %swap3A_395] {strides = array<i32>} : memref<256x80xf32, #tpu.memory_space<vmem>>, vector<16xf32>,
          tpu.vector_store %arg9[%swap3A_394, %swap3A_395], %mul3A_393 {strides = array<i32>} : memref<256x80xf32, #tpu.memory_space<vmem>>, vector<16xf32>,
          %add3A_397 = arith.constant 6 : i32
          %add3A_398 = arith.addi %mul3A_360, %add3A_397 : i32
          %add3A_399 = vector.broadcast %add3A_398 : i32 to vector<16xi32>
          %add3A_400 = arith.addi %add3A_399, %convert_element_type3A_358 : vector<16xi32>
          %gather3A_401 = tpu.vector_load_idx %arg13[%add3A_400] : memref<2048xf32, #tpu.memory_space<vmem>>[vector<16xi32>], vector<16xf32>,
          %get3A_402 = arith.index_cast %scan3A_350 : i32 to index
          %get3A_403 = arith.constant 48 : index
          %get3A_404 = tpu.vector_load %arg9[%get3A_402, %get3A_403] {strides = array<i32>} : memref<256x80xf32, #tpu.memory_space<vmem>>, vector<16xf32>,
          %mul3A_405 = arith.mulf %get3A_404, %gather3A_401 : vector<16xf32>
          %swap3A_406 = arith.index_cast %scan3A_350 : i32 to index
          %swap3A_407 = arith.constant 48 : index
          %swap3A_408 = tpu.vector_load %arg9[%swap3A_406, %swap3A_407] {strides = array<i32>} : memref<256x80xf32, #tpu.memory_space<vmem>>, vector<16xf32>,
          tpu.vector_store %arg9[%swap3A_406, %swap3A_407], %mul3A_405 {strides = array<i32>} : memref<256x80xf32, #tpu.memory_space<vmem>>, vector<16xf32>,
          %add3A_409 = vector.broadcast %mul3A_360 : i32 to vector<16xi32>
          %add3A_410 = arith.addi %add3A_409, %and3A_354 : vector<16xi32>
          %gather3A_411 = tpu.vector_load_idx %arg13[%add3A_410] : memref<2048xf32, #tpu.memory_space<vmem>>[vector<16xi32>], vector<16xf32>,
          %swap3A_412 = arith.index_cast %scan3A_350 : i32 to index
          %swap3A_413 = arith.constant 64 : index
          %swap3A_414 = tpu.vector_load %arg9[%swap3A_412, %swap3A_413] {strides = array<i32>} : memref<256x80xf32, #tpu.memory_space<vmem>>, vector<16xf32>,
          tpu.vector_store %arg9[%swap3A_412, %swap3A_413], %gather3A_411 {strides = array<i32>} : memref<256x80xf32, #tpu.memory_space<vmem>>, vector<16xf32>,
        }
        %scan3A_137 = arith.constant 256 : i32
        %dma_start3A_138 = arith.constant 0 : i32
        %dma_start3A_139 = arith.constant 0 : i32
        %dma_start3A_140 = arith.constant 0 : i32
        %dma_start3A_141 = tpu.memref_slice %arg9[%dma_start3A_139, %dma_start3A_140] : memref<256x80xf32, #tpu.memory_space<vmem>> -> memref<128x80xf32, #tpu.memory_space<vmem>>
        %dma_start3A_142 = arith.constant 0 : i32
        %dma_start3A_143 = tpu.memref_slice %arg17[%dma_start3A_138, %dma_start3A_142] : memref<2x128xi32, #tpu.memory_space<vmem>> -> memref<1x128xi32, #tpu.memory_space<vmem>>
        %dma_start3A_144 = tpu.memref_squeeze %dma_start3A_143 : memref<1x128xi32, #tpu.memory_space<vmem>> -> memref<128xi32, #tpu.memory_space<vmem>>
        %dma_start3A_145 = arith.constant 0 : i32
        %dma_start3A_146 = arith.constant 0 : i32
        %dma_start3A_147 = tpu.memref_slice %arg19[%dma_start3A_145, %dma_start3A_146] : memref<10000x80xf32, #tpu.memory_space<vmem_shared>> -> memref<10000x80xf32, #tpu.memory_space<vmem_shared>>
        tpu.enqueue_indirect_dma source(%dma_start3A_141 : memref<128x80xf32, #tpu.memory_space<vmem>>) target(%dma_start3A_147 : memref<10000x80xf32, #tpu.memory_space<vmem_shared>>) offsets(%dma_start3A_144 : memref<128xi32, #tpu.memory_space<vmem>>) semaphore(%arg24 : memref<!tpu.dma_semaphore, #tpu.memory_space<semaphore_mem>>) {add = true}
        %dma_start3A_148 = arith.constant 1 : i32
        %dma_start3A_149 = arith.constant 128 : i32
        %dma_start3A_150 = arith.constant 0 : i32
        %dma_start3A_151 = tpu.memref_slice %arg9[%dma_start3A_149, %dma_start3A_150] : memref<256x80xf32, #tpu.memory_space<vmem>> -> memref<128x80xf32, #tpu.memory_space<vmem>>
        %dma_start3A_152 = arith.constant 0 : i32
        %dma_start3A_153 = tpu.memref_slice %arg17[%dma_start3A_148, %dma_start3A_152] : memref<2x128xi32, #tpu.memory_space<vmem>> -> memref<1x128xi32, #tpu.memory_space<vmem>>
        %dma_start3A_154 = tpu.memref_squeeze %dma_start3A_153 : memref<1x128xi32, #tpu.memory_space<vmem>> -> memref<128xi32, #tpu.memory_space<vmem>>
        %dma_start3A_155 = arith.constant 0 : i32
        %dma_start3A_156 = arith.constant 0 : i32
        %dma_start3A_157 = tpu.memref_slice %arg19[%dma_start3A_155, %dma_start3A_156] : memref<10000x80xf32, #tpu.memory_space<vmem_shared>> -> memref<10000x80xf32, #tpu.memory_space<vmem_shared>>
        tpu.enqueue_indirect_dma source(%dma_start3A_151 : memref<128x80xf32, #tpu.memory_space<vmem>>) target(%dma_start3A_157 : memref<10000x80xf32, #tpu.memory_space<vmem_shared>>) offsets(%dma_start3A_154 : memref<128xi32, #tpu.memory_space<vmem>>) semaphore(%arg24 : memref<!tpu.dma_semaphore, #tpu.memory_space<semaphore_mem>>) {add = true}
      } else {
      }
      %mul3A_92 = arith.constant 2 : i32
      %mul3A_93 = arith.muli %mul3A_92, %scan3A_70 : i32
      %add3A_94 = arith.constant 1 : i32
      %add3A_95 = arith.addi %mul3A_93, %add3A_94 : i32
      %add3A_96 = arith.constant 1 : i32
      %add3A_97 = arith.addi %add3A_95, %add3A_96 : i32
      %mul3A_98 = arith.constant 32 : i32
      %mul3A_99 = arith.muli %mul3A_98, %add3A_97 : i32
      %add3A_100 = arith.addi %add3A, %mul3A_99 : i32
      %mul3A_101 = arith.constant 32 : i32
      %mul3A_102 = arith.muli %mul3A_101, %add3A_95 : i32
      %add3A_103 = arith.addi %add3A, %mul3A_102 : i32
      %lt3A_104 = arith.constant 1250 : i32
      %lt3A_105 = arith.cmpi slt, %add3A_100, %lt3A_104 : i32
      %convert_element_type3A_106 = arith.extui %lt3A_105 : i1 to i32
      %cond3A_107 = arith.constant 0 : i32
      %cond3A_108 = arith.cmpi ne, %convert_element_type3A_106, %cond3A_107 : i32
      scf.if %cond3A_108 {
        %dma_wait3A_114 = arith.constant 0 : i32
        %dma_wait3A_115 = arith.constant 0 : i32
        %dma_wait3A_116 = tpu.memref_slice %arg2[%dma_wait3A_114, %dma_wait3A_115] : memref<10000x80xf32, #tpu.memory_space<hbm>> -> memref<256x80xf32, #tpu.memory_space<hbm>>
        %dma_wait3A_117 = arith.constant 0 : i32
        %dma_wait3A_118 = arith.constant 0 : i32
        %dma_wait3A_119 = tpu.memref_slice %arg2[%dma_wait3A_117, %dma_wait3A_118] : memref<10000x80xf32, #tpu.memory_space<hbm>> -> memref<256x80xf32, #tpu.memory_space<hbm>>
        tpu.wait_dma2 semaphore(%arg24 : memref<!tpu.dma_semaphore, #tpu.memory_space<semaphore_mem>>) src(%dma_wait3A_119 : memref<256x80xf32, #tpu.memory_space<hbm>>) dst(%arg9 : memref<256x80xf32, #tpu.memory_space<vmem>>)
        %mul3A_120 = arith.constant 2 : i32
        %mul3A_121 = arith.muli %add3A_100, %mul3A_120 : i32
        "tpu.region"() ({
          %run_scoped3A = tpu.sem_alloc : memref<!tpu.dma_semaphore, #tpu.memory_space<semaphore_mem>>
          %dma_start3A_164 = arith.constant 0 : i32
          %dma_start3A_165 = tpu.memref_slice %arg5[%mul3A_121, %dma_start3A_164] : memref<2500x128xi32, #tpu.memory_space<hbm>> -> memref<2x128xi32, #tpu.memory_space<hbm>>
          %dma_start3A_166 = arith.constant 0 : i32
          %dma_start3A_167 = tpu.memref_slice %arg5[%mul3A_121, %dma_start3A_166] : memref<2500x128xi32, #tpu.memory_space<hbm>> -> memref<2x128xi32, #tpu.memory_space<hbm>>
          tpu.enqueue_dma source(%dma_start3A_167 : memref<2x128xi32, #tpu.memory_space<hbm>>) target(%arg15 : memref<2x128xi32, #tpu.memory_space<vmem>>) target_semaphore(%run_scoped3A : memref<!tpu.dma_semaphore, #tpu.memory_space<semaphore_mem>>)
          %dma_wait3A_168 = arith.constant 0 : i32
          %dma_wait3A_169 = tpu.memref_slice %arg5[%mul3A_121, %dma_wait3A_168] : memref<2500x128xi32, #tpu.memory_space<hbm>> -> memref<2x128xi32, #tpu.memory_space<hbm>>
          %dma_wait3A_170 = arith.constant 0 : i32
          %dma_wait3A_171 = tpu.memref_slice %arg5[%mul3A_121, %dma_wait3A_170] : memref<2500x128xi32, #tpu.memory_space<hbm>> -> memref<2x128xi32, #tpu.memory_space<hbm>>
          tpu.wait_dma2 semaphore(%run_scoped3A : memref<!tpu.dma_semaphore, #tpu.memory_space<semaphore_mem>>) src(%dma_wait3A_171 : memref<2x128xi32, #tpu.memory_space<hbm>>) dst(%arg15 : memref<2x128xi32, #tpu.memory_space<vmem>>)
          tpu.yield
        }) : () -> ()
        %mul3A_122 = arith.constant 2 : i32
        %mul3A_123 = arith.muli %add3A_100, %mul3A_122 : i32
        "tpu.region"() ({
          %run_scoped3A = tpu.sem_alloc : memref<!tpu.dma_semaphore, #tpu.memory_space<semaphore_mem>>
          %dma_start3A_164 = arith.constant 0 : i32
          %dma_start3A_165 = tpu.memref_slice %arg6[%mul3A_123, %dma_start3A_164] : memref<2500x128xi32, #tpu.memory_space<hbm>> -> memref<2x128xi32, #tpu.memory_space<hbm>>
          %dma_start3A_166 = arith.constant 0 : i32
          %dma_start3A_167 = tpu.memref_slice %arg6[%mul3A_123, %dma_start3A_166] : memref<2500x128xi32, #tpu.memory_space<hbm>> -> memref<2x128xi32, #tpu.memory_space<hbm>>
          tpu.enqueue_dma source(%dma_start3A_167 : memref<2x128xi32, #tpu.memory_space<hbm>>) target(%arg17 : memref<2x128xi32, #tpu.memory_space<vmem>>) target_semaphore(%run_scoped3A : memref<!tpu.dma_semaphore, #tpu.memory_space<semaphore_mem>>)
          %dma_wait3A_168 = arith.constant 0 : i32
          %dma_wait3A_169 = tpu.memref_slice %arg6[%mul3A_123, %dma_wait3A_168] : memref<2500x128xi32, #tpu.memory_space<hbm>> -> memref<2x128xi32, #tpu.memory_space<hbm>>
          %dma_wait3A_170 = arith.constant 0 : i32
          %dma_wait3A_171 = tpu.memref_slice %arg6[%mul3A_123, %dma_wait3A_170] : memref<2500x128xi32, #tpu.memory_space<hbm>> -> memref<2x128xi32, #tpu.memory_space<hbm>>
          tpu.wait_dma2 semaphore(%run_scoped3A : memref<!tpu.dma_semaphore, #tpu.memory_space<semaphore_mem>>) src(%dma_wait3A_171 : memref<2x128xi32, #tpu.memory_space<hbm>>) dst(%arg17 : memref<2x128xi32, #tpu.memory_space<vmem>>)
          tpu.yield
        }) : () -> ()
        %dma_start3A_124 = arith.constant 0 : i32
        %dma_start3A_125 = arith.constant 0 : i32
        %dma_start3A_126 = arith.constant 0 : i32
        %dma_start3A_127 = tpu.memref_slice %arg9[%dma_start3A_125, %dma_start3A_126] : memref<256x80xf32, #tpu.memory_space<vmem>> -> memref<128x80xf32, #tpu.memory_space<vmem>>
        %dma_start3A_128 = arith.constant 0 : i32
        %dma_start3A_129 = tpu.memref_slice %arg15[%dma_start3A_124, %dma_start3A_128] : memref<2x128xi32, #tpu.memory_space<vmem>> -> memref<1x128xi32, #tpu.memory_space<vmem>>
        %dma_start3A_130 = tpu.memref_squeeze %dma_start3A_129 : memref<1x128xi32, #tpu.memory_space<vmem>> -> memref<128xi32, #tpu.memory_space<vmem>>
        %dma_start3A_131 = arith.constant 0 : i32
        %dma_start3A_132 = arith.constant 0 : i32
        %dma_start3A_133 = tpu.memref_slice %arg2[%dma_start3A_131, %dma_start3A_132] : memref<10000x80xf32, #tpu.memory_space<hbm>> -> memref<10000x80xf32, #tpu.memory_space<hbm>>
        tpu.enqueue_indirect_dma source(%dma_start3A_133 : memref<10000x80xf32, #tpu.memory_space<hbm>>) target(%dma_start3A_127 : memref<128x80xf32, #tpu.memory_space<vmem>>) offsets(%dma_start3A_130 : memref<128xi32, #tpu.memory_space<vmem>>) semaphore(%arg20 : memref<!tpu.dma_semaphore, #tpu.memory_space<semaphore_mem>>)
        %dma_start3A_134 = arith.constant 0 : i32
        %dma_start3A_135 = arith.constant 0 : i32
        %dma_start3A_136 = arith.constant 0 : i32
        %dma_start3A_137 = tpu.memref_slice %arg11[%dma_start3A_135, %dma_start3A_136] : memref<256x8xf32, #tpu.memory_space<vmem>> -> memref<128x8xf32, #tpu.memory_space<vmem>>
        %dma_start3A_138 = arith.constant 0 : i32
        %dma_start3A_139 = tpu.memref_slice %arg17[%dma_start3A_134, %dma_start3A_138] : memref<2x128xi32, #tpu.memory_space<vmem>> -> memref<1x128xi32, #tpu.memory_space<vmem>>
        %dma_start3A_140 = tpu.memref_squeeze %dma_start3A_139 : memref<1x128xi32, #tpu.memory_space<vmem>> -> memref<128xi32, #tpu.memory_space<vmem>>
        %dma_start3A_141 = arith.constant 0 : i32
        %dma_start3A_142 = arith.constant 0 : i32
        %dma_start3A_143 = tpu.memref_slice %arg3[%dma_start3A_141, %dma_start3A_142] : memref<10000x8xf32, #tpu.memory_space<hbm>> -> memref<10000x8xf32, #tpu.memory_space<hbm>>
        tpu.enqueue_indirect_dma source(%dma_start3A_143 : memref<10000x8xf32, #tpu.memory_space<hbm>>) target(%dma_start3A_137 : memref<128x8xf32, #tpu.memory_space<vmem>>) offsets(%dma_start3A_140 : memref<128xi32, #tpu.memory_space<vmem>>) semaphore(%arg22 : memref<!tpu.dma_semaphore, #tpu.memory_space<semaphore_mem>>)
        %dma_start3A_144 = arith.constant 1 : i32
        %dma_start3A_145 = arith.constant 128 : i32
        %dma_start3A_146 = arith.constant 0 : i32
        %dma_start3A_147 = tpu.memref_slice %arg9[%dma_start3A_145, %dma_start3A_146] : memref<256x80xf32, #tpu.memory_space<vmem>> -> memref<128x80xf32, #tpu.memory_space<vmem>>
        %dma_start3A_148 = arith.constant 0 : i32
        %dma_start3A_149 = tpu.memref_slice %arg15[%dma_start3A_144, %dma_start3A_148] : memref<2x128xi32, #tpu.memory_space<vmem>> -> memref<1x128xi32, #tpu.memory_space<vmem>>
        %dma_start3A_150 = tpu.memref_squeeze %dma_start3A_149 : memref<1x128xi32, #tpu.memory_space<vmem>> -> memref<128xi32, #tpu.memory_space<vmem>>
        %dma_start3A_151 = arith.constant 0 : i32
        %dma_start3A_152 = arith.constant 0 : i32
        %dma_start3A_153 = tpu.memref_slice %arg2[%dma_start3A_151, %dma_start3A_152] : memref<10000x80xf32, #tpu.memory_space<hbm>> -> memref<10000x80xf32, #tpu.memory_space<hbm>>
        tpu.enqueue_indirect_dma source(%dma_start3A_153 : memref<10000x80xf32, #tpu.memory_space<hbm>>) target(%dma_start3A_147 : memref<128x80xf32, #tpu.memory_space<vmem>>) offsets(%dma_start3A_150 : memref<128xi32, #tpu.memory_space<vmem>>) semaphore(%arg20 : memref<!tpu.dma_semaphore, #tpu.memory_space<semaphore_mem>>)
        %dma_start3A_154 = arith.constant 1 : i32
        %dma_start3A_155 = arith.constant 128 : i32
        %dma_start3A_156 = arith.constant 0 : i32
        %dma_start3A_157 = tpu.memref_slice %arg11[%dma_start3A_155, %dma_start3A_156] : memref<256x8xf32, #tpu.memory_space<vmem>> -> memref<128x8xf32, #tpu.memory_space<vmem>>
        %dma_start3A_158 = arith.constant 0 : i32
        %dma_start3A_159 = tpu.memref_slice %arg17[%dma_start3A_154, %dma_start3A_158] : memref<2x128xi32, #tpu.memory_space<vmem>> -> memref<1x128xi32, #tpu.memory_space<vmem>>
        %dma_start3A_160 = tpu.memref_squeeze %dma_start3A_159 : memref<1x128xi32, #tpu.memory_space<vmem>> -> memref<128xi32, #tpu.memory_space<vmem>>
        %dma_start3A_161 = arith.constant 0 : i32
        %dma_start3A_162 = arith.constant 0 : i32
        %dma_start3A_163 = tpu.memref_slice %arg3[%dma_start3A_161, %dma_start3A_162] : memref<10000x8xf32, #tpu.memory_space<hbm>> -> memref<10000x8xf32, #tpu.memory_space<hbm>>
        tpu.enqueue_indirect_dma source(%dma_start3A_163 : memref<10000x8xf32, #tpu.memory_space<hbm>>) target(%dma_start3A_157 : memref<128x8xf32, #tpu.memory_space<vmem>>) offsets(%dma_start3A_160 : memref<128xi32, #tpu.memory_space<vmem>>) semaphore(%arg22 : memref<!tpu.dma_semaphore, #tpu.memory_space<semaphore_mem>>)
      } else {
      }
      %lt3A_109 = arith.constant 1250 : i32
      %lt3A_110 = arith.cmpi slt, %add3A_103, %lt3A_109 : i32
      %convert_element_type3A_111 = arith.extui %lt3A_110 : i1 to i32
      %cond3A_112 = arith.constant 0 : i32
      %cond3A_113 = arith.cmpi ne, %convert_element_type3A_111, %cond3A_112 : i32
      scf.if %cond3A_113 {
        %dma_wait3A_114 = arith.constant 0 : i32
        %dma_wait3A_115 = arith.constant 0 : i32
        %dma_wait3A_116 = tpu.memref_slice %arg2[%dma_wait3A_114, %dma_wait3A_115] : memref<10000x80xf32, #tpu.memory_space<hbm>> -> memref<256x80xf32, #tpu.memory_space<hbm>>
        %dma_wait3A_117 = arith.constant 0 : i32
        %dma_wait3A_118 = arith.constant 0 : i32
        %dma_wait3A_119 = tpu.memref_slice %arg2[%dma_wait3A_117, %dma_wait3A_118] : memref<10000x80xf32, #tpu.memory_space<hbm>> -> memref<256x80xf32, #tpu.memory_space<hbm>>
        tpu.wait_dma2 semaphore(%arg21 : memref<!tpu.dma_semaphore, #tpu.memory_space<semaphore_mem>>) src(%dma_wait3A_119 : memref<256x80xf32, #tpu.memory_space<hbm>>) dst(%arg10 : memref<256x80xf32, #tpu.memory_space<vmem>>)
        %dma_wait3A_120 = arith.constant 0 : i32
        %dma_wait3A_121 = arith.constant 0 : i32
        %dma_wait3A_122 = tpu.memref_slice %arg3[%dma_wait3A_120, %dma_wait3A_121] : memref<10000x8xf32, #tpu.memory_space<hbm>> -> memref<256x8xf32, #tpu.memory_space<hbm>>
        %dma_wait3A_123 = arith.constant 0 : i32
        %dma_wait3A_124 = arith.constant 0 : i32
        %dma_wait3A_125 = tpu.memref_slice %arg3[%dma_wait3A_123, %dma_wait3A_124] : memref<10000x8xf32, #tpu.memory_space<hbm>> -> memref<256x8xf32, #tpu.memory_space<hbm>>
        tpu.wait_dma2 semaphore(%arg23 : memref<!tpu.dma_semaphore, #tpu.memory_space<semaphore_mem>>) src(%dma_wait3A_125 : memref<256x8xf32, #tpu.memory_space<hbm>>) dst(%arg12 : memref<256x8xf32, #tpu.memory_space<vmem>>)
        %scan3A_126 = arith.constant 0 : i32
        %scan3A_127 = arith.constant 0 : i32
        %scan3A_128 = arith.constant 128 : i32
        %scan3A_129 = arith.addi %scan3A_127, %scan3A_128 : i32
        %scan3A_130 = arith.constant 4 : i32
        scf.for %scan3A_158 = %scan3A_127 to %scan3A_129 step %scan3A_130  : i32 {
          %iota3A = tpu.iota {dimensions = array<i32: 0>} : vector<16xi32>
          %and3A = arith.constant 7 : i32
          %and3A_159 = vector.broadcast %and3A : i32 to vector<16xi32>
          %and3A_160 = arith.andi %iota3A, %and3A_159 : vector<16xi32>
          %ge3A = arith.constant 8 : i32
          %ge3A_161 = vector.broadcast %ge3A : i32 to vector<16xi32>
          %ge3A_162 = arith.cmpi sge, %iota3A, %ge3A_161 : vector<16xi32>
          %convert_element_type3A_163 = arith.extui %ge3A_162 : vector<16xi1> to vector<16xi32>
          %get3A = arith.constant 0 : index
          %get3A_164 = tpu.vector_load %arg14[%get3A] {strides = array<i32>} : memref<16xf32, #tpu.memory_space<vmem>>, vector<16xf32>,
          %mul3A_165 = arith.constant 2 : i32
          %mul3A_166 = arith.muli %mul3A_165, %scan3A_158 : i32
          %add3A_167 = vector.broadcast %mul3A_166 : i32 to vector<16xi32>
          %add3A_168 = arith.addi %add3A_167, %convert_element_type3A_163 : vector<16xi32>
          %add3A_169 = arith.constant 64 : i32
          %add3A_170 = vector.broadcast %add3A_169 : i32 to vector<16xi32>
          %add3A_171 = arith.addi %add3A_170, %and3A_160 : vector<16xi32>
          %gather3A = tpu.vector_load_idx %arg10[%add3A_168, %add3A_171] : memref<256x80xf32, #tpu.memory_space<vmem>>[vector<16xi32>, vector<16xi32>], vector<16xf32>,
          %gather3A_172 = tpu.vector_load_idx %arg12[%add3A_168, %and3A_160] : memref<256x8xf32, #tpu.memory_space<vmem>>[vector<16xi32>, vector<16xi32>], vector<16xf32>,
          %add3A_173 = arith.addf %gather3A, %gather3A_172 : vector<16xf32>
          %mul3A_174 = arith.constant 2.000000e-01 : f32
          %mul3A_175 = vector.broadcast %mul3A_174 : f32 to vector<16xf32>
          %mul3A_176 = arith.mulf %mul3A_175, %add3A_173 : vector<16xf32>
          %max3A = arith.maximumf %add3A_173, %mul3A_176 : vector<16xf32>
          %sub3A = arith.subf %max3A, %get3A_164 : vector<16xf32>
          %exp3A = math.exp %sub3A : vector<16xf32>
          %mul3A_177 = arith.constant 16 : i32
          %mul3A_178 = arith.muli %mul3A_177, %scan3A_158 : i32
          %swap3A = arith.index_cast %mul3A_178 : i32 to index
          %swap3A_179 = tpu.vector_load %arg13[%swap3A] {strides = array<i32>} : memref<2048xf32, #tpu.memory_space<vmem>>, vector<16xf32>,
          tpu.vector_store %arg13[%swap3A], %exp3A {strides = array<i32>} : memref<2048xf32, #tpu.memory_space<vmem>>, vector<16xf32>,
          %scan3A_180 = arith.constant 1 : i32
          %scan3A_181 = arith.addi %scan3A_158, %scan3A_180 : i32
          %iota3A_182 = tpu.iota {dimensions = array<i32: 0>} : vector<16xi32>
          %and3A_183 = arith.constant 7 : i32
          %and3A_184 = vector.broadcast %and3A_183 : i32 to vector<16xi32>
          %and3A_185 = arith.andi %iota3A_182, %and3A_184 : vector<16xi32>
          %ge3A_186 = arith.constant 8 : i32
          %ge3A_187 = vector.broadcast %ge3A_186 : i32 to vector<16xi32>
          %ge3A_188 = arith.cmpi sge, %iota3A_182, %ge3A_187 : vector<16xi32>
          %convert_element_type3A_189 = arith.extui %ge3A_188 : vector<16xi1> to vector<16xi32>
          %get3A_190 = arith.constant 0 : index
          %get3A_191 = tpu.vector_load %arg14[%get3A_190] {strides = array<i32>} : memref<16xf32, #tpu.memory_space<vmem>>, vector<16xf32>,
          %mul3A_192 = arith.constant 2 : i32
          %mul3A_193 = arith.muli %mul3A_192, %scan3A_181 : i32
          %add3A_194 = vector.broadcast %mul3A_193 : i32 to vector<16xi32>
          %add3A_195 = arith.addi %add3A_194, %convert_element_type3A_189 : vector<16xi32>
          %add3A_196 = arith.constant 64 : i32
          %add3A_197 = vector.broadcast %add3A_196 : i32 to vector<16xi32>
          %add3A_198 = arith.addi %add3A_197, %and3A_185 : vector<16xi32>
          %gather3A_199 = tpu.vector_load_idx %arg10[%add3A_195, %add3A_198] : memref<256x80xf32, #tpu.memory_space<vmem>>[vector<16xi32>, vector<16xi32>], vector<16xf32>,
          %gather3A_200 = tpu.vector_load_idx %arg12[%add3A_195, %and3A_185] : memref<256x8xf32, #tpu.memory_space<vmem>>[vector<16xi32>, vector<16xi32>], vector<16xf32>,
          %add3A_201 = arith.addf %gather3A_199, %gather3A_200 : vector<16xf32>
          %mul3A_202 = arith.constant 2.000000e-01 : f32
          %mul3A_203 = vector.broadcast %mul3A_202 : f32 to vector<16xf32>
          %mul3A_204 = arith.mulf %mul3A_203, %add3A_201 : vector<16xf32>
          %max3A_205 = arith.maximumf %add3A_201, %mul3A_204 : vector<16xf32>
          %sub3A_206 = arith.subf %max3A_205, %get3A_191 : vector<16xf32>
          %exp3A_207 = math.exp %sub3A_206 : vector<16xf32>
          %mul3A_208 = arith.constant 16 : i32
          %mul3A_209 = arith.muli %mul3A_208, %scan3A_181 : i32
          %swap3A_210 = arith.index_cast %mul3A_209 : i32 to index
          %swap3A_211 = tpu.vector_load %arg13[%swap3A_210] {strides = array<i32>} : memref<2048xf32, #tpu.memory_space<vmem>>, vector<16xf32>,
          tpu.vector_store %arg13[%swap3A_210], %exp3A_207 {strides = array<i32>} : memref<2048xf32, #tpu.memory_space<vmem>>, vector<16xf32>,
          %scan3A_212 = arith.constant 2 : i32
          %scan3A_213 = arith.addi %scan3A_158, %scan3A_212 : i32
          %iota3A_214 = tpu.iota {dimensions = array<i32: 0>} : vector<16xi32>
          %and3A_215 = arith.constant 7 : i32
          %and3A_216 = vector.broadcast %and3A_215 : i32 to vector<16xi32>
          %and3A_217 = arith.andi %iota3A_214, %and3A_216 : vector<16xi32>
          %ge3A_218 = arith.constant 8 : i32
          %ge3A_219 = vector.broadcast %ge3A_218 : i32 to vector<16xi32>
          %ge3A_220 = arith.cmpi sge, %iota3A_214, %ge3A_219 : vector<16xi32>
          %convert_element_type3A_221 = arith.extui %ge3A_220 : vector<16xi1> to vector<16xi32>
          %get3A_222 = arith.constant 0 : index
          %get3A_223 = tpu.vector_load %arg14[%get3A_222] {strides = array<i32>} : memref<16xf32, #tpu.memory_space<vmem>>, vector<16xf32>,
          %mul3A_224 = arith.constant 2 : i32
          %mul3A_225 = arith.muli %mul3A_224, %scan3A_213 : i32
          %add3A_226 = vector.broadcast %mul3A_225 : i32 to vector<16xi32>
          %add3A_227 = arith.addi %add3A_226, %convert_element_type3A_221 : vector<16xi32>
          %add3A_228 = arith.constant 64 : i32
          %add3A_229 = vector.broadcast %add3A_228 : i32 to vector<16xi32>
          %add3A_230 = arith.addi %add3A_229, %and3A_217 : vector<16xi32>
          %gather3A_231 = tpu.vector_load_idx %arg10[%add3A_227, %add3A_230] : memref<256x80xf32, #tpu.memory_space<vmem>>[vector<16xi32>, vector<16xi32>], vector<16xf32>,
          %gather3A_232 = tpu.vector_load_idx %arg12[%add3A_227, %and3A_217] : memref<256x8xf32, #tpu.memory_space<vmem>>[vector<16xi32>, vector<16xi32>], vector<16xf32>,
          %add3A_233 = arith.addf %gather3A_231, %gather3A_232 : vector<16xf32>
          %mul3A_234 = arith.constant 2.000000e-01 : f32
          %mul3A_235 = vector.broadcast %mul3A_234 : f32 to vector<16xf32>
          %mul3A_236 = arith.mulf %mul3A_235, %add3A_233 : vector<16xf32>
          %max3A_237 = arith.maximumf %add3A_233, %mul3A_236 : vector<16xf32>
          %sub3A_238 = arith.subf %max3A_237, %get3A_223 : vector<16xf32>
          %exp3A_239 = math.exp %sub3A_238 : vector<16xf32>
          %mul3A_240 = arith.constant 16 : i32
          %mul3A_241 = arith.muli %mul3A_240, %scan3A_213 : i32
          %swap3A_242 = arith.index_cast %mul3A_241 : i32 to index
          %swap3A_243 = tpu.vector_load %arg13[%swap3A_242] {strides = array<i32>} : memref<2048xf32, #tpu.memory_space<vmem>>, vector<16xf32>,
          tpu.vector_store %arg13[%swap3A_242], %exp3A_239 {strides = array<i32>} : memref<2048xf32, #tpu.memory_space<vmem>>, vector<16xf32>,
          %scan3A_244 = arith.constant 3 : i32
          %scan3A_245 = arith.addi %scan3A_158, %scan3A_244 : i32
          %iota3A_246 = tpu.iota {dimensions = array<i32: 0>} : vector<16xi32>
          %and3A_247 = arith.constant 7 : i32
          %and3A_248 = vector.broadcast %and3A_247 : i32 to vector<16xi32>
          %and3A_249 = arith.andi %iota3A_246, %and3A_248 : vector<16xi32>
          %ge3A_250 = arith.constant 8 : i32
          %ge3A_251 = vector.broadcast %ge3A_250 : i32 to vector<16xi32>
          %ge3A_252 = arith.cmpi sge, %iota3A_246, %ge3A_251 : vector<16xi32>
          %convert_element_type3A_253 = arith.extui %ge3A_252 : vector<16xi1> to vector<16xi32>
          %get3A_254 = arith.constant 0 : index
          %get3A_255 = tpu.vector_load %arg14[%get3A_254] {strides = array<i32>} : memref<16xf32, #tpu.memory_space<vmem>>, vector<16xf32>,
          %mul3A_256 = arith.constant 2 : i32
          %mul3A_257 = arith.muli %mul3A_256, %scan3A_245 : i32
          %add3A_258 = vector.broadcast %mul3A_257 : i32 to vector<16xi32>
          %add3A_259 = arith.addi %add3A_258, %convert_element_type3A_253 : vector<16xi32>
          %add3A_260 = arith.constant 64 : i32
          %add3A_261 = vector.broadcast %add3A_260 : i32 to vector<16xi32>
          %add3A_262 = arith.addi %add3A_261, %and3A_249 : vector<16xi32>
          %gather3A_263 = tpu.vector_load_idx %arg10[%add3A_259, %add3A_262] : memref<256x80xf32, #tpu.memory_space<vmem>>[vector<16xi32>, vector<16xi32>], vector<16xf32>,
          %gather3A_264 = tpu.vector_load_idx %arg12[%add3A_259, %and3A_249] : memref<256x8xf32, #tpu.memory_space<vmem>>[vector<16xi32>, vector<16xi32>], vector<16xf32>,
          %add3A_265 = arith.addf %gather3A_263, %gather3A_264 : vector<16xf32>
          %mul3A_266 = arith.constant 2.000000e-01 : f32
          %mul3A_267 = vector.broadcast %mul3A_266 : f32 to vector<16xf32>
          %mul3A_268 = arith.mulf %mul3A_267, %add3A_265 : vector<16xf32>
          %max3A_269 = arith.maximumf %add3A_265, %mul3A_268 : vector<16xf32>
          %sub3A_270 = arith.subf %max3A_269, %get3A_255 : vector<16xf32>
          %exp3A_271 = math.exp %sub3A_270 : vector<16xf32>
          %mul3A_272 = arith.constant 16 : i32
          %mul3A_273 = arith.muli %mul3A_272, %scan3A_245 : i32
          %swap3A_274 = arith.index_cast %mul3A_273 : i32 to index
          %swap3A_275 = tpu.vector_load %arg13[%swap3A_274] {strides = array<i32>} : memref<2048xf32, #tpu.memory_space<vmem>>, vector<16xf32>,
          tpu.vector_store %arg13[%swap3A_274], %exp3A_271 {strides = array<i32>} : memref<2048xf32, #tpu.memory_space<vmem>>, vector<16xf32>,
        }
        %scan3A_131 = arith.constant 128 : i32
        %scan3A_132 = arith.constant 0 : i32
        %scan3A_133 = arith.constant 0 : i32
        %scan3A_134 = arith.constant 256 : i32
        %scan3A_135 = arith.addi %scan3A_133, %scan3A_134 : i32
        %scan3A_136 = arith.constant 4 : i32
        scf.for %scan3A_158 = %scan3A_133 to %scan3A_135 step %scan3A_136  : i32 {
          %iota3A = tpu.iota {dimensions = array<i32: 0>} : vector<16xi32>
          %and3A = arith.constant 7 : i32
          %and3A_159 = vector.broadcast %and3A : i32 to vector<16xi32>
          %and3A_160 = arith.andi %iota3A, %and3A_159 : vector<16xi32>
          %ge3A = arith.constant 8 : i32
          %ge3A_161 = vector.broadcast %ge3A : i32 to vector<16xi32>
          %ge3A_162 = arith.cmpi sge, %iota3A, %ge3A_161 : vector<16xi32>
          %convert_element_type3A_163 = arith.extui %ge3A_162 : vector<16xi1> to vector<16xi32>
          %mul3A_164 = arith.constant 8 : i32
          %mul3A_165 = arith.muli %mul3A_164, %scan3A_158 : i32
          %add3A_166 = arith.constant 0 : i32
          %add3A_167 = arith.addi %mul3A_165, %add3A_166 : i32
          %add3A_168 = vector.broadcast %add3A_167 : i32 to vector<16xi32>
          %add3A_169 = arith.addi %add3A_168, %convert_element_type3A_163 : vector<16xi32>
          %gather3A = tpu.vector_load_idx %arg13[%add3A_169] : memref<2048xf32, #tpu.memory_space<vmem>>[vector<16xi32>], vector<16xf32>,
          %get3A = arith.index_cast %scan3A_158 : i32 to index
          %get3A_170 = arith.constant 0 : index
          %get3A_171 = tpu.vector_load %arg10[%get3A, %get3A_170] {strides = array<i32>} : memref<256x80xf32, #tpu.memory_space<vmem>>, vector<16xf32>,
          %mul3A_172 = arith.mulf %get3A_171, %gather3A : vector<16xf32>
          %swap3A = arith.index_cast %scan3A_158 : i32 to index
          %swap3A_173 = arith.constant 0 : index
          %swap3A_174 = tpu.vector_load %arg10[%swap3A, %swap3A_173] {strides = array<i32>} : memref<256x80xf32, #tpu.memory_space<vmem>>, vector<16xf32>,
          tpu.vector_store %arg10[%swap3A, %swap3A_173], %mul3A_172 {strides = array<i32>} : memref<256x80xf32, #tpu.memory_space<vmem>>, vector<16xf32>,
          %add3A_175 = arith.constant 2 : i32
          %add3A_176 = arith.addi %mul3A_165, %add3A_175 : i32
          %add3A_177 = vector.broadcast %add3A_176 : i32 to vector<16xi32>
          %add3A_178 = arith.addi %add3A_177, %convert_element_type3A_163 : vector<16xi32>
          %gather3A_179 = tpu.vector_load_idx %arg13[%add3A_178] : memref<2048xf32, #tpu.memory_space<vmem>>[vector<16xi32>], vector<16xf32>,
          %get3A_180 = arith.index_cast %scan3A_158 : i32 to index
          %get3A_181 = arith.constant 16 : index
          %get3A_182 = tpu.vector_load %arg10[%get3A_180, %get3A_181] {strides = array<i32>} : memref<256x80xf32, #tpu.memory_space<vmem>>, vector<16xf32>,
          %mul3A_183 = arith.mulf %get3A_182, %gather3A_179 : vector<16xf32>
          %swap3A_184 = arith.index_cast %scan3A_158 : i32 to index
          %swap3A_185 = arith.constant 16 : index
          %swap3A_186 = tpu.vector_load %arg10[%swap3A_184, %swap3A_185] {strides = array<i32>} : memref<256x80xf32, #tpu.memory_space<vmem>>, vector<16xf32>,
          tpu.vector_store %arg10[%swap3A_184, %swap3A_185], %mul3A_183 {strides = array<i32>} : memref<256x80xf32, #tpu.memory_space<vmem>>, vector<16xf32>,
          %add3A_187 = arith.constant 4 : i32
          %add3A_188 = arith.addi %mul3A_165, %add3A_187 : i32
          %add3A_189 = vector.broadcast %add3A_188 : i32 to vector<16xi32>
          %add3A_190 = arith.addi %add3A_189, %convert_element_type3A_163 : vector<16xi32>
          %gather3A_191 = tpu.vector_load_idx %arg13[%add3A_190] : memref<2048xf32, #tpu.memory_space<vmem>>[vector<16xi32>], vector<16xf32>,
          %get3A_192 = arith.index_cast %scan3A_158 : i32 to index
          %get3A_193 = arith.constant 32 : index
          %get3A_194 = tpu.vector_load %arg10[%get3A_192, %get3A_193] {strides = array<i32>} : memref<256x80xf32, #tpu.memory_space<vmem>>, vector<16xf32>,
          %mul3A_195 = arith.mulf %get3A_194, %gather3A_191 : vector<16xf32>
          %swap3A_196 = arith.index_cast %scan3A_158 : i32 to index
          %swap3A_197 = arith.constant 32 : index
          %swap3A_198 = tpu.vector_load %arg10[%swap3A_196, %swap3A_197] {strides = array<i32>} : memref<256x80xf32, #tpu.memory_space<vmem>>, vector<16xf32>,
          tpu.vector_store %arg10[%swap3A_196, %swap3A_197], %mul3A_195 {strides = array<i32>} : memref<256x80xf32, #tpu.memory_space<vmem>>, vector<16xf32>,
          %add3A_199 = arith.constant 6 : i32
          %add3A_200 = arith.addi %mul3A_165, %add3A_199 : i32
          %add3A_201 = vector.broadcast %add3A_200 : i32 to vector<16xi32>
          %add3A_202 = arith.addi %add3A_201, %convert_element_type3A_163 : vector<16xi32>
          %gather3A_203 = tpu.vector_load_idx %arg13[%add3A_202] : memref<2048xf32, #tpu.memory_space<vmem>>[vector<16xi32>], vector<16xf32>,
          %get3A_204 = arith.index_cast %scan3A_158 : i32 to index
          %get3A_205 = arith.constant 48 : index
          %get3A_206 = tpu.vector_load %arg10[%get3A_204, %get3A_205] {strides = array<i32>} : memref<256x80xf32, #tpu.memory_space<vmem>>, vector<16xf32>,
          %mul3A_207 = arith.mulf %get3A_206, %gather3A_203 : vector<16xf32>
          %swap3A_208 = arith.index_cast %scan3A_158 : i32 to index
          %swap3A_209 = arith.constant 48 : index
          %swap3A_210 = tpu.vector_load %arg10[%swap3A_208, %swap3A_209] {strides = array<i32>} : memref<256x80xf32, #tpu.memory_space<vmem>>, vector<16xf32>,
          tpu.vector_store %arg10[%swap3A_208, %swap3A_209], %mul3A_207 {strides = array<i32>} : memref<256x80xf32, #tpu.memory_space<vmem>>, vector<16xf32>,
          %add3A_211 = vector.broadcast %mul3A_165 : i32 to vector<16xi32>
          %add3A_212 = arith.addi %add3A_211, %and3A_160 : vector<16xi32>
          %gather3A_213 = tpu.vector_load_idx %arg13[%add3A_212] : memref<2048xf32, #tpu.memory_space<vmem>>[vector<16xi32>], vector<16xf32>,
          %swap3A_214 = arith.index_cast %scan3A_158 : i32 to index
          %swap3A_215 = arith.constant 64 : index
          %swap3A_216 = tpu.vector_load %arg10[%swap3A_214, %swap3A_215] {strides = array<i32>} : memref<256x80xf32, #tpu.memory_space<vmem>>, vector<16xf32>,
          tpu.vector_store %arg10[%swap3A_214, %swap3A_215], %gather3A_213 {strides = array<i32>} : memref<256x80xf32, #tpu.memory_space<vmem>>, vector<16xf32>,
          %scan3A_217 = arith.constant 1 : i32
          %scan3A_218 = arith.addi %scan3A_158, %scan3A_217 : i32
          %iota3A_219 = tpu.iota {dimensions = array<i32: 0>} : vector<16xi32>
          %and3A_220 = arith.constant 7 : i32
          %and3A_221 = vector.broadcast %and3A_220 : i32 to vector<16xi32>
          %and3A_222 = arith.andi %iota3A_219, %and3A_221 : vector<16xi32>
          %ge3A_223 = arith.constant 8 : i32
          %ge3A_224 = vector.broadcast %ge3A_223 : i32 to vector<16xi32>
          %ge3A_225 = arith.cmpi sge, %iota3A_219, %ge3A_224 : vector<16xi32>
          %convert_element_type3A_226 = arith.extui %ge3A_225 : vector<16xi1> to vector<16xi32>
          %mul3A_227 = arith.constant 8 : i32
          %mul3A_228 = arith.muli %mul3A_227, %scan3A_218 : i32
          %add3A_229 = arith.constant 0 : i32
          %add3A_230 = arith.addi %mul3A_228, %add3A_229 : i32
          %add3A_231 = vector.broadcast %add3A_230 : i32 to vector<16xi32>
          %add3A_232 = arith.addi %add3A_231, %convert_element_type3A_226 : vector<16xi32>
          %gather3A_233 = tpu.vector_load_idx %arg13[%add3A_232] : memref<2048xf32, #tpu.memory_space<vmem>>[vector<16xi32>], vector<16xf32>,
          %get3A_234 = arith.index_cast %scan3A_218 : i32 to index
          %get3A_235 = arith.constant 0 : index
          %get3A_236 = tpu.vector_load %arg10[%get3A_234, %get3A_235] {strides = array<i32>} : memref<256x80xf32, #tpu.memory_space<vmem>>, vector<16xf32>,
          %mul3A_237 = arith.mulf %get3A_236, %gather3A_233 : vector<16xf32>
          %swap3A_238 = arith.index_cast %scan3A_218 : i32 to index
          %swap3A_239 = arith.constant 0 : index
          %swap3A_240 = tpu.vector_load %arg10[%swap3A_238, %swap3A_239] {strides = array<i32>} : memref<256x80xf32, #tpu.memory_space<vmem>>, vector<16xf32>,
          tpu.vector_store %arg10[%swap3A_238, %swap3A_239], %mul3A_237 {strides = array<i32>} : memref<256x80xf32, #tpu.memory_space<vmem>>, vector<16xf32>,
          %add3A_241 = arith.constant 2 : i32
          %add3A_242 = arith.addi %mul3A_228, %add3A_241 : i32
          %add3A_243 = vector.broadcast %add3A_242 : i32 to vector<16xi32>
          %add3A_244 = arith.addi %add3A_243, %convert_element_type3A_226 : vector<16xi32>
          %gather3A_245 = tpu.vector_load_idx %arg13[%add3A_244] : memref<2048xf32, #tpu.memory_space<vmem>>[vector<16xi32>], vector<16xf32>,
          %get3A_246 = arith.index_cast %scan3A_218 : i32 to index
          %get3A_247 = arith.constant 16 : index
          %get3A_248 = tpu.vector_load %arg10[%get3A_246, %get3A_247] {strides = array<i32>} : memref<256x80xf32, #tpu.memory_space<vmem>>, vector<16xf32>,
          %mul3A_249 = arith.mulf %get3A_248, %gather3A_245 : vector<16xf32>
          %swap3A_250 = arith.index_cast %scan3A_218 : i32 to index
          %swap3A_251 = arith.constant 16 : index
          %swap3A_252 = tpu.vector_load %arg10[%swap3A_250, %swap3A_251] {strides = array<i32>} : memref<256x80xf32, #tpu.memory_space<vmem>>, vector<16xf32>,
          tpu.vector_store %arg10[%swap3A_250, %swap3A_251], %mul3A_249 {strides = array<i32>} : memref<256x80xf32, #tpu.memory_space<vmem>>, vector<16xf32>,
          %add3A_253 = arith.constant 4 : i32
          %add3A_254 = arith.addi %mul3A_228, %add3A_253 : i32
          %add3A_255 = vector.broadcast %add3A_254 : i32 to vector<16xi32>
          %add3A_256 = arith.addi %add3A_255, %convert_element_type3A_226 : vector<16xi32>
          %gather3A_257 = tpu.vector_load_idx %arg13[%add3A_256] : memref<2048xf32, #tpu.memory_space<vmem>>[vector<16xi32>], vector<16xf32>,
          %get3A_258 = arith.index_cast %scan3A_218 : i32 to index
          %get3A_259 = arith.constant 32 : index
          %get3A_260 = tpu.vector_load %arg10[%get3A_258, %get3A_259] {strides = array<i32>} : memref<256x80xf32, #tpu.memory_space<vmem>>, vector<16xf32>,
          %mul3A_261 = arith.mulf %get3A_260, %gather3A_257 : vector<16xf32>
          %swap3A_262 = arith.index_cast %scan3A_218 : i32 to index
          %swap3A_263 = arith.constant 32 : index
          %swap3A_264 = tpu.vector_load %arg10[%swap3A_262, %swap3A_263] {strides = array<i32>} : memref<256x80xf32, #tpu.memory_space<vmem>>, vector<16xf32>,
          tpu.vector_store %arg10[%swap3A_262, %swap3A_263], %mul3A_261 {strides = array<i32>} : memref<256x80xf32, #tpu.memory_space<vmem>>, vector<16xf32>,
          %add3A_265 = arith.constant 6 : i32
          %add3A_266 = arith.addi %mul3A_228, %add3A_265 : i32
          %add3A_267 = vector.broadcast %add3A_266 : i32 to vector<16xi32>
          %add3A_268 = arith.addi %add3A_267, %convert_element_type3A_226 : vector<16xi32>
          %gather3A_269 = tpu.vector_load_idx %arg13[%add3A_268] : memref<2048xf32, #tpu.memory_space<vmem>>[vector<16xi32>], vector<16xf32>,
          %get3A_270 = arith.index_cast %scan3A_218 : i32 to index
          %get3A_271 = arith.constant 48 : index
          %get3A_272 = tpu.vector_load %arg10[%get3A_270, %get3A_271] {strides = array<i32>} : memref<256x80xf32, #tpu.memory_space<vmem>>, vector<16xf32>,
          %mul3A_273 = arith.mulf %get3A_272, %gather3A_269 : vector<16xf32>
          %swap3A_274 = arith.index_cast %scan3A_218 : i32 to index
          %swap3A_275 = arith.constant 48 : index
          %swap3A_276 = tpu.vector_load %arg10[%swap3A_274, %swap3A_275] {strides = array<i32>} : memref<256x80xf32, #tpu.memory_space<vmem>>, vector<16xf32>,
          tpu.vector_store %arg10[%swap3A_274, %swap3A_275], %mul3A_273 {strides = array<i32>} : memref<256x80xf32, #tpu.memory_space<vmem>>, vector<16xf32>,
          %add3A_277 = vector.broadcast %mul3A_228 : i32 to vector<16xi32>
          %add3A_278 = arith.addi %add3A_277, %and3A_222 : vector<16xi32>
          %gather3A_279 = tpu.vector_load_idx %arg13[%add3A_278] : memref<2048xf32, #tpu.memory_space<vmem>>[vector<16xi32>], vector<16xf32>,
          %swap3A_280 = arith.index_cast %scan3A_218 : i32 to index
          %swap3A_281 = arith.constant 64 : index
          %swap3A_282 = tpu.vector_load %arg10[%swap3A_280, %swap3A_281] {strides = array<i32>} : memref<256x80xf32, #tpu.memory_space<vmem>>, vector<16xf32>,
          tpu.vector_store %arg10[%swap3A_280, %swap3A_281], %gather3A_279 {strides = array<i32>} : memref<256x80xf32, #tpu.memory_space<vmem>>, vector<16xf32>,
          %scan3A_283 = arith.constant 2 : i32
          %scan3A_284 = arith.addi %scan3A_158, %scan3A_283 : i32
          %iota3A_285 = tpu.iota {dimensions = array<i32: 0>} : vector<16xi32>
          %and3A_286 = arith.constant 7 : i32
          %and3A_287 = vector.broadcast %and3A_286 : i32 to vector<16xi32>
          %and3A_288 = arith.andi %iota3A_285, %and3A_287 : vector<16xi32>
          %ge3A_289 = arith.constant 8 : i32
          %ge3A_290 = vector.broadcast %ge3A_289 : i32 to vector<16xi32>
          %ge3A_291 = arith.cmpi sge, %iota3A_285, %ge3A_290 : vector<16xi32>
          %convert_element_type3A_292 = arith.extui %ge3A_291 : vector<16xi1> to vector<16xi32>
          %mul3A_293 = arith.constant 8 : i32
          %mul3A_294 = arith.muli %mul3A_293, %scan3A_284 : i32
          %add3A_295 = arith.constant 0 : i32
          %add3A_296 = arith.addi %mul3A_294, %add3A_295 : i32
          %add3A_297 = vector.broadcast %add3A_296 : i32 to vector<16xi32>
          %add3A_298 = arith.addi %add3A_297, %convert_element_type3A_292 : vector<16xi32>
          %gather3A_299 = tpu.vector_load_idx %arg13[%add3A_298] : memref<2048xf32, #tpu.memory_space<vmem>>[vector<16xi32>], vector<16xf32>,
          %get3A_300 = arith.index_cast %scan3A_284 : i32 to index
          %get3A_301 = arith.constant 0 : index
          %get3A_302 = tpu.vector_load %arg10[%get3A_300, %get3A_301] {strides = array<i32>} : memref<256x80xf32, #tpu.memory_space<vmem>>, vector<16xf32>,
          %mul3A_303 = arith.mulf %get3A_302, %gather3A_299 : vector<16xf32>
          %swap3A_304 = arith.index_cast %scan3A_284 : i32 to index
          %swap3A_305 = arith.constant 0 : index
          %swap3A_306 = tpu.vector_load %arg10[%swap3A_304, %swap3A_305] {strides = array<i32>} : memref<256x80xf32, #tpu.memory_space<vmem>>, vector<16xf32>,
          tpu.vector_store %arg10[%swap3A_304, %swap3A_305], %mul3A_303 {strides = array<i32>} : memref<256x80xf32, #tpu.memory_space<vmem>>, vector<16xf32>,
          %add3A_307 = arith.constant 2 : i32
          %add3A_308 = arith.addi %mul3A_294, %add3A_307 : i32
          %add3A_309 = vector.broadcast %add3A_308 : i32 to vector<16xi32>
          %add3A_310 = arith.addi %add3A_309, %convert_element_type3A_292 : vector<16xi32>
          %gather3A_311 = tpu.vector_load_idx %arg13[%add3A_310] : memref<2048xf32, #tpu.memory_space<vmem>>[vector<16xi32>], vector<16xf32>,
          %get3A_312 = arith.index_cast %scan3A_284 : i32 to index
          %get3A_313 = arith.constant 16 : index
          %get3A_314 = tpu.vector_load %arg10[%get3A_312, %get3A_313] {strides = array<i32>} : memref<256x80xf32, #tpu.memory_space<vmem>>, vector<16xf32>,
          %mul3A_315 = arith.mulf %get3A_314, %gather3A_311 : vector<16xf32>
          %swap3A_316 = arith.index_cast %scan3A_284 : i32 to index
          %swap3A_317 = arith.constant 16 : index
          %swap3A_318 = tpu.vector_load %arg10[%swap3A_316, %swap3A_317] {strides = array<i32>} : memref<256x80xf32, #tpu.memory_space<vmem>>, vector<16xf32>,
          tpu.vector_store %arg10[%swap3A_316, %swap3A_317], %mul3A_315 {strides = array<i32>} : memref<256x80xf32, #tpu.memory_space<vmem>>, vector<16xf32>,
          %add3A_319 = arith.constant 4 : i32
          %add3A_320 = arith.addi %mul3A_294, %add3A_319 : i32
          %add3A_321 = vector.broadcast %add3A_320 : i32 to vector<16xi32>
          %add3A_322 = arith.addi %add3A_321, %convert_element_type3A_292 : vector<16xi32>
          %gather3A_323 = tpu.vector_load_idx %arg13[%add3A_322] : memref<2048xf32, #tpu.memory_space<vmem>>[vector<16xi32>], vector<16xf32>,
          %get3A_324 = arith.index_cast %scan3A_284 : i32 to index
          %get3A_325 = arith.constant 32 : index
          %get3A_326 = tpu.vector_load %arg10[%get3A_324, %get3A_325] {strides = array<i32>} : memref<256x80xf32, #tpu.memory_space<vmem>>, vector<16xf32>,
          %mul3A_327 = arith.mulf %get3A_326, %gather3A_323 : vector<16xf32>
          %swap3A_328 = arith.index_cast %scan3A_284 : i32 to index
          %swap3A_329 = arith.constant 32 : index
          %swap3A_330 = tpu.vector_load %arg10[%swap3A_328, %swap3A_329] {strides = array<i32>} : memref<256x80xf32, #tpu.memory_space<vmem>>, vector<16xf32>,
          tpu.vector_store %arg10[%swap3A_328, %swap3A_329], %mul3A_327 {strides = array<i32>} : memref<256x80xf32, #tpu.memory_space<vmem>>, vector<16xf32>,
          %add3A_331 = arith.constant 6 : i32
          %add3A_332 = arith.addi %mul3A_294, %add3A_331 : i32
          %add3A_333 = vector.broadcast %add3A_332 : i32 to vector<16xi32>
          %add3A_334 = arith.addi %add3A_333, %convert_element_type3A_292 : vector<16xi32>
          %gather3A_335 = tpu.vector_load_idx %arg13[%add3A_334] : memref<2048xf32, #tpu.memory_space<vmem>>[vector<16xi32>], vector<16xf32>,
          %get3A_336 = arith.index_cast %scan3A_284 : i32 to index
          %get3A_337 = arith.constant 48 : index
          %get3A_338 = tpu.vector_load %arg10[%get3A_336, %get3A_337] {strides = array<i32>} : memref<256x80xf32, #tpu.memory_space<vmem>>, vector<16xf32>,
          %mul3A_339 = arith.mulf %get3A_338, %gather3A_335 : vector<16xf32>
          %swap3A_340 = arith.index_cast %scan3A_284 : i32 to index
          %swap3A_341 = arith.constant 48 : index
          %swap3A_342 = tpu.vector_load %arg10[%swap3A_340, %swap3A_341] {strides = array<i32>} : memref<256x80xf32, #tpu.memory_space<vmem>>, vector<16xf32>,
          tpu.vector_store %arg10[%swap3A_340, %swap3A_341], %mul3A_339 {strides = array<i32>} : memref<256x80xf32, #tpu.memory_space<vmem>>, vector<16xf32>,
          %add3A_343 = vector.broadcast %mul3A_294 : i32 to vector<16xi32>
          %add3A_344 = arith.addi %add3A_343, %and3A_288 : vector<16xi32>
          %gather3A_345 = tpu.vector_load_idx %arg13[%add3A_344] : memref<2048xf32, #tpu.memory_space<vmem>>[vector<16xi32>], vector<16xf32>,
          %swap3A_346 = arith.index_cast %scan3A_284 : i32 to index
          %swap3A_347 = arith.constant 64 : index
          %swap3A_348 = tpu.vector_load %arg10[%swap3A_346, %swap3A_347] {strides = array<i32>} : memref<256x80xf32, #tpu.memory_space<vmem>>, vector<16xf32>,
          tpu.vector_store %arg10[%swap3A_346, %swap3A_347], %gather3A_345 {strides = array<i32>} : memref<256x80xf32, #tpu.memory_space<vmem>>, vector<16xf32>,
          %scan3A_349 = arith.constant 3 : i32
          %scan3A_350 = arith.addi %scan3A_158, %scan3A_349 : i32
          %iota3A_351 = tpu.iota {dimensions = array<i32: 0>} : vector<16xi32>
          %and3A_352 = arith.constant 7 : i32
          %and3A_353 = vector.broadcast %and3A_352 : i32 to vector<16xi32>
          %and3A_354 = arith.andi %iota3A_351, %and3A_353 : vector<16xi32>
          %ge3A_355 = arith.constant 8 : i32
          %ge3A_356 = vector.broadcast %ge3A_355 : i32 to vector<16xi32>
          %ge3A_357 = arith.cmpi sge, %iota3A_351, %ge3A_356 : vector<16xi32>
          %convert_element_type3A_358 = arith.extui %ge3A_357 : vector<16xi1> to vector<16xi32>
          %mul3A_359 = arith.constant 8 : i32
          %mul3A_360 = arith.muli %mul3A_359, %scan3A_350 : i32
          %add3A_361 = arith.constant 0 : i32
          %add3A_362 = arith.addi %mul3A_360, %add3A_361 : i32
          %add3A_363 = vector.broadcast %add3A_362 : i32 to vector<16xi32>
          %add3A_364 = arith.addi %add3A_363, %convert_element_type3A_358 : vector<16xi32>
          %gather3A_365 = tpu.vector_load_idx %arg13[%add3A_364] : memref<2048xf32, #tpu.memory_space<vmem>>[vector<16xi32>], vector<16xf32>,
          %get3A_366 = arith.index_cast %scan3A_350 : i32 to index
          %get3A_367 = arith.constant 0 : index
          %get3A_368 = tpu.vector_load %arg10[%get3A_366, %get3A_367] {strides = array<i32>} : memref<256x80xf32, #tpu.memory_space<vmem>>, vector<16xf32>,
          %mul3A_369 = arith.mulf %get3A_368, %gather3A_365 : vector<16xf32>
          %swap3A_370 = arith.index_cast %scan3A_350 : i32 to index
          %swap3A_371 = arith.constant 0 : index
          %swap3A_372 = tpu.vector_load %arg10[%swap3A_370, %swap3A_371] {strides = array<i32>} : memref<256x80xf32, #tpu.memory_space<vmem>>, vector<16xf32>,
          tpu.vector_store %arg10[%swap3A_370, %swap3A_371], %mul3A_369 {strides = array<i32>} : memref<256x80xf32, #tpu.memory_space<vmem>>, vector<16xf32>,
          %add3A_373 = arith.constant 2 : i32
          %add3A_374 = arith.addi %mul3A_360, %add3A_373 : i32
          %add3A_375 = vector.broadcast %add3A_374 : i32 to vector<16xi32>
          %add3A_376 = arith.addi %add3A_375, %convert_element_type3A_358 : vector<16xi32>
          %gather3A_377 = tpu.vector_load_idx %arg13[%add3A_376] : memref<2048xf32, #tpu.memory_space<vmem>>[vector<16xi32>], vector<16xf32>,
          %get3A_378 = arith.index_cast %scan3A_350 : i32 to index
          %get3A_379 = arith.constant 16 : index
          %get3A_380 = tpu.vector_load %arg10[%get3A_378, %get3A_379] {strides = array<i32>} : memref<256x80xf32, #tpu.memory_space<vmem>>, vector<16xf32>,
          %mul3A_381 = arith.mulf %get3A_380, %gather3A_377 : vector<16xf32>
          %swap3A_382 = arith.index_cast %scan3A_350 : i32 to index
          %swap3A_383 = arith.constant 16 : index
          %swap3A_384 = tpu.vector_load %arg10[%swap3A_382, %swap3A_383] {strides = array<i32>} : memref<256x80xf32, #tpu.memory_space<vmem>>, vector<16xf32>,
          tpu.vector_store %arg10[%swap3A_382, %swap3A_383], %mul3A_381 {strides = array<i32>} : memref<256x80xf32, #tpu.memory_space<vmem>>, vector<16xf32>,
          %add3A_385 = arith.constant 4 : i32
          %add3A_386 = arith.addi %mul3A_360, %add3A_385 : i32
          %add3A_387 = vector.broadcast %add3A_386 : i32 to vector<16xi32>
          %add3A_388 = arith.addi %add3A_387, %convert_element_type3A_358 : vector<16xi32>
          %gather3A_389 = tpu.vector_load_idx %arg13[%add3A_388] : memref<2048xf32, #tpu.memory_space<vmem>>[vector<16xi32>], vector<16xf32>,
          %get3A_390 = arith.index_cast %scan3A_350 : i32 to index
          %get3A_391 = arith.constant 32 : index
          %get3A_392 = tpu.vector_load %arg10[%get3A_390, %get3A_391] {strides = array<i32>} : memref<256x80xf32, #tpu.memory_space<vmem>>, vector<16xf32>,
          %mul3A_393 = arith.mulf %get3A_392, %gather3A_389 : vector<16xf32>
          %swap3A_394 = arith.index_cast %scan3A_350 : i32 to index
          %swap3A_395 = arith.constant 32 : index
          %swap3A_396 = tpu.vector_load %arg10[%swap3A_394, %swap3A_395] {strides = array<i32>} : memref<256x80xf32, #tpu.memory_space<vmem>>, vector<16xf32>,
          tpu.vector_store %arg10[%swap3A_394, %swap3A_395], %mul3A_393 {strides = array<i32>} : memref<256x80xf32, #tpu.memory_space<vmem>>, vector<16xf32>,
          %add3A_397 = arith.constant 6 : i32
          %add3A_398 = arith.addi %mul3A_360, %add3A_397 : i32
          %add3A_399 = vector.broadcast %add3A_398 : i32 to vector<16xi32>
          %add3A_400 = arith.addi %add3A_399, %convert_element_type3A_358 : vector<16xi32>
          %gather3A_401 = tpu.vector_load_idx %arg13[%add3A_400] : memref<2048xf32, #tpu.memory_space<vmem>>[vector<16xi32>], vector<16xf32>,
          %get3A_402 = arith.index_cast %scan3A_350 : i32 to index
          %get3A_403 = arith.constant 48 : index
          %get3A_404 = tpu.vector_load %arg10[%get3A_402, %get3A_403] {strides = array<i32>} : memref<256x80xf32, #tpu.memory_space<vmem>>, vector<16xf32>,
          %mul3A_405 = arith.mulf %get3A_404, %gather3A_401 : vector<16xf32>
          %swap3A_406 = arith.index_cast %scan3A_350 : i32 to index
          %swap3A_407 = arith.constant 48 : index
          %swap3A_408 = tpu.vector_load %arg10[%swap3A_406, %swap3A_407] {strides = array<i32>} : memref<256x80xf32, #tpu.memory_space<vmem>>, vector<16xf32>,
          tpu.vector_store %arg10[%swap3A_406, %swap3A_407], %mul3A_405 {strides = array<i32>} : memref<256x80xf32, #tpu.memory_space<vmem>>, vector<16xf32>,
          %add3A_409 = vector.broadcast %mul3A_360 : i32 to vector<16xi32>
          %add3A_410 = arith.addi %add3A_409, %and3A_354 : vector<16xi32>
          %gather3A_411 = tpu.vector_load_idx %arg13[%add3A_410] : memref<2048xf32, #tpu.memory_space<vmem>>[vector<16xi32>], vector<16xf32>,
          %swap3A_412 = arith.index_cast %scan3A_350 : i32 to index
          %swap3A_413 = arith.constant 64 : index
          %swap3A_414 = tpu.vector_load %arg10[%swap3A_412, %swap3A_413] {strides = array<i32>} : memref<256x80xf32, #tpu.memory_space<vmem>>, vector<16xf32>,
          tpu.vector_store %arg10[%swap3A_412, %swap3A_413], %gather3A_411 {strides = array<i32>} : memref<256x80xf32, #tpu.memory_space<vmem>>, vector<16xf32>,
        }
        %scan3A_137 = arith.constant 256 : i32
        %dma_start3A_138 = arith.constant 0 : i32
        %dma_start3A_139 = arith.constant 0 : i32
        %dma_start3A_140 = arith.constant 0 : i32
        %dma_start3A_141 = tpu.memref_slice %arg10[%dma_start3A_139, %dma_start3A_140] : memref<256x80xf32, #tpu.memory_space<vmem>> -> memref<128x80xf32, #tpu.memory_space<vmem>>
        %dma_start3A_142 = arith.constant 0 : i32
        %dma_start3A_143 = tpu.memref_slice %arg18[%dma_start3A_138, %dma_start3A_142] : memref<2x128xi32, #tpu.memory_space<vmem>> -> memref<1x128xi32, #tpu.memory_space<vmem>>
        %dma_start3A_144 = tpu.memref_squeeze %dma_start3A_143 : memref<1x128xi32, #tpu.memory_space<vmem>> -> memref<128xi32, #tpu.memory_space<vmem>>
        %dma_start3A_145 = arith.constant 0 : i32
        %dma_start3A_146 = arith.constant 0 : i32
        %dma_start3A_147 = tpu.memref_slice %arg19[%dma_start3A_145, %dma_start3A_146] : memref<10000x80xf32, #tpu.memory_space<vmem_shared>> -> memref<10000x80xf32, #tpu.memory_space<vmem_shared>>
        tpu.enqueue_indirect_dma source(%dma_start3A_141 : memref<128x80xf32, #tpu.memory_space<vmem>>) target(%dma_start3A_147 : memref<10000x80xf32, #tpu.memory_space<vmem_shared>>) offsets(%dma_start3A_144 : memref<128xi32, #tpu.memory_space<vmem>>) semaphore(%arg25 : memref<!tpu.dma_semaphore, #tpu.memory_space<semaphore_mem>>) {add = true}
        %dma_start3A_148 = arith.constant 1 : i32
        %dma_start3A_149 = arith.constant 128 : i32
        %dma_start3A_150 = arith.constant 0 : i32
        %dma_start3A_151 = tpu.memref_slice %arg10[%dma_start3A_149, %dma_start3A_150] : memref<256x80xf32, #tpu.memory_space<vmem>> -> memref<128x80xf32, #tpu.memory_space<vmem>>
        %dma_start3A_152 = arith.constant 0 : i32
        %dma_start3A_153 = tpu.memref_slice %arg18[%dma_start3A_148, %dma_start3A_152] : memref<2x128xi32, #tpu.memory_space<vmem>> -> memref<1x128xi32, #tpu.memory_space<vmem>>
        %dma_start3A_154 = tpu.memref_squeeze %dma_start3A_153 : memref<1x128xi32, #tpu.memory_space<vmem>> -> memref<128xi32, #tpu.memory_space<vmem>>
        %dma_start3A_155 = arith.constant 0 : i32
        %dma_start3A_156 = arith.constant 0 : i32
        %dma_start3A_157 = tpu.memref_slice %arg19[%dma_start3A_155, %dma_start3A_156] : memref<10000x80xf32, #tpu.memory_space<vmem_shared>> -> memref<10000x80xf32, #tpu.memory_space<vmem_shared>>
        tpu.enqueue_indirect_dma source(%dma_start3A_151 : memref<128x80xf32, #tpu.memory_space<vmem>>) target(%dma_start3A_157 : memref<10000x80xf32, #tpu.memory_space<vmem_shared>>) offsets(%dma_start3A_154 : memref<128xi32, #tpu.memory_space<vmem>>) semaphore(%arg25 : memref<!tpu.dma_semaphore, #tpu.memory_space<semaphore_mem>>) {add = true}
      } else {
      }
    }
    %scan3A_52 = arith.constant 20 : i32
    %dma_wait3A = arith.constant 0 : i32
    %dma_wait3A_53 = arith.constant 0 : i32
    %dma_wait3A_54 = tpu.memref_slice %arg2[%dma_wait3A, %dma_wait3A_53] : memref<10000x80xf32, #tpu.memory_space<hbm>> -> memref<256x80xf32, #tpu.memory_space<hbm>>
    %dma_wait3A_55 = arith.constant 0 : i32
    %dma_wait3A_56 = arith.constant 0 : i32
    %dma_wait3A_57 = tpu.memref_slice %arg2[%dma_wait3A_55, %dma_wait3A_56] : memref<10000x80xf32, #tpu.memory_space<hbm>> -> memref<256x80xf32, #tpu.memory_space<hbm>>
    tpu.wait_dma2 semaphore(%arg24 : memref<!tpu.dma_semaphore, #tpu.memory_space<semaphore_mem>>) src(%dma_wait3A_57 : memref<256x80xf32, #tpu.memory_space<hbm>>) dst(%arg9 : memref<256x80xf32, #tpu.memory_space<vmem>>)
    %dma_wait3A_58 = arith.constant 0 : i32
    %dma_wait3A_59 = arith.constant 0 : i32
    %dma_wait3A_60 = tpu.memref_slice %arg2[%dma_wait3A_58, %dma_wait3A_59] : memref<10000x80xf32, #tpu.memory_space<hbm>> -> memref<256x80xf32, #tpu.memory_space<hbm>>
    %dma_wait3A_61 = arith.constant 0 : i32
    %dma_wait3A_62 = arith.constant 0 : i32
    %dma_wait3A_63 = tpu.memref_slice %arg2[%dma_wait3A_61, %dma_wait3A_62] : memref<10000x80xf32, #tpu.memory_space<hbm>> -> memref<256x80xf32, #tpu.memory_space<hbm>>
    tpu.wait_dma2 semaphore(%arg25 : memref<!tpu.dma_semaphore, #tpu.memory_space<semaphore_mem>>) src(%dma_wait3A_63 : memref<256x80xf32, #tpu.memory_space<hbm>>) dst(%arg10 : memref<256x80xf32, #tpu.memory_space<vmem>>)
    %barrier3A_64 = arith.constant 0 : index
    tpu.barrier barrier_id(%barrier3A_64)
    "tpu.region"() ({
      %run_scoped3A = tpu.sem_alloc : memref<!tpu.dma_semaphore, #tpu.memory_space<semaphore_mem>>
      %dma_start3A_70 = arith.constant 0 : i32
      %dma_start3A_71 = tpu.memref_slice %arg8[%arg0, %mul3A_2, %dma_start3A_70] : memref<2x10000x80xf32, #tpu.memory_space<hbm>> -> memref<1x624x80xf32, #tpu.memory_space<hbm>>
      %dma_start3A_72 = tpu.memref_squeeze %dma_start3A_71 : memref<1x624x80xf32, #tpu.memory_space<hbm>> -> memref<624x80xf32, #tpu.memory_space<hbm>>
      %dma_start3A_73 = arith.constant 0 : i32
      %dma_start3A_74 = tpu.memref_slice %arg19[%mul3A_2, %dma_start3A_73] : memref<10000x80xf32, #tpu.memory_space<vmem_shared>> -> memref<624x80xf32, #tpu.memory_space<vmem_shared>>
      tpu.enqueue_dma source(%dma_start3A_74 : memref<624x80xf32, #tpu.memory_space<vmem_shared>>) target(%dma_start3A_72 : memref<624x80xf32, #tpu.memory_space<hbm>>) target_semaphore(%run_scoped3A : memref<!tpu.dma_semaphore, #tpu.memory_space<semaphore_mem>>)
      %dma_wait3A_75 = arith.constant 0 : i32
      %dma_wait3A_76 = tpu.memref_slice %arg8[%arg0, %mul3A_2, %dma_wait3A_75] : memref<2x10000x80xf32, #tpu.memory_space<hbm>> -> memref<1x624x80xf32, #tpu.memory_space<hbm>>
      %dma_wait3A_77 = tpu.memref_squeeze %dma_wait3A_76 : memref<1x624x80xf32, #tpu.memory_space<hbm>> -> memref<624x80xf32, #tpu.memory_space<hbm>>
      %dma_wait3A_78 = arith.constant 0 : i32
      %dma_wait3A_79 = tpu.memref_slice %arg19[%mul3A_2, %dma_wait3A_78] : memref<10000x80xf32, #tpu.memory_space<vmem_shared>> -> memref<624x80xf32, #tpu.memory_space<vmem_shared>>
      tpu.wait_dma2 semaphore(%run_scoped3A : memref<!tpu.dma_semaphore, #tpu.memory_space<semaphore_mem>>) src(%dma_wait3A_79 : memref<624x80xf32, #tpu.memory_space<vmem_shared>>) dst(%dma_wait3A_77 : memref<624x80xf32, #tpu.memory_space<hbm>>)
      tpu.yield
    }) : () -> ()
    %eq3A_65 = arith.constant 0 : i32
    %eq3A_66 = arith.cmpi eq, %arg1, %eq3A_65 : i32
    %convert_element_type3A_67 = arith.extui %eq3A_66 : i1 to i32
    %cond3A_68 = arith.constant 0 : i32
    %cond3A_69 = arith.cmpi ne, %convert_element_type3A_67, %cond3A_68 : i32
    scf.if %cond3A_69 {
      "tpu.region"() ({
        %run_scoped3A = tpu.sem_alloc : memref<!tpu.dma_semaphore, #tpu.memory_space<semaphore_mem>>
        %dma_start3A_70 = arith.constant 9984 : i32
        %dma_start3A_71 = arith.constant 0 : i32
        %dma_start3A_72 = tpu.memref_slice %arg8[%arg0, %dma_start3A_70, %dma_start3A_71] : memref<2x10000x80xf32, #tpu.memory_space<hbm>> -> memref<1x16x80xf32, #tpu.memory_space<hbm>>
        %dma_start3A_73 = tpu.memref_squeeze %dma_start3A_72 : memref<1x16x80xf32, #tpu.memory_space<hbm>> -> memref<16x80xf32, #tpu.memory_space<hbm>>
        %dma_start3A_74 = arith.constant 9984 : i32
        %dma_start3A_75 = arith.constant 0 : i32
        %dma_start3A_76 = tpu.memref_slice %arg19[%dma_start3A_74, %dma_start3A_75] : memref<10000x80xf32, #tpu.memory_space<vmem_shared>> -> memref<16x80xf32, #tpu.memory_space<vmem_shared>>
        tpu.enqueue_dma source(%dma_start3A_76 : memref<16x80xf32, #tpu.memory_space<vmem_shared>>) target(%dma_start3A_73 : memref<16x80xf32, #tpu.memory_space<hbm>>) target_semaphore(%run_scoped3A : memref<!tpu.dma_semaphore, #tpu.memory_space<semaphore_mem>>)
        %dma_wait3A_77 = arith.constant 9984 : i32
        %dma_wait3A_78 = arith.constant 0 : i32
        %dma_wait3A_79 = tpu.memref_slice %arg8[%arg0, %dma_wait3A_77, %dma_wait3A_78] : memref<2x10000x80xf32, #tpu.memory_space<hbm>> -> memref<1x16x80xf32, #tpu.memory_space<hbm>>
        %dma_wait3A_80 = tpu.memref_squeeze %dma_wait3A_79 : memref<1x16x80xf32, #tpu.memory_space<hbm>> -> memref<16x80xf32, #tpu.memory_space<hbm>>
        %dma_wait3A_81 = arith.constant 9984 : i32
        %dma_wait3A_82 = arith.constant 0 : i32
        %dma_wait3A_83 = tpu.memref_slice %arg19[%dma_wait3A_81, %dma_wait3A_82] : memref<10000x80xf32, #tpu.memory_space<vmem_shared>> -> memref<16x80xf32, #tpu.memory_space<vmem_shared>>
        tpu.wait_dma2 semaphore(%run_scoped3A : memref<!tpu.dma_semaphore, #tpu.memory_space<semaphore_mem>>) src(%dma_wait3A_83 : memref<16x80xf32, #tpu.memory_space<vmem_shared>>) dst(%dma_wait3A_80 : memref<16x80xf32, #tpu.memory_space<hbm>>)
        tpu.yield
      }) : () -> ()
    } else {
    }
    return
  }
}

#map = affine_map<(d0, d1) -> (0, 0)>
#map1 = affine_map<(d0, d1) -> (0)>
#map2 = affine_map<(d0, d1) -> (0, 0, 0)>
module attributes {stable_mosaic.version = 14 : i64} {
  func.func @k(%arg0: i32, %arg1: i32, %arg2: memref<10000x48xf32, #tpu.memory_space<hbm>>, %arg3: memref<10000x8xf32, #tpu.memory_space<hbm>>, %arg4: memref<16xf32, #tpu.memory_space<hbm>>, %arg5: memref<2500x128xi32, #tpu.memory_space<hbm>>, %arg6: memref<2500x128xi32, #tpu.memory_space<hbm>>, %arg7: memref<10000x48xf32, #tpu.memory_space<hbm>>, %arg8: memref<2x10000x48xf32, #tpu.memory_space<hbm>>, %arg9: memref<256x48xf32, #tpu.memory_space<vmem>>, %arg10: memref<256x48xf32, #tpu.memory_space<vmem>>, %arg11: memref<256x8xf32, #tpu.memory_space<vmem>>, %arg12: memref<256x8xf32, #tpu.memory_space<vmem>>, %arg13: memref<2048xf32, #tpu.memory_space<vmem>>, %arg14: memref<16xf32, #tpu.memory_space<vmem>>, %arg15: memref<2x128xi32, #tpu.memory_space<vmem>>, %arg16: memref<2x128xi32, #tpu.memory_space<vmem>>, %arg17: memref<2x128xi32, #tpu.memory_space<vmem>>, %arg18: memref<2x128xi32, #tpu.memory_space<vmem>>, %arg19: memref<10000x48xf32, #tpu.memory_space<vmem_shared>>, %arg20: memref<!tpu.dma_semaphore, #tpu.memory_space<semaphore_mem>>, %arg21: memref<!tpu.dma_semaphore, #tpu.memory_space<semaphore_mem>>, %arg22: memref<!tpu.dma_semaphore, #tpu.memory_space<semaphore_mem>>, %arg23: memref<!tpu.dma_semaphore, #tpu.memory_space<semaphore_mem>>, %arg24: memref<!tpu.dma_semaphore, #tpu.memory_space<semaphore_mem>>, %arg25: memref<!tpu.dma_semaphore, #tpu.memory_space<semaphore_mem>>) attributes {dimension_semantics = [#tpu.dimension_semantics<core_parallel>, #tpu.dimension_semantics<subcore_parallel>], iteration_bounds = array<i64: 2, 16>, scalar_prefetch = 0 : i64, scratch_operands = 17 : i64, tpu.core_type = #tpu.core_type<sc_vector_subcore>, window_params = [{transform_indices = #map}, {transform_indices = #map}, {transform_indices = #map1}, {transform_indices = #map}, {transform_indices = #map}, {transform_indices = #map}, {transform_indices = #map2}]} {
    %mul3A = arith.constant 2 : i32
    %mul3A_0 = arith.muli %arg1, %mul3A : i32
    %add3A = arith.addi %mul3A_0, %arg0 : i32
    %mul3A_1 = arith.constant 624 : i32
    %mul3A_2 = arith.muli %arg1, %mul3A_1 : i32
    "tpu.region"() ({
      %run_scoped3A = tpu.sem_alloc : memref<!tpu.dma_semaphore, #tpu.memory_space<semaphore_mem>>
      %dma_start3A_70 = arith.constant 0 : i32
      %dma_start3A_71 = tpu.memref_slice %arg19[%mul3A_2, %dma_start3A_70] : memref<10000x48xf32, #tpu.memory_space<vmem_shared>> -> memref<624x48xf32, #tpu.memory_space<vmem_shared>>
      %dma_start3A_72 = arith.constant 0 : i32
      %dma_start3A_73 = tpu.memref_slice %arg7[%mul3A_2, %dma_start3A_72] : memref<10000x48xf32, #tpu.memory_space<hbm>> -> memref<624x48xf32, #tpu.memory_space<hbm>>
      tpu.enqueue_dma source(%dma_start3A_73 : memref<624x48xf32, #tpu.memory_space<hbm>>) target(%dma_start3A_71 : memref<624x48xf32, #tpu.memory_space<vmem_shared>>) target_semaphore(%run_scoped3A : memref<!tpu.dma_semaphore, #tpu.memory_space<semaphore_mem>>)
      %dma_wait3A_74 = arith.constant 0 : i32
      %dma_wait3A_75 = tpu.memref_slice %arg19[%mul3A_2, %dma_wait3A_74] : memref<10000x48xf32, #tpu.memory_space<vmem_shared>> -> memref<624x48xf32, #tpu.memory_space<vmem_shared>>
      %dma_wait3A_76 = arith.constant 0 : i32
      %dma_wait3A_77 = tpu.memref_slice %arg7[%mul3A_2, %dma_wait3A_76] : memref<10000x48xf32, #tpu.memory_space<hbm>> -> memref<624x48xf32, #tpu.memory_space<hbm>>
      tpu.wait_dma2 semaphore(%run_scoped3A : memref<!tpu.dma_semaphore, #tpu.memory_space<semaphore_mem>>) src(%dma_wait3A_77 : memref<624x48xf32, #tpu.memory_space<hbm>>) dst(%dma_wait3A_75 : memref<624x48xf32, #tpu.memory_space<vmem_shared>>)
      tpu.yield
    }) : () -> ()
    %eq3A = arith.constant 0 : i32
    %eq3A_3 = arith.cmpi eq, %arg1, %eq3A : i32
    %convert_element_type3A = arith.extui %eq3A_3 : i1 to i32
    %cond3A = arith.constant 0 : i32
    %cond3A_4 = arith.cmpi ne, %convert_element_type3A, %cond3A : i32
    scf.if %cond3A_4 {
      "tpu.region"() ({
        %run_scoped3A = tpu.sem_alloc : memref<!tpu.dma_semaphore, #tpu.memory_space<semaphore_mem>>
        %dma_start3A_70 = arith.constant 9984 : i32
        %dma_start3A_71 = arith.constant 0 : i32
        %dma_start3A_72 = tpu.memref_slice %arg19[%dma_start3A_70, %dma_start3A_71] : memref<10000x48xf32, #tpu.memory_space<vmem_shared>> -> memref<16x48xf32, #tpu.memory_space<vmem_shared>>
        %dma_start3A_73 = arith.constant 9984 : i32
        %dma_start3A_74 = arith.constant 0 : i32
        %dma_start3A_75 = tpu.memref_slice %arg7[%dma_start3A_73, %dma_start3A_74] : memref<10000x48xf32, #tpu.memory_space<hbm>> -> memref<16x48xf32, #tpu.memory_space<hbm>>
        tpu.enqueue_dma source(%dma_start3A_75 : memref<16x48xf32, #tpu.memory_space<hbm>>) target(%dma_start3A_72 : memref<16x48xf32, #tpu.memory_space<vmem_shared>>) target_semaphore(%run_scoped3A : memref<!tpu.dma_semaphore, #tpu.memory_space<semaphore_mem>>)
        %dma_wait3A_76 = arith.constant 9984 : i32
        %dma_wait3A_77 = arith.constant 0 : i32
        %dma_wait3A_78 = tpu.memref_slice %arg19[%dma_wait3A_76, %dma_wait3A_77] : memref<10000x48xf32, #tpu.memory_space<vmem_shared>> -> memref<16x48xf32, #tpu.memory_space<vmem_shared>>
        %dma_wait3A_79 = arith.constant 9984 : i32
        %dma_wait3A_80 = arith.constant 0 : i32
        %dma_wait3A_81 = tpu.memref_slice %arg7[%dma_wait3A_79, %dma_wait3A_80] : memref<10000x48xf32, #tpu.memory_space<hbm>> -> memref<16x48xf32, #tpu.memory_space<hbm>>
        tpu.wait_dma2 semaphore(%run_scoped3A : memref<!tpu.dma_semaphore, #tpu.memory_space<semaphore_mem>>) src(%dma_wait3A_81 : memref<16x48xf32, #tpu.memory_space<hbm>>) dst(%dma_wait3A_78 : memref<16x48xf32, #tpu.memory_space<vmem_shared>>)
        tpu.yield
      }) : () -> ()
    } else {
    }
    "tpu.region"() ({
      %run_scoped3A = tpu.sem_alloc : memref<!tpu.dma_semaphore, #tpu.memory_space<semaphore_mem>>
      tpu.enqueue_dma source(%arg4 : memref<16xf32, #tpu.memory_space<hbm>>) target(%arg14 : memref<16xf32, #tpu.memory_space<vmem>>) target_semaphore(%run_scoped3A : memref<!tpu.dma_semaphore, #tpu.memory_space<semaphore_mem>>)
      tpu.wait_dma2 semaphore(%run_scoped3A : memref<!tpu.dma_semaphore, #tpu.memory_space<semaphore_mem>>) src(%arg4 : memref<16xf32, #tpu.memory_space<hbm>>) dst(%arg14 : memref<16xf32, #tpu.memory_space<vmem>>)
      tpu.yield
    }) : () -> ()
    %barrier3A = arith.constant 0 : index
    tpu.barrier barrier_id(%barrier3A)
    %mul3A_5 = arith.constant 2 : i32
    %mul3A_6 = arith.muli %add3A, %mul3A_5 : i32
    "tpu.region"() ({
      %run_scoped3A = tpu.sem_alloc : memref<!tpu.dma_semaphore, #tpu.memory_space<semaphore_mem>>
      %dma_start3A_70 = arith.constant 0 : i32
      %dma_start3A_71 = tpu.memref_slice %arg5[%mul3A_6, %dma_start3A_70] : memref<2500x128xi32, #tpu.memory_space<hbm>> -> memref<2x128xi32, #tpu.memory_space<hbm>>
      %dma_start3A_72 = arith.constant 0 : i32
      %dma_start3A_73 = tpu.memref_slice %arg5[%mul3A_6, %dma_start3A_72] : memref<2500x128xi32, #tpu.memory_space<hbm>> -> memref<2x128xi32, #tpu.memory_space<hbm>>
      tpu.enqueue_dma source(%dma_start3A_73 : memref<2x128xi32, #tpu.memory_space<hbm>>) target(%arg15 : memref<2x128xi32, #tpu.memory_space<vmem>>) target_semaphore(%run_scoped3A : memref<!tpu.dma_semaphore, #tpu.memory_space<semaphore_mem>>)
      %dma_wait3A_74 = arith.constant 0 : i32
      %dma_wait3A_75 = tpu.memref_slice %arg5[%mul3A_6, %dma_wait3A_74] : memref<2500x128xi32, #tpu.memory_space<hbm>> -> memref<2x128xi32, #tpu.memory_space<hbm>>
      %dma_wait3A_76 = arith.constant 0 : i32
      %dma_wait3A_77 = tpu.memref_slice %arg5[%mul3A_6, %dma_wait3A_76] : memref<2500x128xi32, #tpu.memory_space<hbm>> -> memref<2x128xi32, #tpu.memory_space<hbm>>
      tpu.wait_dma2 semaphore(%run_scoped3A : memref<!tpu.dma_semaphore, #tpu.memory_space<semaphore_mem>>) src(%dma_wait3A_77 : memref<2x128xi32, #tpu.memory_space<hbm>>) dst(%arg15 : memref<2x128xi32, #tpu.memory_space<vmem>>)
      tpu.yield
    }) : () -> ()
    %mul3A_7 = arith.constant 2 : i32
    %mul3A_8 = arith.muli %add3A, %mul3A_7 : i32
    "tpu.region"() ({
      %run_scoped3A = tpu.sem_alloc : memref<!tpu.dma_semaphore, #tpu.memory_space<semaphore_mem>>
      %dma_start3A_70 = arith.constant 0 : i32
      %dma_start3A_71 = tpu.memref_slice %arg6[%mul3A_8, %dma_start3A_70] : memref<2500x128xi32, #tpu.memory_space<hbm>> -> memref<2x128xi32, #tpu.memory_space<hbm>>
      %dma_start3A_72 = arith.constant 0 : i32
      %dma_start3A_73 = tpu.memref_slice %arg6[%mul3A_8, %dma_start3A_72] : memref<2500x128xi32, #tpu.memory_space<hbm>> -> memref<2x128xi32, #tpu.memory_space<hbm>>
      tpu.enqueue_dma source(%dma_start3A_73 : memref<2x128xi32, #tpu.memory_space<hbm>>) target(%arg17 : memref<2x128xi32, #tpu.memory_space<vmem>>) target_semaphore(%run_scoped3A : memref<!tpu.dma_semaphore, #tpu.memory_space<semaphore_mem>>)
      %dma_wait3A_74 = arith.constant 0 : i32
      %dma_wait3A_75 = tpu.memref_slice %arg6[%mul3A_8, %dma_wait3A_74] : memref<2500x128xi32, #tpu.memory_space<hbm>> -> memref<2x128xi32, #tpu.memory_space<hbm>>
      %dma_wait3A_76 = arith.constant 0 : i32
      %dma_wait3A_77 = tpu.memref_slice %arg6[%mul3A_8, %dma_wait3A_76] : memref<2500x128xi32, #tpu.memory_space<hbm>> -> memref<2x128xi32, #tpu.memory_space<hbm>>
      tpu.wait_dma2 semaphore(%run_scoped3A : memref<!tpu.dma_semaphore, #tpu.memory_space<semaphore_mem>>) src(%dma_wait3A_77 : memref<2x128xi32, #tpu.memory_space<hbm>>) dst(%arg17 : memref<2x128xi32, #tpu.memory_space<vmem>>)
      tpu.yield
    }) : () -> ()
    %dma_start3A = arith.constant 0 : i32
    %dma_start3A_9 = arith.constant 0 : i32
    %dma_start3A_10 = arith.constant 0 : i32
    %dma_start3A_11 = tpu.memref_slice %arg9[%dma_start3A_9, %dma_start3A_10] : memref<256x48xf32, #tpu.memory_space<vmem>> -> memref<128x48xf32, #tpu.memory_space<vmem>>
    %dma_start3A_12 = arith.constant 0 : i32
    %dma_start3A_13 = tpu.memref_slice %arg15[%dma_start3A, %dma_start3A_12] : memref<2x128xi32, #tpu.memory_space<vmem>> -> memref<1x128xi32, #tpu.memory_space<vmem>>
    %dma_start3A_14 = tpu.memref_squeeze %dma_start3A_13 : memref<1x128xi32, #tpu.memory_space<vmem>> -> memref<128xi32, #tpu.memory_space<vmem>>
    %dma_start3A_15 = arith.constant 0 : i32
    %dma_start3A_16 = arith.constant 0 : i32
    %dma_start3A_17 = tpu.memref_slice %arg2[%dma_start3A_15, %dma_start3A_16] : memref<10000x48xf32, #tpu.memory_space<hbm>> -> memref<10000x48xf32, #tpu.memory_space<hbm>>
    tpu.enqueue_indirect_dma source(%dma_start3A_17 : memref<10000x48xf32, #tpu.memory_space<hbm>>) target(%dma_start3A_11 : memref<128x48xf32, #tpu.memory_space<vmem>>) offsets(%dma_start3A_14 : memref<128xi32, #tpu.memory_space<vmem>>) semaphore(%arg20 : memref<!tpu.dma_semaphore, #tpu.memory_space<semaphore_mem>>)
    %dma_start3A_18 = arith.constant 0 : i32
    %dma_start3A_19 = arith.constant 0 : i32
    %dma_start3A_20 = arith.constant 0 : i32
    %dma_start3A_21 = tpu.memref_slice %arg11[%dma_start3A_19, %dma_start3A_20] : memref<256x8xf32, #tpu.memory_space<vmem>> -> memref<128x8xf32, #tpu.memory_space<vmem>>
    %dma_start3A_22 = arith.constant 0 : i32
    %dma_start3A_23 = tpu.memref_slice %arg17[%dma_start3A_18, %dma_start3A_22] : memref<2x128xi32, #tpu.memory_space<vmem>> -> memref<1x128xi32, #tpu.memory_space<vmem>>
    %dma_start3A_24 = tpu.memref_squeeze %dma_start3A_23 : memref<1x128xi32, #tpu.memory_space<vmem>> -> memref<128xi32, #tpu.memory_space<vmem>>
    %dma_start3A_25 = arith.constant 0 : i32
    %dma_start3A_26 = arith.constant 0 : i32
    %dma_start3A_27 = tpu.memref_slice %arg3[%dma_start3A_25, %dma_start3A_26] : memref<10000x8xf32, #tpu.memory_space<hbm>> -> memref<10000x8xf32, #tpu.memory_space<hbm>>
    tpu.enqueue_indirect_dma source(%dma_start3A_27 : memref<10000x8xf32, #tpu.memory_space<hbm>>) target(%dma_start3A_21 : memref<128x8xf32, #tpu.memory_space<vmem>>) offsets(%dma_start3A_24 : memref<128xi32, #tpu.memory_space<vmem>>) semaphore(%arg22 : memref<!tpu.dma_semaphore, #tpu.memory_space<semaphore_mem>>)
    %dma_start3A_28 = arith.constant 1 : i32
    %dma_start3A_29 = arith.constant 128 : i32
    %dma_start3A_30 = arith.constant 0 : i32
    %dma_start3A_31 = tpu.memref_slice %arg9[%dma_start3A_29, %dma_start3A_30] : memref<256x48xf32, #tpu.memory_space<vmem>> -> memref<128x48xf32, #tpu.memory_space<vmem>>
    %dma_start3A_32 = arith.constant 0 : i32
    %dma_start3A_33 = tpu.memref_slice %arg15[%dma_start3A_28, %dma_start3A_32] : memref<2x128xi32, #tpu.memory_space<vmem>> -> memref<1x128xi32, #tpu.memory_space<vmem>>
    %dma_start3A_34 = tpu.memref_squeeze %dma_start3A_33 : memref<1x128xi32, #tpu.memory_space<vmem>> -> memref<128xi32, #tpu.memory_space<vmem>>
    %dma_start3A_35 = arith.constant 0 : i32
    %dma_start3A_36 = arith.constant 0 : i32
    %dma_start3A_37 = tpu.memref_slice %arg2[%dma_start3A_35, %dma_start3A_36] : memref<10000x48xf32, #tpu.memory_space<hbm>> -> memref<10000x48xf32, #tpu.memory_space<hbm>>
    tpu.enqueue_indirect_dma source(%dma_start3A_37 : memref<10000x48xf32, #tpu.memory_space<hbm>>) target(%dma_start3A_31 : memref<128x48xf32, #tpu.memory_space<vmem>>) offsets(%dma_start3A_34 : memref<128xi32, #tpu.memory_space<vmem>>) semaphore(%arg20 : memref<!tpu.dma_semaphore, #tpu.memory_space<semaphore_mem>>)
    %dma_start3A_38 = arith.constant 1 : i32
    %dma_start3A_39 = arith.constant 128 : i32
    %dma_start3A_40 = arith.constant 0 : i32
    %dma_start3A_41 = tpu.memref_slice %arg11[%dma_start3A_39, %dma_start3A_40] : memref<256x8xf32, #tpu.memory_space<vmem>> -> memref<128x8xf32, #tpu.memory_space<vmem>>
    %dma_start3A_42 = arith.constant 0 : i32
    %dma_start3A_43 = tpu.memref_slice %arg17[%dma_start3A_38, %dma_start3A_42] : memref<2x128xi32, #tpu.memory_space<vmem>> -> memref<1x128xi32, #tpu.memory_space<vmem>>
    %dma_start3A_44 = tpu.memref_squeeze %dma_start3A_43 : memref<1x128xi32, #tpu.memory_space<vmem>> -> memref<128xi32, #tpu.memory_space<vmem>>
    %dma_start3A_45 = arith.constant 0 : i32
    %dma_start3A_46 = arith.constant 0 : i32
    %dma_start3A_47 = tpu.memref_slice %arg3[%dma_start3A_45, %dma_start3A_46] : memref<10000x8xf32, #tpu.memory_space<hbm>> -> memref<10000x8xf32, #tpu.memory_space<hbm>>
    tpu.enqueue_indirect_dma source(%dma_start3A_47 : memref<10000x8xf32, #tpu.memory_space<hbm>>) target(%dma_start3A_41 : memref<128x8xf32, #tpu.memory_space<vmem>>) offsets(%dma_start3A_44 : memref<128xi32, #tpu.memory_space<vmem>>) semaphore(%arg22 : memref<!tpu.dma_semaphore, #tpu.memory_space<semaphore_mem>>)
    %scan3A = arith.constant 0 : i32
    %scan3A_48 = arith.constant 0 : i32
    %scan3A_49 = arith.constant 20 : i32
    %scan3A_50 = arith.addi %scan3A_48, %scan3A_49 : i32
    %scan3A_51 = arith.constant 1 : i32
    scf.for %scan3A_70 = %scan3A_48 to %scan3A_50 step %scan3A_51  : i32 {
      %mul3A_71 = arith.constant 2 : i32
      %mul3A_72 = arith.muli %mul3A_71, %scan3A_70 : i32
      %add3A_73 = arith.constant 0 : i32
      %add3A_74 = arith.addi %mul3A_72, %add3A_73 : i32
      %add3A_75 = arith.constant 1 : i32
      %add3A_76 = arith.addi %add3A_74, %add3A_75 : i32
      %mul3A_77 = arith.constant 32 : i32
      %mul3A_78 = arith.muli %mul3A_77, %add3A_76 : i32
      %add3A_79 = arith.addi %add3A, %mul3A_78 : i32
      %mul3A_80 = arith.constant 32 : i32
      %mul3A_81 = arith.muli %mul3A_80, %add3A_74 : i32
      %add3A_82 = arith.addi %add3A, %mul3A_81 : i32
      %lt3A = arith.constant 1250 : i32
      %lt3A_83 = arith.cmpi slt, %add3A_79, %lt3A : i32
      %convert_element_type3A_84 = arith.extui %lt3A_83 : i1 to i32
      %cond3A_85 = arith.constant 0 : i32
      %cond3A_86 = arith.cmpi ne, %convert_element_type3A_84, %cond3A_85 : i32
      scf.if %cond3A_86 {
        %ge3A = arith.constant 1 : i32
        %ge3A_114 = arith.cmpi sge, %scan3A_70, %ge3A : i32
        %convert_element_type3A_115 = arith.extui %ge3A_114 : i1 to i32
        %cond3A_116 = arith.constant 0 : i32
        %cond3A_117 = arith.cmpi ne, %convert_element_type3A_115, %cond3A_116 : i32
        scf.if %cond3A_117 {
          %dma_wait3A_162 = arith.constant 0 : i32
          %dma_wait3A_163 = arith.constant 0 : i32
          %dma_wait3A_164 = tpu.memref_slice %arg2[%dma_wait3A_162, %dma_wait3A_163] : memref<10000x48xf32, #tpu.memory_space<hbm>> -> memref<256x48xf32, #tpu.memory_space<hbm>>
          %dma_wait3A_165 = arith.constant 0 : i32
          %dma_wait3A_166 = arith.constant 0 : i32
          %dma_wait3A_167 = tpu.memref_slice %arg2[%dma_wait3A_165, %dma_wait3A_166] : memref<10000x48xf32, #tpu.memory_space<hbm>> -> memref<256x48xf32, #tpu.memory_space<hbm>>
          tpu.wait_dma2 semaphore(%arg25 : memref<!tpu.dma_semaphore, #tpu.memory_space<semaphore_mem>>) src(%dma_wait3A_167 : memref<256x48xf32, #tpu.memory_space<hbm>>) dst(%arg10 : memref<256x48xf32, #tpu.memory_space<vmem>>)
        } else {
        }
        %mul3A_118 = arith.constant 2 : i32
        %mul3A_119 = arith.muli %add3A_79, %mul3A_118 : i32
        "tpu.region"() ({
          %run_scoped3A = tpu.sem_alloc : memref<!tpu.dma_semaphore, #tpu.memory_space<semaphore_mem>>
          %dma_start3A_162 = arith.constant 0 : i32
          %dma_start3A_163 = tpu.memref_slice %arg5[%mul3A_119, %dma_start3A_162] : memref<2500x128xi32, #tpu.memory_space<hbm>> -> memref<2x128xi32, #tpu.memory_space<hbm>>
          %dma_start3A_164 = arith.constant 0 : i32
          %dma_start3A_165 = tpu.memref_slice %arg5[%mul3A_119, %dma_start3A_164] : memref<2500x128xi32, #tpu.memory_space<hbm>> -> memref<2x128xi32, #tpu.memory_space<hbm>>
          tpu.enqueue_dma source(%dma_start3A_165 : memref<2x128xi32, #tpu.memory_space<hbm>>) target(%arg16 : memref<2x128xi32, #tpu.memory_space<vmem>>) target_semaphore(%run_scoped3A : memref<!tpu.dma_semaphore, #tpu.memory_space<semaphore_mem>>)
          %dma_wait3A_166 = arith.constant 0 : i32
          %dma_wait3A_167 = tpu.memref_slice %arg5[%mul3A_119, %dma_wait3A_166] : memref<2500x128xi32, #tpu.memory_space<hbm>> -> memref<2x128xi32, #tpu.memory_space<hbm>>
          %dma_wait3A_168 = arith.constant 0 : i32
          %dma_wait3A_169 = tpu.memref_slice %arg5[%mul3A_119, %dma_wait3A_168] : memref<2500x128xi32, #tpu.memory_space<hbm>> -> memref<2x128xi32, #tpu.memory_space<hbm>>
          tpu.wait_dma2 semaphore(%run_scoped3A : memref<!tpu.dma_semaphore, #tpu.memory_space<semaphore_mem>>) src(%dma_wait3A_169 : memref<2x128xi32, #tpu.memory_space<hbm>>) dst(%arg16 : memref<2x128xi32, #tpu.memory_space<vmem>>)
          tpu.yield
        }) : () -> ()
        %mul3A_120 = arith.constant 2 : i32
        %mul3A_121 = arith.muli %add3A_79, %mul3A_120 : i32
        "tpu.region"() ({
          %run_scoped3A = tpu.sem_alloc : memref<!tpu.dma_semaphore, #tpu.memory_space<semaphore_mem>>
          %dma_start3A_162 = arith.constant 0 : i32
          %dma_start3A_163 = tpu.memref_slice %arg6[%mul3A_121, %dma_start3A_162] : memref<2500x128xi32, #tpu.memory_space<hbm>> -> memref<2x128xi32, #tpu.memory_space<hbm>>
          %dma_start3A_164 = arith.constant 0 : i32
          %dma_start3A_165 = tpu.memref_slice %arg6[%mul3A_121, %dma_start3A_164] : memref<2500x128xi32, #tpu.memory_space<hbm>> -> memref<2x128xi32, #tpu.memory_space<hbm>>
          tpu.enqueue_dma source(%dma_start3A_165 : memref<2x128xi32, #tpu.memory_space<hbm>>) target(%arg18 : memref<2x128xi32, #tpu.memory_space<vmem>>) target_semaphore(%run_scoped3A : memref<!tpu.dma_semaphore, #tpu.memory_space<semaphore_mem>>)
          %dma_wait3A_166 = arith.constant 0 : i32
          %dma_wait3A_167 = tpu.memref_slice %arg6[%mul3A_121, %dma_wait3A_166] : memref<2500x128xi32, #tpu.memory_space<hbm>> -> memref<2x128xi32, #tpu.memory_space<hbm>>
          %dma_wait3A_168 = arith.constant 0 : i32
          %dma_wait3A_169 = tpu.memref_slice %arg6[%mul3A_121, %dma_wait3A_168] : memref<2500x128xi32, #tpu.memory_space<hbm>> -> memref<2x128xi32, #tpu.memory_space<hbm>>
          tpu.wait_dma2 semaphore(%run_scoped3A : memref<!tpu.dma_semaphore, #tpu.memory_space<semaphore_mem>>) src(%dma_wait3A_169 : memref<2x128xi32, #tpu.memory_space<hbm>>) dst(%arg18 : memref<2x128xi32, #tpu.memory_space<vmem>>)
          tpu.yield
        }) : () -> ()
        %dma_start3A_122 = arith.constant 0 : i32
        %dma_start3A_123 = arith.constant 0 : i32
        %dma_start3A_124 = arith.constant 0 : i32
        %dma_start3A_125 = tpu.memref_slice %arg10[%dma_start3A_123, %dma_start3A_124] : memref<256x48xf32, #tpu.memory_space<vmem>> -> memref<128x48xf32, #tpu.memory_space<vmem>>
        %dma_start3A_126 = arith.constant 0 : i32
        %dma_start3A_127 = tpu.memref_slice %arg16[%dma_start3A_122, %dma_start3A_126] : memref<2x128xi32, #tpu.memory_space<vmem>> -> memref<1x128xi32, #tpu.memory_space<vmem>>
        %dma_start3A_128 = tpu.memref_squeeze %dma_start3A_127 : memref<1x128xi32, #tpu.memory_space<vmem>> -> memref<128xi32, #tpu.memory_space<vmem>>
        %dma_start3A_129 = arith.constant 0 : i32
        %dma_start3A_130 = arith.constant 0 : i32
        %dma_start3A_131 = tpu.memref_slice %arg2[%dma_start3A_129, %dma_start3A_130] : memref<10000x48xf32, #tpu.memory_space<hbm>> -> memref<10000x48xf32, #tpu.memory_space<hbm>>
        tpu.enqueue_indirect_dma source(%dma_start3A_131 : memref<10000x48xf32, #tpu.memory_space<hbm>>) target(%dma_start3A_125 : memref<128x48xf32, #tpu.memory_space<vmem>>) offsets(%dma_start3A_128 : memref<128xi32, #tpu.memory_space<vmem>>) semaphore(%arg21 : memref<!tpu.dma_semaphore, #tpu.memory_space<semaphore_mem>>)
        %dma_start3A_132 = arith.constant 0 : i32
        %dma_start3A_133 = arith.constant 0 : i32
        %dma_start3A_134 = arith.constant 0 : i32
        %dma_start3A_135 = tpu.memref_slice %arg12[%dma_start3A_133, %dma_start3A_134] : memref<256x8xf32, #tpu.memory_space<vmem>> -> memref<128x8xf32, #tpu.memory_space<vmem>>
        %dma_start3A_136 = arith.constant 0 : i32
        %dma_start3A_137 = tpu.memref_slice %arg18[%dma_start3A_132, %dma_start3A_136] : memref<2x128xi32, #tpu.memory_space<vmem>> -> memref<1x128xi32, #tpu.memory_space<vmem>>
        %dma_start3A_138 = tpu.memref_squeeze %dma_start3A_137 : memref<1x128xi32, #tpu.memory_space<vmem>> -> memref<128xi32, #tpu.memory_space<vmem>>
        %dma_start3A_139 = arith.constant 0 : i32
        %dma_start3A_140 = arith.constant 0 : i32
        %dma_start3A_141 = tpu.memref_slice %arg3[%dma_start3A_139, %dma_start3A_140] : memref<10000x8xf32, #tpu.memory_space<hbm>> -> memref<10000x8xf32, #tpu.memory_space<hbm>>
        tpu.enqueue_indirect_dma source(%dma_start3A_141 : memref<10000x8xf32, #tpu.memory_space<hbm>>) target(%dma_start3A_135 : memref<128x8xf32, #tpu.memory_space<vmem>>) offsets(%dma_start3A_138 : memref<128xi32, #tpu.memory_space<vmem>>) semaphore(%arg23 : memref<!tpu.dma_semaphore, #tpu.memory_space<semaphore_mem>>)
        %dma_start3A_142 = arith.constant 1 : i32
        %dma_start3A_143 = arith.constant 128 : i32
        %dma_start3A_144 = arith.constant 0 : i32
        %dma_start3A_145 = tpu.memref_slice %arg10[%dma_start3A_143, %dma_start3A_144] : memref<256x48xf32, #tpu.memory_space<vmem>> -> memref<128x48xf32, #tpu.memory_space<vmem>>
        %dma_start3A_146 = arith.constant 0 : i32
        %dma_start3A_147 = tpu.memref_slice %arg16[%dma_start3A_142, %dma_start3A_146] : memref<2x128xi32, #tpu.memory_space<vmem>> -> memref<1x128xi32, #tpu.memory_space<vmem>>
        %dma_start3A_148 = tpu.memref_squeeze %dma_start3A_147 : memref<1x128xi32, #tpu.memory_space<vmem>> -> memref<128xi32, #tpu.memory_space<vmem>>
        %dma_start3A_149 = arith.constant 0 : i32
        %dma_start3A_150 = arith.constant 0 : i32
        %dma_start3A_151 = tpu.memref_slice %arg2[%dma_start3A_149, %dma_start3A_150] : memref<10000x48xf32, #tpu.memory_space<hbm>> -> memref<10000x48xf32, #tpu.memory_space<hbm>>
        tpu.enqueue_indirect_dma source(%dma_start3A_151 : memref<10000x48xf32, #tpu.memory_space<hbm>>) target(%dma_start3A_145 : memref<128x48xf32, #tpu.memory_space<vmem>>) offsets(%dma_start3A_148 : memref<128xi32, #tpu.memory_space<vmem>>) semaphore(%arg21 : memref<!tpu.dma_semaphore, #tpu.memory_space<semaphore_mem>>)
        %dma_start3A_152 = arith.constant 1 : i32
        %dma_start3A_153 = arith.constant 128 : i32
        %dma_start3A_154 = arith.constant 0 : i32
        %dma_start3A_155 = tpu.memref_slice %arg12[%dma_start3A_153, %dma_start3A_154] : memref<256x8xf32, #tpu.memory_space<vmem>> -> memref<128x8xf32, #tpu.memory_space<vmem>>
        %dma_start3A_156 = arith.constant 0 : i32
        %dma_start3A_157 = tpu.memref_slice %arg18[%dma_start3A_152, %dma_start3A_156] : memref<2x128xi32, #tpu.memory_space<vmem>> -> memref<1x128xi32, #tpu.memory_space<vmem>>
        %dma_start3A_158 = tpu.memref_squeeze %dma_start3A_157 : memref<1x128xi32, #tpu.memory_space<vmem>> -> memref<128xi32, #tpu.memory_space<vmem>>
        %dma_start3A_159 = arith.constant 0 : i32
        %dma_start3A_160 = arith.constant 0 : i32
        %dma_start3A_161 = tpu.memref_slice %arg3[%dma_start3A_159, %dma_start3A_160] : memref<10000x8xf32, #tpu.memory_space<hbm>> -> memref<10000x8xf32, #tpu.memory_space<hbm>>
        tpu.enqueue_indirect_dma source(%dma_start3A_161 : memref<10000x8xf32, #tpu.memory_space<hbm>>) target(%dma_start3A_155 : memref<128x8xf32, #tpu.memory_space<vmem>>) offsets(%dma_start3A_158 : memref<128xi32, #tpu.memory_space<vmem>>) semaphore(%arg23 : memref<!tpu.dma_semaphore, #tpu.memory_space<semaphore_mem>>)
      } else {
      }
      %lt3A_87 = arith.constant 1250 : i32
      %lt3A_88 = arith.cmpi slt, %add3A_82, %lt3A_87 : i32
      %convert_element_type3A_89 = arith.extui %lt3A_88 : i1 to i32
      %cond3A_90 = arith.constant 0 : i32
      %cond3A_91 = arith.cmpi ne, %convert_element_type3A_89, %cond3A_90 : i32
      scf.if %cond3A_91 {
        %dma_wait3A_114 = arith.constant 0 : i32
        %dma_wait3A_115 = arith.constant 0 : i32
        %dma_wait3A_116 = tpu.memref_slice %arg2[%dma_wait3A_114, %dma_wait3A_115] : memref<10000x48xf32, #tpu.memory_space<hbm>> -> memref<256x48xf32, #tpu.memory_space<hbm>>
        %dma_wait3A_117 = arith.constant 0 : i32
        %dma_wait3A_118 = arith.constant 0 : i32
        %dma_wait3A_119 = tpu.memref_slice %arg2[%dma_wait3A_117, %dma_wait3A_118] : memref<10000x48xf32, #tpu.memory_space<hbm>> -> memref<256x48xf32, #tpu.memory_space<hbm>>
        tpu.wait_dma2 semaphore(%arg20 : memref<!tpu.dma_semaphore, #tpu.memory_space<semaphore_mem>>) src(%dma_wait3A_119 : memref<256x48xf32, #tpu.memory_space<hbm>>) dst(%arg9 : memref<256x48xf32, #tpu.memory_space<vmem>>)
        %dma_wait3A_120 = arith.constant 0 : i32
        %dma_wait3A_121 = arith.constant 0 : i32
        %dma_wait3A_122 = tpu.memref_slice %arg3[%dma_wait3A_120, %dma_wait3A_121] : memref<10000x8xf32, #tpu.memory_space<hbm>> -> memref<256x8xf32, #tpu.memory_space<hbm>>
        %dma_wait3A_123 = arith.constant 0 : i32
        %dma_wait3A_124 = arith.constant 0 : i32
        %dma_wait3A_125 = tpu.memref_slice %arg3[%dma_wait3A_123, %dma_wait3A_124] : memref<10000x8xf32, #tpu.memory_space<hbm>> -> memref<256x8xf32, #tpu.memory_space<hbm>>
        tpu.wait_dma2 semaphore(%arg22 : memref<!tpu.dma_semaphore, #tpu.memory_space<semaphore_mem>>) src(%dma_wait3A_125 : memref<256x8xf32, #tpu.memory_space<hbm>>) dst(%arg11 : memref<256x8xf32, #tpu.memory_space<vmem>>)
        %scan3A_126 = arith.constant 0 : i32
        %scan3A_127 = arith.constant 0 : i32
        %scan3A_128 = arith.constant 16 : i32
        %scan3A_129 = arith.addi %scan3A_127, %scan3A_128 : i32
        %scan3A_130 = arith.constant 4 : i32
        scf.for %scan3A_158 = %scan3A_127 to %scan3A_129 step %scan3A_130  : i32 {
          %iota3A = tpu.iota {dimensions = array<i32: 0>} : vector<16xi32>
          %mul3A_159 = arith.constant 0 : i32
          %mul3A_160 = vector.broadcast %mul3A_159 : i32 to vector<16xi32>
          %mul3A_161 = arith.muli %iota3A, %mul3A_160 : vector<16xi32>
          %get3A = arith.constant 0 : index
          %get3A_162 = tpu.vector_load %arg14[%get3A] {strides = array<i32>} : memref<16xf32, #tpu.memory_space<vmem>>, vector<16xf32>,
          %mul3A_163 = arith.constant 16 : i32
          %mul3A_164 = arith.muli %mul3A_163, %scan3A_158 : i32
          %add3A_165 = vector.broadcast %mul3A_164 : i32 to vector<16xi32>
          %add3A_166 = arith.addi %add3A_165, %iota3A : vector<16xi32>
          %add3A_167 = arith.constant 40 : i32
          %add3A_168 = vector.broadcast %add3A_167 : i32 to vector<16xi32>
          %add3A_169 = arith.addi %mul3A_161, %add3A_168 : vector<16xi32>
          %gather3A = tpu.vector_load_idx %arg9[%add3A_166, %add3A_169] : memref<256x48xf32, #tpu.memory_space<vmem>>[vector<16xi32>, vector<16xi32>], vector<16xf32>,
          %gather3A_170 = tpu.vector_load_idx %arg11[%add3A_166, %mul3A_161] : memref<256x8xf32, #tpu.memory_space<vmem>>[vector<16xi32>, vector<16xi32>], vector<16xf32>,
          %add3A_171 = arith.addf %gather3A, %gather3A_170 : vector<16xf32>
          %mul3A_172 = arith.constant 2.000000e-01 : f32
          %mul3A_173 = vector.broadcast %mul3A_172 : f32 to vector<16xf32>
          %mul3A_174 = arith.mulf %mul3A_173, %add3A_171 : vector<16xf32>
          %max3A = arith.maximumf %add3A_171, %mul3A_174 : vector<16xf32>
          %sub3A = arith.subf %max3A, %get3A_162 : vector<16xf32>
          %exp3A = math.exp %sub3A : vector<16xf32>
          %mul3A_175 = arith.constant 16 : i32
          %mul3A_176 = arith.muli %mul3A_175, %scan3A_158 : i32
          %swap3A = arith.index_cast %mul3A_176 : i32 to index
          %swap3A_177 = tpu.vector_load %arg13[%swap3A] {strides = array<i32>} : memref<2048xf32, #tpu.memory_space<vmem>>, vector<16xf32>,
          tpu.vector_store %arg13[%swap3A], %exp3A {strides = array<i32>} : memref<2048xf32, #tpu.memory_space<vmem>>, vector<16xf32>,
          %scan3A_178 = arith.constant 1 : i32
          %scan3A_179 = arith.addi %scan3A_158, %scan3A_178 : i32
          %iota3A_180 = tpu.iota {dimensions = array<i32: 0>} : vector<16xi32>
          %mul3A_181 = arith.constant 0 : i32
          %mul3A_182 = vector.broadcast %mul3A_181 : i32 to vector<16xi32>
          %mul3A_183 = arith.muli %iota3A_180, %mul3A_182 : vector<16xi32>
          %get3A_184 = arith.constant 0 : index
          %get3A_185 = tpu.vector_load %arg14[%get3A_184] {strides = array<i32>} : memref<16xf32, #tpu.memory_space<vmem>>, vector<16xf32>,
          %mul3A_186 = arith.constant 16 : i32
          %mul3A_187 = arith.muli %mul3A_186, %scan3A_179 : i32
          %add3A_188 = vector.broadcast %mul3A_187 : i32 to vector<16xi32>
          %add3A_189 = arith.addi %add3A_188, %iota3A_180 : vector<16xi32>
          %add3A_190 = arith.constant 40 : i32
          %add3A_191 = vector.broadcast %add3A_190 : i32 to vector<16xi32>
          %add3A_192 = arith.addi %mul3A_183, %add3A_191 : vector<16xi32>
          %gather3A_193 = tpu.vector_load_idx %arg9[%add3A_189, %add3A_192] : memref<256x48xf32, #tpu.memory_space<vmem>>[vector<16xi32>, vector<16xi32>], vector<16xf32>,
          %gather3A_194 = tpu.vector_load_idx %arg11[%add3A_189, %mul3A_183] : memref<256x8xf32, #tpu.memory_space<vmem>>[vector<16xi32>, vector<16xi32>], vector<16xf32>,
          %add3A_195 = arith.addf %gather3A_193, %gather3A_194 : vector<16xf32>
          %mul3A_196 = arith.constant 2.000000e-01 : f32
          %mul3A_197 = vector.broadcast %mul3A_196 : f32 to vector<16xf32>
          %mul3A_198 = arith.mulf %mul3A_197, %add3A_195 : vector<16xf32>
          %max3A_199 = arith.maximumf %add3A_195, %mul3A_198 : vector<16xf32>
          %sub3A_200 = arith.subf %max3A_199, %get3A_185 : vector<16xf32>
          %exp3A_201 = math.exp %sub3A_200 : vector<16xf32>
          %mul3A_202 = arith.constant 16 : i32
          %mul3A_203 = arith.muli %mul3A_202, %scan3A_179 : i32
          %swap3A_204 = arith.index_cast %mul3A_203 : i32 to index
          %swap3A_205 = tpu.vector_load %arg13[%swap3A_204] {strides = array<i32>} : memref<2048xf32, #tpu.memory_space<vmem>>, vector<16xf32>,
          tpu.vector_store %arg13[%swap3A_204], %exp3A_201 {strides = array<i32>} : memref<2048xf32, #tpu.memory_space<vmem>>, vector<16xf32>,
          %scan3A_206 = arith.constant 2 : i32
          %scan3A_207 = arith.addi %scan3A_158, %scan3A_206 : i32
          %iota3A_208 = tpu.iota {dimensions = array<i32: 0>} : vector<16xi32>
          %mul3A_209 = arith.constant 0 : i32
          %mul3A_210 = vector.broadcast %mul3A_209 : i32 to vector<16xi32>
          %mul3A_211 = arith.muli %iota3A_208, %mul3A_210 : vector<16xi32>
          %get3A_212 = arith.constant 0 : index
          %get3A_213 = tpu.vector_load %arg14[%get3A_212] {strides = array<i32>} : memref<16xf32, #tpu.memory_space<vmem>>, vector<16xf32>,
          %mul3A_214 = arith.constant 16 : i32
          %mul3A_215 = arith.muli %mul3A_214, %scan3A_207 : i32
          %add3A_216 = vector.broadcast %mul3A_215 : i32 to vector<16xi32>
          %add3A_217 = arith.addi %add3A_216, %iota3A_208 : vector<16xi32>
          %add3A_218 = arith.constant 40 : i32
          %add3A_219 = vector.broadcast %add3A_218 : i32 to vector<16xi32>
          %add3A_220 = arith.addi %mul3A_211, %add3A_219 : vector<16xi32>
          %gather3A_221 = tpu.vector_load_idx %arg9[%add3A_217, %add3A_220] : memref<256x48xf32, #tpu.memory_space<vmem>>[vector<16xi32>, vector<16xi32>], vector<16xf32>,
          %gather3A_222 = tpu.vector_load_idx %arg11[%add3A_217, %mul3A_211] : memref<256x8xf32, #tpu.memory_space<vmem>>[vector<16xi32>, vector<16xi32>], vector<16xf32>,
          %add3A_223 = arith.addf %gather3A_221, %gather3A_222 : vector<16xf32>
          %mul3A_224 = arith.constant 2.000000e-01 : f32
          %mul3A_225 = vector.broadcast %mul3A_224 : f32 to vector<16xf32>
          %mul3A_226 = arith.mulf %mul3A_225, %add3A_223 : vector<16xf32>
          %max3A_227 = arith.maximumf %add3A_223, %mul3A_226 : vector<16xf32>
          %sub3A_228 = arith.subf %max3A_227, %get3A_213 : vector<16xf32>
          %exp3A_229 = math.exp %sub3A_228 : vector<16xf32>
          %mul3A_230 = arith.constant 16 : i32
          %mul3A_231 = arith.muli %mul3A_230, %scan3A_207 : i32
          %swap3A_232 = arith.index_cast %mul3A_231 : i32 to index
          %swap3A_233 = tpu.vector_load %arg13[%swap3A_232] {strides = array<i32>} : memref<2048xf32, #tpu.memory_space<vmem>>, vector<16xf32>,
          tpu.vector_store %arg13[%swap3A_232], %exp3A_229 {strides = array<i32>} : memref<2048xf32, #tpu.memory_space<vmem>>, vector<16xf32>,
          %scan3A_234 = arith.constant 3 : i32
          %scan3A_235 = arith.addi %scan3A_158, %scan3A_234 : i32
          %iota3A_236 = tpu.iota {dimensions = array<i32: 0>} : vector<16xi32>
          %mul3A_237 = arith.constant 0 : i32
          %mul3A_238 = vector.broadcast %mul3A_237 : i32 to vector<16xi32>
          %mul3A_239 = arith.muli %iota3A_236, %mul3A_238 : vector<16xi32>
          %get3A_240 = arith.constant 0 : index
          %get3A_241 = tpu.vector_load %arg14[%get3A_240] {strides = array<i32>} : memref<16xf32, #tpu.memory_space<vmem>>, vector<16xf32>,
          %mul3A_242 = arith.constant 16 : i32
          %mul3A_243 = arith.muli %mul3A_242, %scan3A_235 : i32
          %add3A_244 = vector.broadcast %mul3A_243 : i32 to vector<16xi32>
          %add3A_245 = arith.addi %add3A_244, %iota3A_236 : vector<16xi32>
          %add3A_246 = arith.constant 40 : i32
          %add3A_247 = vector.broadcast %add3A_246 : i32 to vector<16xi32>
          %add3A_248 = arith.addi %mul3A_239, %add3A_247 : vector<16xi32>
          %gather3A_249 = tpu.vector_load_idx %arg9[%add3A_245, %add3A_248] : memref<256x48xf32, #tpu.memory_space<vmem>>[vector<16xi32>, vector<16xi32>], vector<16xf32>,
          %gather3A_250 = tpu.vector_load_idx %arg11[%add3A_245, %mul3A_239] : memref<256x8xf32, #tpu.memory_space<vmem>>[vector<16xi32>, vector<16xi32>], vector<16xf32>,
          %add3A_251 = arith.addf %gather3A_249, %gather3A_250 : vector<16xf32>
          %mul3A_252 = arith.constant 2.000000e-01 : f32
          %mul3A_253 = vector.broadcast %mul3A_252 : f32 to vector<16xf32>
          %mul3A_254 = arith.mulf %mul3A_253, %add3A_251 : vector<16xf32>
          %max3A_255 = arith.maximumf %add3A_251, %mul3A_254 : vector<16xf32>
          %sub3A_256 = arith.subf %max3A_255, %get3A_241 : vector<16xf32>
          %exp3A_257 = math.exp %sub3A_256 : vector<16xf32>
          %mul3A_258 = arith.constant 16 : i32
          %mul3A_259 = arith.muli %mul3A_258, %scan3A_235 : i32
          %swap3A_260 = arith.index_cast %mul3A_259 : i32 to index
          %swap3A_261 = tpu.vector_load %arg13[%swap3A_260] {strides = array<i32>} : memref<2048xf32, #tpu.memory_space<vmem>>, vector<16xf32>,
          tpu.vector_store %arg13[%swap3A_260], %exp3A_257 {strides = array<i32>} : memref<2048xf32, #tpu.memory_space<vmem>>, vector<16xf32>,
        }
        %scan3A_131 = arith.constant 16 : i32
        %scan3A_132 = arith.constant 0 : i32
        %scan3A_133 = arith.constant 0 : i32
        %scan3A_134 = arith.constant 256 : i32
        %scan3A_135 = arith.addi %scan3A_133, %scan3A_134 : i32
        %scan3A_136 = arith.constant 4 : i32
        scf.for %scan3A_158 = %scan3A_133 to %scan3A_135 step %scan3A_136  : i32 {
          %iota3A = tpu.iota {dimensions = array<i32: 0>} : vector<16xi32>
          %mul3A_159 = arith.constant 0 : i32
          %mul3A_160 = vector.broadcast %mul3A_159 : i32 to vector<16xi32>
          %mul3A_161 = arith.muli %iota3A, %mul3A_160 : vector<16xi32>
          %add3A_162 = vector.broadcast %scan3A_158 : i32 to vector<16xi32>
          %add3A_163 = arith.addi %mul3A_161, %add3A_162 : vector<16xi32>
          %gather3A = tpu.vector_load_idx %arg13[%add3A_163] : memref<2048xf32, #tpu.memory_space<vmem>>[vector<16xi32>], vector<16xf32>,
          %get3A = arith.index_cast %scan3A_158 : i32 to index
          %get3A_164 = arith.constant 0 : index
          %get3A_165 = tpu.vector_load %arg9[%get3A, %get3A_164] {strides = array<i32>} : memref<256x48xf32, #tpu.memory_space<vmem>>, vector<16xf32>,
          %mul3A_166 = arith.mulf %get3A_165, %gather3A : vector<16xf32>
          %swap3A = arith.index_cast %scan3A_158 : i32 to index
          %swap3A_167 = arith.constant 0 : index
          %swap3A_168 = tpu.vector_load %arg9[%swap3A, %swap3A_167] {strides = array<i32>} : memref<256x48xf32, #tpu.memory_space<vmem>>, vector<16xf32>,
          tpu.vector_store %arg9[%swap3A, %swap3A_167], %mul3A_166 {strides = array<i32>} : memref<256x48xf32, #tpu.memory_space<vmem>>, vector<16xf32>,
          %get3A_169 = arith.index_cast %scan3A_158 : i32 to index
          %get3A_170 = arith.constant 16 : index
          %get3A_171 = tpu.vector_load %arg9[%get3A_169, %get3A_170] {strides = array<i32>} : memref<256x48xf32, #tpu.memory_space<vmem>>, vector<16xf32>,
          %mul3A_172 = arith.mulf %get3A_171, %gather3A : vector<16xf32>
          %swap3A_173 = arith.index_cast %scan3A_158 : i32 to index
          %swap3A_174 = arith.constant 16 : index
          %swap3A_175 = tpu.vector_load %arg9[%swap3A_173, %swap3A_174] {strides = array<i32>} : memref<256x48xf32, #tpu.memory_space<vmem>>, vector<16xf32>,
          tpu.vector_store %arg9[%swap3A_173, %swap3A_174], %mul3A_172 {strides = array<i32>} : memref<256x48xf32, #tpu.memory_space<vmem>>, vector<16xf32>,
          %get3A_176 = arith.index_cast %scan3A_158 : i32 to index
          %get3A_177 = arith.constant 32 : index
          %get3A_178 = tpu.vector_load %arg9[%get3A_176, %get3A_177] {strides = array<i32>} : memref<256x48xf32, #tpu.memory_space<vmem>>, vector<16xf32>,
          %mul3A_179 = arith.mulf %get3A_178, %gather3A : vector<16xf32>
          %eq3A_180 = arith.constant 8 : i32
          %eq3A_181 = vector.broadcast %eq3A_180 : i32 to vector<16xi32>
          %eq3A_182 = arith.cmpi eq, %iota3A, %eq3A_181 : vector<16xi32>
          %select_n3A = arith.select %eq3A_182, %gather3A, %mul3A_179 : vector<16xi1>, vector<16xf32>
          %swap3A_183 = arith.index_cast %scan3A_158 : i32 to index
          %swap3A_184 = arith.constant 32 : index
          %swap3A_185 = tpu.vector_load %arg9[%swap3A_183, %swap3A_184] {strides = array<i32>} : memref<256x48xf32, #tpu.memory_space<vmem>>, vector<16xf32>,
          tpu.vector_store %arg9[%swap3A_183, %swap3A_184], %select_n3A {strides = array<i32>} : memref<256x48xf32, #tpu.memory_space<vmem>>, vector<16xf32>,
          %scan3A_186 = arith.constant 1 : i32
          %scan3A_187 = arith.addi %scan3A_158, %scan3A_186 : i32
          %iota3A_188 = tpu.iota {dimensions = array<i32: 0>} : vector<16xi32>
          %mul3A_189 = arith.constant 0 : i32
          %mul3A_190 = vector.broadcast %mul3A_189 : i32 to vector<16xi32>
          %mul3A_191 = arith.muli %iota3A_188, %mul3A_190 : vector<16xi32>
          %add3A_192 = vector.broadcast %scan3A_187 : i32 to vector<16xi32>
          %add3A_193 = arith.addi %mul3A_191, %add3A_192 : vector<16xi32>
          %gather3A_194 = tpu.vector_load_idx %arg13[%add3A_193] : memref<2048xf32, #tpu.memory_space<vmem>>[vector<16xi32>], vector<16xf32>,
          %get3A_195 = arith.index_cast %scan3A_187 : i32 to index
          %get3A_196 = arith.constant 0 : index
          %get3A_197 = tpu.vector_load %arg9[%get3A_195, %get3A_196] {strides = array<i32>} : memref<256x48xf32, #tpu.memory_space<vmem>>, vector<16xf32>,
          %mul3A_198 = arith.mulf %get3A_197, %gather3A_194 : vector<16xf32>
          %swap3A_199 = arith.index_cast %scan3A_187 : i32 to index
          %swap3A_200 = arith.constant 0 : index
          %swap3A_201 = tpu.vector_load %arg9[%swap3A_199, %swap3A_200] {strides = array<i32>} : memref<256x48xf32, #tpu.memory_space<vmem>>, vector<16xf32>,
          tpu.vector_store %arg9[%swap3A_199, %swap3A_200], %mul3A_198 {strides = array<i32>} : memref<256x48xf32, #tpu.memory_space<vmem>>, vector<16xf32>,
          %get3A_202 = arith.index_cast %scan3A_187 : i32 to index
          %get3A_203 = arith.constant 16 : index
          %get3A_204 = tpu.vector_load %arg9[%get3A_202, %get3A_203] {strides = array<i32>} : memref<256x48xf32, #tpu.memory_space<vmem>>, vector<16xf32>,
          %mul3A_205 = arith.mulf %get3A_204, %gather3A_194 : vector<16xf32>
          %swap3A_206 = arith.index_cast %scan3A_187 : i32 to index
          %swap3A_207 = arith.constant 16 : index
          %swap3A_208 = tpu.vector_load %arg9[%swap3A_206, %swap3A_207] {strides = array<i32>} : memref<256x48xf32, #tpu.memory_space<vmem>>, vector<16xf32>,
          tpu.vector_store %arg9[%swap3A_206, %swap3A_207], %mul3A_205 {strides = array<i32>} : memref<256x48xf32, #tpu.memory_space<vmem>>, vector<16xf32>,
          %get3A_209 = arith.index_cast %scan3A_187 : i32 to index
          %get3A_210 = arith.constant 32 : index
          %get3A_211 = tpu.vector_load %arg9[%get3A_209, %get3A_210] {strides = array<i32>} : memref<256x48xf32, #tpu.memory_space<vmem>>, vector<16xf32>,
          %mul3A_212 = arith.mulf %get3A_211, %gather3A_194 : vector<16xf32>
          %eq3A_213 = arith.constant 8 : i32
          %eq3A_214 = vector.broadcast %eq3A_213 : i32 to vector<16xi32>
          %eq3A_215 = arith.cmpi eq, %iota3A_188, %eq3A_214 : vector<16xi32>
          %select_n3A_216 = arith.select %eq3A_215, %gather3A_194, %mul3A_212 : vector<16xi1>, vector<16xf32>
          %swap3A_217 = arith.index_cast %scan3A_187 : i32 to index
          %swap3A_218 = arith.constant 32 : index
          %swap3A_219 = tpu.vector_load %arg9[%swap3A_217, %swap3A_218] {strides = array<i32>} : memref<256x48xf32, #tpu.memory_space<vmem>>, vector<16xf32>,
          tpu.vector_store %arg9[%swap3A_217, %swap3A_218], %select_n3A_216 {strides = array<i32>} : memref<256x48xf32, #tpu.memory_space<vmem>>, vector<16xf32>,
          %scan3A_220 = arith.constant 2 : i32
          %scan3A_221 = arith.addi %scan3A_158, %scan3A_220 : i32
          %iota3A_222 = tpu.iota {dimensions = array<i32: 0>} : vector<16xi32>
          %mul3A_223 = arith.constant 0 : i32
          %mul3A_224 = vector.broadcast %mul3A_223 : i32 to vector<16xi32>
          %mul3A_225 = arith.muli %iota3A_222, %mul3A_224 : vector<16xi32>
          %add3A_226 = vector.broadcast %scan3A_221 : i32 to vector<16xi32>
          %add3A_227 = arith.addi %mul3A_225, %add3A_226 : vector<16xi32>
          %gather3A_228 = tpu.vector_load_idx %arg13[%add3A_227] : memref<2048xf32, #tpu.memory_space<vmem>>[vector<16xi32>], vector<16xf32>,
          %get3A_229 = arith.index_cast %scan3A_221 : i32 to index
          %get3A_230 = arith.constant 0 : index
          %get3A_231 = tpu.vector_load %arg9[%get3A_229, %get3A_230] {strides = array<i32>} : memref<256x48xf32, #tpu.memory_space<vmem>>, vector<16xf32>,
          %mul3A_232 = arith.mulf %get3A_231, %gather3A_228 : vector<16xf32>
          %swap3A_233 = arith.index_cast %scan3A_221 : i32 to index
          %swap3A_234 = arith.constant 0 : index
          %swap3A_235 = tpu.vector_load %arg9[%swap3A_233, %swap3A_234] {strides = array<i32>} : memref<256x48xf32, #tpu.memory_space<vmem>>, vector<16xf32>,
          tpu.vector_store %arg9[%swap3A_233, %swap3A_234], %mul3A_232 {strides = array<i32>} : memref<256x48xf32, #tpu.memory_space<vmem>>, vector<16xf32>,
          %get3A_236 = arith.index_cast %scan3A_221 : i32 to index
          %get3A_237 = arith.constant 16 : index
          %get3A_238 = tpu.vector_load %arg9[%get3A_236, %get3A_237] {strides = array<i32>} : memref<256x48xf32, #tpu.memory_space<vmem>>, vector<16xf32>,
          %mul3A_239 = arith.mulf %get3A_238, %gather3A_228 : vector<16xf32>
          %swap3A_240 = arith.index_cast %scan3A_221 : i32 to index
          %swap3A_241 = arith.constant 16 : index
          %swap3A_242 = tpu.vector_load %arg9[%swap3A_240, %swap3A_241] {strides = array<i32>} : memref<256x48xf32, #tpu.memory_space<vmem>>, vector<16xf32>,
          tpu.vector_store %arg9[%swap3A_240, %swap3A_241], %mul3A_239 {strides = array<i32>} : memref<256x48xf32, #tpu.memory_space<vmem>>, vector<16xf32>,
          %get3A_243 = arith.index_cast %scan3A_221 : i32 to index
          %get3A_244 = arith.constant 32 : index
          %get3A_245 = tpu.vector_load %arg9[%get3A_243, %get3A_244] {strides = array<i32>} : memref<256x48xf32, #tpu.memory_space<vmem>>, vector<16xf32>,
          %mul3A_246 = arith.mulf %get3A_245, %gather3A_228 : vector<16xf32>
          %eq3A_247 = arith.constant 8 : i32
          %eq3A_248 = vector.broadcast %eq3A_247 : i32 to vector<16xi32>
          %eq3A_249 = arith.cmpi eq, %iota3A_222, %eq3A_248 : vector<16xi32>
          %select_n3A_250 = arith.select %eq3A_249, %gather3A_228, %mul3A_246 : vector<16xi1>, vector<16xf32>
          %swap3A_251 = arith.index_cast %scan3A_221 : i32 to index
          %swap3A_252 = arith.constant 32 : index
          %swap3A_253 = tpu.vector_load %arg9[%swap3A_251, %swap3A_252] {strides = array<i32>} : memref<256x48xf32, #tpu.memory_space<vmem>>, vector<16xf32>,
          tpu.vector_store %arg9[%swap3A_251, %swap3A_252], %select_n3A_250 {strides = array<i32>} : memref<256x48xf32, #tpu.memory_space<vmem>>, vector<16xf32>,
          %scan3A_254 = arith.constant 3 : i32
          %scan3A_255 = arith.addi %scan3A_158, %scan3A_254 : i32
          %iota3A_256 = tpu.iota {dimensions = array<i32: 0>} : vector<16xi32>
          %mul3A_257 = arith.constant 0 : i32
          %mul3A_258 = vector.broadcast %mul3A_257 : i32 to vector<16xi32>
          %mul3A_259 = arith.muli %iota3A_256, %mul3A_258 : vector<16xi32>
          %add3A_260 = vector.broadcast %scan3A_255 : i32 to vector<16xi32>
          %add3A_261 = arith.addi %mul3A_259, %add3A_260 : vector<16xi32>
          %gather3A_262 = tpu.vector_load_idx %arg13[%add3A_261] : memref<2048xf32, #tpu.memory_space<vmem>>[vector<16xi32>], vector<16xf32>,
          %get3A_263 = arith.index_cast %scan3A_255 : i32 to index
          %get3A_264 = arith.constant 0 : index
          %get3A_265 = tpu.vector_load %arg9[%get3A_263, %get3A_264] {strides = array<i32>} : memref<256x48xf32, #tpu.memory_space<vmem>>, vector<16xf32>,
          %mul3A_266 = arith.mulf %get3A_265, %gather3A_262 : vector<16xf32>
          %swap3A_267 = arith.index_cast %scan3A_255 : i32 to index
          %swap3A_268 = arith.constant 0 : index
          %swap3A_269 = tpu.vector_load %arg9[%swap3A_267, %swap3A_268] {strides = array<i32>} : memref<256x48xf32, #tpu.memory_space<vmem>>, vector<16xf32>,
          tpu.vector_store %arg9[%swap3A_267, %swap3A_268], %mul3A_266 {strides = array<i32>} : memref<256x48xf32, #tpu.memory_space<vmem>>, vector<16xf32>,
          %get3A_270 = arith.index_cast %scan3A_255 : i32 to index
          %get3A_271 = arith.constant 16 : index
          %get3A_272 = tpu.vector_load %arg9[%get3A_270, %get3A_271] {strides = array<i32>} : memref<256x48xf32, #tpu.memory_space<vmem>>, vector<16xf32>,
          %mul3A_273 = arith.mulf %get3A_272, %gather3A_262 : vector<16xf32>
          %swap3A_274 = arith.index_cast %scan3A_255 : i32 to index
          %swap3A_275 = arith.constant 16 : index
          %swap3A_276 = tpu.vector_load %arg9[%swap3A_274, %swap3A_275] {strides = array<i32>} : memref<256x48xf32, #tpu.memory_space<vmem>>, vector<16xf32>,
          tpu.vector_store %arg9[%swap3A_274, %swap3A_275], %mul3A_273 {strides = array<i32>} : memref<256x48xf32, #tpu.memory_space<vmem>>, vector<16xf32>,
          %get3A_277 = arith.index_cast %scan3A_255 : i32 to index
          %get3A_278 = arith.constant 32 : index
          %get3A_279 = tpu.vector_load %arg9[%get3A_277, %get3A_278] {strides = array<i32>} : memref<256x48xf32, #tpu.memory_space<vmem>>, vector<16xf32>,
          %mul3A_280 = arith.mulf %get3A_279, %gather3A_262 : vector<16xf32>
          %eq3A_281 = arith.constant 8 : i32
          %eq3A_282 = vector.broadcast %eq3A_281 : i32 to vector<16xi32>
          %eq3A_283 = arith.cmpi eq, %iota3A_256, %eq3A_282 : vector<16xi32>
          %select_n3A_284 = arith.select %eq3A_283, %gather3A_262, %mul3A_280 : vector<16xi1>, vector<16xf32>
          %swap3A_285 = arith.index_cast %scan3A_255 : i32 to index
          %swap3A_286 = arith.constant 32 : index
          %swap3A_287 = tpu.vector_load %arg9[%swap3A_285, %swap3A_286] {strides = array<i32>} : memref<256x48xf32, #tpu.memory_space<vmem>>, vector<16xf32>,
          tpu.vector_store %arg9[%swap3A_285, %swap3A_286], %select_n3A_284 {strides = array<i32>} : memref<256x48xf32, #tpu.memory_space<vmem>>, vector<16xf32>,
        }
        %scan3A_137 = arith.constant 256 : i32
        %dma_start3A_138 = arith.constant 0 : i32
        %dma_start3A_139 = arith.constant 0 : i32
        %dma_start3A_140 = arith.constant 0 : i32
        %dma_start3A_141 = tpu.memref_slice %arg9[%dma_start3A_139, %dma_start3A_140] : memref<256x48xf32, #tpu.memory_space<vmem>> -> memref<128x48xf32, #tpu.memory_space<vmem>>
        %dma_start3A_142 = arith.constant 0 : i32
        %dma_start3A_143 = tpu.memref_slice %arg17[%dma_start3A_138, %dma_start3A_142] : memref<2x128xi32, #tpu.memory_space<vmem>> -> memref<1x128xi32, #tpu.memory_space<vmem>>
        %dma_start3A_144 = tpu.memref_squeeze %dma_start3A_143 : memref<1x128xi32, #tpu.memory_space<vmem>> -> memref<128xi32, #tpu.memory_space<vmem>>
        %dma_start3A_145 = arith.constant 0 : i32
        %dma_start3A_146 = arith.constant 0 : i32
        %dma_start3A_147 = tpu.memref_slice %arg19[%dma_start3A_145, %dma_start3A_146] : memref<10000x48xf32, #tpu.memory_space<vmem_shared>> -> memref<10000x48xf32, #tpu.memory_space<vmem_shared>>
        tpu.enqueue_indirect_dma source(%dma_start3A_141 : memref<128x48xf32, #tpu.memory_space<vmem>>) target(%dma_start3A_147 : memref<10000x48xf32, #tpu.memory_space<vmem_shared>>) offsets(%dma_start3A_144 : memref<128xi32, #tpu.memory_space<vmem>>) semaphore(%arg24 : memref<!tpu.dma_semaphore, #tpu.memory_space<semaphore_mem>>) {add = true}
        %dma_start3A_148 = arith.constant 1 : i32
        %dma_start3A_149 = arith.constant 128 : i32
        %dma_start3A_150 = arith.constant 0 : i32
        %dma_start3A_151 = tpu.memref_slice %arg9[%dma_start3A_149, %dma_start3A_150] : memref<256x48xf32, #tpu.memory_space<vmem>> -> memref<128x48xf32, #tpu.memory_space<vmem>>
        %dma_start3A_152 = arith.constant 0 : i32
        %dma_start3A_153 = tpu.memref_slice %arg17[%dma_start3A_148, %dma_start3A_152] : memref<2x128xi32, #tpu.memory_space<vmem>> -> memref<1x128xi32, #tpu.memory_space<vmem>>
        %dma_start3A_154 = tpu.memref_squeeze %dma_start3A_153 : memref<1x128xi32, #tpu.memory_space<vmem>> -> memref<128xi32, #tpu.memory_space<vmem>>
        %dma_start3A_155 = arith.constant 0 : i32
        %dma_start3A_156 = arith.constant 0 : i32
        %dma_start3A_157 = tpu.memref_slice %arg19[%dma_start3A_155, %dma_start3A_156] : memref<10000x48xf32, #tpu.memory_space<vmem_shared>> -> memref<10000x48xf32, #tpu.memory_space<vmem_shared>>
        tpu.enqueue_indirect_dma source(%dma_start3A_151 : memref<128x48xf32, #tpu.memory_space<vmem>>) target(%dma_start3A_157 : memref<10000x48xf32, #tpu.memory_space<vmem_shared>>) offsets(%dma_start3A_154 : memref<128xi32, #tpu.memory_space<vmem>>) semaphore(%arg24 : memref<!tpu.dma_semaphore, #tpu.memory_space<semaphore_mem>>) {add = true}
      } else {
      }
      %mul3A_92 = arith.constant 2 : i32
      %mul3A_93 = arith.muli %mul3A_92, %scan3A_70 : i32
      %add3A_94 = arith.constant 1 : i32
      %add3A_95 = arith.addi %mul3A_93, %add3A_94 : i32
      %add3A_96 = arith.constant 1 : i32
      %add3A_97 = arith.addi %add3A_95, %add3A_96 : i32
      %mul3A_98 = arith.constant 32 : i32
      %mul3A_99 = arith.muli %mul3A_98, %add3A_97 : i32
      %add3A_100 = arith.addi %add3A, %mul3A_99 : i32
      %mul3A_101 = arith.constant 32 : i32
      %mul3A_102 = arith.muli %mul3A_101, %add3A_95 : i32
      %add3A_103 = arith.addi %add3A, %mul3A_102 : i32
      %lt3A_104 = arith.constant 1250 : i32
      %lt3A_105 = arith.cmpi slt, %add3A_100, %lt3A_104 : i32
      %convert_element_type3A_106 = arith.extui %lt3A_105 : i1 to i32
      %cond3A_107 = arith.constant 0 : i32
      %cond3A_108 = arith.cmpi ne, %convert_element_type3A_106, %cond3A_107 : i32
      scf.if %cond3A_108 {
        %dma_wait3A_114 = arith.constant 0 : i32
        %dma_wait3A_115 = arith.constant 0 : i32
        %dma_wait3A_116 = tpu.memref_slice %arg2[%dma_wait3A_114, %dma_wait3A_115] : memref<10000x48xf32, #tpu.memory_space<hbm>> -> memref<256x48xf32, #tpu.memory_space<hbm>>
        %dma_wait3A_117 = arith.constant 0 : i32
        %dma_wait3A_118 = arith.constant 0 : i32
        %dma_wait3A_119 = tpu.memref_slice %arg2[%dma_wait3A_117, %dma_wait3A_118] : memref<10000x48xf32, #tpu.memory_space<hbm>> -> memref<256x48xf32, #tpu.memory_space<hbm>>
        tpu.wait_dma2 semaphore(%arg24 : memref<!tpu.dma_semaphore, #tpu.memory_space<semaphore_mem>>) src(%dma_wait3A_119 : memref<256x48xf32, #tpu.memory_space<hbm>>) dst(%arg9 : memref<256x48xf32, #tpu.memory_space<vmem>>)
        %mul3A_120 = arith.constant 2 : i32
        %mul3A_121 = arith.muli %add3A_100, %mul3A_120 : i32
        "tpu.region"() ({
          %run_scoped3A = tpu.sem_alloc : memref<!tpu.dma_semaphore, #tpu.memory_space<semaphore_mem>>
          %dma_start3A_164 = arith.constant 0 : i32
          %dma_start3A_165 = tpu.memref_slice %arg5[%mul3A_121, %dma_start3A_164] : memref<2500x128xi32, #tpu.memory_space<hbm>> -> memref<2x128xi32, #tpu.memory_space<hbm>>
          %dma_start3A_166 = arith.constant 0 : i32
          %dma_start3A_167 = tpu.memref_slice %arg5[%mul3A_121, %dma_start3A_166] : memref<2500x128xi32, #tpu.memory_space<hbm>> -> memref<2x128xi32, #tpu.memory_space<hbm>>
          tpu.enqueue_dma source(%dma_start3A_167 : memref<2x128xi32, #tpu.memory_space<hbm>>) target(%arg15 : memref<2x128xi32, #tpu.memory_space<vmem>>) target_semaphore(%run_scoped3A : memref<!tpu.dma_semaphore, #tpu.memory_space<semaphore_mem>>)
          %dma_wait3A_168 = arith.constant 0 : i32
          %dma_wait3A_169 = tpu.memref_slice %arg5[%mul3A_121, %dma_wait3A_168] : memref<2500x128xi32, #tpu.memory_space<hbm>> -> memref<2x128xi32, #tpu.memory_space<hbm>>
          %dma_wait3A_170 = arith.constant 0 : i32
          %dma_wait3A_171 = tpu.memref_slice %arg5[%mul3A_121, %dma_wait3A_170] : memref<2500x128xi32, #tpu.memory_space<hbm>> -> memref<2x128xi32, #tpu.memory_space<hbm>>
          tpu.wait_dma2 semaphore(%run_scoped3A : memref<!tpu.dma_semaphore, #tpu.memory_space<semaphore_mem>>) src(%dma_wait3A_171 : memref<2x128xi32, #tpu.memory_space<hbm>>) dst(%arg15 : memref<2x128xi32, #tpu.memory_space<vmem>>)
          tpu.yield
        }) : () -> ()
        %mul3A_122 = arith.constant 2 : i32
        %mul3A_123 = arith.muli %add3A_100, %mul3A_122 : i32
        "tpu.region"() ({
          %run_scoped3A = tpu.sem_alloc : memref<!tpu.dma_semaphore, #tpu.memory_space<semaphore_mem>>
          %dma_start3A_164 = arith.constant 0 : i32
          %dma_start3A_165 = tpu.memref_slice %arg6[%mul3A_123, %dma_start3A_164] : memref<2500x128xi32, #tpu.memory_space<hbm>> -> memref<2x128xi32, #tpu.memory_space<hbm>>
          %dma_start3A_166 = arith.constant 0 : i32
          %dma_start3A_167 = tpu.memref_slice %arg6[%mul3A_123, %dma_start3A_166] : memref<2500x128xi32, #tpu.memory_space<hbm>> -> memref<2x128xi32, #tpu.memory_space<hbm>>
          tpu.enqueue_dma source(%dma_start3A_167 : memref<2x128xi32, #tpu.memory_space<hbm>>) target(%arg17 : memref<2x128xi32, #tpu.memory_space<vmem>>) target_semaphore(%run_scoped3A : memref<!tpu.dma_semaphore, #tpu.memory_space<semaphore_mem>>)
          %dma_wait3A_168 = arith.constant 0 : i32
          %dma_wait3A_169 = tpu.memref_slice %arg6[%mul3A_123, %dma_wait3A_168] : memref<2500x128xi32, #tpu.memory_space<hbm>> -> memref<2x128xi32, #tpu.memory_space<hbm>>
          %dma_wait3A_170 = arith.constant 0 : i32
          %dma_wait3A_171 = tpu.memref_slice %arg6[%mul3A_123, %dma_wait3A_170] : memref<2500x128xi32, #tpu.memory_space<hbm>> -> memref<2x128xi32, #tpu.memory_space<hbm>>
          tpu.wait_dma2 semaphore(%run_scoped3A : memref<!tpu.dma_semaphore, #tpu.memory_space<semaphore_mem>>) src(%dma_wait3A_171 : memref<2x128xi32, #tpu.memory_space<hbm>>) dst(%arg17 : memref<2x128xi32, #tpu.memory_space<vmem>>)
          tpu.yield
        }) : () -> ()
        %dma_start3A_124 = arith.constant 0 : i32
        %dma_start3A_125 = arith.constant 0 : i32
        %dma_start3A_126 = arith.constant 0 : i32
        %dma_start3A_127 = tpu.memref_slice %arg9[%dma_start3A_125, %dma_start3A_126] : memref<256x48xf32, #tpu.memory_space<vmem>> -> memref<128x48xf32, #tpu.memory_space<vmem>>
        %dma_start3A_128 = arith.constant 0 : i32
        %dma_start3A_129 = tpu.memref_slice %arg15[%dma_start3A_124, %dma_start3A_128] : memref<2x128xi32, #tpu.memory_space<vmem>> -> memref<1x128xi32, #tpu.memory_space<vmem>>
        %dma_start3A_130 = tpu.memref_squeeze %dma_start3A_129 : memref<1x128xi32, #tpu.memory_space<vmem>> -> memref<128xi32, #tpu.memory_space<vmem>>
        %dma_start3A_131 = arith.constant 0 : i32
        %dma_start3A_132 = arith.constant 0 : i32
        %dma_start3A_133 = tpu.memref_slice %arg2[%dma_start3A_131, %dma_start3A_132] : memref<10000x48xf32, #tpu.memory_space<hbm>> -> memref<10000x48xf32, #tpu.memory_space<hbm>>
        tpu.enqueue_indirect_dma source(%dma_start3A_133 : memref<10000x48xf32, #tpu.memory_space<hbm>>) target(%dma_start3A_127 : memref<128x48xf32, #tpu.memory_space<vmem>>) offsets(%dma_start3A_130 : memref<128xi32, #tpu.memory_space<vmem>>) semaphore(%arg20 : memref<!tpu.dma_semaphore, #tpu.memory_space<semaphore_mem>>)
        %dma_start3A_134 = arith.constant 0 : i32
        %dma_start3A_135 = arith.constant 0 : i32
        %dma_start3A_136 = arith.constant 0 : i32
        %dma_start3A_137 = tpu.memref_slice %arg11[%dma_start3A_135, %dma_start3A_136] : memref<256x8xf32, #tpu.memory_space<vmem>> -> memref<128x8xf32, #tpu.memory_space<vmem>>
        %dma_start3A_138 = arith.constant 0 : i32
        %dma_start3A_139 = tpu.memref_slice %arg17[%dma_start3A_134, %dma_start3A_138] : memref<2x128xi32, #tpu.memory_space<vmem>> -> memref<1x128xi32, #tpu.memory_space<vmem>>
        %dma_start3A_140 = tpu.memref_squeeze %dma_start3A_139 : memref<1x128xi32, #tpu.memory_space<vmem>> -> memref<128xi32, #tpu.memory_space<vmem>>
        %dma_start3A_141 = arith.constant 0 : i32
        %dma_start3A_142 = arith.constant 0 : i32
        %dma_start3A_143 = tpu.memref_slice %arg3[%dma_start3A_141, %dma_start3A_142] : memref<10000x8xf32, #tpu.memory_space<hbm>> -> memref<10000x8xf32, #tpu.memory_space<hbm>>
        tpu.enqueue_indirect_dma source(%dma_start3A_143 : memref<10000x8xf32, #tpu.memory_space<hbm>>) target(%dma_start3A_137 : memref<128x8xf32, #tpu.memory_space<vmem>>) offsets(%dma_start3A_140 : memref<128xi32, #tpu.memory_space<vmem>>) semaphore(%arg22 : memref<!tpu.dma_semaphore, #tpu.memory_space<semaphore_mem>>)
        %dma_start3A_144 = arith.constant 1 : i32
        %dma_start3A_145 = arith.constant 128 : i32
        %dma_start3A_146 = arith.constant 0 : i32
        %dma_start3A_147 = tpu.memref_slice %arg9[%dma_start3A_145, %dma_start3A_146] : memref<256x48xf32, #tpu.memory_space<vmem>> -> memref<128x48xf32, #tpu.memory_space<vmem>>
        %dma_start3A_148 = arith.constant 0 : i32
        %dma_start3A_149 = tpu.memref_slice %arg15[%dma_start3A_144, %dma_start3A_148] : memref<2x128xi32, #tpu.memory_space<vmem>> -> memref<1x128xi32, #tpu.memory_space<vmem>>
        %dma_start3A_150 = tpu.memref_squeeze %dma_start3A_149 : memref<1x128xi32, #tpu.memory_space<vmem>> -> memref<128xi32, #tpu.memory_space<vmem>>
        %dma_start3A_151 = arith.constant 0 : i32
        %dma_start3A_152 = arith.constant 0 : i32
        %dma_start3A_153 = tpu.memref_slice %arg2[%dma_start3A_151, %dma_start3A_152] : memref<10000x48xf32, #tpu.memory_space<hbm>> -> memref<10000x48xf32, #tpu.memory_space<hbm>>
        tpu.enqueue_indirect_dma source(%dma_start3A_153 : memref<10000x48xf32, #tpu.memory_space<hbm>>) target(%dma_start3A_147 : memref<128x48xf32, #tpu.memory_space<vmem>>) offsets(%dma_start3A_150 : memref<128xi32, #tpu.memory_space<vmem>>) semaphore(%arg20 : memref<!tpu.dma_semaphore, #tpu.memory_space<semaphore_mem>>)
        %dma_start3A_154 = arith.constant 1 : i32
        %dma_start3A_155 = arith.constant 128 : i32
        %dma_start3A_156 = arith.constant 0 : i32
        %dma_start3A_157 = tpu.memref_slice %arg11[%dma_start3A_155, %dma_start3A_156] : memref<256x8xf32, #tpu.memory_space<vmem>> -> memref<128x8xf32, #tpu.memory_space<vmem>>
        %dma_start3A_158 = arith.constant 0 : i32
        %dma_start3A_159 = tpu.memref_slice %arg17[%dma_start3A_154, %dma_start3A_158] : memref<2x128xi32, #tpu.memory_space<vmem>> -> memref<1x128xi32, #tpu.memory_space<vmem>>
        %dma_start3A_160 = tpu.memref_squeeze %dma_start3A_159 : memref<1x128xi32, #tpu.memory_space<vmem>> -> memref<128xi32, #tpu.memory_space<vmem>>
        %dma_start3A_161 = arith.constant 0 : i32
        %dma_start3A_162 = arith.constant 0 : i32
        %dma_start3A_163 = tpu.memref_slice %arg3[%dma_start3A_161, %dma_start3A_162] : memref<10000x8xf32, #tpu.memory_space<hbm>> -> memref<10000x8xf32, #tpu.memory_space<hbm>>
        tpu.enqueue_indirect_dma source(%dma_start3A_163 : memref<10000x8xf32, #tpu.memory_space<hbm>>) target(%dma_start3A_157 : memref<128x8xf32, #tpu.memory_space<vmem>>) offsets(%dma_start3A_160 : memref<128xi32, #tpu.memory_space<vmem>>) semaphore(%arg22 : memref<!tpu.dma_semaphore, #tpu.memory_space<semaphore_mem>>)
      } else {
      }
      %lt3A_109 = arith.constant 1250 : i32
      %lt3A_110 = arith.cmpi slt, %add3A_103, %lt3A_109 : i32
      %convert_element_type3A_111 = arith.extui %lt3A_110 : i1 to i32
      %cond3A_112 = arith.constant 0 : i32
      %cond3A_113 = arith.cmpi ne, %convert_element_type3A_111, %cond3A_112 : i32
      scf.if %cond3A_113 {
        %dma_wait3A_114 = arith.constant 0 : i32
        %dma_wait3A_115 = arith.constant 0 : i32
        %dma_wait3A_116 = tpu.memref_slice %arg2[%dma_wait3A_114, %dma_wait3A_115] : memref<10000x48xf32, #tpu.memory_space<hbm>> -> memref<256x48xf32, #tpu.memory_space<hbm>>
        %dma_wait3A_117 = arith.constant 0 : i32
        %dma_wait3A_118 = arith.constant 0 : i32
        %dma_wait3A_119 = tpu.memref_slice %arg2[%dma_wait3A_117, %dma_wait3A_118] : memref<10000x48xf32, #tpu.memory_space<hbm>> -> memref<256x48xf32, #tpu.memory_space<hbm>>
        tpu.wait_dma2 semaphore(%arg21 : memref<!tpu.dma_semaphore, #tpu.memory_space<semaphore_mem>>) src(%dma_wait3A_119 : memref<256x48xf32, #tpu.memory_space<hbm>>) dst(%arg10 : memref<256x48xf32, #tpu.memory_space<vmem>>)
        %dma_wait3A_120 = arith.constant 0 : i32
        %dma_wait3A_121 = arith.constant 0 : i32
        %dma_wait3A_122 = tpu.memref_slice %arg3[%dma_wait3A_120, %dma_wait3A_121] : memref<10000x8xf32, #tpu.memory_space<hbm>> -> memref<256x8xf32, #tpu.memory_space<hbm>>
        %dma_wait3A_123 = arith.constant 0 : i32
        %dma_wait3A_124 = arith.constant 0 : i32
        %dma_wait3A_125 = tpu.memref_slice %arg3[%dma_wait3A_123, %dma_wait3A_124] : memref<10000x8xf32, #tpu.memory_space<hbm>> -> memref<256x8xf32, #tpu.memory_space<hbm>>
        tpu.wait_dma2 semaphore(%arg23 : memref<!tpu.dma_semaphore, #tpu.memory_space<semaphore_mem>>) src(%dma_wait3A_125 : memref<256x8xf32, #tpu.memory_space<hbm>>) dst(%arg12 : memref<256x8xf32, #tpu.memory_space<vmem>>)
        %scan3A_126 = arith.constant 0 : i32
        %scan3A_127 = arith.constant 0 : i32
        %scan3A_128 = arith.constant 16 : i32
        %scan3A_129 = arith.addi %scan3A_127, %scan3A_128 : i32
        %scan3A_130 = arith.constant 4 : i32
        scf.for %scan3A_158 = %scan3A_127 to %scan3A_129 step %scan3A_130  : i32 {
          %iota3A = tpu.iota {dimensions = array<i32: 0>} : vector<16xi32>
          %mul3A_159 = arith.constant 0 : i32
          %mul3A_160 = vector.broadcast %mul3A_159 : i32 to vector<16xi32>
          %mul3A_161 = arith.muli %iota3A, %mul3A_160 : vector<16xi32>
          %get3A = arith.constant 0 : index
          %get3A_162 = tpu.vector_load %arg14[%get3A] {strides = array<i32>} : memref<16xf32, #tpu.memory_space<vmem>>, vector<16xf32>,
          %mul3A_163 = arith.constant 16 : i32
          %mul3A_164 = arith.muli %mul3A_163, %scan3A_158 : i32
          %add3A_165 = vector.broadcast %mul3A_164 : i32 to vector<16xi32>
          %add3A_166 = arith.addi %add3A_165, %iota3A : vector<16xi32>
          %add3A_167 = arith.constant 40 : i32
          %add3A_168 = vector.broadcast %add3A_167 : i32 to vector<16xi32>
          %add3A_169 = arith.addi %mul3A_161, %add3A_168 : vector<16xi32>
          %gather3A = tpu.vector_load_idx %arg10[%add3A_166, %add3A_169] : memref<256x48xf32, #tpu.memory_space<vmem>>[vector<16xi32>, vector<16xi32>], vector<16xf32>,
          %gather3A_170 = tpu.vector_load_idx %arg12[%add3A_166, %mul3A_161] : memref<256x8xf32, #tpu.memory_space<vmem>>[vector<16xi32>, vector<16xi32>], vector<16xf32>,
          %add3A_171 = arith.addf %gather3A, %gather3A_170 : vector<16xf32>
          %mul3A_172 = arith.constant 2.000000e-01 : f32
          %mul3A_173 = vector.broadcast %mul3A_172 : f32 to vector<16xf32>
          %mul3A_174 = arith.mulf %mul3A_173, %add3A_171 : vector<16xf32>
          %max3A = arith.maximumf %add3A_171, %mul3A_174 : vector<16xf32>
          %sub3A = arith.subf %max3A, %get3A_162 : vector<16xf32>
          %exp3A = math.exp %sub3A : vector<16xf32>
          %mul3A_175 = arith.constant 16 : i32
          %mul3A_176 = arith.muli %mul3A_175, %scan3A_158 : i32
          %swap3A = arith.index_cast %mul3A_176 : i32 to index
          %swap3A_177 = tpu.vector_load %arg13[%swap3A] {strides = array<i32>} : memref<2048xf32, #tpu.memory_space<vmem>>, vector<16xf32>,
          tpu.vector_store %arg13[%swap3A], %exp3A {strides = array<i32>} : memref<2048xf32, #tpu.memory_space<vmem>>, vector<16xf32>,
          %scan3A_178 = arith.constant 1 : i32
          %scan3A_179 = arith.addi %scan3A_158, %scan3A_178 : i32
          %iota3A_180 = tpu.iota {dimensions = array<i32: 0>} : vector<16xi32>
          %mul3A_181 = arith.constant 0 : i32
          %mul3A_182 = vector.broadcast %mul3A_181 : i32 to vector<16xi32>
          %mul3A_183 = arith.muli %iota3A_180, %mul3A_182 : vector<16xi32>
          %get3A_184 = arith.constant 0 : index
          %get3A_185 = tpu.vector_load %arg14[%get3A_184] {strides = array<i32>} : memref<16xf32, #tpu.memory_space<vmem>>, vector<16xf32>,
          %mul3A_186 = arith.constant 16 : i32
          %mul3A_187 = arith.muli %mul3A_186, %scan3A_179 : i32
          %add3A_188 = vector.broadcast %mul3A_187 : i32 to vector<16xi32>
          %add3A_189 = arith.addi %add3A_188, %iota3A_180 : vector<16xi32>
          %add3A_190 = arith.constant 40 : i32
          %add3A_191 = vector.broadcast %add3A_190 : i32 to vector<16xi32>
          %add3A_192 = arith.addi %mul3A_183, %add3A_191 : vector<16xi32>
          %gather3A_193 = tpu.vector_load_idx %arg10[%add3A_189, %add3A_192] : memref<256x48xf32, #tpu.memory_space<vmem>>[vector<16xi32>, vector<16xi32>], vector<16xf32>,
          %gather3A_194 = tpu.vector_load_idx %arg12[%add3A_189, %mul3A_183] : memref<256x8xf32, #tpu.memory_space<vmem>>[vector<16xi32>, vector<16xi32>], vector<16xf32>,
          %add3A_195 = arith.addf %gather3A_193, %gather3A_194 : vector<16xf32>
          %mul3A_196 = arith.constant 2.000000e-01 : f32
          %mul3A_197 = vector.broadcast %mul3A_196 : f32 to vector<16xf32>
          %mul3A_198 = arith.mulf %mul3A_197, %add3A_195 : vector<16xf32>
          %max3A_199 = arith.maximumf %add3A_195, %mul3A_198 : vector<16xf32>
          %sub3A_200 = arith.subf %max3A_199, %get3A_185 : vector<16xf32>
          %exp3A_201 = math.exp %sub3A_200 : vector<16xf32>
          %mul3A_202 = arith.constant 16 : i32
          %mul3A_203 = arith.muli %mul3A_202, %scan3A_179 : i32
          %swap3A_204 = arith.index_cast %mul3A_203 : i32 to index
          %swap3A_205 = tpu.vector_load %arg13[%swap3A_204] {strides = array<i32>} : memref<2048xf32, #tpu.memory_space<vmem>>, vector<16xf32>,
          tpu.vector_store %arg13[%swap3A_204], %exp3A_201 {strides = array<i32>} : memref<2048xf32, #tpu.memory_space<vmem>>, vector<16xf32>,
          %scan3A_206 = arith.constant 2 : i32
          %scan3A_207 = arith.addi %scan3A_158, %scan3A_206 : i32
          %iota3A_208 = tpu.iota {dimensions = array<i32: 0>} : vector<16xi32>
          %mul3A_209 = arith.constant 0 : i32
          %mul3A_210 = vector.broadcast %mul3A_209 : i32 to vector<16xi32>
          %mul3A_211 = arith.muli %iota3A_208, %mul3A_210 : vector<16xi32>
          %get3A_212 = arith.constant 0 : index
          %get3A_213 = tpu.vector_load %arg14[%get3A_212] {strides = array<i32>} : memref<16xf32, #tpu.memory_space<vmem>>, vector<16xf32>,
          %mul3A_214 = arith.constant 16 : i32
          %mul3A_215 = arith.muli %mul3A_214, %scan3A_207 : i32
          %add3A_216 = vector.broadcast %mul3A_215 : i32 to vector<16xi32>
          %add3A_217 = arith.addi %add3A_216, %iota3A_208 : vector<16xi32>
          %add3A_218 = arith.constant 40 : i32
          %add3A_219 = vector.broadcast %add3A_218 : i32 to vector<16xi32>
          %add3A_220 = arith.addi %mul3A_211, %add3A_219 : vector<16xi32>
          %gather3A_221 = tpu.vector_load_idx %arg10[%add3A_217, %add3A_220] : memref<256x48xf32, #tpu.memory_space<vmem>>[vector<16xi32>, vector<16xi32>], vector<16xf32>,
          %gather3A_222 = tpu.vector_load_idx %arg12[%add3A_217, %mul3A_211] : memref<256x8xf32, #tpu.memory_space<vmem>>[vector<16xi32>, vector<16xi32>], vector<16xf32>,
          %add3A_223 = arith.addf %gather3A_221, %gather3A_222 : vector<16xf32>
          %mul3A_224 = arith.constant 2.000000e-01 : f32
          %mul3A_225 = vector.broadcast %mul3A_224 : f32 to vector<16xf32>
          %mul3A_226 = arith.mulf %mul3A_225, %add3A_223 : vector<16xf32>
          %max3A_227 = arith.maximumf %add3A_223, %mul3A_226 : vector<16xf32>
          %sub3A_228 = arith.subf %max3A_227, %get3A_213 : vector<16xf32>
          %exp3A_229 = math.exp %sub3A_228 : vector<16xf32>
          %mul3A_230 = arith.constant 16 : i32
          %mul3A_231 = arith.muli %mul3A_230, %scan3A_207 : i32
          %swap3A_232 = arith.index_cast %mul3A_231 : i32 to index
          %swap3A_233 = tpu.vector_load %arg13[%swap3A_232] {strides = array<i32>} : memref<2048xf32, #tpu.memory_space<vmem>>, vector<16xf32>,
          tpu.vector_store %arg13[%swap3A_232], %exp3A_229 {strides = array<i32>} : memref<2048xf32, #tpu.memory_space<vmem>>, vector<16xf32>,
          %scan3A_234 = arith.constant 3 : i32
          %scan3A_235 = arith.addi %scan3A_158, %scan3A_234 : i32
          %iota3A_236 = tpu.iota {dimensions = array<i32: 0>} : vector<16xi32>
          %mul3A_237 = arith.constant 0 : i32
          %mul3A_238 = vector.broadcast %mul3A_237 : i32 to vector<16xi32>
          %mul3A_239 = arith.muli %iota3A_236, %mul3A_238 : vector<16xi32>
          %get3A_240 = arith.constant 0 : index
          %get3A_241 = tpu.vector_load %arg14[%get3A_240] {strides = array<i32>} : memref<16xf32, #tpu.memory_space<vmem>>, vector<16xf32>,
          %mul3A_242 = arith.constant 16 : i32
          %mul3A_243 = arith.muli %mul3A_242, %scan3A_235 : i32
          %add3A_244 = vector.broadcast %mul3A_243 : i32 to vector<16xi32>
          %add3A_245 = arith.addi %add3A_244, %iota3A_236 : vector<16xi32>
          %add3A_246 = arith.constant 40 : i32
          %add3A_247 = vector.broadcast %add3A_246 : i32 to vector<16xi32>
          %add3A_248 = arith.addi %mul3A_239, %add3A_247 : vector<16xi32>
          %gather3A_249 = tpu.vector_load_idx %arg10[%add3A_245, %add3A_248] : memref<256x48xf32, #tpu.memory_space<vmem>>[vector<16xi32>, vector<16xi32>], vector<16xf32>,
          %gather3A_250 = tpu.vector_load_idx %arg12[%add3A_245, %mul3A_239] : memref<256x8xf32, #tpu.memory_space<vmem>>[vector<16xi32>, vector<16xi32>], vector<16xf32>,
          %add3A_251 = arith.addf %gather3A_249, %gather3A_250 : vector<16xf32>
          %mul3A_252 = arith.constant 2.000000e-01 : f32
          %mul3A_253 = vector.broadcast %mul3A_252 : f32 to vector<16xf32>
          %mul3A_254 = arith.mulf %mul3A_253, %add3A_251 : vector<16xf32>
          %max3A_255 = arith.maximumf %add3A_251, %mul3A_254 : vector<16xf32>
          %sub3A_256 = arith.subf %max3A_255, %get3A_241 : vector<16xf32>
          %exp3A_257 = math.exp %sub3A_256 : vector<16xf32>
          %mul3A_258 = arith.constant 16 : i32
          %mul3A_259 = arith.muli %mul3A_258, %scan3A_235 : i32
          %swap3A_260 = arith.index_cast %mul3A_259 : i32 to index
          %swap3A_261 = tpu.vector_load %arg13[%swap3A_260] {strides = array<i32>} : memref<2048xf32, #tpu.memory_space<vmem>>, vector<16xf32>,
          tpu.vector_store %arg13[%swap3A_260], %exp3A_257 {strides = array<i32>} : memref<2048xf32, #tpu.memory_space<vmem>>, vector<16xf32>,
        }
        %scan3A_131 = arith.constant 16 : i32
        %scan3A_132 = arith.constant 0 : i32
        %scan3A_133 = arith.constant 0 : i32
        %scan3A_134 = arith.constant 256 : i32
        %scan3A_135 = arith.addi %scan3A_133, %scan3A_134 : i32
        %scan3A_136 = arith.constant 4 : i32
        scf.for %scan3A_158 = %scan3A_133 to %scan3A_135 step %scan3A_136  : i32 {
          %iota3A = tpu.iota {dimensions = array<i32: 0>} : vector<16xi32>
          %mul3A_159 = arith.constant 0 : i32
          %mul3A_160 = vector.broadcast %mul3A_159 : i32 to vector<16xi32>
          %mul3A_161 = arith.muli %iota3A, %mul3A_160 : vector<16xi32>
          %add3A_162 = vector.broadcast %scan3A_158 : i32 to vector<16xi32>
          %add3A_163 = arith.addi %mul3A_161, %add3A_162 : vector<16xi32>
          %gather3A = tpu.vector_load_idx %arg13[%add3A_163] : memref<2048xf32, #tpu.memory_space<vmem>>[vector<16xi32>], vector<16xf32>,
          %get3A = arith.index_cast %scan3A_158 : i32 to index
          %get3A_164 = arith.constant 0 : index
          %get3A_165 = tpu.vector_load %arg10[%get3A, %get3A_164] {strides = array<i32>} : memref<256x48xf32, #tpu.memory_space<vmem>>, vector<16xf32>,
          %mul3A_166 = arith.mulf %get3A_165, %gather3A : vector<16xf32>
          %swap3A = arith.index_cast %scan3A_158 : i32 to index
          %swap3A_167 = arith.constant 0 : index
          %swap3A_168 = tpu.vector_load %arg10[%swap3A, %swap3A_167] {strides = array<i32>} : memref<256x48xf32, #tpu.memory_space<vmem>>, vector<16xf32>,
          tpu.vector_store %arg10[%swap3A, %swap3A_167], %mul3A_166 {strides = array<i32>} : memref<256x48xf32, #tpu.memory_space<vmem>>, vector<16xf32>,
          %get3A_169 = arith.index_cast %scan3A_158 : i32 to index
          %get3A_170 = arith.constant 16 : index
          %get3A_171 = tpu.vector_load %arg10[%get3A_169, %get3A_170] {strides = array<i32>} : memref<256x48xf32, #tpu.memory_space<vmem>>, vector<16xf32>,
          %mul3A_172 = arith.mulf %get3A_171, %gather3A : vector<16xf32>
          %swap3A_173 = arith.index_cast %scan3A_158 : i32 to index
          %swap3A_174 = arith.constant 16 : index
          %swap3A_175 = tpu.vector_load %arg10[%swap3A_173, %swap3A_174] {strides = array<i32>} : memref<256x48xf32, #tpu.memory_space<vmem>>, vector<16xf32>,
          tpu.vector_store %arg10[%swap3A_173, %swap3A_174], %mul3A_172 {strides = array<i32>} : memref<256x48xf32, #tpu.memory_space<vmem>>, vector<16xf32>,
          %get3A_176 = arith.index_cast %scan3A_158 : i32 to index
          %get3A_177 = arith.constant 32 : index
          %get3A_178 = tpu.vector_load %arg10[%get3A_176, %get3A_177] {strides = array<i32>} : memref<256x48xf32, #tpu.memory_space<vmem>>, vector<16xf32>,
          %mul3A_179 = arith.mulf %get3A_178, %gather3A : vector<16xf32>
          %eq3A_180 = arith.constant 8 : i32
          %eq3A_181 = vector.broadcast %eq3A_180 : i32 to vector<16xi32>
          %eq3A_182 = arith.cmpi eq, %iota3A, %eq3A_181 : vector<16xi32>
          %select_n3A = arith.select %eq3A_182, %gather3A, %mul3A_179 : vector<16xi1>, vector<16xf32>
          %swap3A_183 = arith.index_cast %scan3A_158 : i32 to index
          %swap3A_184 = arith.constant 32 : index
          %swap3A_185 = tpu.vector_load %arg10[%swap3A_183, %swap3A_184] {strides = array<i32>} : memref<256x48xf32, #tpu.memory_space<vmem>>, vector<16xf32>,
          tpu.vector_store %arg10[%swap3A_183, %swap3A_184], %select_n3A {strides = array<i32>} : memref<256x48xf32, #tpu.memory_space<vmem>>, vector<16xf32>,
          %scan3A_186 = arith.constant 1 : i32
          %scan3A_187 = arith.addi %scan3A_158, %scan3A_186 : i32
          %iota3A_188 = tpu.iota {dimensions = array<i32: 0>} : vector<16xi32>
          %mul3A_189 = arith.constant 0 : i32
          %mul3A_190 = vector.broadcast %mul3A_189 : i32 to vector<16xi32>
          %mul3A_191 = arith.muli %iota3A_188, %mul3A_190 : vector<16xi32>
          %add3A_192 = vector.broadcast %scan3A_187 : i32 to vector<16xi32>
          %add3A_193 = arith.addi %mul3A_191, %add3A_192 : vector<16xi32>
          %gather3A_194 = tpu.vector_load_idx %arg13[%add3A_193] : memref<2048xf32, #tpu.memory_space<vmem>>[vector<16xi32>], vector<16xf32>,
          %get3A_195 = arith.index_cast %scan3A_187 : i32 to index
          %get3A_196 = arith.constant 0 : index
          %get3A_197 = tpu.vector_load %arg10[%get3A_195, %get3A_196] {strides = array<i32>} : memref<256x48xf32, #tpu.memory_space<vmem>>, vector<16xf32>,
          %mul3A_198 = arith.mulf %get3A_197, %gather3A_194 : vector<16xf32>
          %swap3A_199 = arith.index_cast %scan3A_187 : i32 to index
          %swap3A_200 = arith.constant 0 : index
          %swap3A_201 = tpu.vector_load %arg10[%swap3A_199, %swap3A_200] {strides = array<i32>} : memref<256x48xf32, #tpu.memory_space<vmem>>, vector<16xf32>,
          tpu.vector_store %arg10[%swap3A_199, %swap3A_200], %mul3A_198 {strides = array<i32>} : memref<256x48xf32, #tpu.memory_space<vmem>>, vector<16xf32>,
          %get3A_202 = arith.index_cast %scan3A_187 : i32 to index
          %get3A_203 = arith.constant 16 : index
          %get3A_204 = tpu.vector_load %arg10[%get3A_202, %get3A_203] {strides = array<i32>} : memref<256x48xf32, #tpu.memory_space<vmem>>, vector<16xf32>,
          %mul3A_205 = arith.mulf %get3A_204, %gather3A_194 : vector<16xf32>
          %swap3A_206 = arith.index_cast %scan3A_187 : i32 to index
          %swap3A_207 = arith.constant 16 : index
          %swap3A_208 = tpu.vector_load %arg10[%swap3A_206, %swap3A_207] {strides = array<i32>} : memref<256x48xf32, #tpu.memory_space<vmem>>, vector<16xf32>,
          tpu.vector_store %arg10[%swap3A_206, %swap3A_207], %mul3A_205 {strides = array<i32>} : memref<256x48xf32, #tpu.memory_space<vmem>>, vector<16xf32>,
          %get3A_209 = arith.index_cast %scan3A_187 : i32 to index
          %get3A_210 = arith.constant 32 : index
          %get3A_211 = tpu.vector_load %arg10[%get3A_209, %get3A_210] {strides = array<i32>} : memref<256x48xf32, #tpu.memory_space<vmem>>, vector<16xf32>,
          %mul3A_212 = arith.mulf %get3A_211, %gather3A_194 : vector<16xf32>
          %eq3A_213 = arith.constant 8 : i32
          %eq3A_214 = vector.broadcast %eq3A_213 : i32 to vector<16xi32>
          %eq3A_215 = arith.cmpi eq, %iota3A_188, %eq3A_214 : vector<16xi32>
          %select_n3A_216 = arith.select %eq3A_215, %gather3A_194, %mul3A_212 : vector<16xi1>, vector<16xf32>
          %swap3A_217 = arith.index_cast %scan3A_187 : i32 to index
          %swap3A_218 = arith.constant 32 : index
          %swap3A_219 = tpu.vector_load %arg10[%swap3A_217, %swap3A_218] {strides = array<i32>} : memref<256x48xf32, #tpu.memory_space<vmem>>, vector<16xf32>,
          tpu.vector_store %arg10[%swap3A_217, %swap3A_218], %select_n3A_216 {strides = array<i32>} : memref<256x48xf32, #tpu.memory_space<vmem>>, vector<16xf32>,
          %scan3A_220 = arith.constant 2 : i32
          %scan3A_221 = arith.addi %scan3A_158, %scan3A_220 : i32
          %iota3A_222 = tpu.iota {dimensions = array<i32: 0>} : vector<16xi32>
          %mul3A_223 = arith.constant 0 : i32
          %mul3A_224 = vector.broadcast %mul3A_223 : i32 to vector<16xi32>
          %mul3A_225 = arith.muli %iota3A_222, %mul3A_224 : vector<16xi32>
          %add3A_226 = vector.broadcast %scan3A_221 : i32 to vector<16xi32>
          %add3A_227 = arith.addi %mul3A_225, %add3A_226 : vector<16xi32>
          %gather3A_228 = tpu.vector_load_idx %arg13[%add3A_227] : memref<2048xf32, #tpu.memory_space<vmem>>[vector<16xi32>], vector<16xf32>,
          %get3A_229 = arith.index_cast %scan3A_221 : i32 to index
          %get3A_230 = arith.constant 0 : index
          %get3A_231 = tpu.vector_load %arg10[%get3A_229, %get3A_230] {strides = array<i32>} : memref<256x48xf32, #tpu.memory_space<vmem>>, vector<16xf32>,
          %mul3A_232 = arith.mulf %get3A_231, %gather3A_228 : vector<16xf32>
          %swap3A_233 = arith.index_cast %scan3A_221 : i32 to index
          %swap3A_234 = arith.constant 0 : index
          %swap3A_235 = tpu.vector_load %arg10[%swap3A_233, %swap3A_234] {strides = array<i32>} : memref<256x48xf32, #tpu.memory_space<vmem>>, vector<16xf32>,
          tpu.vector_store %arg10[%swap3A_233, %swap3A_234], %mul3A_232 {strides = array<i32>} : memref<256x48xf32, #tpu.memory_space<vmem>>, vector<16xf32>,
          %get3A_236 = arith.index_cast %scan3A_221 : i32 to index
          %get3A_237 = arith.constant 16 : index
          %get3A_238 = tpu.vector_load %arg10[%get3A_236, %get3A_237] {strides = array<i32>} : memref<256x48xf32, #tpu.memory_space<vmem>>, vector<16xf32>,
          %mul3A_239 = arith.mulf %get3A_238, %gather3A_228 : vector<16xf32>
          %swap3A_240 = arith.index_cast %scan3A_221 : i32 to index
          %swap3A_241 = arith.constant 16 : index
          %swap3A_242 = tpu.vector_load %arg10[%swap3A_240, %swap3A_241] {strides = array<i32>} : memref<256x48xf32, #tpu.memory_space<vmem>>, vector<16xf32>,
          tpu.vector_store %arg10[%swap3A_240, %swap3A_241], %mul3A_239 {strides = array<i32>} : memref<256x48xf32, #tpu.memory_space<vmem>>, vector<16xf32>,
          %get3A_243 = arith.index_cast %scan3A_221 : i32 to index
          %get3A_244 = arith.constant 32 : index
          %get3A_245 = tpu.vector_load %arg10[%get3A_243, %get3A_244] {strides = array<i32>} : memref<256x48xf32, #tpu.memory_space<vmem>>, vector<16xf32>,
          %mul3A_246 = arith.mulf %get3A_245, %gather3A_228 : vector<16xf32>
          %eq3A_247 = arith.constant 8 : i32
          %eq3A_248 = vector.broadcast %eq3A_247 : i32 to vector<16xi32>
          %eq3A_249 = arith.cmpi eq, %iota3A_222, %eq3A_248 : vector<16xi32>
          %select_n3A_250 = arith.select %eq3A_249, %gather3A_228, %mul3A_246 : vector<16xi1>, vector<16xf32>
          %swap3A_251 = arith.index_cast %scan3A_221 : i32 to index
          %swap3A_252 = arith.constant 32 : index
          %swap3A_253 = tpu.vector_load %arg10[%swap3A_251, %swap3A_252] {strides = array<i32>} : memref<256x48xf32, #tpu.memory_space<vmem>>, vector<16xf32>,
          tpu.vector_store %arg10[%swap3A_251, %swap3A_252], %select_n3A_250 {strides = array<i32>} : memref<256x48xf32, #tpu.memory_space<vmem>>, vector<16xf32>,
          %scan3A_254 = arith.constant 3 : i32
          %scan3A_255 = arith.addi %scan3A_158, %scan3A_254 : i32
          %iota3A_256 = tpu.iota {dimensions = array<i32: 0>} : vector<16xi32>
          %mul3A_257 = arith.constant 0 : i32
          %mul3A_258 = vector.broadcast %mul3A_257 : i32 to vector<16xi32>
          %mul3A_259 = arith.muli %iota3A_256, %mul3A_258 : vector<16xi32>
          %add3A_260 = vector.broadcast %scan3A_255 : i32 to vector<16xi32>
          %add3A_261 = arith.addi %mul3A_259, %add3A_260 : vector<16xi32>
          %gather3A_262 = tpu.vector_load_idx %arg13[%add3A_261] : memref<2048xf32, #tpu.memory_space<vmem>>[vector<16xi32>], vector<16xf32>,
          %get3A_263 = arith.index_cast %scan3A_255 : i32 to index
          %get3A_264 = arith.constant 0 : index
          %get3A_265 = tpu.vector_load %arg10[%get3A_263, %get3A_264] {strides = array<i32>} : memref<256x48xf32, #tpu.memory_space<vmem>>, vector<16xf32>,
          %mul3A_266 = arith.mulf %get3A_265, %gather3A_262 : vector<16xf32>
          %swap3A_267 = arith.index_cast %scan3A_255 : i32 to index
          %swap3A_268 = arith.constant 0 : index
          %swap3A_269 = tpu.vector_load %arg10[%swap3A_267, %swap3A_268] {strides = array<i32>} : memref<256x48xf32, #tpu.memory_space<vmem>>, vector<16xf32>,
          tpu.vector_store %arg10[%swap3A_267, %swap3A_268], %mul3A_266 {strides = array<i32>} : memref<256x48xf32, #tpu.memory_space<vmem>>, vector<16xf32>,
          %get3A_270 = arith.index_cast %scan3A_255 : i32 to index
          %get3A_271 = arith.constant 16 : index
          %get3A_272 = tpu.vector_load %arg10[%get3A_270, %get3A_271] {strides = array<i32>} : memref<256x48xf32, #tpu.memory_space<vmem>>, vector<16xf32>,
          %mul3A_273 = arith.mulf %get3A_272, %gather3A_262 : vector<16xf32>
          %swap3A_274 = arith.index_cast %scan3A_255 : i32 to index
          %swap3A_275 = arith.constant 16 : index
          %swap3A_276 = tpu.vector_load %arg10[%swap3A_274, %swap3A_275] {strides = array<i32>} : memref<256x48xf32, #tpu.memory_space<vmem>>, vector<16xf32>,
          tpu.vector_store %arg10[%swap3A_274, %swap3A_275], %mul3A_273 {strides = array<i32>} : memref<256x48xf32, #tpu.memory_space<vmem>>, vector<16xf32>,
          %get3A_277 = arith.index_cast %scan3A_255 : i32 to index
          %get3A_278 = arith.constant 32 : index
          %get3A_279 = tpu.vector_load %arg10[%get3A_277, %get3A_278] {strides = array<i32>} : memref<256x48xf32, #tpu.memory_space<vmem>>, vector<16xf32>,
          %mul3A_280 = arith.mulf %get3A_279, %gather3A_262 : vector<16xf32>
          %eq3A_281 = arith.constant 8 : i32
          %eq3A_282 = vector.broadcast %eq3A_281 : i32 to vector<16xi32>
          %eq3A_283 = arith.cmpi eq, %iota3A_256, %eq3A_282 : vector<16xi32>
          %select_n3A_284 = arith.select %eq3A_283, %gather3A_262, %mul3A_280 : vector<16xi1>, vector<16xf32>
          %swap3A_285 = arith.index_cast %scan3A_255 : i32 to index
          %swap3A_286 = arith.constant 32 : index
          %swap3A_287 = tpu.vector_load %arg10[%swap3A_285, %swap3A_286] {strides = array<i32>} : memref<256x48xf32, #tpu.memory_space<vmem>>, vector<16xf32>,
          tpu.vector_store %arg10[%swap3A_285, %swap3A_286], %select_n3A_284 {strides = array<i32>} : memref<256x48xf32, #tpu.memory_space<vmem>>, vector<16xf32>,
        }
        %scan3A_137 = arith.constant 256 : i32
        %dma_start3A_138 = arith.constant 0 : i32
        %dma_start3A_139 = arith.constant 0 : i32
        %dma_start3A_140 = arith.constant 0 : i32
        %dma_start3A_141 = tpu.memref_slice %arg10[%dma_start3A_139, %dma_start3A_140] : memref<256x48xf32, #tpu.memory_space<vmem>> -> memref<128x48xf32, #tpu.memory_space<vmem>>
        %dma_start3A_142 = arith.constant 0 : i32
        %dma_start3A_143 = tpu.memref_slice %arg18[%dma_start3A_138, %dma_start3A_142] : memref<2x128xi32, #tpu.memory_space<vmem>> -> memref<1x128xi32, #tpu.memory_space<vmem>>
        %dma_start3A_144 = tpu.memref_squeeze %dma_start3A_143 : memref<1x128xi32, #tpu.memory_space<vmem>> -> memref<128xi32, #tpu.memory_space<vmem>>
        %dma_start3A_145 = arith.constant 0 : i32
        %dma_start3A_146 = arith.constant 0 : i32
        %dma_start3A_147 = tpu.memref_slice %arg19[%dma_start3A_145, %dma_start3A_146] : memref<10000x48xf32, #tpu.memory_space<vmem_shared>> -> memref<10000x48xf32, #tpu.memory_space<vmem_shared>>
        tpu.enqueue_indirect_dma source(%dma_start3A_141 : memref<128x48xf32, #tpu.memory_space<vmem>>) target(%dma_start3A_147 : memref<10000x48xf32, #tpu.memory_space<vmem_shared>>) offsets(%dma_start3A_144 : memref<128xi32, #tpu.memory_space<vmem>>) semaphore(%arg25 : memref<!tpu.dma_semaphore, #tpu.memory_space<semaphore_mem>>) {add = true}
        %dma_start3A_148 = arith.constant 1 : i32
        %dma_start3A_149 = arith.constant 128 : i32
        %dma_start3A_150 = arith.constant 0 : i32
        %dma_start3A_151 = tpu.memref_slice %arg10[%dma_start3A_149, %dma_start3A_150] : memref<256x48xf32, #tpu.memory_space<vmem>> -> memref<128x48xf32, #tpu.memory_space<vmem>>
        %dma_start3A_152 = arith.constant 0 : i32
        %dma_start3A_153 = tpu.memref_slice %arg18[%dma_start3A_148, %dma_start3A_152] : memref<2x128xi32, #tpu.memory_space<vmem>> -> memref<1x128xi32, #tpu.memory_space<vmem>>
        %dma_start3A_154 = tpu.memref_squeeze %dma_start3A_153 : memref<1x128xi32, #tpu.memory_space<vmem>> -> memref<128xi32, #tpu.memory_space<vmem>>
        %dma_start3A_155 = arith.constant 0 : i32
        %dma_start3A_156 = arith.constant 0 : i32
        %dma_start3A_157 = tpu.memref_slice %arg19[%dma_start3A_155, %dma_start3A_156] : memref<10000x48xf32, #tpu.memory_space<vmem_shared>> -> memref<10000x48xf32, #tpu.memory_space<vmem_shared>>
        tpu.enqueue_indirect_dma source(%dma_start3A_151 : memref<128x48xf32, #tpu.memory_space<vmem>>) target(%dma_start3A_157 : memref<10000x48xf32, #tpu.memory_space<vmem_shared>>) offsets(%dma_start3A_154 : memref<128xi32, #tpu.memory_space<vmem>>) semaphore(%arg25 : memref<!tpu.dma_semaphore, #tpu.memory_space<semaphore_mem>>) {add = true}
      } else {
      }
    }
    %scan3A_52 = arith.constant 20 : i32
    %dma_wait3A = arith.constant 0 : i32
    %dma_wait3A_53 = arith.constant 0 : i32
    %dma_wait3A_54 = tpu.memref_slice %arg2[%dma_wait3A, %dma_wait3A_53] : memref<10000x48xf32, #tpu.memory_space<hbm>> -> memref<256x48xf32, #tpu.memory_space<hbm>>
    %dma_wait3A_55 = arith.constant 0 : i32
    %dma_wait3A_56 = arith.constant 0 : i32
    %dma_wait3A_57 = tpu.memref_slice %arg2[%dma_wait3A_55, %dma_wait3A_56] : memref<10000x48xf32, #tpu.memory_space<hbm>> -> memref<256x48xf32, #tpu.memory_space<hbm>>
    tpu.wait_dma2 semaphore(%arg24 : memref<!tpu.dma_semaphore, #tpu.memory_space<semaphore_mem>>) src(%dma_wait3A_57 : memref<256x48xf32, #tpu.memory_space<hbm>>) dst(%arg9 : memref<256x48xf32, #tpu.memory_space<vmem>>)
    %dma_wait3A_58 = arith.constant 0 : i32
    %dma_wait3A_59 = arith.constant 0 : i32
    %dma_wait3A_60 = tpu.memref_slice %arg2[%dma_wait3A_58, %dma_wait3A_59] : memref<10000x48xf32, #tpu.memory_space<hbm>> -> memref<256x48xf32, #tpu.memory_space<hbm>>
    %dma_wait3A_61 = arith.constant 0 : i32
    %dma_wait3A_62 = arith.constant 0 : i32
    %dma_wait3A_63 = tpu.memref_slice %arg2[%dma_wait3A_61, %dma_wait3A_62] : memref<10000x48xf32, #tpu.memory_space<hbm>> -> memref<256x48xf32, #tpu.memory_space<hbm>>
    tpu.wait_dma2 semaphore(%arg25 : memref<!tpu.dma_semaphore, #tpu.memory_space<semaphore_mem>>) src(%dma_wait3A_63 : memref<256x48xf32, #tpu.memory_space<hbm>>) dst(%arg10 : memref<256x48xf32, #tpu.memory_space<vmem>>)
    %barrier3A_64 = arith.constant 0 : index
    tpu.barrier barrier_id(%barrier3A_64)
    "tpu.region"() ({
      %run_scoped3A = tpu.sem_alloc : memref<!tpu.dma_semaphore, #tpu.memory_space<semaphore_mem>>
      %dma_start3A_70 = arith.constant 0 : i32
      %dma_start3A_71 = tpu.memref_slice %arg8[%arg0, %mul3A_2, %dma_start3A_70] : memref<2x10000x48xf32, #tpu.memory_space<hbm>> -> memref<1x624x48xf32, #tpu.memory_space<hbm>>
      %dma_start3A_72 = tpu.memref_squeeze %dma_start3A_71 : memref<1x624x48xf32, #tpu.memory_space<hbm>> -> memref<624x48xf32, #tpu.memory_space<hbm>>
      %dma_start3A_73 = arith.constant 0 : i32
      %dma_start3A_74 = tpu.memref_slice %arg19[%mul3A_2, %dma_start3A_73] : memref<10000x48xf32, #tpu.memory_space<vmem_shared>> -> memref<624x48xf32, #tpu.memory_space<vmem_shared>>
      tpu.enqueue_dma source(%dma_start3A_74 : memref<624x48xf32, #tpu.memory_space<vmem_shared>>) target(%dma_start3A_72 : memref<624x48xf32, #tpu.memory_space<hbm>>) target_semaphore(%run_scoped3A : memref<!tpu.dma_semaphore, #tpu.memory_space<semaphore_mem>>)
      %dma_wait3A_75 = arith.constant 0 : i32
      %dma_wait3A_76 = tpu.memref_slice %arg8[%arg0, %mul3A_2, %dma_wait3A_75] : memref<2x10000x48xf32, #tpu.memory_space<hbm>> -> memref<1x624x48xf32, #tpu.memory_space<hbm>>
      %dma_wait3A_77 = tpu.memref_squeeze %dma_wait3A_76 : memref<1x624x48xf32, #tpu.memory_space<hbm>> -> memref<624x48xf32, #tpu.memory_space<hbm>>
      %dma_wait3A_78 = arith.constant 0 : i32
      %dma_wait3A_79 = tpu.memref_slice %arg19[%mul3A_2, %dma_wait3A_78] : memref<10000x48xf32, #tpu.memory_space<vmem_shared>> -> memref<624x48xf32, #tpu.memory_space<vmem_shared>>
      tpu.wait_dma2 semaphore(%run_scoped3A : memref<!tpu.dma_semaphore, #tpu.memory_space<semaphore_mem>>) src(%dma_wait3A_79 : memref<624x48xf32, #tpu.memory_space<vmem_shared>>) dst(%dma_wait3A_77 : memref<624x48xf32, #tpu.memory_space<hbm>>)
      tpu.yield
    }) : () -> ()
    %eq3A_65 = arith.constant 0 : i32
    %eq3A_66 = arith.cmpi eq, %arg1, %eq3A_65 : i32
    %convert_element_type3A_67 = arith.extui %eq3A_66 : i1 to i32
    %cond3A_68 = arith.constant 0 : i32
    %cond3A_69 = arith.cmpi ne, %convert_element_type3A_67, %cond3A_68 : i32
    scf.if %cond3A_69 {
      "tpu.region"() ({
        %run_scoped3A = tpu.sem_alloc : memref<!tpu.dma_semaphore, #tpu.memory_space<semaphore_mem>>
        %dma_start3A_70 = arith.constant 9984 : i32
        %dma_start3A_71 = arith.constant 0 : i32
        %dma_start3A_72 = tpu.memref_slice %arg8[%arg0, %dma_start3A_70, %dma_start3A_71] : memref<2x10000x48xf32, #tpu.memory_space<hbm>> -> memref<1x16x48xf32, #tpu.memory_space<hbm>>
        %dma_start3A_73 = tpu.memref_squeeze %dma_start3A_72 : memref<1x16x48xf32, #tpu.memory_space<hbm>> -> memref<16x48xf32, #tpu.memory_space<hbm>>
        %dma_start3A_74 = arith.constant 9984 : i32
        %dma_start3A_75 = arith.constant 0 : i32
        %dma_start3A_76 = tpu.memref_slice %arg19[%dma_start3A_74, %dma_start3A_75] : memref<10000x48xf32, #tpu.memory_space<vmem_shared>> -> memref<16x48xf32, #tpu.memory_space<vmem_shared>>
        tpu.enqueue_dma source(%dma_start3A_76 : memref<16x48xf32, #tpu.memory_space<vmem_shared>>) target(%dma_start3A_73 : memref<16x48xf32, #tpu.memory_space<hbm>>) target_semaphore(%run_scoped3A : memref<!tpu.dma_semaphore, #tpu.memory_space<semaphore_mem>>)
        %dma_wait3A_77 = arith.constant 9984 : i32
        %dma_wait3A_78 = arith.constant 0 : i32
        %dma_wait3A_79 = tpu.memref_slice %arg8[%arg0, %dma_wait3A_77, %dma_wait3A_78] : memref<2x10000x48xf32, #tpu.memory_space<hbm>> -> memref<1x16x48xf32, #tpu.memory_space<hbm>>
        %dma_wait3A_80 = tpu.memref_squeeze %dma_wait3A_79 : memref<1x16x48xf32, #tpu.memory_space<hbm>> -> memref<16x48xf32, #tpu.memory_space<hbm>>
        %dma_wait3A_81 = arith.constant 9984 : i32
        %dma_wait3A_82 = arith.constant 0 : i32
        %dma_wait3A_83 = tpu.memref_slice %arg19[%dma_wait3A_81, %dma_wait3A_82] : memref<10000x48xf32, #tpu.memory_space<vmem_shared>> -> memref<16x48xf32, #tpu.memory_space<vmem_shared>>
        tpu.wait_dma2 semaphore(%run_scoped3A : memref<!tpu.dma_semaphore, #tpu.memory_space<semaphore_mem>>) src(%dma_wait3A_83 : memref<16x48xf32, #tpu.memory_space<vmem_shared>>) dst(%dma_wait3A_80 : memref<16x48xf32, #tpu.memory_space<hbm>>)
        tpu.yield
      }) : () -> ()
    } else {
    }
    return
  }
}

module attributes {stable_mosaic.version = 14 : i64} {
  func.func @_tc1_body(%arg0: i32, %arg1: memref<1000x128xf32, #tpu.memory_space<vmem>>, %arg2: memref<128x64xf32, #tpu.memory_space<vmem>>, %arg3: memref<64x8xf32, #tpu.memory_space<vmem>>, %arg4: memref<64x8xf32, #tpu.memory_space<vmem>>, %arg5: memref<1000x80xf32, #tpu.memory_space<vmem>>, %arg6: memref<1000x8xf32, #tpu.memory_space<vmem>>, %arg7: memref<1x16xf32, #tpu.memory_space<vmem>>) attributes {dimension_semantics = [#tpu.dimension_semantics<arbitrary>], iteration_bounds = array<i64: 10>, scalar_prefetch = 0 : i64, scratch_operands = 0 : i64, tpu.core_type = #tpu.core_type<tc>, window_params = [{transform_indices = @transform_0, window_bounds = array<i64: 1000, 128>}, {pipeline_mode = #tpu.pipeline_mode<synchronous>, transform_indices = @transform_1, window_bounds = array<i64: 128, 64>}, {pipeline_mode = #tpu.pipeline_mode<synchronous>, transform_indices = @transform_2, window_bounds = array<i64: 64, 8>}, {pipeline_mode = #tpu.pipeline_mode<synchronous>, transform_indices = @transform_3, window_bounds = array<i64: 64, 8>}, {transform_indices = @transform_4, window_bounds = array<i64: 1000, 80>}, {transform_indices = @transform_5, window_bounds = array<i64: 1000, 8>}, {pipeline_mode = #tpu.pipeline_mode<synchronous>, transform_indices = @transform_6, window_bounds = array<i64: 1, 16>}]} {
    %get3A = arith.constant 0 : index
    %get3A_0 = arith.constant 0 : index
    %get3A_1 = vector.load %arg1[%get3A, %get3A_0] : memref<1000x128xf32, #tpu.memory_space<vmem>>, vector<1000x128xf32>
    %get3A_2 = arith.constant 0 : index
    %get3A_3 = arith.constant 0 : index
    %get3A_4 = vector.load %arg2[%get3A_2, %get3A_3] : memref<128x64xf32, #tpu.memory_space<vmem>>, vector<128x64xf32>
    %dot_general3A = arith.constant dense<0.000000e+00> : vector<1000x64xf32>
    %dot_general3A_5 = tpu.matmul %get3A_1, %get3A_4, %dot_general3A {dimension_numbers = #tpu.dot_dimension_numbers<[1], [0], [0], [1], [0, 0, 1, 1], [], []>, transpose_lhs_hint = false} : vector<1000x128xf32>, vector<128x64xf32>, vector<1000x64xf32> -> vector<1000x64xf32>
    %get3A_6 = arith.constant 0 : index
    %get3A_7 = arith.constant 0 : index
    %get3A_8 = vector.load %arg3[%get3A_6, %get3A_7] : memref<64x8xf32, #tpu.memory_space<vmem>>, vector<64x8xf32>
    %dot_general3A_9 = arith.constant dense<0.000000e+00> : vector<1000x8xf32>
    %dot_general3A_10 = tpu.matmul %dot_general3A_5, %get3A_8, %dot_general3A_9 {dimension_numbers = #tpu.dot_dimension_numbers<[1], [0], [0], [1], [0, 0, 1, 1], [], []>, transpose_lhs_hint = false} : vector<1000x64xf32>, vector<64x8xf32>, vector<1000x8xf32> -> vector<1000x8xf32>
    %get3A_11 = arith.constant 0 : index
    %get3A_12 = arith.constant 0 : index
    %get3A_13 = vector.load %arg4[%get3A_11, %get3A_12] : memref<64x8xf32, #tpu.memory_space<vmem>>, vector<64x8xf32>
    %dot_general3A_14 = arith.constant dense<0.000000e+00> : vector<1000x8xf32>
    %dot_general3A_15 = tpu.matmul %dot_general3A_5, %get3A_13, %dot_general3A_14 {dimension_numbers = #tpu.dot_dimension_numbers<[1], [0], [0], [1], [0, 0, 1, 1], [], []>, transpose_lhs_hint = false} : vector<1000x64xf32>, vector<64x8xf32>, vector<1000x8xf32> -> vector<1000x8xf32>
    %broadcast_in_dim3A = arith.constant 0.000000e+00 : f32
    %broadcast_in_dim3A_16 = vector.broadcast %broadcast_in_dim3A : f32 to vector<1000x8xf32>
    %concatenate3A = tpu.concatenate %dot_general3A_5, %dot_general3A_10, %broadcast_in_dim3A_16 in 1 : vector<1000x64xf32>, vector<1000x8xf32>, vector<1000x8xf32> -> vector<1000x80xf32>
    %swap3A = arith.constant 0 : index
    %swap3A_17 = arith.constant 0 : index
    %swap3A_18 = vector.load %arg5[%swap3A, %swap3A_17] : memref<1000x80xf32, #tpu.memory_space<vmem>>, vector<1000x80xf32>
    tpu.vector_store %arg5[%swap3A, %swap3A_17], %concatenate3A {strides = array<i32>} : memref<1000x80xf32, #tpu.memory_space<vmem>>, vector<1000x80xf32>,
    %swap3A_19 = arith.constant 0 : index
    %swap3A_20 = arith.constant 0 : index
    %swap3A_21 = vector.load %arg6[%swap3A_19, %swap3A_20] : memref<1000x8xf32, #tpu.memory_space<vmem>>, vector<1000x8xf32>
    tpu.vector_store %arg6[%swap3A_19, %swap3A_20], %dot_general3A_15 {strides = array<i32>} : memref<1000x8xf32, #tpu.memory_space<vmem>>, vector<1000x8xf32>,
    %reduce_max3A = arith.constant dense<0xFF800000> : vector<8xf32>
    %reduce_max3A_22 = vector.multi_reduction <maximumf>, %dot_general3A_10, %reduce_max3A [0] : vector<1000x8xf32> to vector<8xf32>
    %reduce_max3A_23 = arith.constant dense<0xFF800000> : vector<8xf32>
    %reduce_max3A_24 = vector.multi_reduction <maximumf>, %dot_general3A_15, %reduce_max3A_23 [0] : vector<1000x8xf32> to vector<8xf32>
    %concatenate3A_25 = tpu.concatenate %reduce_max3A_22, %reduce_max3A_24 in 0 : vector<8xf32>, vector<8xf32> -> vector<16xf32>
    %reshape3A = vector.shape_cast %concatenate3A_25 : vector<16xf32> to vector<1x16xf32>
    %eq3A = arith.constant 0 : i32
    %eq3A_26 = arith.cmpi eq, %arg0, %eq3A : i32
    %convert_element_type3A = arith.extui %eq3A_26 : i1 to i32
    %cond3A = arith.constant 0 : i32
    %cond3A_27 = arith.cmpi ne, %convert_element_type3A, %cond3A : i32
    scf.if %cond3A_27 {
      %swap3A_37 = arith.constant 0 : index
      %swap3A_38 = arith.constant 0 : index
      %swap3A_39 = vector.load %arg7[%swap3A_37, %swap3A_38] : memref<1x16xf32, #tpu.memory_space<vmem>>, vector<1x16xf32>
      tpu.vector_store %arg7[%swap3A_37, %swap3A_38], %reshape3A {strides = array<i32>} : memref<1x16xf32, #tpu.memory_space<vmem>>, vector<1x16xf32>,
    } else {
    }
    %gt3A = arith.constant 0 : i32
    %gt3A_28 = arith.cmpi sgt, %arg0, %gt3A : i32
    %convert_element_type3A_29 = arith.extui %gt3A_28 : i1 to i32
    %cond3A_30 = arith.constant 0 : i32
    %cond3A_31 = arith.cmpi ne, %convert_element_type3A_29, %cond3A_30 : i32
    scf.if %cond3A_31 {
      %get3A_37 = arith.constant 0 : index
      %get3A_38 = arith.constant 0 : index
      %get3A_39 = vector.load %arg7[%get3A_37, %get3A_38] : memref<1x16xf32, #tpu.memory_space<vmem>>, vector<1x16xf32>
      %max3A = arith.maximumf %get3A_39, %reshape3A : vector<1x16xf32>
      %swap3A_40 = arith.constant 0 : index
      %swap3A_41 = arith.constant 0 : index
      %swap3A_42 = vector.load %arg7[%swap3A_40, %swap3A_41] : memref<1x16xf32, #tpu.memory_space<vmem>>, vector<1x16xf32>
      tpu.vector_store %arg7[%swap3A_40, %swap3A_41], %max3A {strides = array<i32>} : memref<1x16xf32, #tpu.memory_space<vmem>>, vector<1x16xf32>,
    } else {
    }
    %eq3A_32 = arith.constant 9 : i32
    %eq3A_33 = arith.cmpi eq, %arg0, %eq3A_32 : i32
    %convert_element_type3A_34 = arith.extui %eq3A_33 : i1 to i32
    %cond3A_35 = arith.constant 0 : i32
    %cond3A_36 = arith.cmpi ne, %convert_element_type3A_34, %cond3A_35 : i32
    scf.if %cond3A_36 {
      %get3A_37 = arith.constant 0 : index
      %get3A_38 = arith.constant 0 : index
      %get3A_39 = vector.load %arg7[%get3A_37, %get3A_38] : memref<1x16xf32, #tpu.memory_space<vmem>>, vector<1x16xf32>
      %slice3A = vector.extract_strided_slice %get3A_39 {offsets = [0, 0], sizes = [1, 8], strides = [1, 1]} : vector<1x16xf32> to vector<1x8xf32>
      %slice3A_40 = vector.extract_strided_slice %get3A_39 {offsets = [0, 8], sizes = [1, 8], strides = [1, 1]} : vector<1x16xf32> to vector<1x8xf32>
      %add3A = arith.addf %slice3A, %slice3A_40 : vector<1x8xf32>
      %mul3A = arith.constant 2.000000e-01 : f32
      %mul3A_41 = vector.broadcast %mul3A : f32 to vector<1x8xf32>
      %mul3A_42 = arith.mulf %mul3A_41, %add3A : vector<1x8xf32>
      %max3A = arith.maximumf %add3A, %mul3A_42 : vector<1x8xf32>
      %concatenate3A_43 = tpu.concatenate %max3A, %max3A in 1 : vector<1x8xf32>, vector<1x8xf32> -> vector<1x16xf32>
      %swap3A_44 = arith.constant 0 : index
      %swap3A_45 = arith.constant 0 : index
      %swap3A_46 = vector.load %arg7[%swap3A_44, %swap3A_45] : memref<1x16xf32, #tpu.memory_space<vmem>>, vector<1x16xf32>
      tpu.vector_store %arg7[%swap3A_44, %swap3A_45], %concatenate3A_43 {strides = array<i32>} : memref<1x16xf32, #tpu.memory_space<vmem>>, vector<1x16xf32>,
    } else {
    }
    return
  }
  func.func @transform_0(%arg0: i32) -> (i32, i32) {
    %c0_i32 = arith.constant 0 : i32
    %c0_i32_0 = arith.constant 0 : i32
    return %arg0, %c0_i32 : i32, i32
  }
  func.func @transform_1(%arg0: i32) -> (i32, i32) {
    %c0_i32 = arith.constant 0 : i32
    %c0_i32_0 = arith.constant 0 : i32
    %c0_i32_1 = arith.constant 0 : i32
    return %c0_i32, %c0_i32_0 : i32, i32
  }
  func.func @transform_2(%arg0: i32) -> (i32, i32) {
    %c0_i32 = arith.constant 0 : i32
    %c0_i32_0 = arith.constant 0 : i32
    %c0_i32_1 = arith.constant 0 : i32
    return %c0_i32, %c0_i32_0 : i32, i32
  }
  func.func @transform_3(%arg0: i32) -> (i32, i32) {
    %c0_i32 = arith.constant 0 : i32
    %c0_i32_0 = arith.constant 0 : i32
    %c0_i32_1 = arith.constant 0 : i32
    return %c0_i32, %c0_i32_0 : i32, i32
  }
  func.func @transform_4(%arg0: i32) -> (i32, i32) {
    %c0_i32 = arith.constant 0 : i32
    %c0_i32_0 = arith.constant 0 : i32
    return %arg0, %c0_i32 : i32, i32
  }
  func.func @transform_5(%arg0: i32) -> (i32, i32) {
    %c0_i32 = arith.constant 0 : i32
    %c0_i32_0 = arith.constant 0 : i32
    return %arg0, %c0_i32 : i32, i32
  }
  func.func @transform_6(%arg0: i32) -> (i32, i32) {
    %c0_i32 = arith.constant 0 : i32
    %c0_i32_0 = arith.constant 0 : i32
    %c0_i32_1 = arith.constant 0 : i32
    return %c0_i32, %c0_i32_0 : i32, i32
  }
}

module attributes {stable_mosaic.version = 14 : i64} {
  func.func @_tc2_body(%arg0: i32, %arg1: memref<2x1000x80xf32, #tpu.memory_space<vmem>>, %arg2: memref<1x64xf32, #tpu.memory_space<vmem>>, %arg3: memref<64x40xf32, #tpu.memory_space<vmem>>, %arg4: memref<8x64xf32, #tpu.memory_space<vmem>>, %arg5: memref<2x40xf32, #tpu.memory_space<vmem>>, %arg6: memref<1000x48xf32, #tpu.memory_space<vmem>>, %arg7: memref<1000x8xf32, #tpu.memory_space<vmem>>, %arg8: memref<1x16xf32, #tpu.memory_space<vmem>>) attributes {dimension_semantics = [#tpu.dimension_semantics<arbitrary>], iteration_bounds = array<i64: 10>, scalar_prefetch = 0 : i64, scratch_operands = 0 : i64, tpu.core_type = #tpu.core_type<tc>, window_params = [{transform_indices = @transform_0, window_bounds = array<i64: 2, 1000, 80>}, {pipeline_mode = #tpu.pipeline_mode<synchronous>, transform_indices = @transform_1, window_bounds = array<i64: 1, 64>}, {pipeline_mode = #tpu.pipeline_mode<synchronous>, transform_indices = @transform_2, window_bounds = array<i64: 64, 40>}, {pipeline_mode = #tpu.pipeline_mode<synchronous>, transform_indices = @transform_3, window_bounds = array<i64: 8, 64>}, {pipeline_mode = #tpu.pipeline_mode<synchronous>, transform_indices = @transform_4, window_bounds = array<i64: 2, 40>}, {transform_indices = @transform_5, window_bounds = array<i64: 1000, 48>}, {transform_indices = @transform_6, window_bounds = array<i64: 1000, 8>}, {pipeline_mode = #tpu.pipeline_mode<synchronous>, transform_indices = @transform_7, window_bounds = array<i64: 1, 16>}]} {
    %get3A = arith.constant 0 : index
    %get3A_0 = arith.constant 0 : index
    %get3A_1 = arith.constant 0 : index
    %get3A_2 = vector.load %arg1[%get3A, %get3A_0, %get3A_1] : memref<2x1000x80xf32, #tpu.memory_space<vmem>>, vector<1x1000x80xf32>
    %get3A_3 = vector.shape_cast %get3A_2 : vector<1x1000x80xf32> to vector<1000x80xf32>
    %get3A_4 = arith.constant 1 : index
    %get3A_5 = arith.constant 0 : index
    %get3A_6 = arith.constant 0 : index
    %get3A_7 = vector.load %arg1[%get3A_4, %get3A_5, %get3A_6] : memref<2x1000x80xf32, #tpu.memory_space<vmem>>, vector<1x1000x80xf32>
    %get3A_8 = vector.shape_cast %get3A_7 : vector<1x1000x80xf32> to vector<1000x80xf32>
    %slice3A = vector.extract_strided_slice %get3A_3 {offsets = [0, 0], sizes = [1000, 64], strides = [1, 1]} : vector<1000x80xf32> to vector<1000x64xf32>
    %slice3A_9 = vector.extract_strided_slice %get3A_8 {offsets = [0, 0], sizes = [1000, 64], strides = [1, 1]} : vector<1000x80xf32> to vector<1000x64xf32>
    %add3A = arith.addf %slice3A, %slice3A_9 : vector<1000x64xf32>
    %slice3A_10 = vector.extract_strided_slice %get3A_3 {offsets = [0, 64], sizes = [1000, 8], strides = [1, 1]} : vector<1000x80xf32> to vector<1000x8xf32>
    %slice3A_11 = vector.extract_strided_slice %get3A_8 {offsets = [0, 64], sizes = [1000, 8], strides = [1, 1]} : vector<1000x80xf32> to vector<1000x8xf32>
    %add3A_12 = arith.addf %slice3A_10, %slice3A_11 : vector<1000x8xf32>
    %get3A_13 = arith.constant 0 : index
    %get3A_14 = arith.constant 0 : index
    %get3A_15 = vector.load %arg4[%get3A_13, %get3A_14] : memref<8x64xf32, #tpu.memory_space<vmem>>, vector<8x64xf32>
    %dot_general3A = arith.constant dense<0.000000e+00> : vector<1000x64xf32>
    %dot_general3A_16 = tpu.matmul %add3A_12, %get3A_15, %dot_general3A {dimension_numbers = #tpu.dot_dimension_numbers<[1], [0], [0], [1], [0, 0, 1, 1], [], []>, transpose_lhs_hint = false} : vector<1000x8xf32>, vector<8x64xf32>, vector<1000x64xf32> -> vector<1000x64xf32>
    %add3A_17 = arith.constant 1.000000e-16 : f32
    %add3A_18 = vector.broadcast %add3A_17 : f32 to vector<1000x64xf32>
    %add3A_19 = arith.addf %dot_general3A_16, %add3A_18 : vector<1000x64xf32>
    %div3A = arith.divf %add3A, %add3A_19 : vector<1000x64xf32>
    %get3A_20 = arith.constant 0 : index
    %get3A_21 = arith.constant 0 : index
    %get3A_22 = vector.load %arg2[%get3A_20, %get3A_21] : memref<1x64xf32, #tpu.memory_space<vmem>>, vector<1x64xf32>
    %add3A_23 = vector.broadcast %get3A_22 : vector<1x64xf32> to vector<1000x64xf32>
    %add3A_24 = arith.addf %div3A, %add3A_23 : vector<1000x64xf32>
    %gt3A = arith.constant 0.000000e+00 : f32
    %gt3A_25 = vector.broadcast %gt3A : f32 to vector<1000x64xf32>
    %gt3A_26 = arith.cmpf ogt, %add3A_24, %gt3A_25 : vector<1000x64xf32>
    %min3A = arith.constant 0.000000e+00 : f32
    %min3A_27 = vector.broadcast %min3A : f32 to vector<1000x64xf32>
    %min3A_28 = arith.minimumf %add3A_24, %min3A_27 : vector<1000x64xf32>
    %exp3A = math.exp %min3A_28 : vector<1000x64xf32>
    %sub3A = arith.constant 1.000000e+00 : f32
    %sub3A_29 = vector.broadcast %sub3A : f32 to vector<1000x64xf32>
    %sub3A_30 = arith.subf %exp3A, %sub3A_29 : vector<1000x64xf32>
    %select_n3A = arith.select %gt3A_26, %add3A_24, %sub3A_30 : vector<1000x64xi1>, vector<1000x64xf32>
    %get3A_31 = arith.constant 0 : index
    %get3A_32 = arith.constant 0 : index
    %get3A_33 = vector.load %arg3[%get3A_31, %get3A_32] : memref<64x40xf32, #tpu.memory_space<vmem>>, vector<64x40xf32>
    %dot_general3A_34 = arith.constant dense<0.000000e+00> : vector<1000x40xf32>
    %dot_general3A_35 = tpu.matmul %select_n3A, %get3A_33, %dot_general3A_34 {dimension_numbers = #tpu.dot_dimension_numbers<[1], [0], [0], [1], [0, 0, 1, 1], [], []>, transpose_lhs_hint = false} : vector<1000x64xf32>, vector<64x40xf32>, vector<1000x40xf32> -> vector<1000x40xf32>
    %get3A_36 = arith.constant 0 : index
    %get3A_37 = arith.constant 0 : index
    %get3A_38 = vector.load %arg5[%get3A_36, %get3A_37] : memref<2x40xf32, #tpu.memory_space<vmem>>, vector<2x40xf32>
    %slice3A_39 = vector.extract_strided_slice %get3A_38 {offsets = [0, 0], sizes = [1, 40], strides = [1, 1]} : vector<2x40xf32> to vector<1x40xf32>
    %mul3A = vector.broadcast %slice3A_39 : vector<1x40xf32> to vector<1000x40xf32>
    %mul3A_40 = arith.mulf %dot_general3A_35, %mul3A : vector<1000x40xf32>
    %reduce_sum3A = arith.constant dense<0.000000e+00> : vector<1000xf32>
    %reduce_sum3A_41 = vector.multi_reduction <add>, %mul3A_40, %reduce_sum3A [1] : vector<1000x40xf32> to vector<1000xf32>
    %broadcast_in_dim3A = vector.shape_cast %reduce_sum3A_41 : vector<1000xf32> to vector<1000x1xf32>
    %slice3A_42 = vector.extract_strided_slice %get3A_38 {offsets = [1, 0], sizes = [1, 40], strides = [1, 1]} : vector<2x40xf32> to vector<1x40xf32>
    %mul3A_43 = vector.broadcast %slice3A_42 : vector<1x40xf32> to vector<1000x40xf32>
    %mul3A_44 = arith.mulf %dot_general3A_35, %mul3A_43 : vector<1000x40xf32>
    %reduce_sum3A_45 = arith.constant dense<0.000000e+00> : vector<1000xf32>
    %reduce_sum3A_46 = vector.multi_reduction <add>, %mul3A_44, %reduce_sum3A_45 [1] : vector<1000x40xf32> to vector<1000xf32>
    %broadcast_in_dim3A_47 = vector.shape_cast %reduce_sum3A_46 : vector<1000xf32> to vector<1000x1xf32>
    %broadcast_in_dim3A_48 = arith.constant 0.000000e+00 : f32
    %broadcast_in_dim3A_49 = vector.broadcast %broadcast_in_dim3A_48 : f32 to vector<1000x7xf32>
    %concatenate3A = tpu.concatenate %dot_general3A_35, %broadcast_in_dim3A, %broadcast_in_dim3A_49 in 1 : vector<1000x40xf32>, vector<1000x1xf32>, vector<1000x7xf32> -> vector<1000x48xf32>
    %swap3A = arith.constant 0 : index
    %swap3A_50 = arith.constant 0 : index
    %swap3A_51 = vector.load %arg6[%swap3A, %swap3A_50] : memref<1000x48xf32, #tpu.memory_space<vmem>>, vector<1000x48xf32>
    tpu.vector_store %arg6[%swap3A, %swap3A_50], %concatenate3A {strides = array<i32>} : memref<1000x48xf32, #tpu.memory_space<vmem>>, vector<1000x48xf32>,
    %broadcast_in_dim3A_52 = arith.constant 0.000000e+00 : f32
    %broadcast_in_dim3A_53 = vector.broadcast %broadcast_in_dim3A_52 : f32 to vector<1000x7xf32>
    %concatenate3A_54 = tpu.concatenate %broadcast_in_dim3A_47, %broadcast_in_dim3A_53 in 1 : vector<1000x1xf32>, vector<1000x7xf32> -> vector<1000x8xf32>
    %swap3A_55 = arith.constant 0 : index
    %swap3A_56 = arith.constant 0 : index
    %swap3A_57 = vector.load %arg7[%swap3A_55, %swap3A_56] : memref<1000x8xf32, #tpu.memory_space<vmem>>, vector<1000x8xf32>
    tpu.vector_store %arg7[%swap3A_55, %swap3A_56], %concatenate3A_54 {strides = array<i32>} : memref<1000x8xf32, #tpu.memory_space<vmem>>, vector<1000x8xf32>,
    %broadcast_in_dim3A_58 = arith.constant -3.000000e+38 : f32
    %broadcast_in_dim3A_59 = vector.broadcast %broadcast_in_dim3A_58 : f32 to vector<1x16xf32>
    %iota3A = tpu.iota {dimensions = array<i32: 1>} : vector<1x16xi32>
    %eq3A = arith.constant 0 : i32
    %eq3A_60 = vector.broadcast %eq3A : i32 to vector<1x16xi32>
    %eq3A_61 = arith.cmpi eq, %iota3A, %eq3A_60 : vector<1x16xi32>
    %reduce_max3A = vector.shape_cast %broadcast_in_dim3A : vector<1000x1xf32> to vector<1x1000x1xf32>
    %reduce_max3A_62 = arith.constant dense<0xFF800000> : vector<1xf32>
    %reduce_max3A_63 = vector.multi_reduction <maximumf>, %reduce_max3A, %reduce_max3A_62 [1, 2] : vector<1x1000x1xf32> to vector<1xf32>
    %reduce_max3A_64 = vector.shape_cast %reduce_max3A_63 : vector<1xf32> to vector<1x1x1xf32>
    %reduce_max3A_65 = vector.extract %reduce_max3A_64[0, 0, 0] : f32 from vector<1x1x1xf32>
    %broadcast_in_dim3A_66 = vector.broadcast %reduce_max3A_65 : f32 to vector<1x16xf32>
    %select_n3A_67 = arith.select %eq3A_61, %broadcast_in_dim3A_66, %broadcast_in_dim3A_59 : vector<1x16xi1>, vector<1x16xf32>
    %eq3A_68 = arith.constant 1 : i32
    %eq3A_69 = vector.broadcast %eq3A_68 : i32 to vector<1x16xi32>
    %eq3A_70 = arith.cmpi eq, %iota3A, %eq3A_69 : vector<1x16xi32>
    %reduce_max3A_71 = vector.shape_cast %broadcast_in_dim3A_47 : vector<1000x1xf32> to vector<1x1000x1xf32>
    %reduce_max3A_72 = arith.constant dense<0xFF800000> : vector<1xf32>
    %reduce_max3A_73 = vector.multi_reduction <maximumf>, %reduce_max3A_71, %reduce_max3A_72 [1, 2] : vector<1x1000x1xf32> to vector<1xf32>
    %reduce_max3A_74 = vector.shape_cast %reduce_max3A_73 : vector<1xf32> to vector<1x1x1xf32>
    %reduce_max3A_75 = vector.extract %reduce_max3A_74[0, 0, 0] : f32 from vector<1x1x1xf32>
    %broadcast_in_dim3A_76 = vector.broadcast %reduce_max3A_75 : f32 to vector<1x16xf32>
    %select_n3A_77 = arith.select %eq3A_70, %broadcast_in_dim3A_76, %select_n3A_67 : vector<1x16xi1>, vector<1x16xf32>
    %eq3A_78 = arith.constant 0 : i32
    %eq3A_79 = arith.cmpi eq, %arg0, %eq3A_78 : i32
    %convert_element_type3A = arith.extui %eq3A_79 : i1 to i32
    %cond3A = arith.constant 0 : i32
    %cond3A_80 = arith.cmpi ne, %convert_element_type3A, %cond3A : i32
    scf.if %cond3A_80 {
      %swap3A_91 = arith.constant 0 : index
      %swap3A_92 = arith.constant 0 : index
      %swap3A_93 = vector.load %arg8[%swap3A_91, %swap3A_92] : memref<1x16xf32, #tpu.memory_space<vmem>>, vector<1x16xf32>
      tpu.vector_store %arg8[%swap3A_91, %swap3A_92], %select_n3A_77 {strides = array<i32>} : memref<1x16xf32, #tpu.memory_space<vmem>>, vector<1x16xf32>,
    } else {
    }
    %gt3A_81 = arith.constant 0 : i32
    %gt3A_82 = arith.cmpi sgt, %arg0, %gt3A_81 : i32
    %convert_element_type3A_83 = arith.extui %gt3A_82 : i1 to i32
    %cond3A_84 = arith.constant 0 : i32
    %cond3A_85 = arith.cmpi ne, %convert_element_type3A_83, %cond3A_84 : i32
    scf.if %cond3A_85 {
      %get3A_91 = arith.constant 0 : index
      %get3A_92 = arith.constant 0 : index
      %get3A_93 = vector.load %arg8[%get3A_91, %get3A_92] : memref<1x16xf32, #tpu.memory_space<vmem>>, vector<1x16xf32>
      %max3A = arith.maximumf %get3A_93, %select_n3A_77 : vector<1x16xf32>
      %swap3A_94 = arith.constant 0 : index
      %swap3A_95 = arith.constant 0 : index
      %swap3A_96 = vector.load %arg8[%swap3A_94, %swap3A_95] : memref<1x16xf32, #tpu.memory_space<vmem>>, vector<1x16xf32>
      tpu.vector_store %arg8[%swap3A_94, %swap3A_95], %max3A {strides = array<i32>} : memref<1x16xf32, #tpu.memory_space<vmem>>, vector<1x16xf32>,
    } else {
    }
    %eq3A_86 = arith.constant 9 : i32
    %eq3A_87 = arith.cmpi eq, %arg0, %eq3A_86 : i32
    %convert_element_type3A_88 = arith.extui %eq3A_87 : i1 to i32
    %cond3A_89 = arith.constant 0 : i32
    %cond3A_90 = arith.cmpi ne, %convert_element_type3A_88, %cond3A_89 : i32
    scf.if %cond3A_90 {
      %get3A_91 = arith.constant 0 : index
      %get3A_92 = arith.constant 0 : index
      %get3A_93 = vector.load %arg8[%get3A_91, %get3A_92] : memref<1x16xf32, #tpu.memory_space<vmem>>, vector<1x16xf32>
      %eq3A_94 = arith.constant 0 : i32
      %eq3A_95 = vector.broadcast %eq3A_94 : i32 to vector<1x16xi32>
      %eq3A_96 = arith.cmpi eq, %iota3A, %eq3A_95 : vector<1x16xi32>
      %jit3A = arith.constant 0.000000e+00 : f32
      %broadcast_in_dim3A_97 = vector.broadcast %jit3A : f32 to vector<1x16xf32>
      %select_n3A_98 = arith.select %eq3A_96, %get3A_93, %broadcast_in_dim3A_97 : vector<1x16xi1>, vector<1x16xf32>
      %reduce_sum3A_99 = arith.constant dense<0.000000e+00> : vector<1xf32>
      %reduce_sum3A_100 = vector.multi_reduction <add>, %select_n3A_98, %reduce_sum3A_99 [1] : vector<1x16xf32> to vector<1xf32>
      %broadcast_in_dim3A_101 = vector.shape_cast %reduce_sum3A_100 : vector<1xf32> to vector<1x1xf32>
      %eq3A_102 = arith.constant 1 : i32
      %eq3A_103 = vector.broadcast %eq3A_102 : i32 to vector<1x16xi32>
      %eq3A_104 = arith.cmpi eq, %iota3A, %eq3A_103 : vector<1x16xi32>
      %jit3A_105 = arith.constant 0.000000e+00 : f32
      %broadcast_in_dim3A_106 = vector.broadcast %jit3A_105 : f32 to vector<1x16xf32>
      %select_n3A_107 = arith.select %eq3A_104, %get3A_93, %broadcast_in_dim3A_106 : vector<1x16xi1>, vector<1x16xf32>
      %reduce_sum3A_108 = arith.constant dense<0.000000e+00> : vector<1xf32>
      %reduce_sum3A_109 = vector.multi_reduction <add>, %select_n3A_107, %reduce_sum3A_108 [1] : vector<1x16xf32> to vector<1xf32>
      %broadcast_in_dim3A_110 = vector.shape_cast %reduce_sum3A_109 : vector<1xf32> to vector<1x1xf32>
      %add3A_111 = arith.addf %broadcast_in_dim3A_101, %broadcast_in_dim3A_110 : vector<1x1xf32>
      %mul3A_112 = arith.constant 2.000000e-01 : f32
      %mul3A_113 = vector.broadcast %mul3A_112 : f32 to vector<1x1xf32>
      %mul3A_114 = arith.mulf %mul3A_113, %add3A_111 : vector<1x1xf32>
      %max3A = arith.maximumf %add3A_111, %mul3A_114 : vector<1x1xf32>
      %broadcast_in_dim3A_115 = vector.shape_cast %max3A : vector<1x1xf32> to vector<1x1xf32>
      %broadcast_in_dim3A_116 = vector.broadcast %broadcast_in_dim3A_115 : vector<1x1xf32> to vector<1x16xf32>
      %swap3A_117 = arith.constant 0 : index
      %swap3A_118 = arith.constant 0 : index
      %swap3A_119 = vector.load %arg8[%swap3A_117, %swap3A_118] : memref<1x16xf32, #tpu.memory_space<vmem>>, vector<1x16xf32>
      tpu.vector_store %arg8[%swap3A_117, %swap3A_118], %broadcast_in_dim3A_116 {strides = array<i32>} : memref<1x16xf32, #tpu.memory_space<vmem>>, vector<1x16xf32>,
    } else {
    }
    return
  }
  func.func @transform_0(%arg0: i32) -> (i32, i32, i32) {
    %c0_i32 = arith.constant 0 : i32
    %c0_i32_0 = arith.constant 0 : i32
    %c0_i32_1 = arith.constant 0 : i32
    return %c0_i32, %arg0, %c0_i32_0 : i32, i32, i32
  }
  func.func @transform_1(%arg0: i32) -> (i32, i32) {
    %c0_i32 = arith.constant 0 : i32
    %c0_i32_0 = arith.constant 0 : i32
    %c0_i32_1 = arith.constant 0 : i32
    return %c0_i32, %c0_i32_0 : i32, i32
  }
  func.func @transform_2(%arg0: i32) -> (i32, i32) {
    %c0_i32 = arith.constant 0 : i32
    %c0_i32_0 = arith.constant 0 : i32
    %c0_i32_1 = arith.constant 0 : i32
    return %c0_i32, %c0_i32_0 : i32, i32
  }
  func.func @transform_3(%arg0: i32) -> (i32, i32) {
    %c0_i32 = arith.constant 0 : i32
    %c0_i32_0 = arith.constant 0 : i32
    %c0_i32_1 = arith.constant 0 : i32
    return %c0_i32, %c0_i32_0 : i32, i32
  }
  func.func @transform_4(%arg0: i32) -> (i32, i32) {
    %c0_i32 = arith.constant 0 : i32
    %c0_i32_0 = arith.constant 0 : i32
    %c0_i32_1 = arith.constant 0 : i32
    return %c0_i32, %c0_i32_0 : i32, i32
  }
  func.func @transform_5(%arg0: i32) -> (i32, i32) {
    %c0_i32 = arith.constant 0 : i32
    %c0_i32_0 = arith.constant 0 : i32
    return %arg0, %c0_i32 : i32, i32
  }
  func.func @transform_6(%arg0: i32) -> (i32, i32) {
    %c0_i32 = arith.constant 0 : i32
    %c0_i32_0 = arith.constant 0 : i32
    return %arg0, %c0_i32 : i32, i32
  }
  func.func @transform_7(%arg0: i32) -> (i32, i32) {
    %c0_i32 = arith.constant 0 : i32
    %c0_i32_0 = arith.constant 0 : i32
    %c0_i32_1 = arith.constant 0 : i32
    return %c0_i32, %c0_i32_0 : i32, i32
  }
}

module attributes {stable_mosaic.version = 14 : i64} {
  func.func @_tc3_body(%arg0: i32, %arg1: memref<2x1000x48xf32, #tpu.memory_space<vmem>>, %arg2: memref<1x40xf32, #tpu.memory_space<vmem>>, %arg3: memref<1000x40xf32, #tpu.memory_space<vmem>>) attributes {dimension_semantics = [#tpu.dimension_semantics<arbitrary>], iteration_bounds = array<i64: 10>, scalar_prefetch = 0 : i64, scratch_operands = 0 : i64, tpu.core_type = #tpu.core_type<tc>, window_params = [{transform_indices = @transform_0, window_bounds = array<i64: 2, 1000, 48>}, {pipeline_mode = #tpu.pipeline_mode<synchronous>, transform_indices = @transform_1, window_bounds = array<i64: 1, 40>}, {transform_indices = @transform_2, window_bounds = array<i64: 1000, 40>}]} {
    %get3A = arith.constant 0 : index
    %get3A_0 = arith.constant 0 : index
    %get3A_1 = arith.constant 0 : index
    %get3A_2 = vector.load %arg1[%get3A, %get3A_0, %get3A_1] : memref<2x1000x48xf32, #tpu.memory_space<vmem>>, vector<1x1000x48xf32>
    %get3A_3 = vector.shape_cast %get3A_2 : vector<1x1000x48xf32> to vector<1000x48xf32>
    %get3A_4 = arith.constant 1 : index
    %get3A_5 = arith.constant 0 : index
    %get3A_6 = arith.constant 0 : index
    %get3A_7 = vector.load %arg1[%get3A_4, %get3A_5, %get3A_6] : memref<2x1000x48xf32, #tpu.memory_space<vmem>>, vector<1x1000x48xf32>
    %get3A_8 = vector.shape_cast %get3A_7 : vector<1x1000x48xf32> to vector<1000x48xf32>
    %slice3A = vector.extract_strided_slice %get3A_3 {offsets = [0, 0], sizes = [1000, 40], strides = [1, 1]} : vector<1000x48xf32> to vector<1000x40xf32>
    %slice3A_9 = vector.extract_strided_slice %get3A_8 {offsets = [0, 0], sizes = [1000, 40], strides = [1, 1]} : vector<1000x48xf32> to vector<1000x40xf32>
    %add3A = arith.addf %slice3A, %slice3A_9 : vector<1000x40xf32>
    %slice3A_10 = vector.extract_strided_slice %get3A_3 {offsets = [0, 40], sizes = [1000, 1], strides = [1, 1]} : vector<1000x48xf32> to vector<1000x1xf32>
    %slice3A_11 = vector.extract_strided_slice %get3A_8 {offsets = [0, 40], sizes = [1000, 1], strides = [1, 1]} : vector<1000x48xf32> to vector<1000x1xf32>
    %add3A_12 = arith.addf %slice3A_10, %slice3A_11 : vector<1000x1xf32>
    %add3A_13 = arith.constant 1.000000e-16 : f32
    %add3A_14 = vector.broadcast %add3A_13 : f32 to vector<1000x1xf32>
    %add3A_15 = arith.addf %add3A_12, %add3A_14 : vector<1000x1xf32>
    %div3A = vector.broadcast %add3A_15 : vector<1000x1xf32> to vector<1000x40xf32>
    %div3A_16 = arith.divf %add3A, %div3A : vector<1000x40xf32>
    %get3A_17 = arith.constant 0 : index
    %get3A_18 = arith.constant 0 : index
    %get3A_19 = vector.load %arg2[%get3A_17, %get3A_18] : memref<1x40xf32, #tpu.memory_space<vmem>>, vector<1x40xf32>
    %add3A_20 = vector.broadcast %get3A_19 : vector<1x40xf32> to vector<1000x40xf32>
    %add3A_21 = arith.addf %div3A_16, %add3A_20 : vector<1000x40xf32>
    %reduce_max3A = arith.constant dense<0xFF800000> : vector<1000xf32>
    %reduce_max3A_22 = vector.multi_reduction <maximumf>, %add3A_21, %reduce_max3A [1] : vector<1000x40xf32> to vector<1000xf32>
    %broadcast_in_dim3A = vector.shape_cast %reduce_max3A_22 : vector<1000xf32> to vector<1000x1xf32>
    %sub3A = vector.broadcast %broadcast_in_dim3A : vector<1000x1xf32> to vector<1000x40xf32>
    %sub3A_23 = arith.subf %add3A_21, %sub3A : vector<1000x40xf32>
    %sub3A_24 = vector.broadcast %broadcast_in_dim3A : vector<1000x1xf32> to vector<1000x40xf32>
    %sub3A_25 = arith.subf %add3A_21, %sub3A_24 : vector<1000x40xf32>
    %exp3A = math.exp %sub3A_25 : vector<1000x40xf32>
    %reduce_sum3A = arith.constant dense<0.000000e+00> : vector<1000xf32>
    %reduce_sum3A_26 = vector.multi_reduction <add>, %exp3A, %reduce_sum3A [1] : vector<1000x40xf32> to vector<1000xf32>
    %broadcast_in_dim3A_27 = vector.shape_cast %reduce_sum3A_26 : vector<1000xf32> to vector<1000x1xf32>
    %log3A = math.log %broadcast_in_dim3A_27 : vector<1000x1xf32>
    %sub3A_28 = vector.broadcast %log3A : vector<1000x1xf32> to vector<1000x40xf32>
    %sub3A_29 = arith.subf %sub3A_23, %sub3A_28 : vector<1000x40xf32>
    %swap3A = arith.constant 0 : index
    %swap3A_30 = arith.constant 0 : index
    %swap3A_31 = vector.load %arg3[%swap3A, %swap3A_30] : memref<1000x40xf32, #tpu.memory_space<vmem>>, vector<1000x40xf32>
    tpu.vector_store %arg3[%swap3A, %swap3A_30], %sub3A_29 {strides = array<i32>} : memref<1000x40xf32, #tpu.memory_space<vmem>>, vector<1000x40xf32>,
    return
  }
  func.func @transform_0(%arg0: i32) -> (i32, i32, i32) {
    %c0_i32 = arith.constant 0 : i32
    %c0_i32_0 = arith.constant 0 : i32
    %c0_i32_1 = arith.constant 0 : i32
    return %c0_i32, %arg0, %c0_i32_0 : i32, i32, i32
  }
  func.func @transform_1(%arg0: i32) -> (i32, i32) {
    %c0_i32 = arith.constant 0 : i32
    %c0_i32_0 = arith.constant 0 : i32
    %c0_i32_1 = arith.constant 0 : i32
    return %c0_i32, %c0_i32_0 : i32, i32
  }
  func.func @transform_2(%arg0: i32) -> (i32, i32) {
    %c0_i32 = arith.constant 0 : i32
    %c0_i32_0 = arith.constant 0 : i32
    return %arg0, %c0_i32 : i32, i32
  }
}

</mosaic_0001>

<sc_bundles>
// kernel: kernel.10.cloned.1.call-start
scs
__scs_entry_jumppad:
0x0: {  	(pc) =	sbr.rel $0x88, $3  }
0x1: {  	(tag) =	ssettag $0x0;
	lr =	simm.s32 $0x1  }
0x2: {  	[smem:$0x3F97] =	sst lr;
	_ =	strace $0xD0000000  }
0x3: {  	_ = 	snop  }
0x4: {  	_ = 	snop  }
0x5: {  	_ = 	snop  }
0x6: {  	_ = 	snop  }
0x7: {  	_ = 	snop  }
__scs_overlays_trampoline_lowered:
0x8: {  	[smem:$0x3FA6] =	sst s0  }
0x9: {  	[smem:$0x3FA7] =	sst s1  }
0xa: {  	[smem:$0x3FA8] =	sst s2  }
0xb: {  	[smem:$0x3FA9] =	sst s3  }
0xc: {  	[smem:$0x3FAA] =	sst s4  }
0xd: {  	[smem:$0x3FAB] =	sst s5  }
0xe: {  	[smem:$0x3FAC] =	sst s6  }
0xf: {  	[smem:$0x3FAD] =	sst s7  }
0x10: {  	[smem:$0x3FAE] =	sst s8  }
0x11: {  	[smem:$0x3FAF] =	sst s9;
	s0 =	simm.s32 @!p0 $0x0  }
0x12: {  	s1 =	sld [smem:$0x3F95];
	s0 =	simm.s32 @p0 $0x1  }
0x13: {  	[smem:$0x3FB0] =	sst s0;
	s0 =	simm.s32 @!p1 $0x0  }
0x14: {  	s2 =	sld [smem:$0x3F94];
	s0 =	simm.s32 @p1 $0x1  }
0x15: {  	[smem:$0x3FB1] =	sst s0;
	s0 =	simm.s32 @!p2 $0x0  }
0x16: {  	s3 =	sld [smem:$0x3FDB];
	s0 =	simm.s32 @p2 $0x1  }
0x17: {  	s4 =	simm.s32 $0x1BF5;
	[smem:$0x3FB3] =	sst s0  }
0x18: {  	s0 =	sld [smem:$0x3F96];
	_ =	swait.ge [sflag:s4], $0x0  }
0x19: {  	s7 =	sld [smem:$0x3F97]  }
0x1a: {  	s8 =	sadd.s32 $0xFFFFE003, lr  }
0x1b: {  	s9 =	sadd.s32 $0xFFFFFEF7, lr;
	s5 =	simm.s32 $0xFFFFFFFF;
	p2 =	slt.u32 s8, $0xFFFFF086  }
0x1c: {  	p1 =	slt.u32 s9, $0xF7A;
	s5 =	simm.s32 @!p2 $0x0  }
0x1d: {  	s5 =	simm.s32 @p1 $0x1;
	p0 =	seq.s32 s7, s2  }
0x1e: {  	s7 =	smul.u32 @!p0 $0xF7A, s2;
	p2 =	seq.s32 @!p0 s5, $0x0  }
0x1f: {  	s9 =	smul.u32 $0xF7A, s1;
	s8 =	simm.s32 @!p0 $0x1BF5;
	p2 =	por !p2, p0  }
0x20: {  	[sflag:s8] =	ssyncset.s32 @!p0 $0xFFFFF086;
	s6 =	sadd.s32 @!p0 s3, s7;
	s7 =	simm.s32 @!p0 $0x108  }
0x21: {  	s3 =	sadd.s32 s3, s9;
	s6 =	sadd.s32 @!p0 $0x88, s6;
	s7 =	simm.s32 @p2 $0x1082  }
0x22: {  	[simem:s7], [sflag:s8] =	dma.local @!p0 [hbm:s6], $0xF7A  }
0x23: {  	s9 =	sor.u32 $0xD0000000, s2;
	s6 =	simm.s32 $0x108;
	_ =	swait.ge @!p0 [sflag:s8], $0x0  }
0x24: {  	s3 =	sadd.s32 $0x88, s3;
	s6 =	simm.s32 @!p1 $0x1082;
	[sflag:s4] =	ssyncset.s32 $0xFFFFF086  }
0x25: {  	[simem:s6], [sflag:s4] =	dma.local [hbm:s3], $0xF7A  }
0x26: {  	[smem:$0x3F97] =	sst s1;
	(tag) =	ssettag s2;
	_ =	strace s9  }
0x27: {  	s1 =	sld [smem:$0x3FA7]  }
0x28: {  	s2 =	sld [smem:$0x3FA8]  }
0x29: {  	s4 =	sld [smem:$0x3FAA]  }
0x2a: {  	p0 =	seq.s32 s5, $0x0;
	s5 =	sld [smem:$0x3FAB]  }
0x2b: {  	s6 =	sld [smem:$0x3FAC]  }
0x2c: {  	s7 =	sld [smem:$0x3FAD]  }
0x2d: {  	s3 =	simm.s32 $0x108;
	s8 =	sld [smem:$0x3FAE]  }
0x2e: {  	s3 =	simm.s32 @!p0 $0x1082;
	s9 =	sld [smem:$0x3FAF]  }
0x2f: {  	lr =	sadd.s32 s0, s3;
	s0 =	sld [smem:$0x3FA6]  }
0x30: {  	s3 =	sld [smem:$0x3FA9]  }
0x31: {  	[smem:$0x3FB2] =	sst s10  }
0x32: {  	s10 =	sld [smem:$0x3FB0];
	_ =	sdelay $0x3  }
0x33: {  	p0 =	seq.s32 s10, $0x1;
	s10 =	sld [smem:$0x3FB2];
	_ =	sdelay $0x3  }
0x34: {  	[smem:$0x3FB2] =	sst s10  }
0x35: {  	s10 =	sld [smem:$0x3FB1];
	_ =	sdelay $0x3  }
0x36: {  	p1 =	seq.s32 s10, $0x1;
	s10 =	sld [smem:$0x3FB2];
	_ =	sdelay $0x3  }
0x37: {  	[smem:$0x3FB2] =	sst s10  }
0x38: {  	s10 =	sld [smem:$0x3FB3]  }
0x39: {  	_ = 	snop;
	(pc) =	sbr.ind lr, $3  }
0x3a: {  	_ = 	snop  }
0x3b: {  	_ = 	snop  }
0x3c: {  	p2 =	seq.s32 s10, $0x1;
	s10 =	sld [smem:$0x3FB2]  }
0x3d: {  	_ =	shalt  }
0x3e: {  	_ =	shalt  }
0x3f: {  	_ =	shalt  }
0x40: {  	_ =	shalt  }
0x41: {  	_ =	shalt  }
0x42: {  	_ =	shalt  }
0x43: {  	_ =	shalt  }
0x44: {  	_ =	shalt  }
0x45: {  	_ =	shalt  }
0x46: {  	_ =	shalt  }
0x47: {  	_ =	shalt  }
0x48: {  	_ =	shalt  }
0x49: {  	_ =	shalt  }
0x4a: {  	_ =	shalt  }
0x4b: {  	_ =	shalt  }
0x4c: {  	_ =	shalt  }
0x4d: {  	_ =	shalt  }
0x4e: {  	_ =	shalt  }
0x4f: {  	_ =	shalt  }
0x50: {  	_ =	shalt  }
0x51: {  	_ =	shalt  }
0x52: {  	_ =	shalt  }
0x53: {  	_ =	shalt  }
0x54: {  	_ =	shalt  }
0x55: {  	_ =	shalt  }
0x56: {  	_ =	shalt  }
0x57: {  	_ =	shalt  }
0x58: {  	_ =	shalt  }
0x59: {  	_ =	shalt  }
0x5a: {  	_ =	shalt  }
0x5b: {  	_ =	shalt  }
0x5c: {  	_ =	shalt  }
0x5d: {  	_ =	shalt  }
0x5e: {  	_ =	shalt  }
0x5f: {  	_ =	shalt  }
0x60: {  	_ =	shalt  }
0x61: {  	_ =	shalt  }
0x62: {  	_ =	shalt  }
0x63: {  	_ =	shalt  }
0x64: {  	_ =	shalt  }
0x65: {  	_ =	shalt  }
0x66: {  	_ =	shalt  }
0x67: {  	_ =	shalt  }
0x68: {  	_ =	shalt  }
0x69: {  	_ =	shalt  }
0x6a: {  	_ =	shalt  }
0x6b: {  	_ =	shalt  }
0x6c: {  	_ =	shalt  }
0x6d: {  	_ =	shalt  }
0x6e: {  	_ =	shalt  }
0x6f: {  	_ =	shalt  }
0x70: {  	_ =	shalt  }
0x71: {  	_ =	shalt  }
0x72: {  	_ =	shalt  }
0x73: {  	_ =	shalt  }
0x74: {  	_ =	shalt  }
0x75: {  	_ =	shalt  }
0x76: {  	_ =	shalt  }
0x77: {  	_ =	shalt  }
0x78: {  	_ =	shalt  }
0x79: {  	_ =	shalt  }
0x7a: {  	_ =	shalt  }
0x7b: {  	_ =	shalt  }
0x7c: {  	_ =	shalt  }
0x7d: {  	_ =	shalt  }
0x7e: {  	_ =	shalt  }
0x7f: {  	_ =	shalt  }
0x80: {  	_ =	shalt  }
0x81: {  	_ =	shalt  }
0x82: {  	_ =	shalt  }
0x83: {  	_ =	shalt  }
0x84: {  	_ =	shalt  }
0x85: {  	_ =	shalt  }
0x86: {  	_ =	shalt  }
0x87: {  	_ =	shalt  }
.Lfunc_end0:
.L_simem_size_0:
called_computation.1_lowered:
.L_overlay_start_0:
0x88: {  	s2 =	sld [smem:$0x3FD9]  }
0x89: {  	s3 =	sld [smem:$0x3FFE];
	_ =	sdelay $0x1  }
0x8a: {  	s1 =	srdreg.scid  }
0x8b: {  	s0 =	sand.u32 $0x1, s1  }
0x8c: {  	s17 =	sshll.u32 s0, $0xA;
	s2 =	sadd.s32 s3, s2  }
0x8d: {  	s2 =	sadd.s32 s2, s17  }
0x8e: {  	[smem:$0x3FBE] =	sst s2  }
0x8f: {  	_ = 	snop  }
0x90: {  	s2 =	sld [smem:$0x3FD0];
	(tm) =	ssettm $0x1  }
0x91: {  	s18 =	sld [smem:$0x3FFB];
	_ =	sdelay $0x3  }
0x92: {  	_ =	strace s18  }
0x93: {  	s3 =	sld [smem:$0x3FFC];
	_ =	sdelay $0x3  }
0x94: {  	_ =	strace s3  }
0x95: {  	s3 =	sld [smem:$0x3FFD];
	_ =	sdelay $0x3  }
0x96: {  	_ =	strace s3  }
0x97: {  	_ =	strace $0x8FFFFFFF  }
0x98: {  	s19 =	sld [smem:$0x3FDB];
	_ =	sdelay $0x1  }
0x99: {  	s4 =	simm.s32 $_scs_section_size  }
0x9a: {  	s5 =	simm.s32 $_size__tile_overlayer_lowered;
	s6 =	simm.s32 $_tile_overlayer_lowered  }
0x9b: {  	s22 =	simm.s32 $0x1BFF;
	s21 =	sshll.u32 s6, $0x1;
	s3 =	sadd.s32 s4, s19  }
0x9c: {  	s7 =	simm.s32 $0x0;
	s20 =	sshll.u32 s5, $0x1;
	s5 =	sadd.s32 s21, s3  }
0x9d: {  	[timem:s7], [sflag:s22] =	dma.local [hbm:s5], s20  }
0x9e: {  	_ =	swait.ge [sflag:s22], s20  }
0x9f: {  	s4 =	ssub.s32 $0x0, s20;
	[sflag:s22] =	ssyncset.done $0x0  }
0xa0: {  	[sflag:s22] =	ssyncadd.s32 s4;
	_ =	sdelay $0x1  }
0xa1: {  	s23 =	simm.s32 $0x1B8B  }
0xa2: {  	_ =	swait.ge [sflag:s23], $0x1  }
0xa3: {  	[sflag:s23] =	ssyncset.done $0x0  }
0xa4: {  	s25 =	simm.s32 $0x1B8E;
	s24 =	sld [smem:$0x3FFE];
	[sflag:s23] =	ssyncadd.s32 $0xFFFFFFFF  }
0xa5: {  	s26 =	simm.s32 $execute0_lowered;
	[smem:$0x3FD2] =	sst s25  }
0xa6: {  	s5 =	sshll.u32 s26, $0x1;
	_ =	strace $0x80000049;
	[dreg:$0x1] =	wrdreg $0xFFFFFFFF  }
0xa7: {  	s28 =	simm.s32 $_size_execute0_lowered;
	s3 =	sadd.s32 s3, s5;
	[dreg:$0x0] =	wrdreg $0x0  }
0xa8: {  	s5 =	sshll.u32 s28, $0x1;
	[dreg:$0x2] =	wrdreg s3  }
0xa9: {  	[dreg:$0x3] =	wrdreg s5  }
0xaa: {  	[dreg:$0x4] =	wrdreg $0xC0  }
0xab: {  	_ =	task [dreg:s7], $0x5FFFF  }
0xac: {  	[dreg:$0x1] =	wrdreg $0xFFFFFFFF  }
0xad: {  	[dreg:$0x0] =	wrdreg $0x60  }
0xae: {  	[dreg:$0x2] =	wrdreg s24  }
0xaf: {  	[dreg:$0x3] =	wrdreg s2  }
0xb0: {  	[dreg:$0x4] =	wrdreg $0x7C100  }
0xb1: {  	[dreg:$0x5] =	wrdreg $0x9  }
0xb2: {  	_ =	task.clear_ibuf [dreg:s7], $0x6FFFF;
	_ =	strace $0x90000049  }
0xb3: {  	s29 =	simm.s32 $0x9;
	_ =	strace $0x8000004B  }
0xb4: {  	_ =	swait.ge [sflag:s29], $0x1  }
0xb5: {  	[sflag:s29] =	ssyncadd.s32 $0xFFFFFFFF  }
0xb6: {  	_ =	strace $0x9000004B  }
0xb7: {  	_ =	sfence  }
0xb8: {  	s30 =	sld [smem:$0x0];
	_ =	sdelay $0x2  }
0xb9: {  	s31 =	sshll.u32 s1, $0xD;
	s1 =	sshrl.u32 s1, $0x2  }
0xba: {  	s3 =	sand.u32 $0x4000, s31;
	s1 =	sadd.s32 s1, s30  }
0xbb: {  	s0 =	sor.u32 s3, s0;
	s1 =	sshll.u32 s1, $0x11  }
0xbc: {  	s0 =	sor.u32 s1, s0  }
0xbd: {  	s0 =	sadd.s32 $0x8F2B, s0  }
0xbe: {  	[sflag:s0] =	ssyncadd.remote.s32 $0x1  }
0xbf: {  	_ =	sfence.sel $0xFFFF  }
0xc0: {  	[dreg:$0x0] =	wrdreg $0xFFFFFFFF;
	(pc) =	sbr.abs _section_cstart, $3  }
0xc1: {  	[dreg:$0x1] =	wrdreg $0xFFFFFFFF  }
0xc2: {  	_ =	task.clear_ibuf [dreg:s7], $0x2FFFF;
	_ =	strace $0x9FFFFFFF  }
0xc3: {  	(tm) =	ssettm $0x7FFFFFFF  }
tec
execute0_lowered:
.L_overlay_start_1:
0x0: {  	(tag) =	ssettag $0x1  }
0x1: {  	s0 =	rddreg [dreg:$0x0]  }
0x2: {  	s1 =	rddreg [dreg:$0x1]  }
0x3: {  	s2 =	rddreg [dreg:$0x2];
	s3 =	simm.s32 $0x0;
	s6 =	stileid.u32  }
0x4: {  	s7 =	srdreg.scid;
	s28 =	simm.s32 $0x1800;
	s29 =	simm.s32 $0x7A90  }
0x5: {  	s31 =	simm.s32 $0x1;
	s30 =	simm.s32 $0x4;
	s17 =	simm.s32 $0x0  }
0x6: {  	[smem:$0x7FF] =	sst s3;
	s8 =	smul.u32 $0x7500, s6;
	s4 =	sadd.s32 $0xC00, s0  }
0x7: {  	s5 =	sadd.s32 $0xF800, s0;
	s9 =	sand.u32 $0x1, s7;
	s18 =	sadd.s32 $0xA00, s0  }
0x8: {  	s7 =	sadd.s32 $0x1BC00, s0;
	s13 =	sadd.s32 $0x34600, s0;
	s19 =	sshll.u32 s6, $0x1  }
0x9: {  	s14 =	sshll.u32 s6, $0x6;
	s20 =	sadd.s32 $0x75000, s2;
	p0 =	sne.s32 s6, $0x0  }
0xa: {  	s6 =	simm.s32 $0x3000;
	_ =	strace $0x8000004A;
	[dreg:$0x4] =	wrdreg s18  }
0xb: {  	s11 =	ssub.s32 $0x2, s9;
	s16 =	sor.u32 $0x1C07, s14;
	[dreg:$0x7] =	wrdreg s20  }
0xc: {  	s10 =	sshrl.u32 s8, $0x3;
	s12 =	sshrl.u32 s11, $0x1;
	s15 =	sadd.s32 s8, s2  }
0xd: {  	[dreg:$0x6] =	wrdreg s16;
	s10 =	sadd.s32 s10, s0;
	s11 =	ssub.s32 s11, s12  }
0xe: {  	s12 =	sor.u32 s9, s19;
	s9 =	smul.u32 $0x75300, s9;
	s0 =	sadd.s32 $0x34400, s0  }
0xf: {  	s10 =	sadd.s32 $0x25A00, s10;
	[dreg:$0x8] =	wrdreg s0;
	s21 =	sshll.u32 s12, $0x5  }
0x10: {  	s14 =	sor.u32 $0x40, s12;
	s26 =	smax.u32 s11, $0x1;
	s18 =	sor.u32 $0x20, s12  }
0x11: {  	s11 =	simm.s32 $0x4800;
	[dreg:$0x5] =	wrdreg s10;
	s22 =	sadd.s32 s7, s21  }
0x12: {  	s8 =	sadd.s32 s8, s9;
	s9 =	sshrl.u32 s9, $0x3;
	[dreg:$0xd] =	wrdreg s26  }
0x13: {  	s0 =	sadd.s32 s1, s21;
	s21 =	simm.s32 $0x7000;
	[dreg:$0x9] =	wrdreg s22  }
0x14: {  	s26 =	simm.s32 $0x2;
	s10 =	simm.s32 $0x7B90;
	[dreg:$0xa] =	wrdreg s0  }
.Ltmp0:
0x15: {  	s23 =	sshrl.u32 s8, $0x3;
	s24 =	sadd.s32 s13, s9;
	(pc) =	sbr.rel .LBB2_1-.Ltmp0, $4  }
0x16: {  	s8 =	simm.s32 $0x6800;
	s0 =	sadd.s32 s13, s23;
	s25 =	sadd.s32 $0xEA00, s24  }
0x17: {  	s13 =	sshrl.u32 s15, $0x3;
	s15 =	simm.s32 $0x7;
	[dreg:$0xb] =	wrdreg s0  }
0x18: {  	s23 =	simm.s32 $0x7A10;
	s24 =	simm.s32 $0x80;
	[dreg:$0xc] =	wrdreg s25  }
0x19: {  	v0 =	vlaneseq.u32;
	vm0 =	vcmask $0x1F24;
	s25 =	simm.s32 $0x6000;
	s0 =	simm.s32 $0x3;
	[dreg:$0xe] =	wrdreg s13  }
.LBB2_13:
0x1a: {  	s9 =	simm.s32 $0x5  }
0x1b: {  	_ =	swait.ge [sflag:s9], $0x3000  }
0x1c: {  	[sflag:s9] =	ssyncset.done $0x0  }
0x1d: {  	s19 =	simm.s32 $0x6;
	[sflag:s9] =	ssyncadd.s32 $0xFFFFD000  }
0x1e: {  	_ =	swait.ge [sflag:s19], $0x3000  }
0x1f: {  	[sflag:s19] =	ssyncset.done $0x0  }
0x20: {  	[sflag:s19] =	ssyncadd.s32 $0xFFFFD000  }
0x21: {  	[bflag:$0x0] =	sbarrier.arrive $0xFFFF  }
0x22: {  	s16 =	rddreg [dreg:$0x6]  }
0x23: {  	s20 =	rddreg [dreg:$0xb]  }
0x24: {  	s15 =	simm.s32 $0x7;
	s13 =	rddreg [dreg:$0xe]  }
0x25: {  	[hbm:s20], [sflag:s16] =	dma.local [spmem:s13], $0xEA0  }
0x26: {  	_ =	swait.ge [sflag:s15], $0xEA0  }
0x27: {  	[sflag:s15] =	ssyncset.done $0x0;
	s9 =	rddreg [dreg:$0xc]  }
0x28: {  	s12 =	rddreg [dreg:$0x10];
	[sflag:s15] =	ssyncadd.s32 $0xFFFFF160  }
0x29: {  	[hbm:s9], [sflag:s16] =	dma.local @!p0 [spmem:s12], $0x60  }
0x2a: {  	s9 =	simm.s32 @!p0 $0x7  }
0x2b: {  	_ =	swait.ge @!p0 [sflag:s9], $0x60  }
0x2c: {  	s17 =	rddreg [dreg:$0xf]  }
0x2d: {  	s22 =	rddreg [dreg:$0xd];
	s17 =	sadd.s32 $0x1, s17  }
0x2e: {  	p1 =	sne.s32 s17, s22  }
.Ltmp1:
0x2f: {  	_ = 	snop;
	(pc) =	sbr.rel @!p1 .LBB2_14-.Ltmp1, $3  }
0x30: {  	_ =	sdelay $0x1  }
0x31: {  	[sflag:s9] =	ssyncset.done @!p0 $0x0  }
0x32: {  	[sflag:s9] =	ssyncadd.s32 @!p0 $0xFFFFFFA0  }
.LBB2_1:
0x33: {  	[dreg:$0xf] =	wrdreg s17  }
0x34: {  	s9 =	rddreg [dreg:$0x5]  }
0x35: {  	[spmem:s13], [sflag:s16] =	dma.local [hbm:s9], $0xEA0  }
0x36: {  	_ =	swait.ge [sflag:s15], $0xEA0  }
0x37: {  	s9 =	rddreg [dreg:$0x7]  }
0x38: {  	[sflag:s15] =	ssyncset.done $0x0;
	s12 =	sshrl.u32 @!p0 s9, $0x3;
	s9 =	rddreg [dreg:$0x8]  }
0x39: {  	[sflag:s15] =	ssyncadd.s32 $0xFFFFF160;
	[dreg:$0x10] =	wrdreg s12  }
0x3a: {  	[spmem:s12], [sflag:s16] =	dma.local @!p0 [hbm:s9], $0x60  }
0x3b: {  	s9 =	simm.s32 @!p0 $0x7  }
0x3c: {  	_ =	swait.ge @!p0 [sflag:s9], $0x60  }
0x3d: {  	[sflag:s9] =	ssyncset.done @!p0 $0x0  }
0x3e: {  	s13 =	simm.s32 $0x7800;
	s12 =	rddreg [dreg:$0x4];
	[sflag:s9] =	ssyncadd.s32 @!p0 $0xFFFFFFA0  }
0x3f: {  	[tilespmem:s13], [sflag:$0x7] =	stream.linear.gather [hbm4b:s12+s3], $0x10, $0x38;
	[tilespmem:$0xF140] =	vst v63  }
0x40: {  	_ =	swait.ge [sflag:s15], $0x10  }
0x41: {  	[sflag:s15] =	ssyncset.done $0x0  }
0x42: {  	[sflag:s15] =	ssyncadd.s32 $0xFFFFFFF0  }
0x43: {  	[bflag:$0x0] =	sbarrier.arrive $0xFFFF  }
0x44: {  	s17 =	simm.s32 $0x7810;
	s16 =	rddreg [dreg:$0x9]  }
0x45: {  	[tilespmem:s17], [sflag:$0x7] =	stream.linear.gather [hbm4b:s16+s3], $0x100, $0x38;
	[tilespmem:$0xF140] =	vst v63  }
0x46: {  	_ =	swait.ge [sflag:s15], $0x100  }
0x47: {  	[sflag:s15] =	ssyncset.done $0x0  }
0x48: {  	s19 =	rddreg [dreg:$0xa];
	[sflag:s15] =	ssyncadd.s32 $0xFFFFFF00  }
0x49: {  	[tilespmem:s23], [sflag:$0x7] =	stream.linear.gather [hbm4b:s19+s3], $0x100, $0x38;
	[tilespmem:$0xF140] =	vst v63  }
0x4a: {  	_ =	swait.ge [sflag:s15], $0x100  }
0x4b: {  	[sflag:s15] =	ssyncset.done $0x0  }
0x4c: {  	[sflag:s15] =	ssyncadd.s32 $0xFFFFFF00  }
0x4d: {  	[tilespmem:s3], [sflag:$0x1] =	stream.indirect.gather [hbm4b:s4+s24], $0x30, s17, s24, $0xb8;
	[tilespmem:$0xF140] =	vst v63  }
0x4e: {  	_ = 	snop  }
0x4f: {  	[tilespmem:s25], [sflag:$0x3] =	stream.indirect.gather [hbm4b:s5+s24], $0x8, s23, s24, $0xb8;
	[tilespmem:$0xF140] =	vst v63  }
.Ltmp2:
0x50: {  	_ = 	snop;
	(pc) =	sbr.rel .LBB2_2-.Ltmp2, $4  }
0x51: {  	s20 =	simm.s32 $0x7890  }
0x52: {  	[tilespmem:s28], [sflag:$0x1] =	stream.indirect.gather [hbm4b:s4+s24], $0x30, s20, s24, $0xb8;
	[tilespmem:$0xF140] =	vst v63  }
0x53: {  	s22 =	simm.s32 $0x6400;
	s17 =	simm.s32 $0x0  }
0x54: {  	[tilespmem:s22], [sflag:$0x3] =	stream.indirect.gather [hbm4b:s5+s24], $0x8, s29, s24, $0xb8;
	[tilespmem:$0xF140] =	vst v63  }
.LBB2_12:
0x55: {  	s17 =	sadd.s32 $0x1, s17  }
0x56: {  	p1 =	sne.s32 s17, $0x14  }
.Ltmp3:
0x57: {  	_ = 	snop;
	(pc) =	sbr.rel @!p1 .LBB2_13-.Ltmp3, $1  }
0x58: {  	_ =	sdelay $0x3  }
.LBB2_2:
0x59: {  	s12 =	sshll.u32 s17, $0x6  }
0x5a: {  	s9 =	sor.u32 s18, s12  }
0x5b: {  	p1 =	sgt.u32 s9, $0x4E1  }
0x5c: {  	p2 =	seq.s32 @!p1 s17, $0x0  }
0x5d: {  	p2 =	por p2, p1  }
0x5e: {  	s13 =	simm.s32 @!p2 $0x6  }
0x5f: {  	_ =	swait.ge @!p2 [sflag:s13], $0x3000  }
0x60: {  	s9 =	sshll.u32 @!p1 s9, $0x5;
	s15 =	simm.s32 @!p1 $0x0;
	[sflag:s13] =	ssyncset.done @!p2 $0x0  }
0x61: {  	s16 =	simm.s32 @!p1 $0x7910;
	[sflag:s13] =	ssyncadd.s32 @!p2 $0xFFFFD000;
	s13 =	sadd.s32 @!p1 s7, s9  }
0x62: {  	[tilespmem:s16], [sflag:$0x7] =	stream.linear.gather @!p1 [hbm4b:s13+s15], $0x100, $0x38;
	[tilespmem:$0xF140] =	vst v63  }
0x63: {  	s13 =	simm.s32 @!p1 $0x7  }
0x64: {  	_ =	swait.ge @!p1 [sflag:s13], $0x100  }
0x65: {  	[sflag:s13] =	ssyncset.done @!p1 $0x0  }
0x66: {  	s19 =	simm.s32 @!p1 $0x7B10;
	s9 =	sadd.s32 @!p1 s1, s9;
	[sflag:s13] =	ssyncadd.s32 @!p1 $0xFFFFFF00  }
0x67: {  	[tilespmem:s19], [sflag:$0x7] =	stream.linear.gather @!p1 [hbm4b:s9+s15], $0x100, $0x38;
	[tilespmem:$0xF140] =	vst v63  }
0x68: {  	_ =	swait.ge @!p1 [sflag:s13], $0x100  }
0x69: {  	[sflag:s13] =	ssyncset.done @!p1 $0x0  }
0x6a: {  	s9 =	simm.s32 @!p1 $0x80;
	[sflag:s13] =	ssyncadd.s32 @!p1 $0xFFFFFF00;
	s13 =	simm.s32 @!p1 $0x3000  }
0x6b: {  	[tilespmem:s13], [sflag:$0x2] =	stream.indirect.gather @!p1 [hbm4b:s4+s9], $0x30, s16, s9, $0xb8;
	[tilespmem:$0xF140] =	vst v63  }
0x6c: {  	s13 =	simm.s32 @!p1 $0x6800  }
0x6d: {  	[tilespmem:s13], [sflag:$0x4] =	stream.indirect.gather @!p1 [hbm4b:s5+s9], $0x8, s19, s9, $0xb8;
	[tilespmem:$0xF140] =	vst v63  }
0x6e: {  	s15 =	simm.s32 @!p1 $0x4800;
	s13 =	simm.s32 @!p1 $0x7990  }
0x6f: {  	[tilespmem:s15], [sflag:$0x2] =	stream.indirect.gather @!p1 [hbm4b:s4+s9], $0x30, s13, s9, $0xb8;
	[tilespmem:$0xF140] =	vst v63  }
0x70: {  	s19 =	simm.s32 $0x0;
	s13 =	simm.s32 @!p1 $0x7B90;
	s15 =	simm.s32 @!p1 $0x6C00  }
0x71: {  	v1 =	vor.u32 s19, v0;
	[tilespmem:s15], [sflag:$0x4] =	stream.indirect.gather @!p1 [hbm4b:s5+s9], $0x8, s13, s9, $0xb8;
	[tilespmem:$0xF140] =	vst v63  }
0x72: {  	v2 =	vmul.u32 $0x30, v1;
	_ =	swait.ge [sflag:s31], $0x3000  }
0x73: {  	v1 =	vshll.u32 v1, $0x3;
	[sflag:s31] =	ssyncset.done $0x0  }
0x74: {  	v2 =	vadd.s32 $0x28, v2;
	[sflag:s31] =	ssyncadd.s32 $0xFFFFD000  }
0x75: {  	_ =	swait.ge [sflag:s0], $0x800  }
0x76: {  	[sflag:s0] =	ssyncset.done $0x0  }
0x77: {  	[sflag:s0] =	ssyncadd.s32 $0xFFFFF800  }
0x78: {  	v1 =	vld.idx.msk [tilespmem:v1+s25+$0x0], $0xffff  }
0x79: {  	v2 =	vld.idx.msk [tilespmem:v2+s19+$0x0], $0xffff;
	_ =	sdelay $0x4  }
0x7a: {  	v3 =	vld [tilespmem:$0x7800];
	v1 =	vadd.f32 v1, v2;
	_ =	sdelay $0x1  }
0x7b: {  	v2 =	vmul.f32 $2.000000030e-01, v1;
	_ =	sdelay $0x1  }
0x7c: {  	v1 =	vmax.f32 v1, v2  }
0x7d: {  	v1 =	vsub.f32 v1, v3;
	_ =	sdelay $0x1  }
0x7e: {  	v1 =	vmul.f32 $1.442695020e+00, v1;
	_ =	sdelay $0x1  }
0x7f: {  	(erf) = vpow2.f32 v1;
	_ =	sdelay $0x1  }
0x80: {  	s16 =	simm.s32 $0x10  }
0x81: {  	v1 =	vor.u32 s16, v0  }
0x82: {  	v2 =	vmul.u32 $0x30, v1;
	_ =	sdelay $0x1  }
0x83: {  	v2 =	vadd.s32 $0x28, v2  }
0x84: {  	v1 =	vshll.u32 v1, $0x3;
	_ =	sdelay $0x1  }
0x85: {  	s16 =	simm.s32 $0x7020;
	v3 =	vpop (erf)  }
0x86: {  	[tilespmem:s16+$0xFFFFFFE0] =	vst v3  }
0x87: {  	v2 =	vld.idx.msk [tilespmem:v2+s19+$0x0], $0xffff  }
0x88: {  	v1 =	vld.idx.msk [tilespmem:v1+s25+$0x0], $0xffff;
	_ =	sdelay $0x4  }
0x89: {  	v3 =	vld [tilespmem:$0x7800];
	v1 =	vadd.f32 v1, v2;
	_ =	sdelay $0x1  }
0x8a: {  	v2 =	vmul.f32 $2.000000030e-01, v1;
	_ =	sdelay $0x1  }
0x8b: {  	v1 =	vmax.f32 v1, v2  }
0x8c: {  	v1 =	vsub.f32 v1, v3;
	_ =	sdelay $0x1  }
0x8d: {  	v1 =	vmul.f32 $1.442695020e+00, v1;
	_ =	sdelay $0x1  }
0x8e: {  	(erf) = vpow2.f32 v1;
	_ =	sdelay $0x1  }
0x8f: {  	s20 =	simm.s32 $0x20  }
0x90: {  	v1 =	vor.u32 s20, v0  }
0x91: {  	v2 =	vmul.u32 $0x30, v1;
	_ =	sdelay $0x1  }
0x92: {  	v2 =	vadd.s32 $0x28, v2  }
0x93: {  	v1 =	vshll.u32 v1, $0x3;
	_ =	sdelay $0x1  }
0x94: {  	v3 =	vpop (erf)  }
0x95: {  	[tilespmem:s16+$0xFFFFFFF0] =	vst v3  }
0x96: {  	v2 =	vld.idx.msk [tilespmem:v2+s19+$0x0], $0xffff  }
0x97: {  	v1 =	vld.idx.msk [tilespmem:v1+s25+$0x0], $0xffff;
	_ =	sdelay $0x4  }
0x98: {  	v3 =	vld [tilespmem:$0x7800];
	v1 =	vadd.f32 v1, v2;
	_ =	sdelay $0x1  }
0x99: {  	v2 =	vmul.f32 $2.000000030e-01, v1;
	_ =	sdelay $0x1  }
0x9a: {  	v1 =	vmax.f32 v1, v2  }
0x9b: {  	v1 =	vsub.f32 v1, v3;
	_ =	sdelay $0x1  }
0x9c: {  	v1 =	vmul.f32 $1.442695020e+00, v1;
	_ =	sdelay $0x1  }
0x9d: {  	(erf) = vpow2.f32 v1;
	_ =	sdelay $0x1  }
0x9e: {  	s22 =	simm.s32 $0x30  }
0x9f: {  	v1 =	vor.u32 s22, v0  }
0xa0: {  	v2 =	vmul.u32 $0x30, v1;
	_ =	sdelay $0x1  }
0xa1: {  	v2 =	vadd.s32 $0x28, v2  }
0xa2: {  	v1 =	vshll.u32 v1, $0x3;
	_ =	sdelay $0x1  }
0xa3: {  	v3 =	vpop (erf)  }
0xa4: {  	[tilespmem:s16+$0x0] =	vst v3  }
0xa5: {  	v2 =	vld.idx.msk [tilespmem:v2+s19+$0x0], $0xffff  }
0xa6: {  	v1 =	vld.idx.msk [tilespmem:v1+s25+$0x0], $0xffff;
	_ =	sdelay $0x4  }
0xa7: {  	v3 =	vld [tilespmem:$0x7800];
	v1 =	vadd.f32 v1, v2;
	_ =	sdelay $0x1  }
0xa8: {  	v2 =	vmul.f32 $2.000000030e-01, v1;
	_ =	sdelay $0x1  }
0xa9: {  	v1 =	vmax.f32 v1, v2  }
0xaa: {  	v1 =	vsub.f32 v1, v3;
	_ =	sdelay $0x1  }
0xab: {  	v1 =	vmul.f32 $1.442695020e+00, v1;
	_ =	sdelay $0x1  }
0xac: {  	(erf) = vpow2.f32 v1;
	_ =	sdelay $0x2  }
0xad: {  	s9 =	simm.s32 $0x40  }
0xae: {  	v3 =	vor.u32 s9, v0  }
0xaf: {  	v2 =	vmul.u32 $0x30, v3  }
0xb0: {  	s15 =	simm.s32 $0x4;
	s20 =	simm.s32 $0x7020;
	v1 =	vshll.u32 v3, $0x3  }
.LBB2_3:
0xb1: {  	s15 =	sadd.s32 $0x4, s15;
	v2 =	vadd.s32 $0x28, v2;
	s16 =	sadd.s32 $0x40, s16;
	s13 =	simm.s32 $0x60  }
0xb2: {  	p2 =	slt.u32 s15, $0xC  }
0xb3: {  	v3 =	vpop (erf)  }
0xb4: {  	[tilespmem:s20+$0x10] =	vst v3;
	s20 =	smov.u32 s16  }
0xb5: {  	v1 =	vld.idx.msk [tilespmem:v1+s25+$0x0], $0xffff  }
0xb6: {  	v2 =	vld.idx.msk [tilespmem:v2+s19+$0x0], $0xffff;
	_ =	sdelay $0x5  }
0xb7: {  	v1 =	vadd.f32 v1, v2;
	v3 =	vld [tilespmem:$0x7800];
	_ =	sdelay $0x1  }
0xb8: {  	v2 =	vmul.f32 $2.000000030e-01, v1;
	_ =	sdelay $0x1  }
0xb9: {  	v1 =	vmax.f32 v1, v2  }
0xba: {  	v1 =	vsub.f32 v1, v3;
	_ =	sdelay $0x1  }
0xbb: {  	v1 =	vmul.f32 $1.442695020e+00, v1;
	_ =	sdelay $0x1  }
0xbc: {  	(erf) = vpow2.f32 v1;
	_ =	sdelay $0x1  }
0xbd: {  	s22 =	sadd.s32 $0x10, s9  }
0xbe: {  	v1 =	vor.u32 s22, v0  }
0xbf: {  	v2 =	vmul.u32 $0x30, v1;
	_ =	sdelay $0x1  }
0xc0: {  	v1 =	vshll.u32 v1, $0x3;
	v2 =	vadd.s32 $0x28, v2;
	_ =	sdelay $0x2  }
0xc1: {  	v3 =	vpop (erf)  }
0xc2: {  	[tilespmem:s16+$0xFFFFFFE0] =	vst v3  }
0xc3: {  	v2 =	vld.idx.msk [tilespmem:v2+s19+$0x0], $0xffff  }
0xc4: {  	v1 =	vld.idx.msk [tilespmem:v1+s25+$0x0], $0xffff;
	_ =	sdelay $0x4  }
0xc5: {  	v3 =	vld [tilespmem:$0x7800]  }
0xc6: {  	v1 =	vadd.f32 v1, v2;
	_ =	sdelay $0x1  }
0xc7: {  	v2 =	vmul.f32 $2.000000030e-01, v1;
	_ =	sdelay $0x1  }
0xc8: {  	v1 =	vmax.f32 v1, v2  }
0xc9: {  	v1 =	vsub.f32 v1, v3;
	_ =	sdelay $0x1  }
0xca: {  	v1 =	vmul.f32 $1.442695020e+00, v1;
	_ =	sdelay $0x1  }
0xcb: {  	(erf) = vpow2.f32 v1;
	_ =	sdelay $0x1  }
0xcc: {  	s22 =	sadd.s32 $0x20, s9  }
0xcd: {  	v1 =	vor.u32 s22, v0  }
0xce: {  	v2 =	vmul.u32 $0x30, v1;
	_ =	sdelay $0x1  }
0xcf: {  	v1 =	vshll.u32 v1, $0x3;
	v2 =	vadd.s32 $0x28, v2;
	_ =	sdelay $0x2  }
0xd0: {  	v3 =	vpop (erf)  }
0xd1: {  	[tilespmem:s16+$0xFFFFFFF0] =	vst v3  }
0xd2: {  	v2 =	vld.idx.msk [tilespmem:v2+s19+$0x0], $0xffff  }
0xd3: {  	v1 =	vld.idx.msk [tilespmem:v1+s25+$0x0], $0xffff;
	_ =	sdelay $0x3  }
0xd4: {  	v3 =	vld [tilespmem:$0x7800];
	_ =	sdelay $0x1  }
0xd5: {  	v1 =	vadd.f32 v1, v2;
	_ =	sdelay $0x1  }
0xd6: {  	v2 =	vmul.f32 $2.000000030e-01, v1;
	_ =	sdelay $0x1  }
0xd7: {  	v1 =	vmax.f32 v1, v2  }
0xd8: {  	v1 =	vsub.f32 v1, v3;
	_ =	sdelay $0x1  }
0xd9: {  	v1 =	vmul.f32 $1.442695020e+00, v1;
	_ =	sdelay $0x1  }
0xda: {  	(erf) = vpow2.f32 v1;
	_ =	sdelay $0x1  }
0xdb: {  	s22 =	sadd.s32 $0x30, s9  }
0xdc: {  	v1 =	vor.u32 s22, v0  }
0xdd: {  	v2 =	vmul.u32 $0x30, v1;
	_ =	sdelay $0x1  }
0xde: {  	v1 =	vshll.u32 v1, $0x3;
	v2 =	vadd.s32 $0x28, v2;
	_ =	sdelay $0x2  }
0xdf: {  	v3 =	vpop (erf)  }
0xe0: {  	[tilespmem:s16+$0x0] =	vst v3  }
0xe1: {  	v2 =	vld.idx.msk [tilespmem:v2+s19+$0x0], $0xffff  }
0xe2: {  	v1 =	vld.idx.msk [tilespmem:v1+s25+$0x0], $0xffff  }
0xe3: {  	v3 =	vld [tilespmem:$0x7800];
	_ =	sdelay $0x4  }
0xe4: {  	v1 =	vadd.f32 v1, v2;
	_ =	sdelay $0x1  }
0xe5: {  	v2 =	vmul.f32 $2.000000030e-01, v1;
	_ =	sdelay $0x1  }
0xe6: {  	v1 =	vmax.f32 v1, v2  }
0xe7: {  	v1 =	vsub.f32 v1, v3;
	_ =	sdelay $0x1  }
0xe8: {  	v1 =	vmul.f32 $1.442695020e+00, v1;
	_ =	sdelay $0x1  }
0xe9: {  	(erf) = vpow2.f32 v1;
	_ =	sdelay $0x1  }
.Ltmp4:
0xea: {  	(pc) =	sbr.rel @p2 .LBB2_3-.Ltmp4, $4  }
0xeb: {  	s9 =	sadd.s32 $0x40, s9  }
0xec: {  	v1 =	vor.u32 s9, v0  }
0xed: {  	v2 =	vmul.u32 $0x30, v1  }
0xee: {  	v1 =	vshll.u32 v1, $0x3  }
0xef: {  	v2 =	vadd.s32 $0x28, v2;
	_ =	sdelay $0x1  }
0xf0: {  	v3 =	vpop (erf)  }
0xf1: {  	[tilespmem:s20+$0x10] =	vst v3  }
0xf2: {  	v1 =	vld.idx.msk [tilespmem:v1+s25+$0x0], $0xffff  }
0xf3: {  	v2 =	vld.idx.msk [tilespmem:v2+s19+$0x0], $0xffff;
	_ =	sdelay $0x4  }
0xf4: {  	v3 =	vld [tilespmem:$0x7800];
	v1 =	vadd.f32 v1, v2;
	_ =	sdelay $0x1  }
0xf5: {  	v2 =	vmul.f32 $2.000000030e-01, v1;
	_ =	sdelay $0x1  }
0xf6: {  	v1 =	vmax.f32 v1, v2  }
0xf7: {  	v1 =	vsub.f32 v1, v3;
	_ =	sdelay $0x1  }
0xf8: {  	v1 =	vmul.f32 $1.442695020e+00, v1;
	_ =	sdelay $0x1  }
0xf9: {  	(erf) = vpow2.f32 v1;
	_ =	sdelay $0x1  }
0xfa: {  	s15 =	sadd.s32 $0x10, s9  }
0xfb: {  	v1 =	vor.u32 s15, v0  }
0xfc: {  	v2 =	vmul.u32 $0x30, v1;
	_ =	sdelay $0x1  }
0xfd: {  	v2 =	vadd.s32 $0x28, v2  }
0xfe: {  	v1 =	vshll.u32 v1, $0x3;
	_ =	sdelay $0x1  }
0xff: {  	s20 =	sadd.s32 $0x40, s16;
	v3 =	vpop (erf)  }
0x100: {  	[tilespmem:s20+$0xFFFFFFE0] =	vst v3  }
0x101: {  	v2 =	vld.idx.msk [tilespmem:v2+s19+$0x0], $0xffff  }
0x102: {  	v1 =	vld.idx.msk [tilespmem:v1+s25+$0x0], $0xffff;
	_ =	sdelay $0x4  }
0x103: {  	v3 =	vld [tilespmem:$0x7800];
	v1 =	vadd.f32 v1, v2;
	_ =	sdelay $0x1  }
0x104: {  	v2 =	vmul.f32 $2.000000030e-01, v1;
	_ =	sdelay $0x1  }
0x105: {  	v1 =	vmax.f32 v1, v2  }
0x106: {  	v1 =	vsub.f32 v1, v3;
	_ =	sdelay $0x1  }
0x107: {  	v1 =	vmul.f32 $1.442695020e+00, v1;
	_ =	sdelay $0x1  }
0x108: {  	(erf) = vpow2.f32 v1;
	_ =	sdelay $0x1  }
0x109: {  	s22 =	sadd.s32 $0x20, s9  }
0x10a: {  	v1 =	vor.u32 s22, v0  }
0x10b: {  	v2 =	vmul.u32 $0x30, v1;
	_ =	sdelay $0x1  }
0x10c: {  	v2 =	vadd.s32 $0x28, v2  }
0x10d: {  	v1 =	vshll.u32 v1, $0x3;
	_ =	sdelay $0x1  }
0x10e: {  	v3 =	vpop (erf)  }
0x10f: {  	[tilespmem:s20+$0xFFFFFFF0] =	vst v3  }
0x110: {  	v2 =	vld.idx.msk [tilespmem:v2+s19+$0x0], $0xffff  }
0x111: {  	v1 =	vld.idx.msk [tilespmem:v1+s25+$0x0], $0xffff;
	_ =	sdelay $0x4  }
0x112: {  	v3 =	vld [tilespmem:$0x7800];
	v1 =	vadd.f32 v1, v2;
	_ =	sdelay $0x1  }
0x113: {  	v2 =	vmul.f32 $2.000000030e-01, v1;
	_ =	sdelay $0x1  }
0x114: {  	v1 =	vmax.f32 v1, v2  }
0x115: {  	v1 =	vsub.f32 v1, v3;
	_ =	sdelay $0x1  }
0x116: {  	v1 =	vmul.f32 $1.442695020e+00, v1;
	_ =	sdelay $0x1  }
0x117: {  	(erf) = vpow2.f32 v1;
	_ =	sdelay $0x1  }
0x118: {  	s16 =	sadd.s32 $0x30, s9  }
0x119: {  	v1 =	vor.u32 s16, v0  }
0x11a: {  	v2 =	vmul.u32 $0x30, v1;
	_ =	sdelay $0x1  }
0x11b: {  	v2 =	vadd.s32 $0x28, v2  }
0x11c: {  	v1 =	vshll.u32 v1, $0x3;
	_ =	sdelay $0x1  }
0x11d: {  	v3 =	vpop (erf)  }
0x11e: {  	[tilespmem:s20+$0x0] =	vst v3  }
0x11f: {  	v2 =	vld.idx.msk [tilespmem:v2+s19+$0x0], $0xffff  }
0x120: {  	v1 =	vld.idx.msk [tilespmem:v1+s25+$0x0], $0xffff;
	_ =	sdelay $0x4  }
0x121: {  	v3 =	vld [tilespmem:$0x7800];
	v1 =	vadd.f32 v1, v2;
	_ =	sdelay $0x1  }
0x122: {  	v2 =	vmul.f32 $2.000000030e-01, v1;
	_ =	sdelay $0x1  }
0x123: {  	v1 =	vmax.f32 v1, v2  }
0x124: {  	v1 =	vsub.f32 v1, v3;
	_ =	sdelay $0x1  }
0x125: {  	v1 =	vmul.f32 $1.442695020e+00, v1;
	_ =	sdelay $0x1  }
0x126: {  	(erf) = vpow2.f32 v1;
	_ =	sdelay $0x3  }
0x127: {  	v1 =	vmov s19  }
0x128: {  	v1 =	vand.u32 $0xFFFFFFFC, v1  }
0x129: {  	v1 =	vbroadcast v1, $0x0;
	_ =	sdelay $0x2  }
0x12a: {  	v2 =	vpop (erf)  }
0x12b: {  	[tilespmem:s20+$0x10] =	vst v2  }
0x12c: {  	v2 =	vld [tilespmem:s13+$0xFFFFFFA0]  }
0x12d: {  	v1 =	vld.idx.msk [tilespmem:v1+s21+$0x0], $0xffff  }
0x12e: {  	v3 =	vld [tilespmem:s13+$0xFFFFFFC0]  }
0x12f: {  	s19 =	simm.s32 $0x1;
	v4 =	vld [tilespmem:s13+$0xFFFFFFB0]  }
0x130: {  	v5 =	vmov s19  }
0x131: {  	v5 =	vand.u32 $0xFFFFFFFD, v5  }
0x132: {  	v5 =	vbroadcast v5, $0x0  }
0x133: {  	v2 =	vmul.f32 v2, v1  }
0x134: {  	v3 =	vmul.f32 v3, v1;
	v4 =	vmul.f32 v4, v1  }
0x135: {  	[tilespmem:s13+$0xFFFFFFA0] =	vst v2  }
0x136: {  	v1 =	vsel vm0, v3, v1;
	[tilespmem:s13+$0xFFFFFFB0] =	vst v4;
	v2 =	vld [tilespmem:s13+$0xFFFFFFE0]  }
0x137: {  	v4 =	vld [tilespmem:s13+$0xFFFFFFD0];
	[tilespmem:s13+$0xFFFFFFC0] =	vst v1  }
0x138: {  	v3 =	vld.idx.msk [tilespmem:v5+s21+$0x0], $0xffff  }
0x139: {  	s20 =	simm.s32 $0x2;
	v1 =	vld [tilespmem:s13+$0xFFFFFFF0]  }
0x13a: {  	v5 =	vmov s20  }
0x13b: {  	v5 =	vand.u32 $0xFFFFFFFE, v5  }
0x13c: {  	v5 =	vbroadcast v5, $0x0  }
0x13d: {  	v2 =	vmul.f32 v2, v3  }
0x13e: {  	v4 =	vmul.f32 v4, v3;
	v1 =	vmul.f32 v1, v3  }
0x13f: {  	[tilespmem:s13+$0xFFFFFFE0] =	vst v2  }
0x140: {  	[tilespmem:s13+$0xFFFFFFD0] =	vst v4;
	v1 =	vsel vm0, v1, v3;
	v2 =	vld [tilespmem:s13+$0x10]  }
0x141: {  	v4 =	vld [tilespmem:s13+$0x20];
	[tilespmem:s13+$0xFFFFFFF0] =	vst v1  }
0x142: {  	v3 =	vld.idx.msk [tilespmem:v5+s21+$0x0], $0xffff  }
0x143: {  	v1 =	vld [tilespmem:s13+$0x0];
	_ =	sdelay $0x2  }
0x144: {  	s22 =	simm.s32 $0x3  }
0x145: {  	v5 =	vmov s22;
	v2 =	vmul.f32 v2, v3  }
0x146: {  	v1 =	vmul.f32 v1, v3;
	v4 =	vmul.f32 v4, v3  }
0x147: {  	[tilespmem:s13+$0x10] =	vst v2  }
0x148: {  	[tilespmem:s13+$0x0] =	vst v1;
	v1 =	vsel vm0, v4, v3;
	v3 =	vld [tilespmem:s13+$0x40]  }
0x149: {  	v4 =	vld [tilespmem:s13+$0x30];
	[tilespmem:s13+$0x20] =	vst v1  }
0x14a: {  	s9 =	simm.s32 $0x4;
	v1 =	vld.idx.msk [tilespmem:v5+s21+$0x0], $0xffff  }
0x14b: {  	v2 =	vmov s9;
	v5 =	vld [tilespmem:s13+$0x50]  }
0x14c: {  	v2 =	vand.u32 $0xFFFFFFFC, v2  }
0x14d: {  	s15 =	simm.s32 $0x60;
	s16 =	simm.s32 $0x8;
	v2 =	vbroadcast v2, $0x0  }
.LBB2_5:
0x14e: {  	p2 =	slt.u32 s16, $0xFC  }
0x14f: {  	v4 =	vmul.f32 v4, v1;
	v3 =	vmul.f32 v3, v1;
	s13 =	sadd.s32 $0xC0, s13;
	s19 =	smov.u32 s16;
	s16 =	sadd.s32 $0x4, s16  }
0x150: {  	v5 =	vmul.f32 v5, v1  }
0x151: {  	[tilespmem:s15+$0x40] =	vst v3  }
0x152: {  	v1 =	vsel vm0, v5, v1;
	[tilespmem:s15+$0x30] =	vst v4  }
0x153: {  	v3 =	vld [tilespmem:s13+$0xFFFFFFA0];
	[tilespmem:s15+$0x50] =	vst v1;
	s15 =	smov.u32 s13  }
0x154: {  	v1 =	vld.idx.msk [tilespmem:v2+s21+$0x0], $0xffff  }
0x155: {  	s20 =	sadd.s32 $0x1, s9;
	v2 =	vld [tilespmem:s13+$0xFFFFFFC0]  }
0x156: {  	v5 =	vmov s20;
	v4 =	vld [tilespmem:s13+$0xFFFFFFB0]  }
0x157: {  	v5 =	vand.u32 $0xFFFFFFFD, v5  }
0x158: {  	v5 =	vbroadcast v5, $0x0;
	_ =	sdelay $0x1  }
0x159: {  	v3 =	vmul.f32 v3, v1;
	v2 =	vmul.f32 v2, v1  }
0x15a: {  	v4 =	vmul.f32 v4, v1  }
0x15b: {  	[tilespmem:s13+$0xFFFFFFA0] =	vst v3;
	v1 =	vsel vm0, v2, v1  }
0x15c: {  	[tilespmem:s13+$0xFFFFFFC0] =	vst v1;
	v1 =	vld [tilespmem:s13+$0xFFFFFFF0]  }
0x15d: {  	[tilespmem:s13+$0xFFFFFFB0] =	vst v4;
	v2 =	vld [tilespmem:s13+$0xFFFFFFE0]  }
0x15e: {  	s20 =	sadd.s32 $0x2, s9;
	v3 =	vld.idx.msk [tilespmem:v5+s21+$0x0], $0xffff  }
0x15f: {  	v5 =	vmov s20;
	v4 =	vld [tilespmem:s13+$0xFFFFFFD0]  }
0x160: {  	v5 =	vand.u32 $0xFFFFFFFE, v5  }
0x161: {  	v5 =	vbroadcast v5, $0x0;
	_ =	sdelay $0x2  }
0x162: {  	v2 =	vmul.f32 v2, v3;
	v4 =	vmul.f32 v4, v3  }
0x163: {  	v1 =	vmul.f32 v1, v3  }
0x164: {  	[tilespmem:s13+$0xFFFFFFE0] =	vst v2  }
0x165: {  	v1 =	vsel vm0, v1, v3;
	[tilespmem:s13+$0xFFFFFFD0] =	vst v4;
	v2 =	vld [tilespmem:s13+$0x10]  }
0x166: {  	[tilespmem:s13+$0xFFFFFFF0] =	vst v1;
	v1 =	vld [tilespmem:s13+$0x0]  }
0x167: {  	v3 =	vld.idx.msk [tilespmem:v5+s21+$0x0], $0xffff  }
0x168: {  	v4 =	vld [tilespmem:s13+$0x20]  }
0x169: {  	s20 =	sadd.s32 $0x3, s9;
	s9 =	smov.u32 s19  }
0x16a: {  	v5 =	vmov s20;
	_ =	sdelay $0x2  }
0x16b: {  	v1 =	vmul.f32 v1, v3;
	v2 =	vmul.f32 v2, v3  }
0x16c: {  	v4 =	vmul.f32 v4, v3  }
0x16d: {  	[tilespmem:s13+$0x10] =	vst v2  }
0x16e: {  	[tilespmem:s13+$0x0] =	vst v1;
	v1 =	vsel vm0, v4, v3;
	v3 =	vld [tilespmem:s13+$0x40]  }
0x16f: {  	[tilespmem:s13+$0x20] =	vst v1;
	v4 =	vld [tilespmem:s13+$0x30]  }
0x170: {  	v1 =	vld.idx.msk [tilespmem:v5+s21+$0x0], $0xffff  }
.Ltmp5:
0x171: {  	v5 =	vld [tilespmem:s13+$0x50];
	(pc) =	sbr.rel @p2 .LBB2_5-.Ltmp5, $4  }
0x172: {  	_ = 	snop  }
0x173: {  	v2 =	vmov s9  }
0x174: {  	v2 =	vand.u32 $0xFFFFFFFC, v2  }
0x175: {  	v2 =	vbroadcast v2, $0x0  }
0x176: {  	v3 =	vmul.f32 v3, v1  }
0x177: {  	v4 =	vmul.f32 v4, v1;
	v5 =	vmul.f32 v5, v1  }
0x178: {  	s13 =	sadd.s32 $0xC0, s13;
	[tilespmem:s15+$0x40] =	vst v3  }
0x179: {  	v57 =	vld [tilespmem:s13+$0xFFFFFFB0];
	[tilespmem:s15+$0x30] =	vst v4;
	v1 =	vsel vm0, v5, v1  }
0x17a: {  	v3 =	vld [tilespmem:s13+$0xFFFFFFA0];
	[tilespmem:s15+$0x50] =	vst v1  }
0x17b: {  	v1 =	vld.idx.msk [tilespmem:v2+s21+$0x0], $0xffff  }
0x17c: {  	s19 =	sadd.s32 $0x1, s9;
	v2 =	vld [tilespmem:s13+$0xFFFFFFC0]  }
0x17d: {  	v58 =	vmov s19  }
0x17e: {  	v5 =	vand.u32 $0xFFFFFFFD, v58  }
0x17f: {  	v5 =	vbroadcast v5, $0x0  }
0x180: {  	v3 =	vmul.f32 v3, v1  }
0x181: {  	v2 =	vmul.f32 v2, v1;
	v4 =	vmul.f32 v57, v1  }
0x182: {  	[tilespmem:s13+$0xFFFFFFA0] =	vst v3  }
0x183: {  	v59 =	vld [tilespmem:s13+$0xFFFFFFD0];
	v1 =	vsel vm0, v2, v1;
	[tilespmem:s13+$0xFFFFFFB0] =	vst v4  }
0x184: {  	v2 =	vld [tilespmem:s13+$0xFFFFFFE0];
	[tilespmem:s13+$0xFFFFFFC0] =	vst v1  }
0x185: {  	v3 =	vld.idx.msk [tilespmem:v5+s21+$0x0], $0xffff  }
0x186: {  	s20 =	sadd.s32 $0x2, s9;
	v1 =	vld [tilespmem:s13+$0xFFFFFFF0]  }
0x187: {  	v60 =	vmov s20  }
0x188: {  	v5 =	vand.u32 $0xFFFFFFFE, v60  }
0x189: {  	v5 =	vbroadcast v5, $0x0  }
0x18a: {  	v2 =	vmul.f32 v2, v3  }
0x18b: {  	v4 =	vmul.f32 v59, v3;
	v1 =	vmul.f32 v1, v3  }
0x18c: {  	[tilespmem:s13+$0xFFFFFFE0] =	vst v2  }
0x18d: {  	v61 =	vld [tilespmem:s13+$0x20];
	[tilespmem:s13+$0xFFFFFFD0] =	vst v4;
	v1 =	vsel vm0, v1, v3  }
0x18e: {  	v2 =	vld [tilespmem:s13+$0x10];
	[tilespmem:s13+$0xFFFFFFF0] =	vst v1  }
0x18f: {  	v3 =	vld.idx.msk [tilespmem:v5+s21+$0x0], $0xffff  }
0x190: {  	v1 =	vld [tilespmem:s13+$0x0];
	_ =	sdelay $0x2  }
0x191: {  	s22 =	sadd.s32 $0x3, s9  }
0x192: {  	v62 =	vmov s22;
	v2 =	vmul.f32 v2, v3  }
0x193: {  	v1 =	vmul.f32 v1, v3;
	v4 =	vmul.f32 v61, v3  }
0x194: {  	[tilespmem:s13+$0x10] =	vst v2  }
0x195: {  	v63 =	vld [tilespmem:s13+$0x50];
	[tilespmem:s13+$0x0] =	vst v1;
	v1 =	vsel vm0, v4, v3  }
0x196: {  	v2 =	vld [tilespmem:s13+$0x40];
	[tilespmem:s13+$0x20] =	vst v1  }
0x197: {  	v3 =	vld.idx.msk [tilespmem:v62+s21+$0x0], $0xffff  }
0x198: {  	v1 =	vld [tilespmem:s13+$0x30];
	_ =	sdelay $0x3  }
0x199: {  	v2 =	vmul.f32 v2, v3  }
0x19a: {  	v1 =	vmul.f32 v1, v3;
	v4 =	vmul.f32 v63, v3  }
0x19b: {  	[tilespmem:s13+$0x40] =	vst v2  }
0x19c: {  	s9 =	sadd.s32 s14, s12;
	[tilespmem:s13+$0x30] =	vst v1;
	v1 =	vsel vm0, v4, v3  }
0x19d: {  	p2 =	sgt.u32 s9, $0x4E1;
	[tilespmem:s13+$0x50] =	vst v1  }
0x19e: {  	[spmem:s2] =	stream.indirect.scatter.add.f32 [tilespmem:s3], [sflag:$0x5], $0x30, s23, s24, $0xb8;
	[tilespmem:$0xF140] =	vst v63  }
0x19f: {  	s12 =	simm.s32 @!p2 $0x5  }
0x1a0: {  	[spmem:s2] =	stream.indirect.scatter.add.f32 [tilespmem:s28], [sflag:$0x5], $0x30, s29, s24, $0xb8;
	[tilespmem:$0xF140] =	vst v63  }
0x1a1: {  	_ =	swait.ge @!p2 [sflag:s12], $0x3000  }
0x1a2: {  	s9 =	sshll.u32 @!p2 s9, $0x5;
	s15 =	simm.s32 @!p2 $0x7810;
	[sflag:s12] =	ssyncset.done @!p2 $0x0  }
0x1a3: {  	s13 =	simm.s32 @!p2 $0x0;
	[sflag:s12] =	ssyncadd.s32 @!p2 $0xFFFFD000;
	s12 =	sadd.s32 @!p2 s7, s9  }
0x1a4: {  	[tilespmem:s15], [sflag:$0x7] =	stream.linear.gather @!p2 [hbm4b:s12+s13], $0x100, $0x38;
	[tilespmem:$0xF140] =	vst v63  }
0x1a5: {  	s12 =	simm.s32 @!p2 $0x7  }
0x1a6: {  	_ =	swait.ge @!p2 [sflag:s12], $0x100  }
0x1a7: {  	[sflag:s12] =	ssyncset.done @!p2 $0x0  }
0x1a8: {  	s16 =	simm.s32 @!p2 $0x7A10;
	s9 =	sadd.s32 @!p2 s1, s9;
	[sflag:s12] =	ssyncadd.s32 @!p2 $0xFFFFFF00  }
0x1a9: {  	[tilespmem:s16], [sflag:$0x7] =	stream.linear.gather @!p2 [hbm4b:s9+s13], $0x100, $0x38;
	[tilespmem:$0xF140] =	vst v63  }
0x1aa: {  	_ =	swait.ge @!p2 [sflag:s12], $0x100  }
0x1ab: {  	[sflag:s12] =	ssyncset.done @!p2 $0x0  }
0x1ac: {  	s9 =	simm.s32 @!p2 $0x80;
	[sflag:s12] =	ssyncadd.s32 @!p2 $0xFFFFFF00  }
0x1ad: {  	[tilespmem:s13], [sflag:$0x1] =	stream.indirect.gather @!p2 [hbm4b:s4+s9], $0x30, s15, s9, $0xb8;
	[tilespmem:$0xF140] =	vst v63  }
0x1ae: {  	s12 =	simm.s32 @!p2 $0x6000  }
0x1af: {  	[tilespmem:s12], [sflag:$0x3] =	stream.indirect.gather @!p2 [hbm4b:s5+s9], $0x8, s16, s9, $0xb8;
	[tilespmem:$0xF140] =	vst v63  }
.Ltmp6:
0x1b0: {  	_ = 	snop;
	(pc) =	sbr.rel @p1 .LBB2_12-.Ltmp6, $4  }
0x1b1: {  	s13 =	simm.s32 @!p2 $0x1800;
	s12 =	simm.s32 @!p2 $0x7890  }
0x1b2: {  	[tilespmem:s13], [sflag:$0x1] =	stream.indirect.gather @!p2 [hbm4b:s4+s9], $0x30, s12, s9, $0xb8;
	[tilespmem:$0xF140] =	vst v63  }
0x1b3: {  	s12 =	simm.s32 @!p2 $0x7A90;
	s13 =	simm.s32 @!p2 $0x6400  }
0x1b4: {  	[tilespmem:s13], [sflag:$0x3] =	stream.indirect.gather @!p2 [hbm4b:s5+s9], $0x8, s12, s9, $0xb8;
	[tilespmem:$0xF140] =	vst v63  }
0x1b5: {  	s13 =	simm.s32 $0x0  }
0x1b6: {  	v1 =	vor.u32 s13, v0  }
0x1b7: {  	_ =	swait.ge [sflag:s26], $0x3000;
	v2 =	vmul.u32 $0x30, v1  }
0x1b8: {  	[sflag:s26] =	ssyncset.done $0x0;
	v1 =	vshll.u32 v1, $0x3  }
0x1b9: {  	[sflag:s26] =	ssyncadd.s32 $0xFFFFD000;
	v2 =	vadd.s32 $0x28, v2  }
0x1ba: {  	_ =	swait.ge [sflag:s30], $0x800  }
0x1bb: {  	[sflag:s30] =	ssyncset.done $0x0  }
0x1bc: {  	[sflag:s30] =	ssyncadd.s32 $0xFFFFF800  }
0x1bd: {  	v1 =	vld.idx.msk [tilespmem:v1+s8+$0x0], $0xffff  }
0x1be: {  	v2 =	vld.idx.msk [tilespmem:v2+s6+$0x0], $0xffff;
	_ =	sdelay $0x4  }
0x1bf: {  	v3 =	vld [tilespmem:$0x7800];
	v1 =	vadd.f32 v1, v2;
	_ =	sdelay $0x1  }
0x1c0: {  	v2 =	vmul.f32 $2.000000030e-01, v1;
	_ =	sdelay $0x1  }
0x1c1: {  	v1 =	vmax.f32 v1, v2  }
0x1c2: {  	v1 =	vsub.f32 v1, v3;
	_ =	sdelay $0x1  }
0x1c3: {  	v1 =	vmul.f32 $1.442695020e+00, v1;
	_ =	sdelay $0x1  }
0x1c4: {  	(erf) = vpow2.f32 v1;
	_ =	sdelay $0x1  }
0x1c5: {  	s9 =	simm.s32 $0x10  }
0x1c6: {  	v1 =	vor.u32 s9, v0  }
0x1c7: {  	v2 =	vmul.u32 $0x30, v1;
	_ =	sdelay $0x1  }
0x1c8: {  	v2 =	vadd.s32 $0x28, v2  }
0x1c9: {  	v1 =	vshll.u32 v1, $0x3;
	_ =	sdelay $0x1  }
0x1ca: {  	s16 =	simm.s32 $0x7020;
	v3 =	vpop (erf)  }
0x1cb: {  	[tilespmem:s16+$0xFFFFFFE0] =	vst v3  }
0x1cc: {  	v2 =	vld.idx.msk [tilespmem:v2+s6+$0x0], $0xffff  }
0x1cd: {  	v1 =	vld.idx.msk [tilespmem:v1+s8+$0x0], $0xffff;
	_ =	sdelay $0x4  }
0x1ce: {  	v3 =	vld [tilespmem:$0x7800];
	v1 =	vadd.f32 v1, v2;
	_ =	sdelay $0x1  }
0x1cf: {  	v2 =	vmul.f32 $2.000000030e-01, v1;
	_ =	sdelay $0x1  }
0x1d0: {  	v1 =	vmax.f32 v1, v2  }
0x1d1: {  	v1 =	vsub.f32 v1, v3;
	_ =	sdelay $0x1  }
0x1d2: {  	v1 =	vmul.f32 $1.442695020e+00, v1;
	_ =	sdelay $0x1  }
0x1d3: {  	(erf) = vpow2.f32 v1;
	_ =	sdelay $0x1  }
0x1d4: {  	s20 =	simm.s32 $0x20  }
0x1d5: {  	v1 =	vor.u32 s20, v0  }
0x1d6: {  	v2 =	vmul.u32 $0x30, v1;
	_ =	sdelay $0x1  }
0x1d7: {  	v2 =	vadd.s32 $0x28, v2  }
0x1d8: {  	v1 =	vshll.u32 v1, $0x3;
	_ =	sdelay $0x1  }
0x1d9: {  	v3 =	vpop (erf)  }
0x1da: {  	[tilespmem:s16+$0xFFFFFFF0] =	vst v3  }
0x1db: {  	v2 =	vld.idx.msk [tilespmem:v2+s6+$0x0], $0xffff  }
0x1dc: {  	v1 =	vld.idx.msk [tilespmem:v1+s8+$0x0], $0xffff;
	_ =	sdelay $0x4  }
0x1dd: {  	v3 =	vld [tilespmem:$0x7800];
	v1 =	vadd.f32 v1, v2;
	_ =	sdelay $0x1  }
0x1de: {  	v2 =	vmul.f32 $2.000000030e-01, v1;
	_ =	sdelay $0x1  }
0x1df: {  	v1 =	vmax.f32 v1, v2  }
0x1e0: {  	v1 =	vsub.f32 v1, v3;
	_ =	sdelay $0x1  }
0x1e1: {  	v1 =	vmul.f32 $1.442695020e+00, v1;
	_ =	sdelay $0x1  }
0x1e2: {  	(erf) = vpow2.f32 v1;
	_ =	sdelay $0x1  }
0x1e3: {  	s22 =	simm.s32 $0x30  }
0x1e4: {  	v1 =	vor.u32 s22, v0  }
0x1e5: {  	v2 =	vmul.u32 $0x30, v1;
	_ =	sdelay $0x1  }
0x1e6: {  	v2 =	vadd.s32 $0x28, v2  }
0x1e7: {  	v1 =	vshll.u32 v1, $0x3;
	_ =	sdelay $0x1  }
0x1e8: {  	v3 =	vpop (erf)  }
0x1e9: {  	[tilespmem:s16+$0x0] =	vst v3  }
0x1ea: {  	v2 =	vld.idx.msk [tilespmem:v2+s6+$0x0], $0xffff  }
0x1eb: {  	v1 =	vld.idx.msk [tilespmem:v1+s8+$0x0], $0xffff;
	_ =	sdelay $0x4  }
0x1ec: {  	v3 =	vld [tilespmem:$0x7800];
	v1 =	vadd.f32 v1, v2;
	_ =	sdelay $0x1  }
0x1ed: {  	v2 =	vmul.f32 $2.000000030e-01, v1;
	_ =	sdelay $0x1  }
0x1ee: {  	v1 =	vmax.f32 v1, v2  }
0x1ef: {  	v1 =	vsub.f32 v1, v3;
	_ =	sdelay $0x1  }
0x1f0: {  	v1 =	vmul.f32 $1.442695020e+00, v1;
	_ =	sdelay $0x1  }
0x1f1: {  	(erf) = vpow2.f32 v1;
	_ =	sdelay $0x2  }
0x1f2: {  	s9 =	simm.s32 $0x40  }
0x1f3: {  	v3 =	vor.u32 s9, v0  }
0x1f4: {  	v2 =	vmul.u32 $0x30, v3  }
0x1f5: {  	s15 =	simm.s32 $0x4;
	s19 =	simm.s32 $0x7020;
	v1 =	vshll.u32 v3, $0x3  }
.LBB2_8:
0x1f6: {  	s15 =	sadd.s32 $0x4, s15;
	v2 =	vadd.s32 $0x28, v2;
	s16 =	sadd.s32 $0x40, s16;
	s12 =	simm.s32 $0x3060  }
0x1f7: {  	p1 =	slt.u32 s15, $0xC  }
0x1f8: {  	v3 =	vpop (erf)  }
0x1f9: {  	[tilespmem:s19+$0x10] =	vst v3;
	s19 =	smov.u32 s16  }
0x1fa: {  	v1 =	vld.idx.msk [tilespmem:v1+s8+$0x0], $0xffff  }
0x1fb: {  	v2 =	vld.idx.msk [tilespmem:v2+s6+$0x0], $0xffff;
	_ =	sdelay $0x5  }
0x1fc: {  	v1 =	vadd.f32 v1, v2;
	v3 =	vld [tilespmem:$0x7800];
	_ =	sdelay $0x1  }
0x1fd: {  	v2 =	vmul.f32 $2.000000030e-01, v1;
	_ =	sdelay $0x1  }
0x1fe: {  	v1 =	vmax.f32 v1, v2  }
0x1ff: {  	v1 =	vsub.f32 v1, v3;
	_ =	sdelay $0x1  }
0x200: {  	v1 =	vmul.f32 $1.442695020e+00, v1;
	_ =	sdelay $0x1  }
0x201: {  	(erf) = vpow2.f32 v1;
	_ =	sdelay $0x1  }
0x202: {  	s20 =	sadd.s32 $0x10, s9  }
0x203: {  	v1 =	vor.u32 s20, v0  }
0x204: {  	v2 =	vmul.u32 $0x30, v1;
	_ =	sdelay $0x1  }
0x205: {  	v1 =	vshll.u32 v1, $0x3;
	v2 =	vadd.s32 $0x28, v2;
	_ =	sdelay $0x2  }
0x206: {  	v3 =	vpop (erf)  }
0x207: {  	[tilespmem:s16+$0xFFFFFFE0] =	vst v3  }
0x208: {  	v2 =	vld.idx.msk [tilespmem:v2+s6+$0x0], $0xffff  }
0x209: {  	v1 =	vld.idx.msk [tilespmem:v1+s8+$0x0], $0xffff;
	_ =	sdelay $0x4  }
0x20a: {  	v3 =	vld [tilespmem:$0x7800]  }
0x20b: {  	v1 =	vadd.f32 v1, v2;
	_ =	sdelay $0x1  }
0x20c: {  	v2 =	vmul.f32 $2.000000030e-01, v1;
	_ =	sdelay $0x1  }
0x20d: {  	v1 =	vmax.f32 v1, v2  }
0x20e: {  	v1 =	vsub.f32 v1, v3;
	_ =	sdelay $0x1  }
0x20f: {  	v1 =	vmul.f32 $1.442695020e+00, v1;
	_ =	sdelay $0x1  }
0x210: {  	(erf) = vpow2.f32 v1;
	_ =	sdelay $0x1  }
0x211: {  	s20 =	sadd.s32 $0x20, s9  }
0x212: {  	v1 =	vor.u32 s20, v0  }
0x213: {  	v2 =	vmul.u32 $0x30, v1;
	_ =	sdelay $0x1  }
0x214: {  	v1 =	vshll.u32 v1, $0x3;
	v2 =	vadd.s32 $0x28, v2;
	_ =	sdelay $0x2  }
0x215: {  	v3 =	vpop (erf)  }
0x216: {  	[tilespmem:s16+$0xFFFFFFF0] =	vst v3  }
0x217: {  	v2 =	vld.idx.msk [tilespmem:v2+s6+$0x0], $0xffff  }
0x218: {  	v1 =	vld.idx.msk [tilespmem:v1+s8+$0x0], $0xffff;
	_ =	sdelay $0x3  }
0x219: {  	v3 =	vld [tilespmem:$0x7800];
	_ =	sdelay $0x1  }
0x21a: {  	v1 =	vadd.f32 v1, v2;
	_ =	sdelay $0x1  }
0x21b: {  	v2 =	vmul.f32 $2.000000030e-01, v1;
	_ =	sdelay $0x1  }
0x21c: {  	v1 =	vmax.f32 v1, v2  }
0x21d: {  	v1 =	vsub.f32 v1, v3;
	_ =	sdelay $0x1  }
0x21e: {  	v1 =	vmul.f32 $1.442695020e+00, v1;
	_ =	sdelay $0x1  }
0x21f: {  	(erf) = vpow2.f32 v1;
	_ =	sdelay $0x1  }
0x220: {  	s20 =	sadd.s32 $0x30, s9  }
0x221: {  	v1 =	vor.u32 s20, v0  }
0x222: {  	v2 =	vmul.u32 $0x30, v1;
	_ =	sdelay $0x1  }
0x223: {  	v1 =	vshll.u32 v1, $0x3;
	v2 =	vadd.s32 $0x28, v2;
	_ =	sdelay $0x2  }
0x224: {  	v3 =	vpop (erf)  }
0x225: {  	[tilespmem:s16+$0x0] =	vst v3  }
0x226: {  	v2 =	vld.idx.msk [tilespmem:v2+s6+$0x0], $0xffff  }
0x227: {  	v1 =	vld.idx.msk [tilespmem:v1+s8+$0x0], $0xffff  }
0x228: {  	v3 =	vld [tilespmem:$0x7800];
	_ =	sdelay $0x4  }
0x229: {  	v1 =	vadd.f32 v1, v2;
	_ =	sdelay $0x1  }
0x22a: {  	v2 =	vmul.f32 $2.000000030e-01, v1;
	_ =	sdelay $0x1  }
0x22b: {  	v1 =	vmax.f32 v1, v2  }
0x22c: {  	v1 =	vsub.f32 v1, v3;
	_ =	sdelay $0x1  }
0x22d: {  	v1 =	vmul.f32 $1.442695020e+00, v1;
	_ =	sdelay $0x1  }
0x22e: {  	(erf) = vpow2.f32 v1;
	_ =	sdelay $0x1  }
.Ltmp7:
0x22f: {  	(pc) =	sbr.rel @p1 .LBB2_8-.Ltmp7, $4  }
0x230: {  	s9 =	sadd.s32 $0x40, s9  }
0x231: {  	v1 =	vor.u32 s9, v0  }
0x232: {  	v2 =	vmul.u32 $0x30, v1  }
0x233: {  	v1 =	vshll.u32 v1, $0x3  }
0x234: {  	v2 =	vadd.s32 $0x28, v2;
	_ =	sdelay $0x1  }
0x235: {  	v3 =	vpop (erf)  }
0x236: {  	[tilespmem:s19+$0x10] =	vst v3  }
0x237: {  	v1 =	vld.idx.msk [tilespmem:v1+s8+$0x0], $0xffff  }
0x238: {  	v2 =	vld.idx.msk [tilespmem:v2+s6+$0x0], $0xffff;
	_ =	sdelay $0x4  }
0x239: {  	v3 =	vld [tilespmem:$0x7800];
	v1 =	vadd.f32 v1, v2;
	_ =	sdelay $0x1  }
0x23a: {  	v2 =	vmul.f32 $2.000000030e-01, v1;
	_ =	sdelay $0x1  }
0x23b: {  	v1 =	vmax.f32 v1, v2  }
0x23c: {  	v1 =	vsub.f32 v1, v3;
	_ =	sdelay $0x1  }
0x23d: {  	v1 =	vmul.f32 $1.442695020e+00, v1;
	_ =	sdelay $0x1  }
0x23e: {  	(erf) = vpow2.f32 v1;
	_ =	sdelay $0x1  }
0x23f: {  	s15 =	sadd.s32 $0x10, s9  }
0x240: {  	v1 =	vor.u32 s15, v0  }
0x241: {  	v2 =	vmul.u32 $0x30, v1;
	_ =	sdelay $0x1  }
0x242: {  	v2 =	vadd.s32 $0x28, v2  }
0x243: {  	v1 =	vshll.u32 v1, $0x3;
	_ =	sdelay $0x1  }
0x244: {  	s20 =	sadd.s32 $0x40, s16;
	v3 =	vpop (erf)  }
0x245: {  	[tilespmem:s20+$0xFFFFFFE0] =	vst v3  }
0x246: {  	v2 =	vld.idx.msk [tilespmem:v2+s6+$0x0], $0xffff  }
0x247: {  	v1 =	vld.idx.msk [tilespmem:v1+s8+$0x0], $0xffff;
	_ =	sdelay $0x4  }
0x248: {  	v3 =	vld [tilespmem:$0x7800];
	v1 =	vadd.f32 v1, v2;
	_ =	sdelay $0x1  }
0x249: {  	v2 =	vmul.f32 $2.000000030e-01, v1;
	_ =	sdelay $0x1  }
0x24a: {  	v1 =	vmax.f32 v1, v2  }
0x24b: {  	v1 =	vsub.f32 v1, v3;
	_ =	sdelay $0x1  }
0x24c: {  	v1 =	vmul.f32 $1.442695020e+00, v1;
	_ =	sdelay $0x1  }
0x24d: {  	(erf) = vpow2.f32 v1;
	_ =	sdelay $0x1  }
0x24e: {  	s22 =	sadd.s32 $0x20, s9  }
0x24f: {  	v1 =	vor.u32 s22, v0  }
0x250: {  	v2 =	vmul.u32 $0x30, v1;
	_ =	sdelay $0x1  }
0x251: {  	v2 =	vadd.s32 $0x28, v2  }
0x252: {  	v1 =	vshll.u32 v1, $0x3;
	_ =	sdelay $0x1  }
0x253: {  	v3 =	vpop (erf)  }
0x254: {  	[tilespmem:s20+$0xFFFFFFF0] =	vst v3  }
0x255: {  	v2 =	vld.idx.msk [tilespmem:v2+s6+$0x0], $0xffff  }
0x256: {  	v1 =	vld.idx.msk [tilespmem:v1+s8+$0x0], $0xffff;
	_ =	sdelay $0x4  }
0x257: {  	v3 =	vld [tilespmem:$0x7800];
	v1 =	vadd.f32 v1, v2;
	_ =	sdelay $0x1  }
0x258: {  	v2 =	vmul.f32 $2.000000030e-01, v1;
	_ =	sdelay $0x1  }
0x259: {  	v1 =	vmax.f32 v1, v2  }
0x25a: {  	v1 =	vsub.f32 v1, v3;
	_ =	sdelay $0x1  }
0x25b: {  	v1 =	vmul.f32 $1.442695020e+00, v1;
	_ =	sdelay $0x1  }
0x25c: {  	(erf) = vpow2.f32 v1;
	_ =	sdelay $0x1  }
0x25d: {  	s16 =	sadd.s32 $0x30, s9  }
0x25e: {  	v1 =	vor.u32 s16, v0  }
0x25f: {  	v2 =	vmul.u32 $0x30, v1;
	_ =	sdelay $0x1  }
0x260: {  	v2 =	vadd.s32 $0x28, v2  }
0x261: {  	v1 =	vshll.u32 v1, $0x3;
	_ =	sdelay $0x1  }
0x262: {  	v3 =	vpop (erf)  }
0x263: {  	[tilespmem:s20+$0x0] =	vst v3  }
0x264: {  	v2 =	vld.idx.msk [tilespmem:v2+s6+$0x0], $0xffff  }
0x265: {  	v1 =	vld.idx.msk [tilespmem:v1+s8+$0x0], $0xffff;
	_ =	sdelay $0x4  }
0x266: {  	v3 =	vld [tilespmem:$0x7800];
	v1 =	vadd.f32 v1, v2;
	_ =	sdelay $0x1  }
0x267: {  	v2 =	vmul.f32 $2.000000030e-01, v1;
	_ =	sdelay $0x1  }
0x268: {  	v1 =	vmax.f32 v1, v2  }
0x269: {  	v1 =	vsub.f32 v1, v3;
	_ =	sdelay $0x1  }
0x26a: {  	v1 =	vmul.f32 $1.442695020e+00, v1;
	_ =	sdelay $0x1  }
0x26b: {  	(erf) = vpow2.f32 v1;
	_ =	sdelay $0x3  }
0x26c: {  	v1 =	vmov s13  }
0x26d: {  	v1 =	vand.u32 $0xFFFFFFFC, v1  }
0x26e: {  	v1 =	vbroadcast v1, $0x0;
	_ =	sdelay $0x2  }
0x26f: {  	v2 =	vpop (erf)  }
0x270: {  	[tilespmem:s20+$0x10] =	vst v2  }
0x271: {  	v2 =	vld [tilespmem:s12+$0xFFFFFFA0]  }
0x272: {  	v1 =	vld.idx.msk [tilespmem:v1+s21+$0x0], $0xffff  }
0x273: {  	v3 =	vld [tilespmem:s12+$0xFFFFFFC0]  }
0x274: {  	s19 =	simm.s32 $0x1;
	v4 =	vld [tilespmem:s12+$0xFFFFFFB0]  }
0x275: {  	v5 =	vmov s19  }
0x276: {  	v5 =	vand.u32 $0xFFFFFFFD, v5  }
0x277: {  	v5 =	vbroadcast v5, $0x0  }
0x278: {  	v2 =	vmul.f32 v2, v1  }
0x279: {  	v3 =	vmul.f32 v3, v1;
	v4 =	vmul.f32 v4, v1  }
0x27a: {  	[tilespmem:s12+$0xFFFFFFA0] =	vst v2  }
0x27b: {  	v1 =	vsel vm0, v3, v1;
	[tilespmem:s12+$0xFFFFFFB0] =	vst v4;
	v2 =	vld [tilespmem:s12+$0xFFFFFFE0]  }
0x27c: {  	v4 =	vld [tilespmem:s12+$0xFFFFFFD0];
	[tilespmem:s12+$0xFFFFFFC0] =	vst v1  }
0x27d: {  	v3 =	vld.idx.msk [tilespmem:v5+s21+$0x0], $0xffff  }
0x27e: {  	s20 =	simm.s32 $0x2;
	v1 =	vld [tilespmem:s12+$0xFFFFFFF0]  }
0x27f: {  	v5 =	vmov s20  }
0x280: {  	v5 =	vand.u32 $0xFFFFFFFE, v5  }
0x281: {  	v5 =	vbroadcast v5, $0x0  }
0x282: {  	v2 =	vmul.f32 v2, v3  }
0x283: {  	v4 =	vmul.f32 v4, v3;
	v1 =	vmul.f32 v1, v3  }
0x284: {  	[tilespmem:s12+$0xFFFFFFE0] =	vst v2  }
0x285: {  	[tilespmem:s12+$0xFFFFFFD0] =	vst v4;
	v1 =	vsel vm0, v1, v3;
	v2 =	vld [tilespmem:s12+$0x10]  }
0x286: {  	v4 =	vld [tilespmem:s12+$0x20];
	[tilespmem:s12+$0xFFFFFFF0] =	vst v1  }
0x287: {  	v3 =	vld.idx.msk [tilespmem:v5+s21+$0x0], $0xffff  }
0x288: {  	v1 =	vld [tilespmem:s12+$0x0];
	_ =	sdelay $0x2  }
0x289: {  	s22 =	simm.s32 $0x3  }
0x28a: {  	v5 =	vmov s22;
	v2 =	vmul.f32 v2, v3  }
0x28b: {  	v1 =	vmul.f32 v1, v3;
	v4 =	vmul.f32 v4, v3  }
0x28c: {  	[tilespmem:s12+$0x10] =	vst v2  }
0x28d: {  	[tilespmem:s12+$0x0] =	vst v1;
	v1 =	vsel vm0, v4, v3;
	v3 =	vld [tilespmem:s12+$0x40]  }
0x28e: {  	v4 =	vld [tilespmem:s12+$0x30];
	[tilespmem:s12+$0x20] =	vst v1  }
0x28f: {  	s9 =	simm.s32 $0x4;
	v1 =	vld.idx.msk [tilespmem:v5+s21+$0x0], $0xffff  }
0x290: {  	v2 =	vmov s9;
	v5 =	vld [tilespmem:s12+$0x50]  }
0x291: {  	v2 =	vand.u32 $0xFFFFFFFC, v2  }
0x292: {  	s15 =	simm.s32 $0x8;
	s13 =	simm.s32 $0x3060;
	v2 =	vbroadcast v2, $0x0  }
.LBB2_10:
0x293: {  	p1 =	slt.u32 s15, $0xFC  }
0x294: {  	v4 =	vmul.f32 v4, v1;
	v3 =	vmul.f32 v3, v1;
	s12 =	sadd.s32 $0xC0, s12;
	s16 =	smov.u32 s15;
	s15 =	sadd.s32 $0x4, s15  }
0x295: {  	v5 =	vmul.f32 v5, v1  }
0x296: {  	[tilespmem:s13+$0x40] =	vst v3  }
0x297: {  	v1 =	vsel vm0, v5, v1;
	[tilespmem:s13+$0x30] =	vst v4  }
0x298: {  	v3 =	vld [tilespmem:s12+$0xFFFFFFA0];
	[tilespmem:s13+$0x50] =	vst v1;
	s13 =	smov.u32 s12  }
0x299: {  	v1 =	vld.idx.msk [tilespmem:v2+s21+$0x0], $0xffff  }
0x29a: {  	s19 =	sadd.s32 $0x1, s9;
	v2 =	vld [tilespmem:s12+$0xFFFFFFC0]  }
0x29b: {  	v5 =	vmov s19;
	v4 =	vld [tilespmem:s12+$0xFFFFFFB0]  }
0x29c: {  	v5 =	vand.u32 $0xFFFFFFFD, v5  }
0x29d: {  	v5 =	vbroadcast v5, $0x0;
	_ =	sdelay $0x1  }
0x29e: {  	v3 =	vmul.f32 v3, v1;
	v2 =	vmul.f32 v2, v1  }
0x29f: {  	v4 =	vmul.f32 v4, v1  }
0x2a0: {  	[tilespmem:s12+$0xFFFFFFA0] =	vst v3;
	v1 =	vsel vm0, v2, v1  }
0x2a1: {  	[tilespmem:s12+$0xFFFFFFC0] =	vst v1;
	v1 =	vld [tilespmem:s12+$0xFFFFFFF0]  }
0x2a2: {  	[tilespmem:s12+$0xFFFFFFB0] =	vst v4;
	v2 =	vld [tilespmem:s12+$0xFFFFFFE0]  }
0x2a3: {  	s19 =	sadd.s32 $0x2, s9;
	v3 =	vld.idx.msk [tilespmem:v5+s21+$0x0], $0xffff  }
0x2a4: {  	v5 =	vmov s19;
	v4 =	vld [tilespmem:s12+$0xFFFFFFD0]  }
0x2a5: {  	v5 =	vand.u32 $0xFFFFFFFE, v5  }
0x2a6: {  	v5 =	vbroadcast v5, $0x0;
	_ =	sdelay $0x2  }
0x2a7: {  	v2 =	vmul.f32 v2, v3;
	v4 =	vmul.f32 v4, v3  }
0x2a8: {  	v1 =	vmul.f32 v1, v3  }
0x2a9: {  	[tilespmem:s12+$0xFFFFFFE0] =	vst v2  }
0x2aa: {  	v1 =	vsel vm0, v1, v3;
	[tilespmem:s12+$0xFFFFFFD0] =	vst v4;
	v2 =	vld [tilespmem:s12+$0x10]  }
0x2ab: {  	[tilespmem:s12+$0xFFFFFFF0] =	vst v1;
	v1 =	vld [tilespmem:s12+$0x0]  }
0x2ac: {  	v3 =	vld.idx.msk [tilespmem:v5+s21+$0x0], $0xffff  }
0x2ad: {  	v4 =	vld [tilespmem:s12+$0x20]  }
0x2ae: {  	s19 =	sadd.s32 $0x3, s9;
	s9 =	smov.u32 s16  }
0x2af: {  	v5 =	vmov s19;
	_ =	sdelay $0x2  }
0x2b0: {  	v1 =	vmul.f32 v1, v3;
	v2 =	vmul.f32 v2, v3  }
0x2b1: {  	v4 =	vmul.f32 v4, v3  }
0x2b2: {  	[tilespmem:s12+$0x10] =	vst v2  }
0x2b3: {  	[tilespmem:s12+$0x0] =	vst v1;
	v1 =	vsel vm0, v4, v3;
	v3 =	vld [tilespmem:s12+$0x40]  }
0x2b4: {  	[tilespmem:s12+$0x20] =	vst v1;
	v4 =	vld [tilespmem:s12+$0x30]  }
0x2b5: {  	v1 =	vld.idx.msk [tilespmem:v5+s21+$0x0], $0xffff  }
.Ltmp8:
0x2b6: {  	v5 =	vld [tilespmem:s12+$0x50];
	(pc) =	sbr.rel @p1 .LBB2_10-.Ltmp8, $4  }
0x2b7: {  	_ = 	snop  }
0x2b8: {  	v2 =	vmov s9  }
0x2b9: {  	v2 =	vand.u32 $0xFFFFFFFC, v2  }
0x2ba: {  	v2 =	vbroadcast v2, $0x0  }
0x2bb: {  	v3 =	vmul.f32 v3, v1  }
0x2bc: {  	v4 =	vmul.f32 v4, v1;
	v5 =	vmul.f32 v5, v1  }
0x2bd: {  	s12 =	sadd.s32 $0xC0, s12;
	[tilespmem:s13+$0x40] =	vst v3  }
0x2be: {  	v57 =	vld [tilespmem:s12+$0xFFFFFFB0];
	[tilespmem:s13+$0x30] =	vst v4;
	v1 =	vsel vm0, v5, v1  }
0x2bf: {  	v3 =	vld [tilespmem:s12+$0xFFFFFFA0];
	[tilespmem:s13+$0x50] =	vst v1  }
0x2c0: {  	v1 =	vld.idx.msk [tilespmem:v2+s21+$0x0], $0xffff  }
0x2c1: {  	s16 =	sadd.s32 $0x1, s9;
	v2 =	vld [tilespmem:s12+$0xFFFFFFC0]  }
0x2c2: {  	v58 =	vmov s16  }
0x2c3: {  	v5 =	vand.u32 $0xFFFFFFFD, v58  }
0x2c4: {  	v5 =	vbroadcast v5, $0x0  }
0x2c5: {  	v3 =	vmul.f32 v3, v1  }
0x2c6: {  	v2 =	vmul.f32 v2, v1;
	v4 =	vmul.f32 v57, v1  }
0x2c7: {  	[tilespmem:s12+$0xFFFFFFA0] =	vst v3  }
0x2c8: {  	v59 =	vld [tilespmem:s12+$0xFFFFFFD0];
	v1 =	vsel vm0, v2, v1;
	[tilespmem:s12+$0xFFFFFFB0] =	vst v4  }
0x2c9: {  	v2 =	vld [tilespmem:s12+$0xFFFFFFE0];
	[tilespmem:s12+$0xFFFFFFC0] =	vst v1  }
0x2ca: {  	v3 =	vld.idx.msk [tilespmem:v5+s21+$0x0], $0xffff  }
0x2cb: {  	s19 =	sadd.s32 $0x2, s9;
	v1 =	vld [tilespmem:s12+$0xFFFFFFF0]  }
0x2cc: {  	v60 =	vmov s19  }
0x2cd: {  	v5 =	vand.u32 $0xFFFFFFFE, v60  }
0x2ce: {  	v5 =	vbroadcast v5, $0x0  }
0x2cf: {  	v2 =	vmul.f32 v2, v3  }
0x2d0: {  	v4 =	vmul.f32 v59, v3;
	v1 =	vmul.f32 v1, v3  }
0x2d1: {  	[tilespmem:s12+$0xFFFFFFE0] =	vst v2  }
0x2d2: {  	v61 =	vld [tilespmem:s12+$0x20];
	[tilespmem:s12+$0xFFFFFFD0] =	vst v4;
	v1 =	vsel vm0, v1, v3  }
0x2d3: {  	v2 =	vld [tilespmem:s12+$0x10];
	[tilespmem:s12+$0xFFFFFFF0] =	vst v1  }
0x2d4: {  	v3 =	vld.idx.msk [tilespmem:v5+s21+$0x0], $0xffff  }
0x2d5: {  	v1 =	vld [tilespmem:s12+$0x0];
	_ =	sdelay $0x2  }
0x2d6: {  	s20 =	sadd.s32 $0x3, s9  }
0x2d7: {  	v62 =	vmov s20;
	v2 =	vmul.f32 v2, v3  }
0x2d8: {  	v1 =	vmul.f32 v1, v3;
	v4 =	vmul.f32 v61, v3  }
0x2d9: {  	[tilespmem:s12+$0x10] =	vst v2  }
0x2da: {  	v63 =	vld [tilespmem:s12+$0x50];
	[tilespmem:s12+$0x0] =	vst v1;
	v1 =	vsel vm0, v4, v3  }
0x2db: {  	v2 =	vld [tilespmem:s12+$0x40];
	[tilespmem:s12+$0x20] =	vst v1  }
0x2dc: {  	v3 =	vld.idx.msk [tilespmem:v62+s21+$0x0], $0xffff  }
0x2dd: {  	v1 =	vld [tilespmem:s12+$0x30];
	_ =	sdelay $0x3  }
0x2de: {  	v2 =	vmul.f32 v2, v3  }
0x2df: {  	v1 =	vmul.f32 v1, v3;
	v4 =	vmul.f32 v63, v3  }
0x2e0: {  	[tilespmem:s12+$0x40] =	vst v2  }
.Ltmp9:
0x2e1: {  	[tilespmem:s12+$0x30] =	vst v1;
	v1 =	vsel vm0, v4, v3;
	(pc) =	sbr.rel .LBB2_12-.Ltmp9, $4  }
0x2e2: {  	s22 =	simm.s32 $0x7B10;
	[tilespmem:s12+$0x50] =	vst v1  }
0x2e3: {  	[spmem:s2] =	stream.indirect.scatter.add.f32 [tilespmem:s6], [sflag:$0x6], $0x30, s22, s24, $0xb8;
	[tilespmem:$0xF140] =	vst v63  }
0x2e4: {  	_ = 	snop  }
0x2e5: {  	[spmem:s2] =	stream.indirect.scatter.add.f32 [tilespmem:s11], [sflag:$0x6], $0x30, s10, s24, $0xb8;
	[tilespmem:$0xF140] =	vst v63  }
.LBB2_14:
0x2e6: {  	_ =	sfence.sel $0x180000  }
0x2e7: {  	[bflag:$0x0] =	sbarrier.arrive $0xFFFF  }
0x2e8: {  	_ =	strace $0x9000004A  }
0x2e9: {  	[bflag:$0x2] =	sbarrier.arrive $0xFFFF  }
0x2ea: {  	s0 =	rddreg [dreg:$0x3]  }
0x2eb: {  	s0 =	sadd.s32 @!p0 $0x100000, s0  }
0x2ec: {  	[sflag:s0] =	ssyncadd.tile.s32 @!p0 $0x1;
	_ =	shalt  }
.Lfunc_end2:
_tile_overlayer_lowered:
.L_overlay_start_2:
0x2ed: {  	(tag) =	ssettag $0x2  }
0x2ee: {  	s0 =	rddreg [dreg:$0x0];
	s2 =	stileid.u32  }
0x2ef: {  	s1 =	rddreg [dreg:$0x1];
	p0 =	sne.s32 s2, $0x0  }
0x2f0: {  	s3 =	rddreg [dreg:$0x2];
	[bflag:$0x3] =	sbarrier.arrive $0xFFFF;
	s2 =	simm.s32 @!p0 $0x1C07  }
0x2f1: {  	[timem:s3], [sflag:s2] =	dma.local @!p0 [hbm:s0], s1  }
0x2f2: {  	s0 =	simm.s32 @!p0 $0x7  }
0x2f3: {  	_ =	swait.ge @!p0 [sflag:s0], s1  }
0x2f4: {  	s1 =	ssub.s32 @!p0 $0x0, s1;
	[sflag:s0] =	ssyncset.done @!p0 $0x0  }
0x2f5: {  	[sflag:s0] =	ssyncadd.s32 @!p0 s1  }
0x2f6: {  	[bflag:$0x3] =	sbarrier.arrive $0xFFFF  }
0x2f7: {  	_ =	shalt  }

// kernel: kernel.7.cloned.1.call-start
scs
__scs_entry_jumppad:
0x0: {  	(pc) =	sbr.rel $0x88, $3  }
0x1: {  	(tag) =	ssettag $0x0;
	lr =	simm.s32 $0x1  }
0x2: {  	[smem:$0x3F97] =	sst lr;
	_ =	strace $0xD0000000  }
0x3: {  	_ = 	snop  }
0x4: {  	_ = 	snop  }
0x5: {  	_ = 	snop  }
0x6: {  	_ = 	snop  }
0x7: {  	_ = 	snop  }
__scs_overlays_trampoline_lowered:
0x8: {  	[smem:$0x3FA6] =	sst s0  }
0x9: {  	[smem:$0x3FA7] =	sst s1  }
0xa: {  	[smem:$0x3FA8] =	sst s2  }
0xb: {  	[smem:$0x3FA9] =	sst s3  }
0xc: {  	[smem:$0x3FAA] =	sst s4  }
0xd: {  	[smem:$0x3FAB] =	sst s5  }
0xe: {  	[smem:$0x3FAC] =	sst s6  }
0xf: {  	[smem:$0x3FAD] =	sst s7  }
0x10: {  	[smem:$0x3FAE] =	sst s8  }
0x11: {  	[smem:$0x3FAF] =	sst s9;
	s0 =	simm.s32 @!p0 $0x0  }
0x12: {  	s1 =	sld [smem:$0x3F95];
	s0 =	simm.s32 @p0 $0x1  }
0x13: {  	[smem:$0x3FB0] =	sst s0;
	s0 =	simm.s32 @!p1 $0x0  }
0x14: {  	s2 =	sld [smem:$0x3F94];
	s0 =	simm.s32 @p1 $0x1  }
0x15: {  	[smem:$0x3FB1] =	sst s0;
	s0 =	simm.s32 @!p2 $0x0  }
0x16: {  	s3 =	sld [smem:$0x3FDB];
	s0 =	simm.s32 @p2 $0x1  }
0x17: {  	s4 =	simm.s32 $0x1BF5;
	[smem:$0x3FB3] =	sst s0  }
0x18: {  	s0 =	sld [smem:$0x3F96];
	_ =	swait.ge [sflag:s4], $0x0  }
0x19: {  	s7 =	sld [smem:$0x3F97]  }
0x1a: {  	s8 =	sadd.s32 $0xFFFFE003, lr  }
0x1b: {  	s9 =	sadd.s32 $0xFFFFFEF7, lr;
	s5 =	simm.s32 $0xFFFFFFFF;
	p2 =	slt.u32 s8, $0xFFFFF086  }
0x1c: {  	p1 =	slt.u32 s9, $0xF7A;
	s5 =	simm.s32 @!p2 $0x0  }
0x1d: {  	s5 =	simm.s32 @p1 $0x1;
	p0 =	seq.s32 s7, s2  }
0x1e: {  	s7 =	smul.u32 @!p0 $0xF7A, s2;
	p2 =	seq.s32 @!p0 s5, $0x0  }
0x1f: {  	s9 =	smul.u32 $0xF7A, s1;
	s8 =	simm.s32 @!p0 $0x1BF5;
	p2 =	por !p2, p0  }
0x20: {  	[sflag:s8] =	ssyncset.s32 @!p0 $0xFFFFF086;
	s6 =	sadd.s32 @!p0 s3, s7;
	s7 =	simm.s32 @!p0 $0x108  }
0x21: {  	s3 =	sadd.s32 s3, s9;
	s6 =	sadd.s32 @!p0 $0x88, s6;
	s7 =	simm.s32 @p2 $0x1082  }
0x22: {  	[simem:s7], [sflag:s8] =	dma.local @!p0 [hbm:s6], $0xF7A  }
0x23: {  	s9 =	sor.u32 $0xD0000000, s2;
	s6 =	simm.s32 $0x108;
	_ =	swait.ge @!p0 [sflag:s8], $0x0  }
0x24: {  	s3 =	sadd.s32 $0x88, s3;
	s6 =	simm.s32 @!p1 $0x1082;
	[sflag:s4] =	ssyncset.s32 $0xFFFFF086  }
0x25: {  	[simem:s6], [sflag:s4] =	dma.local [hbm:s3], $0xF7A  }
0x26: {  	[smem:$0x3F97] =	sst s1;
	(tag) =	ssettag s2;
	_ =	strace s9  }
0x27: {  	s1 =	sld [smem:$0x3FA7]  }
0x28: {  	s2 =	sld [smem:$0x3FA8]  }
0x29: {  	s4 =	sld [smem:$0x3FAA]  }
0x2a: {  	p0 =	seq.s32 s5, $0x0;
	s5 =	sld [smem:$0x3FAB]  }
0x2b: {  	s6 =	sld [smem:$0x3FAC]  }
0x2c: {  	s7 =	sld [smem:$0x3FAD]  }
0x2d: {  	s3 =	simm.s32 $0x108;
	s8 =	sld [smem:$0x3FAE]  }
0x2e: {  	s3 =	simm.s32 @!p0 $0x1082;
	s9 =	sld [smem:$0x3FAF]  }
0x2f: {  	lr =	sadd.s32 s0, s3;
	s0 =	sld [smem:$0x3FA6]  }
0x30: {  	s3 =	sld [smem:$0x3FA9]  }
0x31: {  	[smem:$0x3FB2] =	sst s10  }
0x32: {  	s10 =	sld [smem:$0x3FB0];
	_ =	sdelay $0x3  }
0x33: {  	p0 =	seq.s32 s10, $0x1;
	s10 =	sld [smem:$0x3FB2];
	_ =	sdelay $0x3  }
0x34: {  	[smem:$0x3FB2] =	sst s10  }
0x35: {  	s10 =	sld [smem:$0x3FB1];
	_ =	sdelay $0x3  }
0x36: {  	p1 =	seq.s32 s10, $0x1;
	s10 =	sld [smem:$0x3FB2];
	_ =	sdelay $0x3  }
0x37: {  	[smem:$0x3FB2] =	sst s10  }
0x38: {  	s10 =	sld [smem:$0x3FB3]  }
0x39: {  	_ = 	snop;
	(pc) =	sbr.ind lr, $3  }
0x3a: {  	_ = 	snop  }
0x3b: {  	_ = 	snop  }
0x3c: {  	p2 =	seq.s32 s10, $0x1;
	s10 =	sld [smem:$0x3FB2]  }
0x3d: {  	_ =	shalt  }
0x3e: {  	_ =	shalt  }
0x3f: {  	_ =	shalt  }
0x40: {  	_ =	shalt  }
0x41: {  	_ =	shalt  }
0x42: {  	_ =	shalt  }
0x43: {  	_ =	shalt  }
0x44: {  	_ =	shalt  }
0x45: {  	_ =	shalt  }
0x46: {  	_ =	shalt  }
0x47: {  	_ =	shalt  }
0x48: {  	_ =	shalt  }
0x49: {  	_ =	shalt  }
0x4a: {  	_ =	shalt  }
0x4b: {  	_ =	shalt  }
0x4c: {  	_ =	shalt  }
0x4d: {  	_ =	shalt  }
0x4e: {  	_ =	shalt  }
0x4f: {  	_ =	shalt  }
0x50: {  	_ =	shalt  }
0x51: {  	_ =	shalt  }
0x52: {  	_ =	shalt  }
0x53: {  	_ =	shalt  }
0x54: {  	_ =	shalt  }
0x55: {  	_ =	shalt  }
0x56: {  	_ =	shalt  }
0x57: {  	_ =	shalt  }
0x58: {  	_ =	shalt  }
0x59: {  	_ =	shalt  }
0x5a: {  	_ =	shalt  }
0x5b: {  	_ =	shalt  }
0x5c: {  	_ =	shalt  }
0x5d: {  	_ =	shalt  }
0x5e: {  	_ =	shalt  }
0x5f: {  	_ =	shalt  }
0x60: {  	_ =	shalt  }
0x61: {  	_ =	shalt  }
0x62: {  	_ =	shalt  }
0x63: {  	_ =	shalt  }
0x64: {  	_ =	shalt  }
0x65: {  	_ =	shalt  }
0x66: {  	_ =	shalt  }
0x67: {  	_ =	shalt  }
0x68: {  	_ =	shalt  }
0x69: {  	_ =	shalt  }
0x6a: {  	_ =	shalt  }
0x6b: {  	_ =	shalt  }
0x6c: {  	_ =	shalt  }
0x6d: {  	_ =	shalt  }
0x6e: {  	_ =	shalt  }
0x6f: {  	_ =	shalt  }
0x70: {  	_ =	shalt  }
0x71: {  	_ =	shalt  }
0x72: {  	_ =	shalt  }
0x73: {  	_ =	shalt  }
0x74: {  	_ =	shalt  }
0x75: {  	_ =	shalt  }
0x76: {  	_ =	shalt  }
0x77: {  	_ =	shalt  }
0x78: {  	_ =	shalt  }
0x79: {  	_ =	shalt  }
0x7a: {  	_ =	shalt  }
0x7b: {  	_ =	shalt  }
0x7c: {  	_ =	shalt  }
0x7d: {  	_ =	shalt  }
0x7e: {  	_ =	shalt  }
0x7f: {  	_ =	shalt  }
0x80: {  	_ =	shalt  }
0x81: {  	_ =	shalt  }
0x82: {  	_ =	shalt  }
0x83: {  	_ =	shalt  }
0x84: {  	_ =	shalt  }
0x85: {  	_ =	shalt  }
0x86: {  	_ =	shalt  }
0x87: {  	_ =	shalt  }
.Lfunc_end0:
.L_simem_size_0:
called_computation_lowered:
.L_overlay_start_0:
0x88: {  	s2 =	sld [smem:$0x3FD9]  }
0x89: {  	s3 =	sld [smem:$0x3FFE];
	_ =	sdelay $0x1  }
0x8a: {  	s1 =	srdreg.scid  }
0x8b: {  	s0 =	sand.u32 $0x1, s1  }
0x8c: {  	s17 =	sshll.u32 s0, $0xA;
	s2 =	sadd.s32 s3, s2  }
0x8d: {  	s2 =	sadd.s32 s2, s17  }
0x8e: {  	[smem:$0x3FBE] =	sst s2  }
0x8f: {  	_ = 	snop  }
0x90: {  	s2 =	sld [smem:$0x3FD0];
	(tm) =	ssettm $0x1  }
0x91: {  	s18 =	sld [smem:$0x3FFB];
	_ =	sdelay $0x3  }
0x92: {  	_ =	strace s18  }
0x93: {  	s3 =	sld [smem:$0x3FFC];
	_ =	sdelay $0x3  }
0x94: {  	_ =	strace s3  }
0x95: {  	s3 =	sld [smem:$0x3FFD];
	_ =	sdelay $0x3  }
0x96: {  	_ =	strace s3  }
0x97: {  	_ =	strace $0x8FFFFFFF  }
0x98: {  	s19 =	sld [smem:$0x3FDB];
	_ =	sdelay $0x1  }
0x99: {  	s4 =	simm.s32 $_scs_section_size  }
0x9a: {  	s5 =	simm.s32 $_size__tile_overlayer_lowered;
	s6 =	simm.s32 $_tile_overlayer_lowered  }
0x9b: {  	s22 =	simm.s32 $0x1BFF;
	s21 =	sshll.u32 s6, $0x1;
	s3 =	sadd.s32 s4, s19  }
0x9c: {  	s7 =	simm.s32 $0x0;
	s20 =	sshll.u32 s5, $0x1;
	s5 =	sadd.s32 s21, s3  }
0x9d: {  	[timem:s7], [sflag:s22] =	dma.local [hbm:s5], s20  }
0x9e: {  	_ =	swait.ge [sflag:s22], s20  }
0x9f: {  	s4 =	ssub.s32 $0x0, s20;
	[sflag:s22] =	ssyncset.done $0x0  }
0xa0: {  	[sflag:s22] =	ssyncadd.s32 s4;
	_ =	sdelay $0x1  }
0xa1: {  	s23 =	simm.s32 $0x1B8B  }
0xa2: {  	_ =	swait.ge [sflag:s23], $0x1  }
0xa3: {  	[sflag:s23] =	ssyncset.done $0x0  }
0xa4: {  	s25 =	simm.s32 $0x1B8E;
	s24 =	sld [smem:$0x3FFE];
	[sflag:s23] =	ssyncadd.s32 $0xFFFFFFFF  }
0xa5: {  	s26 =	simm.s32 $execute0_lowered;
	[smem:$0x3FD2] =	sst s25  }
0xa6: {  	s5 =	sshll.u32 s26, $0x1;
	_ =	strace $0x80000046;
	[dreg:$0x1] =	wrdreg $0xFFFFFFFF  }
0xa7: {  	s28 =	simm.s32 $_size_execute0_lowered;
	s3 =	sadd.s32 s3, s5;
	[dreg:$0x0] =	wrdreg $0x0  }
0xa8: {  	s5 =	sshll.u32 s28, $0x1;
	[dreg:$0x2] =	wrdreg s3  }
0xa9: {  	[dreg:$0x3] =	wrdreg s5  }
0xaa: {  	[dreg:$0x4] =	wrdreg $0xC0  }
0xab: {  	_ =	task [dreg:s7], $0x5FFFF  }
0xac: {  	[dreg:$0x1] =	wrdreg $0xFFFFFFFF  }
0xad: {  	[dreg:$0x0] =	wrdreg $0x60  }
0xae: {  	[dreg:$0x2] =	wrdreg s24  }
0xaf: {  	[dreg:$0x3] =	wrdreg s2  }
0xb0: {  	[dreg:$0x4] =	wrdreg $0xBC100  }
0xb1: {  	[dreg:$0x5] =	wrdreg $0x9  }
0xb2: {  	_ =	task.clear_ibuf [dreg:s7], $0x6FFFF;
	_ =	strace $0x90000046  }
0xb3: {  	s29 =	simm.s32 $0x9;
	_ =	strace $0x80000048  }
0xb4: {  	_ =	swait.ge [sflag:s29], $0x1  }
0xb5: {  	[sflag:s29] =	ssyncadd.s32 $0xFFFFFFFF  }
0xb6: {  	_ =	strace $0x90000048  }
0xb7: {  	_ =	sfence  }
0xb8: {  	s30 =	sld [smem:$0x0];
	_ =	sdelay $0x2  }
0xb9: {  	s31 =	sshll.u32 s1, $0xD;
	s1 =	sshrl.u32 s1, $0x2  }
0xba: {  	s3 =	sand.u32 $0x4000, s31;
	s1 =	sadd.s32 s1, s30  }
0xbb: {  	s0 =	sor.u32 s3, s0;
	s1 =	sshll.u32 s1, $0x11  }
0xbc: {  	s0 =	sor.u32 s1, s0  }
0xbd: {  	s0 =	sadd.s32 $0x8F2B, s0  }
0xbe: {  	[sflag:s0] =	ssyncadd.remote.s32 $0x1  }
0xbf: {  	_ =	sfence.sel $0xFFFF  }
0xc0: {  	[dreg:$0x0] =	wrdreg $0xFFFFFFFF;
	(pc) =	sbr.abs _section_cstart, $3  }
0xc1: {  	[dreg:$0x1] =	wrdreg $0xFFFFFFFF  }
0xc2: {  	_ =	task.clear_ibuf [dreg:s7], $0x2FFFF;
	_ =	strace $0x9FFFFFFF  }
0xc3: {  	(tm) =	ssettm $0x7FFFFFFF  }
tec
execute0_lowered:
.L_overlay_start_1:
0x0: {  	(tag) =	ssettag $0x1  }
0x1: {  	s0 =	rddreg [dreg:$0x0]  }
0x2: {  	s1 =	rddreg [dreg:$0x1]  }
0x3: {  	s2 =	rddreg [dreg:$0x2];
	s3 =	simm.s32 $0x0  }
0x4: {  	s6 =	stileid.u32;
	s7 =	srdreg.scid;
	s28 =	simm.s32 $0x2800  }
0x5: {  	s29 =	simm.s32 $0xBA90;
	s31 =	simm.s32 $0x1;
	s30 =	simm.s32 $0x4  }
0x6: {  	[smem:$0x7FF] =	sst s3;
	s8 =	smul.u32 $0xC300, s6;
	s4 =	sadd.s32 $0xC00, s0  }
0x7: {  	s5 =	sadd.s32 $0x19400, s0;
	s9 =	sand.u32 $0x1, s7;
	s18 =	sadd.s32 $0xA00, s0  }
0x8: {  	s7 =	sadd.s32 $0x1BC00, s0;
	s13 =	sadd.s32 $0x3E200, s0;
	s19 =	sshll.u32 s6, $0x1  }
0x9: {  	s14 =	sshll.u32 s6, $0x6;
	s20 =	sadd.s32 $0xC3000, s2;
	p0 =	sne.s32 s6, $0x0  }
0xa: {  	s6 =	simm.s32 $0x5000;
	_ =	strace $0x80000047;
	[dreg:$0x4] =	wrdreg s18  }
0xb: {  	s11 =	ssub.s32 $0x2, s9;
	[dreg:$0x7] =	wrdreg s20;
	s10 =	sshrl.u32 s8, $0x3  }
0xc: {  	s12 =	sshrl.u32 s11, $0x1;
	s15 =	sadd.s32 s8, s2;
	s10 =	sadd.s32 s10, s0  }
0xd: {  	s11 =	ssub.s32 s11, s12;
	s12 =	sor.u32 s9, s19;
	s0 =	sadd.s32 $0x3E000, s0  }
0xe: {  	s9 =	smul.u32 $0xC3500, s9;
	s10 =	sadd.s32 $0x25A00, s10;
	[dreg:$0x8] =	wrdreg s0  }
0xf: {  	s21 =	sshll.u32 s12, $0x5;
	s26 =	smax.u32 s11, $0x1;
	s18 =	sor.u32 $0x20, s12  }
0x10: {  	s11 =	simm.s32 $0x7800;
	[dreg:$0x5] =	wrdreg s10;
	s10 =	sor.u32 $0x1C07, s14  }
0x11: {  	s22 =	sadd.s32 s7, s21;
	s8 =	sadd.s32 s8, s9;
	s9 =	sshrl.u32 s9, $0x3  }
0x12: {  	s0 =	sadd.s32 s1, s21;
	s14 =	sor.u32 $0x40, s12;
	[dreg:$0xd] =	wrdreg s26  }
0x13: {  	s12 =	sshrl.u32 s15, $0x3;
	s21 =	simm.s32 $0xB000;
	[dreg:$0x9] =	wrdreg s22  }
0x14: {  	s26 =	simm.s32 $0x2;
	s15 =	simm.s32 $0x0;
	[dreg:$0xa] =	wrdreg s0  }
.Ltmp0:
0x15: {  	s23 =	sshrl.u32 s8, $0x3;
	[dreg:$0x6] =	wrdreg s10;
	(pc) =	sbr.rel .LBB2_1-.Ltmp0, $4  }
0x16: {  	v1 =	vlaneseq.u32;
	s24 =	sadd.s32 s13, s9;
	s22 =	simm.s32 $0xA800;
	[dreg:$0xe] =	wrdreg s12  }
0x17: {  	v3 =	vimm.s32 $0x0;
	vm0 =	vcmask $0x300;
	v0 =	vand.u32 $0x7, v1;
	s0 =	sadd.s32 s13, s23;
	s25 =	sadd.s32 $0x18600, s24;
	s13 =	simm.s32 $0x7  }
0x18: {  	v1 =	vshrl.u32 v1, $0x3;
	v3 =	vsel vm0, $0x3, v3;
	v2 =	vor.u32 $0x40, v0;
	s23 =	simm.s32 $0xBA10;
	s24 =	simm.s32 $0x80;
	[dreg:$0xb] =	wrdreg s0  }
0x19: {  	v4 =	vor.u32 $0x2, v1;
	v5 =	vor.u32 $0x4, v1;
	v6 =	vor.u32 $0x6, v1;
	[dreg:$0xc] =	wrdreg s25;
	s25 =	simm.s32 $0xA000;
	s0 =	simm.s32 $0x3  }
.LBB2_13:
0x1a: {  	s8 =	simm.s32 $0x5  }
0x1b: {  	_ =	swait.ge [sflag:s8], $0x5000  }
0x1c: {  	[sflag:s8] =	ssyncset.done $0x0  }
0x1d: {  	s17 =	simm.s32 $0x6;
	[sflag:s8] =	ssyncadd.s32 $0xFFFFB000  }
0x1e: {  	_ =	swait.ge [sflag:s17], $0x5000  }
0x1f: {  	[sflag:s17] =	ssyncset.done $0x0  }
0x20: {  	[sflag:s17] =	ssyncadd.s32 $0xFFFFB000  }
0x21: {  	[bflag:$0x0] =	sbarrier.arrive $0xFFFF  }
0x22: {  	s10 =	rddreg [dreg:$0x6]  }
0x23: {  	s19 =	rddreg [dreg:$0xb]  }
0x24: {  	s13 =	simm.s32 $0x7;
	s12 =	rddreg [dreg:$0xe]  }
0x25: {  	[hbm:s19], [sflag:s10] =	dma.local [spmem:s12], $0x1860  }
0x26: {  	_ =	swait.ge [sflag:s13], $0x1860  }
0x27: {  	[sflag:s13] =	ssyncset.done $0x0;
	s8 =	rddreg [dreg:$0xc]  }
0x28: {  	s9 =	rddreg [dreg:$0x10];
	[sflag:s13] =	ssyncadd.s32 $0xFFFFE7A0  }
0x29: {  	[hbm:s8], [sflag:s10] =	dma.local @!p0 [spmem:s9], $0xA0  }
0x2a: {  	s8 =	simm.s32 @!p0 $0x7  }
0x2b: {  	_ =	swait.ge @!p0 [sflag:s8], $0xA0  }
0x2c: {  	s15 =	rddreg [dreg:$0xf]  }
0x2d: {  	s20 =	rddreg [dreg:$0xd];
	s15 =	sadd.s32 $0x1, s15  }
0x2e: {  	p1 =	sne.s32 s15, s20  }
.Ltmp1:
0x2f: {  	_ = 	snop;
	(pc) =	sbr.rel @!p1 .LBB2_14-.Ltmp1, $3  }
0x30: {  	_ =	sdelay $0x1  }
0x31: {  	[sflag:s8] =	ssyncset.done @!p0 $0x0  }
0x32: {  	[sflag:s8] =	ssyncadd.s32 @!p0 $0xFFFFFF60  }
.LBB2_1:
0x33: {  	[dreg:$0xf] =	wrdreg s15  }
0x34: {  	s8 =	rddreg [dreg:$0x5]  }
0x35: {  	[spmem:s12], [sflag:s10] =	dma.local [hbm:s8], $0x1860  }
0x36: {  	_ =	swait.ge [sflag:s13], $0x1860  }
0x37: {  	s8 =	rddreg [dreg:$0x7]  }
0x38: {  	[sflag:s13] =	ssyncset.done $0x0;
	s9 =	sshrl.u32 @!p0 s8, $0x3;
	s8 =	rddreg [dreg:$0x8]  }
0x39: {  	[sflag:s13] =	ssyncadd.s32 $0xFFFFE7A0;
	[dreg:$0x10] =	wrdreg s9  }
0x3a: {  	[spmem:s9], [sflag:s10] =	dma.local @!p0 [hbm:s8], $0xA0  }
0x3b: {  	s8 =	simm.s32 @!p0 $0x7  }
0x3c: {  	_ =	swait.ge @!p0 [sflag:s8], $0xA0  }
0x3d: {  	[sflag:s8] =	ssyncset.done @!p0 $0x0  }
0x3e: {  	s12 =	simm.s32 $0xB800;
	s10 =	rddreg [dreg:$0x4];
	[sflag:s8] =	ssyncadd.s32 @!p0 $0xFFFFFF60  }
0x3f: {  	[tilespmem:s12], [sflag:$0x7] =	stream.linear.gather [hbm4b:s10+s3], $0x10, $0x38;
	[tilespmem:$0x17F60] =	vst v63  }
0x40: {  	_ =	swait.ge [sflag:s13], $0x10  }
0x41: {  	[sflag:s13] =	ssyncset.done $0x0  }
0x42: {  	[sflag:s13] =	ssyncadd.s32 $0xFFFFFFF0  }
0x43: {  	[bflag:$0x0] =	sbarrier.arrive $0xFFFF  }
0x44: {  	s16 =	simm.s32 $0xB810;
	s15 =	rddreg [dreg:$0x9]  }
0x45: {  	[tilespmem:s16], [sflag:$0x7] =	stream.linear.gather [hbm4b:s15+s3], $0x100, $0x38;
	[tilespmem:$0x17F60] =	vst v63  }
0x46: {  	_ =	swait.ge [sflag:s13], $0x100  }
0x47: {  	[sflag:s13] =	ssyncset.done $0x0  }
0x48: {  	s17 =	rddreg [dreg:$0xa];
	[sflag:s13] =	ssyncadd.s32 $0xFFFFFF00  }
0x49: {  	[tilespmem:s23], [sflag:$0x7] =	stream.linear.gather [hbm4b:s17+s3], $0x100, $0x38;
	[tilespmem:$0x17F60] =	vst v63  }
0x4a: {  	_ =	swait.ge [sflag:s13], $0x100  }
0x4b: {  	[sflag:s13] =	ssyncset.done $0x0  }
0x4c: {  	[sflag:s13] =	ssyncadd.s32 $0xFFFFFF00  }
0x4d: {  	[tilespmem:s3], [sflag:$0x1] =	stream.indirect.gather [hbm4b:s4+s24], $0x50, s16, s24, $0xb8;
	[tilespmem:$0x17F60] =	vst v63  }
0x4e: {  	_ = 	snop  }
0x4f: {  	[tilespmem:s25], [sflag:$0x3] =	stream.indirect.gather [hbm4b:s5+s24], $0x8, s23, s24, $0xb8;
	[tilespmem:$0x17F60] =	vst v63  }
.Ltmp2:
0x50: {  	_ = 	snop;
	(pc) =	sbr.rel .LBB2_2-.Ltmp2, $4  }
0x51: {  	s19 =	simm.s32 $0xB890  }
0x52: {  	[tilespmem:s28], [sflag:$0x1] =	stream.indirect.gather [hbm4b:s4+s24], $0x50, s19, s24, $0xb8;
	[tilespmem:$0x17F60] =	vst v63  }
0x53: {  	s20 =	simm.s32 $0xA400;
	s17 =	simm.s32 $0x0  }
0x54: {  	[tilespmem:s20], [sflag:$0x3] =	stream.indirect.gather [hbm4b:s5+s24], $0x8, s29, s24, $0xb8;
	[tilespmem:$0x17F60] =	vst v63  }
.LBB2_12:
0x55: {  	s17 =	sadd.s32 $0x1, s17  }
0x56: {  	p1 =	sne.s32 s17, $0x14  }
.Ltmp3:
0x57: {  	_ = 	snop;
	(pc) =	sbr.rel @!p1 .LBB2_13-.Ltmp3, $1  }
0x58: {  	_ =	sdelay $0x3  }
.LBB2_2:
0x59: {  	s12 =	sshll.u32 s17, $0x6  }
0x5a: {  	s8 =	sor.u32 s18, s12  }
0x5b: {  	p1 =	sgt.u32 s8, $0x4E1  }
0x5c: {  	p2 =	seq.s32 @!p1 s17, $0x0  }
0x5d: {  	p2 =	por p2, p1  }
0x5e: {  	s9 =	simm.s32 @!p2 $0x6  }
0x5f: {  	_ =	swait.ge @!p2 [sflag:s9], $0x5000  }
0x60: {  	s8 =	sshll.u32 @!p1 s8, $0x5;
	s13 =	simm.s32 @!p1 $0x0;
	[sflag:s9] =	ssyncset.done @!p2 $0x0  }
0x61: {  	s15 =	simm.s32 @!p1 $0xB910;
	[sflag:s9] =	ssyncadd.s32 @!p2 $0xFFFFB000;
	s9 =	sadd.s32 @!p1 s7, s8  }
0x62: {  	[tilespmem:s15], [sflag:$0x7] =	stream.linear.gather @!p1 [hbm4b:s9+s13], $0x100, $0x38;
	[tilespmem:$0x17F60] =	vst v63  }
0x63: {  	s9 =	simm.s32 @!p1 $0x7  }
0x64: {  	_ =	swait.ge @!p1 [sflag:s9], $0x100  }
0x65: {  	[sflag:s9] =	ssyncset.done @!p1 $0x0  }
0x66: {  	s16 =	simm.s32 @!p1 $0xBB10;
	s8 =	sadd.s32 @!p1 s1, s8;
	[sflag:s9] =	ssyncadd.s32 @!p1 $0xFFFFFF00  }
0x67: {  	[tilespmem:s16], [sflag:$0x7] =	stream.linear.gather @!p1 [hbm4b:s8+s13], $0x100, $0x38;
	[tilespmem:$0x17F60] =	vst v63  }
0x68: {  	_ =	swait.ge @!p1 [sflag:s9], $0x100  }
0x69: {  	[sflag:s9] =	ssyncset.done @!p1 $0x0  }
0x6a: {  	s8 =	simm.s32 @!p1 $0x80;
	[sflag:s9] =	ssyncadd.s32 @!p1 $0xFFFFFF00;
	s9 =	simm.s32 @!p1 $0x5000  }
0x6b: {  	[tilespmem:s9], [sflag:$0x2] =	stream.indirect.gather @!p1 [hbm4b:s4+s8], $0x50, s15, s8, $0xb8;
	[tilespmem:$0x17F60] =	vst v63  }
0x6c: {  	s9 =	simm.s32 @!p1 $0xA800  }
0x6d: {  	[tilespmem:s9], [sflag:$0x4] =	stream.indirect.gather @!p1 [hbm4b:s5+s8], $0x8, s16, s8, $0xb8;
	[tilespmem:$0x17F60] =	vst v63  }
0x6e: {  	s13 =	simm.s32 @!p1 $0x7800;
	s9 =	simm.s32 @!p1 $0xB990  }
0x6f: {  	[tilespmem:s13], [sflag:$0x2] =	stream.indirect.gather @!p1 [hbm4b:s4+s8], $0x50, s9, s8, $0xb8;
	[tilespmem:$0x17F60] =	vst v63  }
0x70: {  	s16 =	simm.s32 $0x0;
	s9 =	simm.s32 @!p1 $0xBB90;
	s13 =	simm.s32 @!p1 $0xAC00  }
0x71: {  	v7 =	vor.u32 s16, v1;
	[tilespmem:s13], [sflag:$0x4] =	stream.indirect.gather @!p1 [hbm4b:s5+s8], $0x8, s9, s8, $0xb8;
	[tilespmem:$0x17F60] =	vst v63  }
0x72: {  	v8 =	vmul.u32 $0x50, v7;
	v9 =	vshll.u32 v7, $0x3;
	_ =	swait.ge [sflag:s31], $0x5000  }
0x73: {  	v9 =	vor.u32 v0, v9;
	[sflag:s31] =	ssyncset.done $0x0  }
0x74: {  	v8 =	vadd.s32 v2, v8;
	[sflag:s31] =	ssyncadd.s32 $0xFFFFB000  }
0x75: {  	_ =	swait.ge [sflag:s0], $0x800  }
0x76: {  	[sflag:s0] =	ssyncset.done $0x0  }
0x77: {  	[sflag:s0] =	ssyncadd.s32 $0xFFFFF800  }
0x78: {  	v9 =	vld.idx.msk [tilespmem:v9+s25+$0x0], $0xffff  }
0x79: {  	v8 =	vld.idx.msk [tilespmem:v8+s16+$0x0], $0xffff;
	_ =	sdelay $0x4  }
0x7a: {  	v10 =	vld [tilespmem:$0xB800];
	v8 =	vadd.f32 v9, v8;
	_ =	sdelay $0x1  }
0x7b: {  	v9 =	vmul.f32 $2.000000030e-01, v8;
	_ =	sdelay $0x1  }
0x7c: {  	v8 =	vmax.f32 v8, v9  }
0x7d: {  	v8 =	vsub.f32 v8, v10;
	_ =	sdelay $0x1  }
0x7e: {  	v8 =	vmul.f32 $1.442695020e+00, v8;
	_ =	sdelay $0x1  }
0x7f: {  	(erf) = vpow2.f32 v8;
	_ =	sdelay $0x1  }
0x80: {  	s15 =	simm.s32 $0x2  }
0x81: {  	v8 =	vor.u32 s15, v1  }
0x82: {  	v9 =	vmul.u32 $0x50, v8;
	_ =	sdelay $0x1  }
0x83: {  	v8 =	vshll.u32 v8, $0x3;
	v9 =	vadd.s32 v2, v9  }
0x84: {  	v8 =	vor.u32 v0, v8;
	_ =	sdelay $0x1  }
0x85: {  	s9 =	simm.s32 $0xB020;
	v10 =	vpop (erf)  }
0x86: {  	[tilespmem:s9+$0xFFFFFFE0] =	vst v10  }
0x87: {  	v9 =	vld.idx.msk [tilespmem:v9+s16+$0x0], $0xffff  }
0x88: {  	v8 =	vld.idx.msk [tilespmem:v8+s25+$0x0], $0xffff;
	_ =	sdelay $0x4  }
0x89: {  	v10 =	vld [tilespmem:$0xB800];
	v8 =	vadd.f32 v8, v9;
	_ =	sdelay $0x1  }
0x8a: {  	v9 =	vmul.f32 $2.000000030e-01, v8;
	_ =	sdelay $0x1  }
0x8b: {  	v8 =	vmax.f32 v8, v9  }
0x8c: {  	v8 =	vsub.f32 v8, v10;
	_ =	sdelay $0x1  }
0x8d: {  	v8 =	vmul.f32 $1.442695020e+00, v8;
	_ =	sdelay $0x1  }
0x8e: {  	(erf) = vpow2.f32 v8;
	_ =	sdelay $0x1  }
0x8f: {  	s19 =	simm.s32 $0x4  }
0x90: {  	v8 =	vor.u32 s19, v1  }
0x91: {  	v9 =	vmul.u32 $0x50, v8;
	_ =	sdelay $0x1  }
0x92: {  	v8 =	vshll.u32 v8, $0x3;
	v9 =	vadd.s32 v2, v9  }
0x93: {  	v8 =	vor.u32 v0, v8;
	_ =	sdelay $0x1  }
0x94: {  	v10 =	vpop (erf)  }
0x95: {  	[tilespmem:s9+$0xFFFFFFF0] =	vst v10  }
0x96: {  	v9 =	vld.idx.msk [tilespmem:v9+s16+$0x0], $0xffff  }
0x97: {  	v8 =	vld.idx.msk [tilespmem:v8+s25+$0x0], $0xffff;
	_ =	sdelay $0x4  }
0x98: {  	v10 =	vld [tilespmem:$0xB800];
	v8 =	vadd.f32 v8, v9;
	_ =	sdelay $0x1  }
0x99: {  	v9 =	vmul.f32 $2.000000030e-01, v8;
	_ =	sdelay $0x1  }
0x9a: {  	v8 =	vmax.f32 v8, v9  }
0x9b: {  	v8 =	vsub.f32 v8, v10;
	_ =	sdelay $0x1  }
0x9c: {  	v8 =	vmul.f32 $1.442695020e+00, v8;
	_ =	sdelay $0x1  }
0x9d: {  	(erf) = vpow2.f32 v8;
	_ =	sdelay $0x1  }
0x9e: {  	s20 =	simm.s32 $0x6  }
0x9f: {  	v8 =	vor.u32 s20, v1  }
0xa0: {  	v9 =	vmul.u32 $0x50, v8;
	_ =	sdelay $0x1  }
0xa1: {  	v8 =	vshll.u32 v8, $0x3;
	v9 =	vadd.s32 v2, v9  }
0xa2: {  	v8 =	vor.u32 v0, v8;
	_ =	sdelay $0x1  }
0xa3: {  	v10 =	vpop (erf)  }
0xa4: {  	[tilespmem:s9+$0x0] =	vst v10  }
0xa5: {  	v9 =	vld.idx.msk [tilespmem:v9+s16+$0x0], $0xffff  }
0xa6: {  	v8 =	vld.idx.msk [tilespmem:v8+s25+$0x0], $0xffff;
	_ =	sdelay $0x4  }
0xa7: {  	v10 =	vld [tilespmem:$0xB800];
	v8 =	vadd.f32 v8, v9;
	_ =	sdelay $0x1  }
0xa8: {  	v9 =	vmul.f32 $2.000000030e-01, v8;
	_ =	sdelay $0x1  }
0xa9: {  	v8 =	vmax.f32 v8, v9  }
0xaa: {  	v8 =	vsub.f32 v8, v10;
	_ =	sdelay $0x1  }
0xab: {  	v8 =	vmul.f32 $1.442695020e+00, v8;
	_ =	sdelay $0x1  }
0xac: {  	(erf) = vpow2.f32 v8;
	_ =	sdelay $0x2  }
0xad: {  	s15 =	simm.s32 $0x8  }
0xae: {  	v9 =	vor.u32 s15, v1  }
0xaf: {  	v10 =	vshll.u32 v9, $0x3;
	v9 =	vmul.u32 $0x50, v9  }
0xb0: {  	s13 =	simm.s32 $0x0;
	s8 =	simm.s32 $0xB020;
	s20 =	simm.s32 $0x4;
	v8 =	vor.u32 v0, v10  }
.LBB2_3:
0xb1: {  	s20 =	sadd.s32 $0x4, s20;
	v9 =	vadd.s32 v2, v9;
	s9 =	sadd.s32 $0x40, s9;
	s19 =	simm.s32 $0xA0  }
0xb2: {  	p2 =	slt.u32 s20, $0x7C  }
0xb3: {  	v10 =	vpop (erf)  }
0xb4: {  	[tilespmem:s8+$0x10] =	vst v10;
	s8 =	smov.u32 s9  }
0xb5: {  	v8 =	vld.idx.msk [tilespmem:v8+s25+$0x0], $0xffff  }
0xb6: {  	v9 =	vld.idx.msk [tilespmem:v9+s16+$0x0], $0xffff;
	_ =	sdelay $0x5  }
0xb7: {  	v8 =	vadd.f32 v8, v9;
	v10 =	vld [tilespmem:$0xB800];
	_ =	sdelay $0x1  }
0xb8: {  	v9 =	vmul.f32 $2.000000030e-01, v8;
	_ =	sdelay $0x1  }
0xb9: {  	v8 =	vmax.f32 v8, v9  }
0xba: {  	v8 =	vsub.f32 v8, v10;
	_ =	sdelay $0x1  }
0xbb: {  	v8 =	vmul.f32 $1.442695020e+00, v8;
	_ =	sdelay $0x1  }
0xbc: {  	(erf) = vpow2.f32 v8;
	_ =	sdelay $0x1  }
0xbd: {  	s10 =	sadd.s32 $0x2, s15  }
0xbe: {  	v8 =	vor.u32 s10, v1  }
0xbf: {  	v9 =	vmul.u32 $0x50, v8;
	v8 =	vshll.u32 v8, $0x3;
	_ =	sdelay $0x1  }
0xc0: {  	v8 =	vor.u32 v0, v8;
	v9 =	vadd.s32 v2, v9;
	_ =	sdelay $0x2  }
0xc1: {  	v10 =	vpop (erf)  }
0xc2: {  	[tilespmem:s9+$0xFFFFFFE0] =	vst v10  }
0xc3: {  	v9 =	vld.idx.msk [tilespmem:v9+s16+$0x0], $0xffff  }
0xc4: {  	v8 =	vld.idx.msk [tilespmem:v8+s25+$0x0], $0xffff;
	_ =	sdelay $0x4  }
0xc5: {  	v10 =	vld [tilespmem:$0xB800]  }
0xc6: {  	v8 =	vadd.f32 v8, v9;
	_ =	sdelay $0x1  }
0xc7: {  	v9 =	vmul.f32 $2.000000030e-01, v8;
	_ =	sdelay $0x1  }
0xc8: {  	v8 =	vmax.f32 v8, v9  }
0xc9: {  	v8 =	vsub.f32 v8, v10;
	_ =	sdelay $0x1  }
0xca: {  	v8 =	vmul.f32 $1.442695020e+00, v8;
	_ =	sdelay $0x1  }
0xcb: {  	(erf) = vpow2.f32 v8;
	_ =	sdelay $0x1  }
0xcc: {  	s10 =	sadd.s32 $0x4, s15  }
0xcd: {  	v8 =	vor.u32 s10, v1  }
0xce: {  	v9 =	vmul.u32 $0x50, v8;
	v8 =	vshll.u32 v8, $0x3;
	_ =	sdelay $0x1  }
0xcf: {  	v8 =	vor.u32 v0, v8;
	v9 =	vadd.s32 v2, v9;
	_ =	sdelay $0x2  }
0xd0: {  	v10 =	vpop (erf)  }
0xd1: {  	[tilespmem:s9+$0xFFFFFFF0] =	vst v10  }
0xd2: {  	v9 =	vld.idx.msk [tilespmem:v9+s16+$0x0], $0xffff  }
0xd3: {  	v8 =	vld.idx.msk [tilespmem:v8+s25+$0x0], $0xffff;
	_ =	sdelay $0x3  }
0xd4: {  	v10 =	vld [tilespmem:$0xB800];
	_ =	sdelay $0x1  }
0xd5: {  	v8 =	vadd.f32 v8, v9;
	_ =	sdelay $0x1  }
0xd6: {  	v9 =	vmul.f32 $2.000000030e-01, v8;
	_ =	sdelay $0x1  }
0xd7: {  	v8 =	vmax.f32 v8, v9  }
0xd8: {  	v8 =	vsub.f32 v8, v10;
	_ =	sdelay $0x1  }
0xd9: {  	v8 =	vmul.f32 $1.442695020e+00, v8;
	_ =	sdelay $0x1  }
0xda: {  	(erf) = vpow2.f32 v8;
	_ =	sdelay $0x1  }
0xdb: {  	s10 =	sadd.s32 $0x6, s15  }
0xdc: {  	v8 =	vor.u32 s10, v1  }
0xdd: {  	v9 =	vmul.u32 $0x50, v8;
	v8 =	vshll.u32 v8, $0x3;
	_ =	sdelay $0x1  }
0xde: {  	v8 =	vor.u32 v0, v8;
	v9 =	vadd.s32 v2, v9;
	_ =	sdelay $0x2  }
0xdf: {  	v10 =	vpop (erf)  }
0xe0: {  	[tilespmem:s9+$0x0] =	vst v10  }
0xe1: {  	v9 =	vld.idx.msk [tilespmem:v9+s16+$0x0], $0xffff  }
0xe2: {  	v8 =	vld.idx.msk [tilespmem:v8+s25+$0x0], $0xffff  }
0xe3: {  	v10 =	vld [tilespmem:$0xB800];
	_ =	sdelay $0x4  }
0xe4: {  	v8 =	vadd.f32 v8, v9;
	_ =	sdelay $0x1  }
0xe5: {  	v9 =	vmul.f32 $2.000000030e-01, v8;
	_ =	sdelay $0x1  }
0xe6: {  	v8 =	vmax.f32 v8, v9  }
0xe7: {  	v8 =	vsub.f32 v8, v10;
	_ =	sdelay $0x1  }
0xe8: {  	v8 =	vmul.f32 $1.442695020e+00, v8;
	_ =	sdelay $0x1  }
0xe9: {  	(erf) = vpow2.f32 v8;
	_ =	sdelay $0x1  }
.Ltmp4:
0xea: {  	(pc) =	sbr.rel @p2 .LBB2_3-.Ltmp4, $4  }
0xeb: {  	s15 =	sadd.s32 $0x8, s15  }
0xec: {  	v8 =	vor.u32 s15, v1  }
0xed: {  	v9 =	vmul.u32 $0x50, v8;
	v8 =	vshll.u32 v8, $0x3  }
0xee: {  	v8 =	vor.u32 v0, v8  }
0xef: {  	v9 =	vadd.s32 v2, v9;
	_ =	sdelay $0x1  }
0xf0: {  	v10 =	vpop (erf)  }
0xf1: {  	[tilespmem:s8+$0x10] =	vst v10  }
0xf2: {  	v8 =	vld.idx.msk [tilespmem:v8+s25+$0x0], $0xffff  }
0xf3: {  	v9 =	vld.idx.msk [tilespmem:v9+s16+$0x0], $0xffff;
	_ =	sdelay $0x4  }
0xf4: {  	v10 =	vld [tilespmem:$0xB800];
	v8 =	vadd.f32 v8, v9;
	_ =	sdelay $0x1  }
0xf5: {  	v9 =	vmul.f32 $2.000000030e-01, v8;
	_ =	sdelay $0x1  }
0xf6: {  	v8 =	vmax.f32 v8, v9  }
0xf7: {  	v8 =	vsub.f32 v8, v10;
	_ =	sdelay $0x1  }
0xf8: {  	v8 =	vmul.f32 $1.442695020e+00, v8;
	_ =	sdelay $0x1  }
0xf9: {  	(erf) = vpow2.f32 v8;
	_ =	sdelay $0x1  }
0xfa: {  	s10 =	sadd.s32 $0x2, s15  }
0xfb: {  	v8 =	vor.u32 s10, v1  }
0xfc: {  	v34 =	vmul.u32 $0x50, v8;
	_ =	sdelay $0x1  }
0xfd: {  	v8 =	vshll.u32 v8, $0x3;
	v9 =	vadd.s32 v2, v34  }
0xfe: {  	v8 =	vor.u32 v0, v8;
	_ =	sdelay $0x1  }
0xff: {  	s8 =	sadd.s32 $0x40, s9;
	v35 =	vpop (erf)  }
0x100: {  	[tilespmem:s8+$0xFFFFFFE0] =	vst v35  }
0x101: {  	v9 =	vld.idx.msk [tilespmem:v9+s16+$0x0], $0xffff  }
0x102: {  	v8 =	vld.idx.msk [tilespmem:v8+s25+$0x0], $0xffff;
	_ =	sdelay $0x4  }
0x103: {  	v10 =	vld [tilespmem:$0xB800];
	v8 =	vadd.f32 v8, v9;
	_ =	sdelay $0x1  }
0x104: {  	v9 =	vmul.f32 $2.000000030e-01, v8;
	_ =	sdelay $0x1  }
0x105: {  	v8 =	vmax.f32 v8, v9  }
0x106: {  	v8 =	vsub.f32 v8, v10;
	_ =	sdelay $0x1  }
0x107: {  	v8 =	vmul.f32 $1.442695020e+00, v8;
	_ =	sdelay $0x1  }
0x108: {  	(erf) = vpow2.f32 v8;
	_ =	sdelay $0x1  }
0x109: {  	s20 =	sadd.s32 $0x4, s15  }
0x10a: {  	v8 =	vor.u32 s20, v1  }
0x10b: {  	v36 =	vmul.u32 $0x50, v8;
	_ =	sdelay $0x1  }
0x10c: {  	v8 =	vshll.u32 v8, $0x3;
	v9 =	vadd.s32 v2, v36  }
0x10d: {  	v8 =	vor.u32 v0, v8;
	_ =	sdelay $0x1  }
0x10e: {  	v37 =	vpop (erf)  }
0x10f: {  	[tilespmem:s8+$0xFFFFFFF0] =	vst v37  }
0x110: {  	v9 =	vld.idx.msk [tilespmem:v9+s16+$0x0], $0xffff  }
0x111: {  	v8 =	vld.idx.msk [tilespmem:v8+s25+$0x0], $0xffff;
	_ =	sdelay $0x4  }
0x112: {  	v10 =	vld [tilespmem:$0xB800];
	v8 =	vadd.f32 v8, v9;
	_ =	sdelay $0x1  }
0x113: {  	v9 =	vmul.f32 $2.000000030e-01, v8;
	_ =	sdelay $0x1  }
0x114: {  	v8 =	vmax.f32 v8, v9  }
0x115: {  	v8 =	vsub.f32 v8, v10;
	_ =	sdelay $0x1  }
0x116: {  	v8 =	vmul.f32 $1.442695020e+00, v8;
	_ =	sdelay $0x1  }
0x117: {  	(erf) = vpow2.f32 v8;
	_ =	sdelay $0x1  }
0x118: {  	s10 =	sadd.s32 $0x6, s15  }
0x119: {  	v8 =	vor.u32 s10, v1  }
0x11a: {  	v38 =	vmul.u32 $0x50, v8;
	_ =	sdelay $0x1  }
0x11b: {  	v8 =	vshll.u32 v8, $0x3;
	v9 =	vadd.s32 v2, v38  }
0x11c: {  	v8 =	vor.u32 v0, v8;
	_ =	sdelay $0x1  }
0x11d: {  	v39 =	vpop (erf)  }
0x11e: {  	[tilespmem:s8+$0x0] =	vst v39  }
0x11f: {  	v9 =	vld.idx.msk [tilespmem:v9+s16+$0x0], $0xffff  }
0x120: {  	v8 =	vld.idx.msk [tilespmem:v8+s25+$0x0], $0xffff;
	_ =	sdelay $0x4  }
0x121: {  	v10 =	vld [tilespmem:$0xB800];
	v8 =	vadd.f32 v8, v9;
	_ =	sdelay $0x1  }
0x122: {  	v9 =	vmul.f32 $2.000000030e-01, v8;
	_ =	sdelay $0x1  }
0x123: {  	v8 =	vmax.f32 v8, v9  }
0x124: {  	v8 =	vsub.f32 v8, v10;
	_ =	sdelay $0x1  }
0x125: {  	v8 =	vmul.f32 $1.442695020e+00, v8;
	_ =	sdelay $0x1  }
0x126: {  	(erf) = vpow2.f32 v8;
	_ =	sdelay $0x8  }
0x127: {  	v8 =	vpop (erf)  }
0x128: {  	[tilespmem:s8+$0x10] =	vst v8;
	v8 =	vmov s16  }
0x129: {  	v7 =	vld.idx.msk [tilespmem:v7+s21+$0x0], $0xffff;
	v8 =	vshrl.u32 v8, $0x3  }
0x12a: {  	v40 =	vld [tilespmem:s19+$0xFFFFFF60];
	v8 =	vshll.u32 v8, v3  }
0x12b: {  	v8 =	vbroadcast v8, $0x0;
	_ =	sdelay $0x1  }
0x12c: {  	v41 =	vor.u32 v4, v8;
	_ =	sdelay $0x1  }
0x12d: {  	v7 =	vmul.f32 v40, v7;
	_ =	sdelay $0x1  }
0x12e: {  	v42 =	vld [tilespmem:s19+$0xFFFFFF70];
	[tilespmem:s19+$0xFFFFFF60] =	vst v7  }
0x12f: {  	v7 =	vld.idx.msk [tilespmem:v41+s21+$0x0], $0xffff;
	_ =	sdelay $0x2  }
0x130: {  	v43 =	vor.u32 v5, v8;
	_ =	sdelay $0x1  }
0x131: {  	v7 =	vmul.f32 v42, v7;
	_ =	sdelay $0x1  }
0x132: {  	v44 =	vld [tilespmem:s19+$0xFFFFFF80];
	[tilespmem:s19+$0xFFFFFF70] =	vst v7  }
0x133: {  	v7 =	vld.idx.msk [tilespmem:v43+s21+$0x0], $0xffff;
	_ =	sdelay $0x2  }
0x134: {  	v8 =	vor.u32 v6, v8;
	_ =	sdelay $0x1  }
0x135: {  	v7 =	vmul.f32 v44, v7;
	_ =	sdelay $0x1  }
0x136: {  	[tilespmem:s19+$0xFFFFFF80] =	vst v7  }
0x137: {  	v7 =	vld.idx.msk [tilespmem:v8+s21+$0x0], $0xffff  }
0x138: {  	v8 =	vld [tilespmem:s19+$0xFFFFFF90];
	_ =	sdelay $0x2  }
0x139: {  	v45 =	vor.u32 s16, v0;
	_ =	sdelay $0x1  }
0x13a: {  	v7 =	vmul.f32 v8, v7;
	_ =	sdelay $0x1  }
0x13b: {  	[tilespmem:s19+$0xFFFFFF90] =	vst v7  }
0x13c: {  	v7 =	vld.idx.msk [tilespmem:v45+s21+$0x0], $0xffff  }
0x13d: {  	s15 =	simm.s32 $0x8  }
0x13e: {  	v8 =	vor.u32 s15, v1;
	_ =	sdelay $0x2  }
0x13f: {  	[tilespmem:s19+$0xFFFFFFA0] =	vst v7;
	v7 =	vmov s15  }
0x140: {  	v46 =	vld [tilespmem:s19+$0xFFFFFFB0];
	v7 =	vshrl.u32 v7, $0x3  }
0x141: {  	v8 =	vld.idx.msk [tilespmem:v8+s21+$0x0], $0xffff;
	v7 =	vshll.u32 v7, v3  }
0x142: {  	v7 =	vbroadcast v7, $0x0;
	_ =	sdelay $0x1  }
0x143: {  	v47 =	vor.u32 v4, v7;
	_ =	sdelay $0x1  }
0x144: {  	v8 =	vmul.f32 v46, v8;
	_ =	sdelay $0x1  }
0x145: {  	v48 =	vld [tilespmem:s19+$0xFFFFFFC0];
	[tilespmem:s19+$0xFFFFFFB0] =	vst v8  }
0x146: {  	v8 =	vld.idx.msk [tilespmem:v47+s21+$0x0], $0xffff;
	_ =	sdelay $0x2  }
0x147: {  	v49 =	vor.u32 v5, v7;
	_ =	sdelay $0x1  }
0x148: {  	v8 =	vmul.f32 v48, v8;
	_ =	sdelay $0x1  }
0x149: {  	v50 =	vld [tilespmem:s19+$0xFFFFFFD0];
	[tilespmem:s19+$0xFFFFFFC0] =	vst v8  }
0x14a: {  	v8 =	vld.idx.msk [tilespmem:v49+s21+$0x0], $0xffff;
	_ =	sdelay $0x2  }
0x14b: {  	v7 =	vor.u32 v6, v7;
	_ =	sdelay $0x1  }
0x14c: {  	v8 =	vmul.f32 v50, v8;
	_ =	sdelay $0x1  }
0x14d: {  	[tilespmem:s19+$0xFFFFFFD0] =	vst v8;
	v8 =	vld [tilespmem:s19+$0xFFFFFFE0]  }
0x14e: {  	v7 =	vld.idx.msk [tilespmem:v7+s21+$0x0], $0xffff;
	_ =	sdelay $0x2  }
0x14f: {  	v51 =	vor.u32 s15, v0;
	_ =	sdelay $0x1  }
0x150: {  	v7 =	vmul.f32 v8, v7;
	_ =	sdelay $0x1  }
0x151: {  	[tilespmem:s19+$0xFFFFFFE0] =	vst v7  }
0x152: {  	v7 =	vld.idx.msk [tilespmem:v51+s21+$0x0], $0xffff  }
0x153: {  	s16 =	simm.s32 $0x10  }
0x154: {  	v8 =	vor.u32 s16, v1;
	_ =	sdelay $0x2  }
0x155: {  	[tilespmem:s19+$0xFFFFFFF0] =	vst v7;
	v7 =	vmov s16  }
0x156: {  	v52 =	vld [tilespmem:s19+$0x0];
	v7 =	vshrl.u32 v7, $0x3  }
0x157: {  	v8 =	vld.idx.msk [tilespmem:v8+s21+$0x0], $0xffff;
	v7 =	vshll.u32 v7, v3  }
0x158: {  	v7 =	vbroadcast v7, $0x0;
	_ =	sdelay $0x1  }
0x159: {  	v53 =	vor.u32 v4, v7;
	_ =	sdelay $0x1  }
0x15a: {  	v8 =	vmul.f32 v52, v8;
	_ =	sdelay $0x1  }
0x15b: {  	v54 =	vld [tilespmem:s19+$0x10];
	[tilespmem:s19+$0x0] =	vst v8  }
0x15c: {  	v8 =	vld.idx.msk [tilespmem:v53+s21+$0x0], $0xffff;
	_ =	sdelay $0x2  }
0x15d: {  	v55 =	vor.u32 v5, v7;
	_ =	sdelay $0x1  }
0x15e: {  	v8 =	vmul.f32 v54, v8;
	_ =	sdelay $0x1  }
0x15f: {  	v56 =	vld [tilespmem:s19+$0x20];
	[tilespmem:s19+$0x10] =	vst v8  }
0x160: {  	v8 =	vld.idx.msk [tilespmem:v55+s21+$0x0], $0xffff;
	_ =	sdelay $0x2  }
0x161: {  	v7 =	vor.u32 v6, v7;
	_ =	sdelay $0x1  }
0x162: {  	v8 =	vmul.f32 v56, v8;
	_ =	sdelay $0x1  }
0x163: {  	[tilespmem:s19+$0x20] =	vst v8;
	v8 =	vld [tilespmem:s19+$0x30]  }
0x164: {  	v7 =	vld.idx.msk [tilespmem:v7+s21+$0x0], $0xffff;
	_ =	sdelay $0x2  }
0x165: {  	v57 =	vor.u32 s16, v0;
	_ =	sdelay $0x1  }
0x166: {  	v7 =	vmul.f32 v8, v7;
	_ =	sdelay $0x1  }
0x167: {  	[tilespmem:s19+$0x30] =	vst v7  }
0x168: {  	v7 =	vld.idx.msk [tilespmem:v57+s21+$0x0], $0xffff  }
0x169: {  	s20 =	simm.s32 $0x18  }
0x16a: {  	v8 =	vor.u32 s20, v1;
	_ =	sdelay $0x2  }
0x16b: {  	[tilespmem:s19+$0x40] =	vst v7;
	v7 =	vmov s20  }
0x16c: {  	v58 =	vld [tilespmem:s19+$0x50];
	v7 =	vshrl.u32 v7, $0x3  }
0x16d: {  	v8 =	vld.idx.msk [tilespmem:v8+s21+$0x0], $0xffff;
	v7 =	vshll.u32 v7, v3  }
0x16e: {  	v7 =	vbroadcast v7, $0x0;
	_ =	sdelay $0x1  }
0x16f: {  	v59 =	vor.u32 v4, v7;
	_ =	sdelay $0x1  }
0x170: {  	v8 =	vmul.f32 v58, v8;
	_ =	sdelay $0x1  }
0x171: {  	v60 =	vld [tilespmem:s19+$0x60];
	[tilespmem:s19+$0x50] =	vst v8  }
0x172: {  	v8 =	vld.idx.msk [tilespmem:v59+s21+$0x0], $0xffff;
	_ =	sdelay $0x2  }
0x173: {  	v61 =	vor.u32 v5, v7;
	_ =	sdelay $0x1  }
0x174: {  	v8 =	vmul.f32 v60, v8;
	_ =	sdelay $0x1  }
0x175: {  	v62 =	vld [tilespmem:s19+$0x70];
	[tilespmem:s19+$0x60] =	vst v8  }
0x176: {  	v8 =	vld.idx.msk [tilespmem:v61+s21+$0x0], $0xffff;
	_ =	sdelay $0x2  }
0x177: {  	v7 =	vor.u32 v6, v7;
	_ =	sdelay $0x1  }
0x178: {  	v8 =	vmul.f32 v62, v8;
	_ =	sdelay $0x1  }
0x179: {  	[tilespmem:s19+$0x70] =	vst v8;
	v8 =	vld [tilespmem:s19+$0x80]  }
0x17a: {  	v7 =	vld.idx.msk [tilespmem:v7+s21+$0x0], $0xffff;
	_ =	sdelay $0x2  }
0x17b: {  	v63 =	vor.u32 s20, v0;
	_ =	sdelay $0x1  }
0x17c: {  	v7 =	vmul.f32 v8, v7;
	_ =	sdelay $0x1  }
0x17d: {  	[tilespmem:s19+$0x80] =	vst v7  }
0x17e: {  	s16 =	simm.s32 $0x20;
	v7 =	vld.idx.msk [tilespmem:v63+s21+$0x0], $0xffff  }
.LBB2_5:
0x17f: {  	v8 =	vor.u32 s16, v1;
	s13 =	sadd.s32 $0x4, s13  }
0x180: {  	p2 =	slt.u32 s13, $0xFC;
	_ =	sdelay $0x2  }
0x181: {  	v9 =	vmov s16;
	[tilespmem:s19+$0x90] =	vst v7  }
0x182: {  	s19 =	sadd.s32 $0x140, s19;
	v7 =	vld.idx.msk [tilespmem:v8+s21+$0x0], $0xffff;
	v8 =	vshrl.u32 v9, $0x3  }
0x183: {  	v9 =	vld [tilespmem:s19+$0xFFFFFF60];
	v8 =	vshll.u32 v8, v3  }
0x184: {  	v8 =	vbroadcast v8, $0x0;
	_ =	sdelay $0x1  }
0x185: {  	v10 =	vor.u32 v4, v8;
	_ =	sdelay $0x1  }
0x186: {  	v7 =	vmul.f32 v9, v7;
	_ =	sdelay $0x1  }
0x187: {  	[tilespmem:s19+$0xFFFFFF60] =	vst v7  }
0x188: {  	v7 =	vld.idx.msk [tilespmem:v10+s21+$0x0], $0xffff  }
0x189: {  	v9 =	vld [tilespmem:s19+$0xFFFFFF70];
	_ =	sdelay $0x2  }
0x18a: {  	v10 =	vor.u32 v5, v8;
	_ =	sdelay $0x1  }
0x18b: {  	v7 =	vmul.f32 v9, v7;
	_ =	sdelay $0x1  }
0x18c: {  	[tilespmem:s19+$0xFFFFFF70] =	vst v7  }
0x18d: {  	v7 =	vld.idx.msk [tilespmem:v10+s21+$0x0], $0xffff  }
0x18e: {  	v9 =	vld [tilespmem:s19+$0xFFFFFF80];
	_ =	sdelay $0x2  }
0x18f: {  	v8 =	vor.u32 v6, v8;
	_ =	sdelay $0x1  }
0x190: {  	v7 =	vmul.f32 v9, v7;
	_ =	sdelay $0x1  }
0x191: {  	[tilespmem:s19+$0xFFFFFF80] =	vst v7  }
0x192: {  	v7 =	vld.idx.msk [tilespmem:v8+s21+$0x0], $0xffff  }
0x193: {  	v8 =	vld [tilespmem:s19+$0xFFFFFF90];
	_ =	sdelay $0x2  }
0x194: {  	v9 =	vor.u32 s16, v0;
	_ =	sdelay $0x1  }
0x195: {  	v7 =	vmul.f32 v8, v7;
	_ =	sdelay $0x1  }
0x196: {  	[tilespmem:s19+$0xFFFFFF90] =	vst v7  }
0x197: {  	v7 =	vld.idx.msk [tilespmem:v9+s21+$0x0], $0xffff  }
0x198: {  	s8 =	sadd.s32 $0x8, s16  }
0x199: {  	v8 =	vor.u32 s8, v1;
	_ =	sdelay $0x3  }
0x19a: {  	[tilespmem:s19+$0xFFFFFFA0] =	vst v7;
	v7 =	vmov s8  }
0x19b: {  	v8 =	vld.idx.msk [tilespmem:v8+s21+$0x0], $0xffff;
	v7 =	vshrl.u32 v7, $0x3  }
0x19c: {  	v9 =	vld [tilespmem:s19+$0xFFFFFFB0];
	v7 =	vshll.u32 v7, v3  }
0x19d: {  	v7 =	vbroadcast v7, $0x0;
	_ =	sdelay $0x1  }
0x19e: {  	v10 =	vor.u32 v4, v7;
	_ =	sdelay $0x1  }
0x19f: {  	v8 =	vmul.f32 v9, v8;
	_ =	sdelay $0x1  }
0x1a0: {  	[tilespmem:s19+$0xFFFFFFB0] =	vst v8  }
0x1a1: {  	v8 =	vld.idx.msk [tilespmem:v10+s21+$0x0], $0xffff  }
0x1a2: {  	v9 =	vld [tilespmem:s19+$0xFFFFFFC0];
	_ =	sdelay $0x2  }
0x1a3: {  	v10 =	vor.u32 v5, v7;
	_ =	sdelay $0x1  }
0x1a4: {  	v8 =	vmul.f32 v9, v8;
	_ =	sdelay $0x1  }
0x1a5: {  	[tilespmem:s19+$0xFFFFFFC0] =	vst v8  }
0x1a6: {  	v8 =	vld.idx.msk [tilespmem:v10+s21+$0x0], $0xffff  }
0x1a7: {  	v9 =	vld [tilespmem:s19+$0xFFFFFFD0];
	_ =	sdelay $0x2  }
0x1a8: {  	v7 =	vor.u32 v6, v7;
	_ =	sdelay $0x1  }
0x1a9: {  	v8 =	vmul.f32 v9, v8;
	_ =	sdelay $0x1  }
0x1aa: {  	[tilespmem:s19+$0xFFFFFFD0] =	vst v8  }
0x1ab: {  	v7 =	vld.idx.msk [tilespmem:v7+s21+$0x0], $0xffff  }
0x1ac: {  	v8 =	vld [tilespmem:s19+$0xFFFFFFE0];
	_ =	sdelay $0x2  }
0x1ad: {  	v9 =	vor.u32 s8, v0;
	_ =	sdelay $0x1  }
0x1ae: {  	v7 =	vmul.f32 v8, v7;
	_ =	sdelay $0x1  }
0x1af: {  	[tilespmem:s19+$0xFFFFFFE0] =	vst v7  }
0x1b0: {  	v7 =	vld.idx.msk [tilespmem:v9+s21+$0x0], $0xffff  }
0x1b1: {  	s8 =	sadd.s32 $0x10, s16  }
0x1b2: {  	v8 =	vor.u32 s8, v1;
	_ =	sdelay $0x3  }
0x1b3: {  	[tilespmem:s19+$0xFFFFFFF0] =	vst v7;
	v7 =	vmov s8  }
0x1b4: {  	v8 =	vld.idx.msk [tilespmem:v8+s21+$0x0], $0xffff;
	v7 =	vshrl.u32 v7, $0x3  }
0x1b5: {  	v9 =	vld [tilespmem:s19+$0x0];
	v7 =	vshll.u32 v7, v3  }
0x1b6: {  	v7 =	vbroadcast v7, $0x0;
	_ =	sdelay $0x1  }
0x1b7: {  	v10 =	vor.u32 v4, v7;
	_ =	sdelay $0x1  }
0x1b8: {  	v8 =	vmul.f32 v9, v8;
	_ =	sdelay $0x1  }
0x1b9: {  	[tilespmem:s19+$0x0] =	vst v8  }
0x1ba: {  	v8 =	vld.idx.msk [tilespmem:v10+s21+$0x0], $0xffff  }
0x1bb: {  	v9 =	vld [tilespmem:s19+$0x10];
	_ =	sdelay $0x2  }
0x1bc: {  	v10 =	vor.u32 v5, v7;
	_ =	sdelay $0x1  }
0x1bd: {  	v8 =	vmul.f32 v9, v8;
	_ =	sdelay $0x1  }
0x1be: {  	[tilespmem:s19+$0x10] =	vst v8  }
0x1bf: {  	v8 =	vld.idx.msk [tilespmem:v10+s21+$0x0], $0xffff  }
0x1c0: {  	v9 =	vld [tilespmem:s19+$0x20];
	_ =	sdelay $0x2  }
0x1c1: {  	v7 =	vor.u32 v6, v7;
	_ =	sdelay $0x1  }
0x1c2: {  	v8 =	vmul.f32 v9, v8;
	_ =	sdelay $0x1  }
0x1c3: {  	[tilespmem:s19+$0x20] =	vst v8  }
0x1c4: {  	v7 =	vld.idx.msk [tilespmem:v7+s21+$0x0], $0xffff  }
0x1c5: {  	v8 =	vld [tilespmem:s19+$0x30];
	_ =	sdelay $0x2  }
0x1c6: {  	v9 =	vor.u32 s8, v0;
	_ =	sdelay $0x1  }
0x1c7: {  	v7 =	vmul.f32 v8, v7;
	_ =	sdelay $0x1  }
0x1c8: {  	[tilespmem:s19+$0x30] =	vst v7  }
0x1c9: {  	v7 =	vld.idx.msk [tilespmem:v9+s21+$0x0], $0xffff  }
0x1ca: {  	s8 =	sadd.s32 $0x18, s16  }
0x1cb: {  	v8 =	vor.u32 s8, v1;
	_ =	sdelay $0x3  }
0x1cc: {  	[tilespmem:s19+$0x40] =	vst v7;
	v7 =	vmov s8  }
0x1cd: {  	v8 =	vld.idx.msk [tilespmem:v8+s21+$0x0], $0xffff;
	v7 =	vshrl.u32 v7, $0x3  }
0x1ce: {  	v9 =	vld [tilespmem:s19+$0x50];
	v7 =	vshll.u32 v7, v3  }
0x1cf: {  	v7 =	vbroadcast v7, $0x0;
	_ =	sdelay $0x1  }
0x1d0: {  	v10 =	vor.u32 v4, v7;
	_ =	sdelay $0x1  }
0x1d1: {  	v8 =	vmul.f32 v9, v8;
	_ =	sdelay $0x1  }
0x1d2: {  	[tilespmem:s19+$0x50] =	vst v8  }
0x1d3: {  	v8 =	vld.idx.msk [tilespmem:v10+s21+$0x0], $0xffff  }
0x1d4: {  	v9 =	vld [tilespmem:s19+$0x60];
	_ =	sdelay $0x2  }
0x1d5: {  	v10 =	vor.u32 v5, v7;
	_ =	sdelay $0x1  }
0x1d6: {  	v8 =	vmul.f32 v9, v8;
	_ =	sdelay $0x1  }
0x1d7: {  	[tilespmem:s19+$0x60] =	vst v8  }
0x1d8: {  	v8 =	vld.idx.msk [tilespmem:v10+s21+$0x0], $0xffff  }
0x1d9: {  	v9 =	vld [tilespmem:s19+$0x70];
	_ =	sdelay $0x2  }
0x1da: {  	v7 =	vor.u32 v6, v7;
	_ =	sdelay $0x1  }
0x1db: {  	v8 =	vmul.f32 v9, v8;
	_ =	sdelay $0x1  }
0x1dc: {  	[tilespmem:s19+$0x70] =	vst v8  }
0x1dd: {  	v7 =	vld.idx.msk [tilespmem:v7+s21+$0x0], $0xffff  }
0x1de: {  	v8 =	vld [tilespmem:s19+$0x80];
	_ =	sdelay $0x2  }
0x1df: {  	v9 =	vor.u32 s8, v0;
	_ =	sdelay $0x1  }
.Ltmp5:
0x1e0: {  	v7 =	vmul.f32 v8, v7;
	(pc) =	sbr.rel @p2 .LBB2_5-.Ltmp5, $4  }
0x1e1: {  	_ = 	snop  }
0x1e2: {  	[tilespmem:s19+$0x80] =	vst v7  }
0x1e3: {  	v7 =	vld.idx.msk [tilespmem:v9+s21+$0x0], $0xffff  }
0x1e4: {  	s16 =	sadd.s32 $0x20, s16  }
0x1e5: {  	_ =	sdelay $0x1  }
0x1e6: {  	s8 =	sadd.s32 s14, s12  }
0x1e7: {  	p2 =	sgt.u32 s8, $0x4E1;
	[tilespmem:s19+$0x90] =	vst v7  }
0x1e8: {  	[spmem:s2] =	stream.indirect.scatter.add.f32 [tilespmem:s3], [sflag:$0x5], $0x50, s23, s24, $0xb8;
	[tilespmem:$0x17F60] =	vst v63  }
0x1e9: {  	s9 =	simm.s32 @!p2 $0x5  }
0x1ea: {  	[spmem:s2] =	stream.indirect.scatter.add.f32 [tilespmem:s28], [sflag:$0x5], $0x50, s29, s24, $0xb8;
	[tilespmem:$0x17F60] =	vst v63  }
0x1eb: {  	_ =	swait.ge @!p2 [sflag:s9], $0x5000  }
0x1ec: {  	s8 =	sshll.u32 @!p2 s8, $0x5;
	s10 =	simm.s32 @!p2 $0x0;
	[sflag:s9] =	ssyncset.done @!p2 $0x0  }
0x1ed: {  	s12 =	simm.s32 @!p2 $0xB810;
	[sflag:s9] =	ssyncadd.s32 @!p2 $0xFFFFB000;
	s9 =	sadd.s32 @!p2 s7, s8  }
0x1ee: {  	[tilespmem:s12], [sflag:$0x7] =	stream.linear.gather @!p2 [hbm4b:s9+s10], $0x100, $0x38;
	[tilespmem:$0x17F60] =	vst v63  }
0x1ef: {  	s9 =	simm.s32 @!p2 $0x7  }
0x1f0: {  	_ =	swait.ge @!p2 [sflag:s9], $0x100  }
0x1f1: {  	[sflag:s9] =	ssyncset.done @!p2 $0x0  }
0x1f2: {  	s13 =	simm.s32 @!p2 $0xBA10;
	s8 =	sadd.s32 @!p2 s1, s8;
	[sflag:s9] =	ssyncadd.s32 @!p2 $0xFFFFFF00  }
0x1f3: {  	[tilespmem:s13], [sflag:$0x7] =	stream.linear.gather @!p2 [hbm4b:s8+s10], $0x100, $0x38;
	[tilespmem:$0x17F60] =	vst v63  }
0x1f4: {  	_ =	swait.ge @!p2 [sflag:s9], $0x100  }
0x1f5: {  	[sflag:s9] =	ssyncset.done @!p2 $0x0  }
0x1f6: {  	s8 =	simm.s32 @!p2 $0x80;
	[sflag:s9] =	ssyncadd.s32 @!p2 $0xFFFFFF00  }
0x1f7: {  	[tilespmem:s10], [sflag:$0x1] =	stream.indirect.gather @!p2 [hbm4b:s4+s8], $0x50, s12, s8, $0xb8;
	[tilespmem:$0x17F60] =	vst v63  }
0x1f8: {  	s9 =	simm.s32 @!p2 $0xA000  }
0x1f9: {  	[tilespmem:s9], [sflag:$0x3] =	stream.indirect.gather @!p2 [hbm4b:s5+s8], $0x8, s13, s8, $0xb8;
	[tilespmem:$0x17F60] =	vst v63  }
.Ltmp6:
0x1fa: {  	_ = 	snop;
	(pc) =	sbr.rel @p1 .LBB2_12-.Ltmp6, $4  }
0x1fb: {  	s10 =	simm.s32 @!p2 $0x2800;
	s9 =	simm.s32 @!p2 $0xB890  }
0x1fc: {  	[tilespmem:s10], [sflag:$0x1] =	stream.indirect.gather @!p2 [hbm4b:s4+s8], $0x50, s9, s8, $0xb8;
	[tilespmem:$0x17F60] =	vst v63  }
0x1fd: {  	s9 =	simm.s32 @!p2 $0xBA90;
	s10 =	simm.s32 @!p2 $0xA400  }
0x1fe: {  	[tilespmem:s10], [sflag:$0x3] =	stream.indirect.gather @!p2 [hbm4b:s5+s8], $0x8, s9, s8, $0xb8;
	[tilespmem:$0x17F60] =	vst v63  }
0x1ff: {  	s16 =	simm.s32 $0x0  }
0x200: {  	v7 =	vor.u32 s16, v1  }
0x201: {  	_ =	swait.ge [sflag:s26], $0x5000;
	v8 =	vmul.u32 $0x50, v7;
	v9 =	vshll.u32 v7, $0x3  }
0x202: {  	[sflag:s26] =	ssyncset.done $0x0;
	v9 =	vor.u32 v0, v9  }
0x203: {  	[sflag:s26] =	ssyncadd.s32 $0xFFFFB000;
	v8 =	vadd.s32 v2, v8  }
0x204: {  	_ =	swait.ge [sflag:s30], $0x800  }
0x205: {  	[sflag:s30] =	ssyncset.done $0x0  }
0x206: {  	[sflag:s30] =	ssyncadd.s32 $0xFFFFF800  }
0x207: {  	v9 =	vld.idx.msk [tilespmem:v9+s22+$0x0], $0xffff  }
0x208: {  	v8 =	vld.idx.msk [tilespmem:v8+s6+$0x0], $0xffff;
	_ =	sdelay $0x4  }
0x209: {  	v10 =	vld [tilespmem:$0xB800];
	v8 =	vadd.f32 v9, v8;
	_ =	sdelay $0x1  }
0x20a: {  	v9 =	vmul.f32 $2.000000030e-01, v8;
	_ =	sdelay $0x1  }
0x20b: {  	v8 =	vmax.f32 v8, v9  }
0x20c: {  	v8 =	vsub.f32 v8, v10;
	_ =	sdelay $0x1  }
0x20d: {  	v8 =	vmul.f32 $1.442695020e+00, v8;
	_ =	sdelay $0x1  }
0x20e: {  	(erf) = vpow2.f32 v8;
	_ =	sdelay $0x1  }
0x20f: {  	s8 =	simm.s32 $0x2  }
0x210: {  	v8 =	vor.u32 s8, v1  }
0x211: {  	v9 =	vmul.u32 $0x50, v8;
	_ =	sdelay $0x1  }
0x212: {  	v8 =	vshll.u32 v8, $0x3;
	v9 =	vadd.s32 v2, v9  }
0x213: {  	v8 =	vor.u32 v0, v8;
	_ =	sdelay $0x1  }
0x214: {  	s9 =	simm.s32 $0xB020;
	v10 =	vpop (erf)  }
0x215: {  	[tilespmem:s9+$0xFFFFFFE0] =	vst v10  }
0x216: {  	v9 =	vld.idx.msk [tilespmem:v9+s6+$0x0], $0xffff  }
0x217: {  	v8 =	vld.idx.msk [tilespmem:v8+s22+$0x0], $0xffff;
	_ =	sdelay $0x4  }
0x218: {  	v10 =	vld [tilespmem:$0xB800];
	v8 =	vadd.f32 v8, v9;
	_ =	sdelay $0x1  }
0x219: {  	v9 =	vmul.f32 $2.000000030e-01, v8;
	_ =	sdelay $0x1  }
0x21a: {  	v8 =	vmax.f32 v8, v9  }
0x21b: {  	v8 =	vsub.f32 v8, v10;
	_ =	sdelay $0x1  }
0x21c: {  	v8 =	vmul.f32 $1.442695020e+00, v8;
	_ =	sdelay $0x1  }
0x21d: {  	(erf) = vpow2.f32 v8;
	_ =	sdelay $0x1  }
0x21e: {  	s19 =	simm.s32 $0x4  }
0x21f: {  	v8 =	vor.u32 s19, v1  }
0x220: {  	v9 =	vmul.u32 $0x50, v8;
	_ =	sdelay $0x1  }
0x221: {  	v8 =	vshll.u32 v8, $0x3;
	v9 =	vadd.s32 v2, v9  }
0x222: {  	v8 =	vor.u32 v0, v8;
	_ =	sdelay $0x1  }
0x223: {  	v10 =	vpop (erf)  }
0x224: {  	[tilespmem:s9+$0xFFFFFFF0] =	vst v10  }
0x225: {  	v9 =	vld.idx.msk [tilespmem:v9+s6+$0x0], $0xffff  }
0x226: {  	v8 =	vld.idx.msk [tilespmem:v8+s22+$0x0], $0xffff;
	_ =	sdelay $0x4  }
0x227: {  	v10 =	vld [tilespmem:$0xB800];
	v8 =	vadd.f32 v8, v9;
	_ =	sdelay $0x1  }
0x228: {  	v9 =	vmul.f32 $2.000000030e-01, v8;
	_ =	sdelay $0x1  }
0x229: {  	v8 =	vmax.f32 v8, v9  }
0x22a: {  	v8 =	vsub.f32 v8, v10;
	_ =	sdelay $0x1  }
0x22b: {  	v8 =	vmul.f32 $1.442695020e+00, v8;
	_ =	sdelay $0x1  }
0x22c: {  	(erf) = vpow2.f32 v8;
	_ =	sdelay $0x1  }
0x22d: {  	s20 =	simm.s32 $0x6  }
0x22e: {  	v8 =	vor.u32 s20, v1  }
0x22f: {  	v9 =	vmul.u32 $0x50, v8;
	_ =	sdelay $0x1  }
0x230: {  	v8 =	vshll.u32 v8, $0x3;
	v9 =	vadd.s32 v2, v9  }
0x231: {  	v8 =	vor.u32 v0, v8;
	_ =	sdelay $0x1  }
0x232: {  	v10 =	vpop (erf)  }
0x233: {  	[tilespmem:s9+$0x0] =	vst v10  }
0x234: {  	v9 =	vld.idx.msk [tilespmem:v9+s6+$0x0], $0xffff  }
0x235: {  	v8 =	vld.idx.msk [tilespmem:v8+s22+$0x0], $0xffff;
	_ =	sdelay $0x4  }
0x236: {  	v10 =	vld [tilespmem:$0xB800];
	v8 =	vadd.f32 v8, v9;
	_ =	sdelay $0x1  }
0x237: {  	v9 =	vmul.f32 $2.000000030e-01, v8;
	_ =	sdelay $0x1  }
0x238: {  	v8 =	vmax.f32 v8, v9  }
0x239: {  	v8 =	vsub.f32 v8, v10;
	_ =	sdelay $0x1  }
0x23a: {  	v8 =	vmul.f32 $1.442695020e+00, v8;
	_ =	sdelay $0x1  }
0x23b: {  	(erf) = vpow2.f32 v8;
	_ =	sdelay $0x2  }
0x23c: {  	s15 =	simm.s32 $0x8  }
0x23d: {  	v9 =	vor.u32 s15, v1  }
0x23e: {  	v10 =	vshll.u32 v9, $0x3;
	v9 =	vmul.u32 $0x50, v9  }
0x23f: {  	s12 =	simm.s32 $0x0;
	s8 =	simm.s32 $0xB020;
	s19 =	simm.s32 $0x4;
	v8 =	vor.u32 v0, v10  }
.LBB2_8:
0x240: {  	s19 =	sadd.s32 $0x4, s19;
	v9 =	vadd.s32 v2, v9;
	s9 =	sadd.s32 $0x40, s9;
	s13 =	simm.s32 $0x50A0  }
0x241: {  	p1 =	slt.u32 s19, $0x7C  }
0x242: {  	v10 =	vpop (erf)  }
0x243: {  	[tilespmem:s8+$0x10] =	vst v10;
	s8 =	smov.u32 s9  }
0x244: {  	v8 =	vld.idx.msk [tilespmem:v8+s22+$0x0], $0xffff  }
0x245: {  	v9 =	vld.idx.msk [tilespmem:v9+s6+$0x0], $0xffff;
	_ =	sdelay $0x5  }
0x246: {  	v8 =	vadd.f32 v8, v9;
	v10 =	vld [tilespmem:$0xB800];
	_ =	sdelay $0x1  }
0x247: {  	v9 =	vmul.f32 $2.000000030e-01, v8;
	_ =	sdelay $0x1  }
0x248: {  	v8 =	vmax.f32 v8, v9  }
0x249: {  	v8 =	vsub.f32 v8, v10;
	_ =	sdelay $0x1  }
0x24a: {  	v8 =	vmul.f32 $1.442695020e+00, v8;
	_ =	sdelay $0x1  }
0x24b: {  	(erf) = vpow2.f32 v8;
	_ =	sdelay $0x1  }
0x24c: {  	s10 =	sadd.s32 $0x2, s15  }
0x24d: {  	v8 =	vor.u32 s10, v1  }
0x24e: {  	v9 =	vmul.u32 $0x50, v8;
	v8 =	vshll.u32 v8, $0x3;
	_ =	sdelay $0x1  }
0x24f: {  	v8 =	vor.u32 v0, v8;
	v9 =	vadd.s32 v2, v9;
	_ =	sdelay $0x2  }
0x250: {  	v10 =	vpop (erf)  }
0x251: {  	[tilespmem:s9+$0xFFFFFFE0] =	vst v10  }
0x252: {  	v9 =	vld.idx.msk [tilespmem:v9+s6+$0x0], $0xffff  }
0x253: {  	v8 =	vld.idx.msk [tilespmem:v8+s22+$0x0], $0xffff;
	_ =	sdelay $0x4  }
0x254: {  	v10 =	vld [tilespmem:$0xB800]  }
0x255: {  	v8 =	vadd.f32 v8, v9;
	_ =	sdelay $0x1  }
0x256: {  	v9 =	vmul.f32 $2.000000030e-01, v8;
	_ =	sdelay $0x1  }
0x257: {  	v8 =	vmax.f32 v8, v9  }
0x258: {  	v8 =	vsub.f32 v8, v10;
	_ =	sdelay $0x1  }
0x259: {  	v8 =	vmul.f32 $1.442695020e+00, v8;
	_ =	sdelay $0x1  }
0x25a: {  	(erf) = vpow2.f32 v8;
	_ =	sdelay $0x1  }
0x25b: {  	s10 =	sadd.s32 $0x4, s15  }
0x25c: {  	v8 =	vor.u32 s10, v1  }
0x25d: {  	v9 =	vmul.u32 $0x50, v8;
	v8 =	vshll.u32 v8, $0x3;
	_ =	sdelay $0x1  }
0x25e: {  	v8 =	vor.u32 v0, v8;
	v9 =	vadd.s32 v2, v9;
	_ =	sdelay $0x2  }
0x25f: {  	v10 =	vpop (erf)  }
0x260: {  	[tilespmem:s9+$0xFFFFFFF0] =	vst v10  }
0x261: {  	v9 =	vld.idx.msk [tilespmem:v9+s6+$0x0], $0xffff  }
0x262: {  	v8 =	vld.idx.msk [tilespmem:v8+s22+$0x0], $0xffff;
	_ =	sdelay $0x3  }
0x263: {  	v10 =	vld [tilespmem:$0xB800];
	_ =	sdelay $0x1  }
0x264: {  	v8 =	vadd.f32 v8, v9;
	_ =	sdelay $0x1  }
0x265: {  	v9 =	vmul.f32 $2.000000030e-01, v8;
	_ =	sdelay $0x1  }
0x266: {  	v8 =	vmax.f32 v8, v9  }
0x267: {  	v8 =	vsub.f32 v8, v10;
	_ =	sdelay $0x1  }
0x268: {  	v8 =	vmul.f32 $1.442695020e+00, v8;
	_ =	sdelay $0x1  }
0x269: {  	(erf) = vpow2.f32 v8;
	_ =	sdelay $0x1  }
0x26a: {  	s10 =	sadd.s32 $0x6, s15  }
0x26b: {  	v8 =	vor.u32 s10, v1  }
0x26c: {  	v9 =	vmul.u32 $0x50, v8;
	v8 =	vshll.u32 v8, $0x3;
	_ =	sdelay $0x1  }
0x26d: {  	v8 =	vor.u32 v0, v8;
	v9 =	vadd.s32 v2, v9;
	_ =	sdelay $0x2  }
0x26e: {  	v10 =	vpop (erf)  }
0x26f: {  	[tilespmem:s9+$0x0] =	vst v10  }
0x270: {  	v9 =	vld.idx.msk [tilespmem:v9+s6+$0x0], $0xffff  }
0x271: {  	v8 =	vld.idx.msk [tilespmem:v8+s22+$0x0], $0xffff  }
0x272: {  	v10 =	vld [tilespmem:$0xB800];
	_ =	sdelay $0x4  }
0x273: {  	v8 =	vadd.f32 v8, v9;
	_ =	sdelay $0x1  }
0x274: {  	v9 =	vmul.f32 $2.000000030e-01, v8;
	_ =	sdelay $0x1  }
0x275: {  	v8 =	vmax.f32 v8, v9  }
0x276: {  	v8 =	vsub.f32 v8, v10;
	_ =	sdelay $0x1  }
0x277: {  	v8 =	vmul.f32 $1.442695020e+00, v8;
	_ =	sdelay $0x1  }
0x278: {  	(erf) = vpow2.f32 v8;
	_ =	sdelay $0x1  }
.Ltmp7:
0x279: {  	(pc) =	sbr.rel @p1 .LBB2_8-.Ltmp7, $4  }
0x27a: {  	s15 =	sadd.s32 $0x8, s15  }
0x27b: {  	v8 =	vor.u32 s15, v1  }
0x27c: {  	v9 =	vmul.u32 $0x50, v8;
	v8 =	vshll.u32 v8, $0x3  }
0x27d: {  	v8 =	vor.u32 v0, v8  }
0x27e: {  	v9 =	vadd.s32 v2, v9;
	_ =	sdelay $0x1  }
0x27f: {  	v10 =	vpop (erf)  }
0x280: {  	[tilespmem:s8+$0x10] =	vst v10  }
0x281: {  	v8 =	vld.idx.msk [tilespmem:v8+s22+$0x0], $0xffff  }
0x282: {  	v9 =	vld.idx.msk [tilespmem:v9+s6+$0x0], $0xffff;
	_ =	sdelay $0x4  }
0x283: {  	v10 =	vld [tilespmem:$0xB800];
	v8 =	vadd.f32 v8, v9;
	_ =	sdelay $0x1  }
0x284: {  	v9 =	vmul.f32 $2.000000030e-01, v8;
	_ =	sdelay $0x1  }
0x285: {  	v8 =	vmax.f32 v8, v9  }
0x286: {  	v8 =	vsub.f32 v8, v10;
	_ =	sdelay $0x1  }
0x287: {  	v8 =	vmul.f32 $1.442695020e+00, v8;
	_ =	sdelay $0x1  }
0x288: {  	(erf) = vpow2.f32 v8;
	_ =	sdelay $0x1  }
0x289: {  	s19 =	sadd.s32 $0x2, s15  }
0x28a: {  	v8 =	vor.u32 s19, v1  }
0x28b: {  	v34 =	vmul.u32 $0x50, v8;
	_ =	sdelay $0x1  }
0x28c: {  	v8 =	vshll.u32 v8, $0x3;
	v9 =	vadd.s32 v2, v34  }
0x28d: {  	v8 =	vor.u32 v0, v8;
	_ =	sdelay $0x1  }
0x28e: {  	s20 =	sadd.s32 $0x40, s9;
	v35 =	vpop (erf)  }
0x28f: {  	[tilespmem:s20+$0xFFFFFFE0] =	vst v35  }
0x290: {  	v9 =	vld.idx.msk [tilespmem:v9+s6+$0x0], $0xffff  }
0x291: {  	v8 =	vld.idx.msk [tilespmem:v8+s22+$0x0], $0xffff;
	_ =	sdelay $0x4  }
0x292: {  	v10 =	vld [tilespmem:$0xB800];
	v8 =	vadd.f32 v8, v9;
	_ =	sdelay $0x1  }
0x293: {  	v9 =	vmul.f32 $2.000000030e-01, v8;
	_ =	sdelay $0x1  }
0x294: {  	v8 =	vmax.f32 v8, v9  }
0x295: {  	v8 =	vsub.f32 v8, v10;
	_ =	sdelay $0x1  }
0x296: {  	v8 =	vmul.f32 $1.442695020e+00, v8;
	_ =	sdelay $0x1  }
0x297: {  	(erf) = vpow2.f32 v8;
	_ =	sdelay $0x1  }
0x298: {  	s10 =	sadd.s32 $0x4, s15  }
0x299: {  	v8 =	vor.u32 s10, v1  }
0x29a: {  	v36 =	vmul.u32 $0x50, v8;
	_ =	sdelay $0x1  }
0x29b: {  	v8 =	vshll.u32 v8, $0x3;
	v9 =	vadd.s32 v2, v36  }
0x29c: {  	v8 =	vor.u32 v0, v8;
	_ =	sdelay $0x1  }
0x29d: {  	v37 =	vpop (erf)  }
0x29e: {  	[tilespmem:s20+$0xFFFFFFF0] =	vst v37  }
0x29f: {  	v9 =	vld.idx.msk [tilespmem:v9+s6+$0x0], $0xffff  }
0x2a0: {  	v8 =	vld.idx.msk [tilespmem:v8+s22+$0x0], $0xffff;
	_ =	sdelay $0x4  }
0x2a1: {  	v10 =	vld [tilespmem:$0xB800];
	v8 =	vadd.f32 v8, v9;
	_ =	sdelay $0x1  }
0x2a2: {  	v9 =	vmul.f32 $2.000000030e-01, v8;
	_ =	sdelay $0x1  }
0x2a3: {  	v8 =	vmax.f32 v8, v9  }
0x2a4: {  	v8 =	vsub.f32 v8, v10;
	_ =	sdelay $0x1  }
0x2a5: {  	v8 =	vmul.f32 $1.442695020e+00, v8;
	_ =	sdelay $0x1  }
0x2a6: {  	(erf) = vpow2.f32 v8;
	_ =	sdelay $0x1  }
0x2a7: {  	s15 =	sadd.s32 $0x6, s15  }
0x2a8: {  	v8 =	vor.u32 s15, v1  }
0x2a9: {  	v38 =	vmul.u32 $0x50, v8;
	_ =	sdelay $0x1  }
0x2aa: {  	v8 =	vshll.u32 v8, $0x3;
	v9 =	vadd.s32 v2, v38  }
0x2ab: {  	v8 =	vor.u32 v0, v8;
	_ =	sdelay $0x1  }
0x2ac: {  	v39 =	vpop (erf)  }
0x2ad: {  	[tilespmem:s20+$0x0] =	vst v39  }
0x2ae: {  	v9 =	vld.idx.msk [tilespmem:v9+s6+$0x0], $0xffff  }
0x2af: {  	v8 =	vld.idx.msk [tilespmem:v8+s22+$0x0], $0xffff;
	_ =	sdelay $0x4  }
0x2b0: {  	v10 =	vld [tilespmem:$0xB800];
	v8 =	vadd.f32 v8, v9;
	_ =	sdelay $0x1  }
0x2b1: {  	v9 =	vmul.f32 $2.000000030e-01, v8;
	_ =	sdelay $0x1  }
0x2b2: {  	v8 =	vmax.f32 v8, v9  }
0x2b3: {  	v8 =	vsub.f32 v8, v10;
	_ =	sdelay $0x1  }
0x2b4: {  	v8 =	vmul.f32 $1.442695020e+00, v8;
	_ =	sdelay $0x1  }
0x2b5: {  	(erf) = vpow2.f32 v8;
	_ =	sdelay $0x8  }
0x2b6: {  	v8 =	vpop (erf)  }
0x2b7: {  	[tilespmem:s20+$0x10] =	vst v8;
	v8 =	vmov s16  }
0x2b8: {  	v7 =	vld.idx.msk [tilespmem:v7+s21+$0x0], $0xffff;
	v8 =	vshrl.u32 v8, $0x3  }
0x2b9: {  	v40 =	vld [tilespmem:s13+$0xFFFFFF60];
	v8 =	vshll.u32 v8, v3  }
0x2ba: {  	v8 =	vbroadcast v8, $0x0;
	_ =	sdelay $0x1  }
0x2bb: {  	v41 =	vor.u32 v4, v8;
	_ =	sdelay $0x1  }
0x2bc: {  	v7 =	vmul.f32 v40, v7;
	_ =	sdelay $0x1  }
0x2bd: {  	v42 =	vld [tilespmem:s13+$0xFFFFFF70];
	[tilespmem:s13+$0xFFFFFF60] =	vst v7  }
0x2be: {  	v7 =	vld.idx.msk [tilespmem:v41+s21+$0x0], $0xffff;
	_ =	sdelay $0x2  }
0x2bf: {  	v43 =	vor.u32 v5, v8;
	_ =	sdelay $0x1  }
0x2c0: {  	v7 =	vmul.f32 v42, v7;
	_ =	sdelay $0x1  }
0x2c1: {  	v44 =	vld [tilespmem:s13+$0xFFFFFF80];
	[tilespmem:s13+$0xFFFFFF70] =	vst v7  }
0x2c2: {  	v7 =	vld.idx.msk [tilespmem:v43+s21+$0x0], $0xffff;
	_ =	sdelay $0x2  }
0x2c3: {  	v8 =	vor.u32 v6, v8;
	_ =	sdelay $0x1  }
0x2c4: {  	v7 =	vmul.f32 v44, v7;
	_ =	sdelay $0x1  }
0x2c5: {  	[tilespmem:s13+$0xFFFFFF80] =	vst v7  }
0x2c6: {  	v7 =	vld.idx.msk [tilespmem:v8+s21+$0x0], $0xffff  }
0x2c7: {  	v8 =	vld [tilespmem:s13+$0xFFFFFF90];
	_ =	sdelay $0x2  }
0x2c8: {  	v45 =	vor.u32 s16, v0;
	_ =	sdelay $0x1  }
0x2c9: {  	v7 =	vmul.f32 v8, v7;
	_ =	sdelay $0x1  }
0x2ca: {  	[tilespmem:s13+$0xFFFFFF90] =	vst v7  }
0x2cb: {  	v7 =	vld.idx.msk [tilespmem:v45+s21+$0x0], $0xffff  }
0x2cc: {  	s16 =	simm.s32 $0x8  }
0x2cd: {  	v8 =	vor.u32 s16, v1;
	_ =	sdelay $0x2  }
0x2ce: {  	[tilespmem:s13+$0xFFFFFFA0] =	vst v7;
	v7 =	vmov s16  }
0x2cf: {  	v46 =	vld [tilespmem:s13+$0xFFFFFFB0];
	v7 =	vshrl.u32 v7, $0x3  }
0x2d0: {  	v8 =	vld.idx.msk [tilespmem:v8+s21+$0x0], $0xffff;
	v7 =	vshll.u32 v7, v3  }
0x2d1: {  	v7 =	vbroadcast v7, $0x0;
	_ =	sdelay $0x1  }
0x2d2: {  	v47 =	vor.u32 v4, v7;
	_ =	sdelay $0x1  }
0x2d3: {  	v8 =	vmul.f32 v46, v8;
	_ =	sdelay $0x1  }
0x2d4: {  	v48 =	vld [tilespmem:s13+$0xFFFFFFC0];
	[tilespmem:s13+$0xFFFFFFB0] =	vst v8  }
0x2d5: {  	v8 =	vld.idx.msk [tilespmem:v47+s21+$0x0], $0xffff;
	_ =	sdelay $0x2  }
0x2d6: {  	v49 =	vor.u32 v5, v7;
	_ =	sdelay $0x1  }
0x2d7: {  	v8 =	vmul.f32 v48, v8;
	_ =	sdelay $0x1  }
0x2d8: {  	v50 =	vld [tilespmem:s13+$0xFFFFFFD0];
	[tilespmem:s13+$0xFFFFFFC0] =	vst v8  }
0x2d9: {  	v8 =	vld.idx.msk [tilespmem:v49+s21+$0x0], $0xffff;
	_ =	sdelay $0x2  }
0x2da: {  	v7 =	vor.u32 v6, v7;
	_ =	sdelay $0x1  }
0x2db: {  	v8 =	vmul.f32 v50, v8;
	_ =	sdelay $0x1  }
0x2dc: {  	[tilespmem:s13+$0xFFFFFFD0] =	vst v8;
	v8 =	vld [tilespmem:s13+$0xFFFFFFE0]  }
0x2dd: {  	v7 =	vld.idx.msk [tilespmem:v7+s21+$0x0], $0xffff;
	_ =	sdelay $0x2  }
0x2de: {  	v51 =	vor.u32 s16, v0;
	_ =	sdelay $0x1  }
0x2df: {  	v7 =	vmul.f32 v8, v7;
	_ =	sdelay $0x1  }
0x2e0: {  	[tilespmem:s13+$0xFFFFFFE0] =	vst v7  }
0x2e1: {  	v7 =	vld.idx.msk [tilespmem:v51+s21+$0x0], $0xffff  }
0x2e2: {  	s19 =	simm.s32 $0x10  }
0x2e3: {  	v8 =	vor.u32 s19, v1;
	_ =	sdelay $0x2  }
0x2e4: {  	[tilespmem:s13+$0xFFFFFFF0] =	vst v7;
	v7 =	vmov s19  }
0x2e5: {  	v52 =	vld [tilespmem:s13+$0x0];
	v7 =	vshrl.u32 v7, $0x3  }
0x2e6: {  	v8 =	vld.idx.msk [tilespmem:v8+s21+$0x0], $0xffff;
	v7 =	vshll.u32 v7, v3  }
0x2e7: {  	v7 =	vbroadcast v7, $0x0;
	_ =	sdelay $0x1  }
0x2e8: {  	v53 =	vor.u32 v4, v7;
	_ =	sdelay $0x1  }
0x2e9: {  	v8 =	vmul.f32 v52, v8;
	_ =	sdelay $0x1  }
0x2ea: {  	v54 =	vld [tilespmem:s13+$0x10];
	[tilespmem:s13+$0x0] =	vst v8  }
0x2eb: {  	v8 =	vld.idx.msk [tilespmem:v53+s21+$0x0], $0xffff;
	_ =	sdelay $0x2  }
0x2ec: {  	v55 =	vor.u32 v5, v7;
	_ =	sdelay $0x1  }
0x2ed: {  	v8 =	vmul.f32 v54, v8;
	_ =	sdelay $0x1  }
0x2ee: {  	v56 =	vld [tilespmem:s13+$0x20];
	[tilespmem:s13+$0x10] =	vst v8  }
0x2ef: {  	v8 =	vld.idx.msk [tilespmem:v55+s21+$0x0], $0xffff;
	_ =	sdelay $0x2  }
0x2f0: {  	v7 =	vor.u32 v6, v7;
	_ =	sdelay $0x1  }
0x2f1: {  	v8 =	vmul.f32 v56, v8;
	_ =	sdelay $0x1  }
0x2f2: {  	[tilespmem:s13+$0x20] =	vst v8;
	v8 =	vld [tilespmem:s13+$0x30]  }
0x2f3: {  	v7 =	vld.idx.msk [tilespmem:v7+s21+$0x0], $0xffff;
	_ =	sdelay $0x2  }
0x2f4: {  	v57 =	vor.u32 s19, v0;
	_ =	sdelay $0x1  }
0x2f5: {  	v7 =	vmul.f32 v8, v7;
	_ =	sdelay $0x1  }
0x2f6: {  	[tilespmem:s13+$0x30] =	vst v7  }
0x2f7: {  	v7 =	vld.idx.msk [tilespmem:v57+s21+$0x0], $0xffff  }
0x2f8: {  	s20 =	simm.s32 $0x18  }
0x2f9: {  	v8 =	vor.u32 s20, v1;
	_ =	sdelay $0x2  }
0x2fa: {  	[tilespmem:s13+$0x40] =	vst v7;
	v7 =	vmov s20  }
0x2fb: {  	v58 =	vld [tilespmem:s13+$0x50];
	v7 =	vshrl.u32 v7, $0x3  }
0x2fc: {  	v8 =	vld.idx.msk [tilespmem:v8+s21+$0x0], $0xffff;
	v7 =	vshll.u32 v7, v3  }
0x2fd: {  	v7 =	vbroadcast v7, $0x0;
	_ =	sdelay $0x1  }
0x2fe: {  	v59 =	vor.u32 v4, v7;
	_ =	sdelay $0x1  }
0x2ff: {  	v8 =	vmul.f32 v58, v8;
	_ =	sdelay $0x1  }
0x300: {  	v60 =	vld [tilespmem:s13+$0x60];
	[tilespmem:s13+$0x50] =	vst v8  }
0x301: {  	v8 =	vld.idx.msk [tilespmem:v59+s21+$0x0], $0xffff;
	_ =	sdelay $0x2  }
0x302: {  	v61 =	vor.u32 v5, v7;
	_ =	sdelay $0x1  }
0x303: {  	v8 =	vmul.f32 v60, v8;
	_ =	sdelay $0x1  }
0x304: {  	v62 =	vld [tilespmem:s13+$0x70];
	[tilespmem:s13+$0x60] =	vst v8  }
0x305: {  	v8 =	vld.idx.msk [tilespmem:v61+s21+$0x0], $0xffff;
	_ =	sdelay $0x2  }
0x306: {  	v7 =	vor.u32 v6, v7;
	_ =	sdelay $0x1  }
0x307: {  	v8 =	vmul.f32 v62, v8;
	_ =	sdelay $0x1  }
0x308: {  	[tilespmem:s13+$0x70] =	vst v8;
	v8 =	vld [tilespmem:s13+$0x80]  }
0x309: {  	v7 =	vld.idx.msk [tilespmem:v7+s21+$0x0], $0xffff;
	_ =	sdelay $0x2  }
0x30a: {  	v63 =	vor.u32 s20, v0;
	_ =	sdelay $0x1  }
0x30b: {  	v7 =	vmul.f32 v8, v7;
	_ =	sdelay $0x1  }
0x30c: {  	[tilespmem:s13+$0x80] =	vst v7  }
0x30d: {  	s16 =	simm.s32 $0x20;
	v7 =	vld.idx.msk [tilespmem:v63+s21+$0x0], $0xffff  }
.LBB2_10:
0x30e: {  	v8 =	vor.u32 s16, v1;
	s12 =	sadd.s32 $0x4, s12  }
0x30f: {  	p1 =	slt.u32 s12, $0xFC;
	_ =	sdelay $0x2  }
0x310: {  	v9 =	vmov s16;
	[tilespmem:s13+$0x90] =	vst v7  }
0x311: {  	s13 =	sadd.s32 $0x140, s13;
	v7 =	vld.idx.msk [tilespmem:v8+s21+$0x0], $0xffff;
	v8 =	vshrl.u32 v9, $0x3  }
0x312: {  	v9 =	vld [tilespmem:s13+$0xFFFFFF60];
	v8 =	vshll.u32 v8, v3  }
0x313: {  	v8 =	vbroadcast v8, $0x0;
	_ =	sdelay $0x1  }
0x314: {  	v10 =	vor.u32 v4, v8;
	_ =	sdelay $0x1  }
0x315: {  	v7 =	vmul.f32 v9, v7;
	_ =	sdelay $0x1  }
0x316: {  	[tilespmem:s13+$0xFFFFFF60] =	vst v7  }
0x317: {  	v7 =	vld.idx.msk [tilespmem:v10+s21+$0x0], $0xffff  }
0x318: {  	v9 =	vld [tilespmem:s13+$0xFFFFFF70];
	_ =	sdelay $0x2  }
0x319: {  	v10 =	vor.u32 v5, v8;
	_ =	sdelay $0x1  }
0x31a: {  	v7 =	vmul.f32 v9, v7;
	_ =	sdelay $0x1  }
0x31b: {  	[tilespmem:s13+$0xFFFFFF70] =	vst v7  }
0x31c: {  	v7 =	vld.idx.msk [tilespmem:v10+s21+$0x0], $0xffff  }
0x31d: {  	v9 =	vld [tilespmem:s13+$0xFFFFFF80];
	_ =	sdelay $0x2  }
0x31e: {  	v8 =	vor.u32 v6, v8;
	_ =	sdelay $0x1  }
0x31f: {  	v7 =	vmul.f32 v9, v7;
	_ =	sdelay $0x1  }
0x320: {  	[tilespmem:s13+$0xFFFFFF80] =	vst v7  }
0x321: {  	v7 =	vld.idx.msk [tilespmem:v8+s21+$0x0], $0xffff  }
0x322: {  	v8 =	vld [tilespmem:s13+$0xFFFFFF90];
	_ =	sdelay $0x2  }
0x323: {  	v9 =	vor.u32 s16, v0;
	_ =	sdelay $0x1  }
0x324: {  	v7 =	vmul.f32 v8, v7;
	_ =	sdelay $0x1  }
0x325: {  	[tilespmem:s13+$0xFFFFFF90] =	vst v7  }
0x326: {  	v7 =	vld.idx.msk [tilespmem:v9+s21+$0x0], $0xffff  }
0x327: {  	s8 =	sadd.s32 $0x8, s16  }
0x328: {  	v8 =	vor.u32 s8, v1;
	_ =	sdelay $0x3  }
0x329: {  	[tilespmem:s13+$0xFFFFFFA0] =	vst v7;
	v7 =	vmov s8  }
0x32a: {  	v8 =	vld.idx.msk [tilespmem:v8+s21+$0x0], $0xffff;
	v7 =	vshrl.u32 v7, $0x3  }
0x32b: {  	v9 =	vld [tilespmem:s13+$0xFFFFFFB0];
	v7 =	vshll.u32 v7, v3  }
0x32c: {  	v7 =	vbroadcast v7, $0x0;
	_ =	sdelay $0x1  }
0x32d: {  	v10 =	vor.u32 v4, v7;
	_ =	sdelay $0x1  }
0x32e: {  	v8 =	vmul.f32 v9, v8;
	_ =	sdelay $0x1  }
0x32f: {  	[tilespmem:s13+$0xFFFFFFB0] =	vst v8  }
0x330: {  	v8 =	vld.idx.msk [tilespmem:v10+s21+$0x0], $0xffff  }
0x331: {  	v9 =	vld [tilespmem:s13+$0xFFFFFFC0];
	_ =	sdelay $0x2  }
0x332: {  	v10 =	vor.u32 v5, v7;
	_ =	sdelay $0x1  }
0x333: {  	v8 =	vmul.f32 v9, v8;
	_ =	sdelay $0x1  }
0x334: {  	[tilespmem:s13+$0xFFFFFFC0] =	vst v8  }
0x335: {  	v8 =	vld.idx.msk [tilespmem:v10+s21+$0x0], $0xffff  }
0x336: {  	v9 =	vld [tilespmem:s13+$0xFFFFFFD0];
	_ =	sdelay $0x2  }
0x337: {  	v7 =	vor.u32 v6, v7;
	_ =	sdelay $0x1  }
0x338: {  	v8 =	vmul.f32 v9, v8;
	_ =	sdelay $0x1  }
0x339: {  	[tilespmem:s13+$0xFFFFFFD0] =	vst v8  }
0x33a: {  	v7 =	vld.idx.msk [tilespmem:v7+s21+$0x0], $0xffff  }
0x33b: {  	v8 =	vld [tilespmem:s13+$0xFFFFFFE0];
	_ =	sdelay $0x2  }
0x33c: {  	v9 =	vor.u32 s8, v0;
	_ =	sdelay $0x1  }
0x33d: {  	v7 =	vmul.f32 v8, v7;
	_ =	sdelay $0x1  }
0x33e: {  	[tilespmem:s13+$0xFFFFFFE0] =	vst v7  }
0x33f: {  	v7 =	vld.idx.msk [tilespmem:v9+s21+$0x0], $0xffff  }
0x340: {  	s8 =	sadd.s32 $0x10, s16  }
0x341: {  	v8 =	vor.u32 s8, v1;
	_ =	sdelay $0x3  }
0x342: {  	[tilespmem:s13+$0xFFFFFFF0] =	vst v7;
	v7 =	vmov s8  }
0x343: {  	v8 =	vld.idx.msk [tilespmem:v8+s21+$0x0], $0xffff;
	v7 =	vshrl.u32 v7, $0x3  }
0x344: {  	v9 =	vld [tilespmem:s13+$0x0];
	v7 =	vshll.u32 v7, v3  }
0x345: {  	v7 =	vbroadcast v7, $0x0;
	_ =	sdelay $0x1  }
0x346: {  	v10 =	vor.u32 v4, v7;
	_ =	sdelay $0x1  }
0x347: {  	v8 =	vmul.f32 v9, v8;
	_ =	sdelay $0x1  }
0x348: {  	[tilespmem:s13+$0x0] =	vst v8  }
0x349: {  	v8 =	vld.idx.msk [tilespmem:v10+s21+$0x0], $0xffff  }
0x34a: {  	v9 =	vld [tilespmem:s13+$0x10];
	_ =	sdelay $0x2  }
0x34b: {  	v10 =	vor.u32 v5, v7;
	_ =	sdelay $0x1  }
0x34c: {  	v8 =	vmul.f32 v9, v8;
	_ =	sdelay $0x1  }
0x34d: {  	[tilespmem:s13+$0x10] =	vst v8  }
0x34e: {  	v8 =	vld.idx.msk [tilespmem:v10+s21+$0x0], $0xffff  }
0x34f: {  	v9 =	vld [tilespmem:s13+$0x20];
	_ =	sdelay $0x2  }
0x350: {  	v7 =	vor.u32 v6, v7;
	_ =	sdelay $0x1  }
0x351: {  	v8 =	vmul.f32 v9, v8;
	_ =	sdelay $0x1  }
0x352: {  	[tilespmem:s13+$0x20] =	vst v8  }
0x353: {  	v7 =	vld.idx.msk [tilespmem:v7+s21+$0x0], $0xffff  }
0x354: {  	v8 =	vld [tilespmem:s13+$0x30];
	_ =	sdelay $0x2  }
0x355: {  	v9 =	vor.u32 s8, v0;
	_ =	sdelay $0x1  }
0x356: {  	v7 =	vmul.f32 v8, v7;
	_ =	sdelay $0x1  }
0x357: {  	[tilespmem:s13+$0x30] =	vst v7  }
0x358: {  	v7 =	vld.idx.msk [tilespmem:v9+s21+$0x0], $0xffff  }
0x359: {  	s8 =	sadd.s32 $0x18, s16  }
0x35a: {  	v8 =	vor.u32 s8, v1;
	_ =	sdelay $0x3  }
0x35b: {  	[tilespmem:s13+$0x40] =	vst v7;
	v7 =	vmov s8  }
0x35c: {  	v8 =	vld.idx.msk [tilespmem:v8+s21+$0x0], $0xffff;
	v7 =	vshrl.u32 v7, $0x3  }
0x35d: {  	v9 =	vld [tilespmem:s13+$0x50];
	v7 =	vshll.u32 v7, v3  }
0x35e: {  	v7 =	vbroadcast v7, $0x0;
	_ =	sdelay $0x1  }
0x35f: {  	v10 =	vor.u32 v4, v7;
	_ =	sdelay $0x1  }
0x360: {  	v8 =	vmul.f32 v9, v8;
	_ =	sdelay $0x1  }
0x361: {  	[tilespmem:s13+$0x50] =	vst v8  }
0x362: {  	v8 =	vld.idx.msk [tilespmem:v10+s21+$0x0], $0xffff  }
0x363: {  	v9 =	vld [tilespmem:s13+$0x60];
	_ =	sdelay $0x2  }
0x364: {  	v10 =	vor.u32 v5, v7;
	_ =	sdelay $0x1  }
0x365: {  	v8 =	vmul.f32 v9, v8;
	_ =	sdelay $0x1  }
0x366: {  	[tilespmem:s13+$0x60] =	vst v8  }
0x367: {  	v8 =	vld.idx.msk [tilespmem:v10+s21+$0x0], $0xffff  }
0x368: {  	v9 =	vld [tilespmem:s13+$0x70];
	_ =	sdelay $0x2  }
0x369: {  	v7 =	vor.u32 v6, v7;
	_ =	sdelay $0x1  }
0x36a: {  	v8 =	vmul.f32 v9, v8;
	_ =	sdelay $0x1  }
0x36b: {  	[tilespmem:s13+$0x70] =	vst v8  }
0x36c: {  	v7 =	vld.idx.msk [tilespmem:v7+s21+$0x0], $0xffff  }
0x36d: {  	v8 =	vld [tilespmem:s13+$0x80];
	_ =	sdelay $0x2  }
0x36e: {  	v9 =	vor.u32 s8, v0;
	_ =	sdelay $0x1  }
.Ltmp8:
0x36f: {  	v7 =	vmul.f32 v8, v7;
	(pc) =	sbr.rel @p1 .LBB2_10-.Ltmp8, $4  }
0x370: {  	_ = 	snop  }
0x371: {  	[tilespmem:s13+$0x80] =	vst v7  }
0x372: {  	v7 =	vld.idx.msk [tilespmem:v9+s21+$0x0], $0xffff  }
0x373: {  	s16 =	sadd.s32 $0x20, s16  }
0x374: {  	_ =	sdelay $0x1  }
.Ltmp9:
0x375: {  	_ = 	snop;
	(pc) =	sbr.rel .LBB2_12-.Ltmp9, $4  }
0x376: {  	s8 =	simm.s32 $0xBB10;
	[tilespmem:s13+$0x90] =	vst v7  }
0x377: {  	[spmem:s2] =	stream.indirect.scatter.add.f32 [tilespmem:s6], [sflag:$0x6], $0x50, s8, s24, $0xb8;
	[tilespmem:$0x17F60] =	vst v63  }
0x378: {  	s20 =	simm.s32 $0xBB90  }
0x379: {  	[spmem:s2] =	stream.indirect.scatter.add.f32 [tilespmem:s11], [sflag:$0x6], $0x50, s20, s24, $0xb8;
	[tilespmem:$0x17F60] =	vst v63  }
.LBB2_14:
0x37a: {  	_ =	sfence.sel $0x180000  }
0x37b: {  	[bflag:$0x0] =	sbarrier.arrive $0xFFFF  }
0x37c: {  	_ =	strace $0x90000047  }
0x37d: {  	[bflag:$0x2] =	sbarrier.arrive $0xFFFF  }
0x37e: {  	s0 =	rddreg [dreg:$0x3]  }
0x37f: {  	s0 =	sadd.s32 @!p0 $0x100000, s0  }
0x380: {  	[sflag:s0] =	ssyncadd.tile.s32 @!p0 $0x1;
	_ =	shalt  }
.Lfunc_end2:
_tile_overlayer_lowered:
.L_overlay_start_2:
0x381: {  	(tag) =	ssettag $0x2  }
0x382: {  	s0 =	rddreg [dreg:$0x0];
	s2 =	stileid.u32  }
0x383: {  	s1 =	rddreg [dreg:$0x1];
	p0 =	sne.s32 s2, $0x0  }
0x384: {  	s3 =	rddreg [dreg:$0x2];
	[bflag:$0x3] =	sbarrier.arrive $0xFFFF;
	s2 =	simm.s32 @!p0 $0x1C07  }
0x385: {  	[timem:s3], [sflag:s2] =	dma.local @!p0 [hbm:s0], s1  }
0x386: {  	s0 =	simm.s32 @!p0 $0x7  }
0x387: {  	_ =	swait.ge @!p0 [sflag:s0], s1  }
0x388: {  	s1 =	ssub.s32 @!p0 $0x0, s1;
	[sflag:s0] =	ssyncset.done @!p0 $0x0  }
0x389: {  	[sflag:s0] =	ssyncadd.s32 @!p0 s1  }
0x38a: {  	[bflag:$0x3] =	sbarrier.arrive $0xFFFF  }
0x38b: {  	_ =	shalt  }

</sc_bundles>
